<compile_context>
chip_gen: v7x
topology: tpu7x:2x2x1
jax: 0.10.2.dev20260603
libtpu: 0.0.44.dev20260713+nightly
codegen_flags: <defaults>
</compile_context>

<pallas_src>
import jax
import jax.numpy as jnp
from jax import lax
from jax.experimental import pallas as pl
from jax.experimental.pallas import tpu as pltpu
from jax.experimental.pallas import tpu_sc as plsc

_N = 10000
_E = 320000
_D = 128
_NW = 32
_NLOC = 320
_NPAD = _NW * _NLOC
_BN = 2000
_BE = 4000
_CH = 1600
_NCH = _E // _CH
_K = 80
_CAP = 112
_NEG = -3.0e38


def _node_prep_kernel(x_ref, hid_ref, gf_ref, gf16_ref, b_ref, wl_ref, wr_ref,
                      we_ref, tab1_ref, tab2_ref, xr_ref):
    x = x_ref[...]
    h = hid_ref[...]
    b = b_ref[0, 0, :].reshape(-1, 1)
    oh = (b == lax.broadcasted_iota(jnp.int32, (1, 16), 1)).astype(jnp.float32)
    x2 = x + jnp.dot(oh, gf16_ref[...], preferred_element_type=jnp.float32)
    wl = wl_ref[...]
    wr = wr_ref[...]
    xl = (jnp.dot(x2, wl[:_D], preferred_element_type=jnp.float32)
          + jnp.dot(h, wl[_D:], preferred_element_type=jnp.float32))
    xr = (jnp.dot(x2, wr[:_D], preferred_element_type=jnp.float32)
          + jnp.dot(h, wr[_D:], preferred_element_type=jnp.float32))
    gwe = jnp.dot(gf_ref[...], we_ref[...], preferred_element_type=jnp.float32)
    tab1_ref[...] = xl + gwe
    tab2_ref[...] = xl
    xr_ref[...] = xr


def _edge_prep_kernel(ea_ref, we_ref, ew_ref):
    ew_ref[...] = jnp.dot(ea_ref[...], we_ref[...],
                          preferred_element_type=jnp.float32)


def _gat_sc(dst_hbm, src_hbm, tab1_hbm, tab2_hbm, xr_hbm, ew_hbm, hid_hbm,
            att_hbm, out_hbm,
            accv, denomv, attv, dbuf, sbuf, dbuf2, sbuf2,
            dlocb, srcb, eidb,
            t10, t20, ew0, xr0,
            cnt_ref,
            sa0, sb0, sc0, sd0,
            sem_e, sem_f, sem_g, sem_h):
    cidx = lax.axis_index("c")
    sidx = lax.axis_index("s")
    wid = sidx * 2 + cidx
    lo = wid * _NLOC

    pltpu.sync_copy(att_hbm, attv)

    ninf = jnp.full((16,), -jnp.inf, jnp.float32)
    zero = jnp.zeros((16,), jnp.float32)
    zeroi = jnp.zeros((16,), jnp.int32)

    @pl.loop(0, _NLOC)
    def _(r):
        for c in range(8):
            accv[r, pl.ds(16 * c, 16)] = ninf
        denomv[r, :] = zero

    for c in range(_CAP // 16):
        dlocb[pl.ds(16 * c, 16)] = zeroi
        srcb[pl.ds(16 * c, 16)] = zeroi
        eidb[pl.ds(16 * c, 16)] = zeroi

    cnt_ref[0] = 0
    iota16 = lax.iota(jnp.int32, 16)
    atts = [attv[pl.ds(16 * c, 16)] for c in range(8)]

    def flush(nproc):
        ca = pltpu.async_copy(tab1_hbm.at[srcb.at[pl.ds(0, _K)]], t10, sa0)
        cb = pltpu.async_copy(tab2_hbm.at[srcb.at[pl.ds(0, _K)]], t20, sb0)
        cc = pltpu.async_copy(ew_hbm.at[eidb.at[pl.ds(0, _K)]], ew0, sc0)
        cd = pltpu.async_copy(xr_hbm.at[dlocb.at[pl.ds(0, _K)]], xr0, sd0)
        ca.wait()
        cb.wait()
        cc.wait()
        cd.wait()

        @pl.loop(0, nproc)
        def _(j):
            dloc = dlocb[pl.ds(j, 16)][0] - lo
            s0 = zero
            s1 = zero
            for c in range(0, 8, 2):
                t = (t10[j, pl.ds(16 * c, 16)]
                     + xr0[j, pl.ds(16 * c, 16)]
                     + ew0[j, pl.ds(16 * c, 16)])
                t = jnp.maximum(t, 0.2 * t)
                s0 = s0 + t * atts[c]
                u = (t10[j, pl.ds(16 * (c + 1), 16)]
                     + xr0[j, pl.ds(16 * (c + 1), 16)]
                     + ew0[j, pl.ds(16 * (c + 1), 16)])
                u = jnp.maximum(u, 0.2 * u)
                s1 = s1 + u * atts[c + 1]
            lg = jnp.sum(s0 + s1)
            ex16 = jnp.exp(zero + lg)
            denomv[dloc, :] = denomv[dloc, :] + ex16
            for c in range(8):
                msg = t20[j, pl.ds(16 * c, 16)] * ex16
                a = accv[dloc, pl.ds(16 * c, 16)]
                accv[dloc, pl.ds(16 * c, 16)] = jnp.maximum(a, msg)

    def scan_chunk(ci, dbuf_, sbuf_):
        off = ci * _CH

        @pl.loop(0, _CH // 16)
        def _(g):
            d16 = dbuf_[pl.ds(g * 16, 16)]
            s16 = sbuf_[pl.ds(g * 16, 16)]
            msk = (d16 >= lo) & (d16 < lo + _NLOC)
            mi = msk.astype(jnp.int32)
            inc = plsc.cumsum(mi)
            cnt = cnt_ref[0]
            idx16 = (cnt + inc) - mi
            eid16 = (off + g * 16) + iota16
            plsc.store_scatter(dlocb, [idx16], d16, mask=msk)
            plsc.store_scatter(srcb, [idx16], s16, mask=msk)
            plsc.store_scatter(eidb, [idx16], eid16, mask=msk)
            newcnt = cnt + jnp.sum(mi)
            cnt_ref[0] = newcnt

            @pl.when(newcnt >= _K)
            def _():
                flush(_K)
                rem_d = dlocb[pl.ds(_K, 16)]
                rem_s = srcb[pl.ds(_K, 16)]
                rem_e = eidb[pl.ds(_K, 16)]
                dlocb[pl.ds(0, 16)] = rem_d
                srcb[pl.ds(0, 16)] = rem_s
                eidb[pl.ds(0, 16)] = rem_e
                cnt_ref[0] = newcnt - _K

    def issue_chunk(ci, db, sb, semd, sems):
        off = ci * _CH
        pltpu.async_copy(dst_hbm.at[pl.ds(off, _CH)], db, semd)
        pltpu.async_copy(src_hbm.at[pl.ds(off, _CH)], sb, sems)

    def wait_chunk(ci, db, sb, semd, sems):
        off = ci * _CH
        pltpu.make_async_copy(dst_hbm.at[pl.ds(off, _CH)], db, semd).wait()
        pltpu.make_async_copy(src_hbm.at[pl.ds(off, _CH)], sb, sems).wait()

    issue_chunk(0, dbuf, sbuf, sem_e, sem_f)

    @pl.loop(0, _NCH // 2)
    def _(h):
        c0 = 2 * h
        wait_chunk(c0, dbuf, sbuf, sem_e, sem_f)
        issue_chunk(c0 + 1, dbuf2, sbuf2, sem_g, sem_h)
        scan_chunk(c0, dbuf, sbuf)
        c1 = c0 + 1
        wait_chunk(c1, dbuf2, sbuf2, sem_g, sem_h)

        @pl.when(h + 1 < _NCH // 2)
        def _():
            issue_chunk(c1 + 1, dbuf, sbuf, sem_e, sem_f)

        scan_chunk(c1, dbuf2, sbuf2)

    flush(cnt_ref[0])

    for b in range(_NLOC // 40):
        pltpu.sync_copy(hid_hbm.at[pl.ds(lo + b * 40, 40)], t10.at[pl.ds(0, 40)])

        @pl.loop(0, 40)
        def _(j):
            r = b * 40 + j
            dn = denomv[r, :] + 1e-16
            for c in range(8):
                a = accv[r, pl.ds(16 * c, 16)]
                v = jnp.where(a > _NEG,
                              jnp.minimum(jnp.maximum(a / dn, -1e9), 1e9),
                              0.0)
                accv[r, pl.ds(16 * c, 16)] = v + t10[j, pl.ds(16 * c, 16)]

    pltpu.sync_copy(accv, out_hbm.at[pl.ds(lo, _NLOC)])


def _make_sc_call():
    mesh = plsc.VectorSubcoreMesh(core_axis_name="c", subcore_axis_name="s")
    return pl.kernel(
        _gat_sc,
        out_type=jax.ShapeDtypeStruct((_NPAD, _D), jnp.float32),
        mesh=mesh,
        scratch_types=[
            pltpu.VMEM((_NLOC, _D), jnp.float32),
            pltpu.VMEM((_NLOC, 16), jnp.float32),
            pltpu.VMEM((_D,), jnp.float32),
            pltpu.VMEM((_CH,), jnp.int32),
            pltpu.VMEM((_CH,), jnp.int32),
            pltpu.VMEM((_CH,), jnp.int32),
            pltpu.VMEM((_CH,), jnp.int32),
            pltpu.VMEM((_CAP,), jnp.int32),
            pltpu.VMEM((_CAP,), jnp.int32),
            pltpu.VMEM((_CAP,), jnp.int32),
            pltpu.VMEM((_K, _D), jnp.float32),
            pltpu.VMEM((_K, _D), jnp.float32),
            pltpu.VMEM((_K, _D), jnp.float32),
            pltpu.VMEM((_K, _D), jnp.float32),
            pltpu.SMEM((8,), jnp.int32),
        ] + [pltpu.SemaphoreType.DMA] * 8,
        compiler_params=pltpu.CompilerParams(needs_layout_passes=False),
    )


def kernel(x, edge_attr, graph_fts, edge_index, hidden, edges_hidden, batch,
           Wl, Wr, We, att):
    b3 = batch.astype(jnp.int32).reshape(_N // _BN, 1, _BN)
    tab1, tab2, xr = pl.pallas_call(
        _node_prep_kernel,
        grid=(_N // _BN,),
        in_specs=[
            pl.BlockSpec((_BN, _D), lambda i: (i, 0)),
            pl.BlockSpec((_BN, _D), lambda i: (i, 0)),
            pl.BlockSpec((_BN, _D), lambda i: (i, 0)),
            pl.BlockSpec((16, _D), lambda i: (0, 0)),
            pl.BlockSpec((1, 1, _BN), lambda i: (i, 0, 0)),
            pl.BlockSpec((2 * _D, _D), lambda i: (0, 0)),
            pl.BlockSpec((2 * _D, _D), lambda i: (0, 0)),
            pl.BlockSpec((_D, _D), lambda i: (0, 0)),
        ],
        out_specs=[
            pl.BlockSpec((_BN, _D), lambda i: (i, 0)),
            pl.BlockSpec((_BN, _D), lambda i: (i, 0)),
            pl.BlockSpec((_BN, _D), lambda i: (i, 0)),
        ],
        out_shape=[
            jax.ShapeDtypeStruct((_N, _D), jnp.float32),
            jax.ShapeDtypeStruct((_N, _D), jnp.float32),
            jax.ShapeDtypeStruct((_N, _D), jnp.float32),
        ],
    )(x, hidden, graph_fts, graph_fts, b3, Wl, Wr, We)

    ew = pl.pallas_call(
        _edge_prep_kernel,
        grid=(_E // _BE,),
        in_specs=[
            pl.BlockSpec((_BE, _D), lambda i: (i, 0)),
            pl.BlockSpec((_D, _D), lambda i: (0, 0)),
        ],
        out_specs=pl.BlockSpec((_BE, _D), lambda i: (i, 0)),
        out_shape=jax.ShapeDtypeStruct((_E, _D), jnp.float32),
    )(edge_attr, We)

    pad = ((0, _NPAD - _N), (0, 0))
    tab1p = jnp.pad(tab1, pad)
    tab2p = jnp.pad(tab2, pad)
    xrp = jnp.pad(xr, pad)
    hidp = jnp.pad(hidden, pad)
    src = edge_index[0].astype(jnp.int32)
    dst = edge_index[1].astype(jnp.int32)

    outp = _make_sc_call()(dst, src, tab1p, tab2p, xrp, ew, hidp, att)
    return (outp[:_N], edges_hidden)

# --- scband reference (transcript-rebuilt; emitter-appended) ---
"""Pipeline reference for scband-gatv2-63943473103172 (READ-ONLY COPY).

The authoritative reference and input builder live on the scoring server;
editing this copy changes nothing except your own understanding.
"""

import jax, jax.numpy as jnp
import numpy as np

N, E, D, G = 10000, 320000, 128, 16

def setup_inputs(seed: int = 0):
    key = jax.random.key(seed)
    ks = jax.random.split(key, 12)
    x = jax.random.normal(ks[0], (N, D), dtype=jnp.float32)
    edge_attr = jax.random.normal(ks[1], (E, D), dtype=jnp.float32)
    graph_fts = jax.random.normal(ks[2], (N, D), dtype=jnp.float32)
    edge_index = jax.random.randint(ks[3], (2, E), 0, N)
    hidden = jax.random.normal(ks[4], (N, D), dtype=jnp.float32)
    edges_hidden = jax.random.normal(ks[5], (E, D), dtype=jnp.float32)
    batch = jnp.sort(jax.random.randint(ks[6], (N,), 0, G))
    Wl = jax.random.normal(ks[7], (2 * D, D), dtype=jnp.float32) * (1.0 / np.sqrt(2 * D))
    Wr = jax.random.normal(ks[8], (2 * D, D), dtype=jnp.float32) * (1.0 / np.sqrt(2 * D))
    We = jax.random.normal(ks[9], (D, D), dtype=jnp.float32) * (1.0 / np.sqrt(D))
    att = jax.random.normal(ks[10], (D,), dtype=jnp.float32) * (1.0 / np.sqrt(D))
    return {"x": x, "edge_attr": edge_attr, "graph_fts": graph_fts, "edge_index": edge_index, "hidden": hidden, "edges_hidden": edges_hidden, "batch": batch, "Wl": Wl, "Wr": Wr, "We": We, "att": att}


def reference(x, edge_attr, graph_fts, edge_index, hidden, edges_hidden, batch, Wl, Wr, We, att):
    n = x.shape[0]
    # x = x + graph_fts[batch.batch]
    x2 = x + jnp.take(graph_fts, batch, axis=0)
    # edge_attr = edge_attr + graph_fts[edge_index[0]]
    src = edge_index[0]
    dst = edge_index[1]
    ea = edge_attr + jnp.take(graph_fts, src, axis=0)
    # z = cat(x, hidden)
    z = jnp.concatenate([x2, hidden], axis=-1)
    # GATv2Conv, heads=1, concat=True, bias=False, add_self_loops=False, aggr='max'
    xl = z @ Wl  # lin_l
    xr = z @ Wr  # lin_r
    e = ea @ We  # lin_edge
    # flow source_to_target: x_j = xl[src], x_i = xr[dst]
    m = jnp.take(xl, src, axis=0) + jnp.take(xr, dst, axis=0) + e
    m = jax.nn.leaky_relu(m, negative_slope=0.2)
    logits = m @ att  # [E]
    # segment softmax over incoming edges of each dst node
    lmax = jax.ops.segment_max(logits, dst, num_segments=n)
    lmax = jnp.where(jnp.isfinite(lmax), lmax, 0.0)
    ex = jnp.exp(logits - jnp.take(lmax, dst))
    denom = jax.ops.segment_sum(ex, dst, num_segments=n)
    alpha = ex / (jnp.take(denom, dst) + 1e-16)
    # message = alpha * x_j, aggregated with max
    msg = jnp.take(xl, src, axis=0) * alpha[:, None]
    out = jax.ops.segment_max(msg, dst, num_segments=n)
    out = jnp.where(jnp.isfinite(out), out, 0.0)
    # eval mode clamp
    gat_hidden = jnp.clip(out, -1e9, 1e9)
    return (gat_hidden + hidden, edges_hidden)

if __name__ == "__main__":
    import jax
    _d = setup_inputs()
    print(jax.jit(kernel)(*tuple(_d.values())))

</pallas_src>

<mosaic_0001>
#map = affine_map<(d0, d1) -> (0)>
#map1 = affine_map<(d0, d1) -> (0, 0)>
module attributes {stable_mosaic.version = 14 : i64} {
  func.func @_gat_sc(%arg0: i32, %arg1: i32, %arg2: memref<320000xi32, #tpu.memory_space<hbm>>, %arg3: memref<320000xi32, #tpu.memory_space<hbm>>, %arg4: memref<10240x128xf32, #tpu.memory_space<hbm>>, %arg5: memref<10240x128xf32, #tpu.memory_space<hbm>>, %arg6: memref<10240x128xf32, #tpu.memory_space<hbm>>, %arg7: memref<320000x128xf32, #tpu.memory_space<hbm>>, %arg8: memref<10240x128xf32, #tpu.memory_space<hbm>>, %arg9: memref<128xf32, #tpu.memory_space<hbm>>, %arg10: memref<10240x128xf32, #tpu.memory_space<hbm>>, %arg11: memref<320x128xf32, #tpu.memory_space<vmem>>, %arg12: memref<320x16xf32, #tpu.memory_space<vmem>>, %arg13: memref<128xf32, #tpu.memory_space<vmem>>, %arg14: memref<1600xi32, #tpu.memory_space<vmem>>, %arg15: memref<1600xi32, #tpu.memory_space<vmem>>, %arg16: memref<1600xi32, #tpu.memory_space<vmem>>, %arg17: memref<1600xi32, #tpu.memory_space<vmem>>, %arg18: memref<112xi32, #tpu.memory_space<vmem>>, %arg19: memref<112xi32, #tpu.memory_space<vmem>>, %arg20: memref<112xi32, #tpu.memory_space<vmem>>, %arg21: memref<80x128xf32, #tpu.memory_space<vmem>>, %arg22: memref<80x128xf32, #tpu.memory_space<vmem>>, %arg23: memref<80x128xf32, #tpu.memory_space<vmem>>, %arg24: memref<80x128xf32, #tpu.memory_space<vmem>>, %arg25: memref<8xi32, #tpu.memory_space<smem>>, %arg26: memref<!tpu.dma_semaphore, #tpu.memory_space<semaphore_mem>>, %arg27: memref<!tpu.dma_semaphore, #tpu.memory_space<semaphore_mem>>, %arg28: memref<!tpu.dma_semaphore, #tpu.memory_space<semaphore_mem>>, %arg29: memref<!tpu.dma_semaphore, #tpu.memory_space<semaphore_mem>>, %arg30: memref<!tpu.dma_semaphore, #tpu.memory_space<semaphore_mem>>, %arg31: memref<!tpu.dma_semaphore, #tpu.memory_space<semaphore_mem>>, %arg32: memref<!tpu.dma_semaphore, #tpu.memory_space<semaphore_mem>>, %arg33: memref<!tpu.dma_semaphore, #tpu.memory_space<semaphore_mem>>) attributes {dimension_semantics = [#tpu.dimension_semantics<core_parallel>, #tpu.dimension_semantics<subcore_parallel>], iteration_bounds = array<i64: 2, 16>, scalar_prefetch = 0 : i64, scratch_operands = 23 : i64, tpu.core_type = #tpu.core_type<sc_vector_subcore>, window_params = [{transform_indices = #map}, {transform_indices = #map}, {transform_indices = #map1}, {transform_indices = #map1}, {transform_indices = #map1}, {transform_indices = #map1}, {transform_indices = #map1}, {transform_indices = #map}, {transform_indices = #map1}]} {
    %mul3A = arith.constant 2 : i32
    %mul3A_0 = arith.muli %arg1, %mul3A : i32
    %add3A = arith.addi %mul3A_0, %arg0 : i32
    %mul3A_1 = arith.constant 320 : i32
    %mul3A_2 = arith.muli %add3A, %mul3A_1 : i32
    "tpu.region"() ({
      %run_scoped3A = tpu.sem_alloc : memref<!tpu.dma_semaphore, #tpu.memory_space<semaphore_mem>>
      tpu.enqueue_dma source(%arg9 : memref<128xf32, #tpu.memory_space<hbm>>) target(%arg13 : memref<128xf32, #tpu.memory_space<vmem>>) target_semaphore(%run_scoped3A : memref<!tpu.dma_semaphore, #tpu.memory_space<semaphore_mem>>)
      tpu.wait_dma2 semaphore(%run_scoped3A : memref<!tpu.dma_semaphore, #tpu.memory_space<semaphore_mem>>) src(%arg9 : memref<128xf32, #tpu.memory_space<hbm>>) dst(%arg13 : memref<128xf32, #tpu.memory_space<vmem>>)
      tpu.yield
    }) : () -> ()
    %broadcast_in_dim3A = arith.constant 0xFF800000 : f32
    %broadcast_in_dim3A_3 = vector.broadcast %broadcast_in_dim3A : f32 to vector<16xf32>
    %broadcast_in_dim3A_4 = arith.constant 0.000000e+00 : f32
    %broadcast_in_dim3A_5 = vector.broadcast %broadcast_in_dim3A_4 : f32 to vector<16xf32>
    %broadcast_in_dim3A_6 = arith.constant 0 : i32
    %broadcast_in_dim3A_7 = vector.broadcast %broadcast_in_dim3A_6 : i32 to vector<16xi32>
    %scan3A = arith.constant 0 : i32
    %scan3A_8 = arith.constant 320 : i32
    %scan3A_9 = arith.addi %scan3A, %scan3A_8 : i32
    %scan3A_10 = arith.constant 1 : i32
    scf.for %scan3A_198 = %scan3A to %scan3A_9 step %scan3A_10  : i32 {
      %mul3A_199 = arith.constant 1 : i32
      %mul3A_200 = arith.muli %scan3A_198, %mul3A_199 : i32
      %add3A_201 = arith.constant 0 : i32
      %add3A_202 = arith.addi %add3A_201, %mul3A_200 : i32
      %swap3A_203 = arith.index_cast %add3A_202 : i32 to index
      %swap3A_204 = arith.constant 0 : index
      %swap3A_205 = tpu.vector_load %arg11[%swap3A_203, %swap3A_204] {strides = array<i32>} : memref<320x128xf32, #tpu.memory_space<vmem>>, vector<16xf32>,
      tpu.vector_store %arg11[%swap3A_203, %swap3A_204], %broadcast_in_dim3A_3 {strides = array<i32>} : memref<320x128xf32, #tpu.memory_space<vmem>>, vector<16xf32>,
      %swap3A_206 = arith.index_cast %add3A_202 : i32 to index
      %swap3A_207 = arith.constant 16 : index
      %swap3A_208 = tpu.vector_load %arg11[%swap3A_206, %swap3A_207] {strides = array<i32>} : memref<320x128xf32, #tpu.memory_space<vmem>>, vector<16xf32>,
      tpu.vector_store %arg11[%swap3A_206, %swap3A_207], %broadcast_in_dim3A_3 {strides = array<i32>} : memref<320x128xf32, #tpu.memory_space<vmem>>, vector<16xf32>,
      %swap3A_209 = arith.index_cast %add3A_202 : i32 to index
      %swap3A_210 = arith.constant 32 : index
      %swap3A_211 = tpu.vector_load %arg11[%swap3A_209, %swap3A_210] {strides = array<i32>} : memref<320x128xf32, #tpu.memory_space<vmem>>, vector<16xf32>,
      tpu.vector_store %arg11[%swap3A_209, %swap3A_210], %broadcast_in_dim3A_3 {strides = array<i32>} : memref<320x128xf32, #tpu.memory_space<vmem>>, vector<16xf32>,
      %swap3A_212 = arith.index_cast %add3A_202 : i32 to index
      %swap3A_213 = arith.constant 48 : index
      %swap3A_214 = tpu.vector_load %arg11[%swap3A_212, %swap3A_213] {strides = array<i32>} : memref<320x128xf32, #tpu.memory_space<vmem>>, vector<16xf32>,
      tpu.vector_store %arg11[%swap3A_212, %swap3A_213], %broadcast_in_dim3A_3 {strides = array<i32>} : memref<320x128xf32, #tpu.memory_space<vmem>>, vector<16xf32>,
      %swap3A_215 = arith.index_cast %add3A_202 : i32 to index
      %swap3A_216 = arith.constant 64 : index
      %swap3A_217 = tpu.vector_load %arg11[%swap3A_215, %swap3A_216] {strides = array<i32>} : memref<320x128xf32, #tpu.memory_space<vmem>>, vector<16xf32>,
      tpu.vector_store %arg11[%swap3A_215, %swap3A_216], %broadcast_in_dim3A_3 {strides = array<i32>} : memref<320x128xf32, #tpu.memory_space<vmem>>, vector<16xf32>,
      %swap3A_218 = arith.index_cast %add3A_202 : i32 to index
      %swap3A_219 = arith.constant 80 : index
      %swap3A_220 = tpu.vector_load %arg11[%swap3A_218, %swap3A_219] {strides = array<i32>} : memref<320x128xf32, #tpu.memory_space<vmem>>, vector<16xf32>,
      tpu.vector_store %arg11[%swap3A_218, %swap3A_219], %broadcast_in_dim3A_3 {strides = array<i32>} : memref<320x128xf32, #tpu.memory_space<vmem>>, vector<16xf32>,
      %swap3A_221 = arith.index_cast %add3A_202 : i32 to index
      %swap3A_222 = arith.constant 96 : index
      %swap3A_223 = tpu.vector_load %arg11[%swap3A_221, %swap3A_222] {strides = array<i32>} : memref<320x128xf32, #tpu.memory_space<vmem>>, vector<16xf32>,
      tpu.vector_store %arg11[%swap3A_221, %swap3A_222], %broadcast_in_dim3A_3 {strides = array<i32>} : memref<320x128xf32, #tpu.memory_space<vmem>>, vector<16xf32>,
      %swap3A_224 = arith.index_cast %add3A_202 : i32 to index
      %swap3A_225 = arith.constant 112 : index
      %swap3A_226 = tpu.vector_load %arg11[%swap3A_224, %swap3A_225] {strides = array<i32>} : memref<320x128xf32, #tpu.memory_space<vmem>>, vector<16xf32>,
      tpu.vector_store %arg11[%swap3A_224, %swap3A_225], %broadcast_in_dim3A_3 {strides = array<i32>} : memref<320x128xf32, #tpu.memory_space<vmem>>, vector<16xf32>,
      %swap3A_227 = arith.index_cast %add3A_202 : i32 to index
      %swap3A_228 = arith.constant 0 : index
      %swap3A_229 = tpu.vector_load %arg12[%swap3A_227, %swap3A_228] {strides = array<i32>} : memref<320x16xf32, #tpu.memory_space<vmem>>, vector<16xf32>,
      tpu.vector_store %arg12[%swap3A_227, %swap3A_228], %broadcast_in_dim3A_5 {strides = array<i32>} : memref<320x16xf32, #tpu.memory_space<vmem>>, vector<16xf32>,
    }
    %scan3A_11 = arith.constant 320 : i32
    %swap3A = arith.constant 0 : index
    %swap3A_12 = tpu.vector_load %arg18[%swap3A] {strides = array<i32>} : memref<112xi32, #tpu.memory_space<vmem>>, vector<16xi32>,
    tpu.vector_store %arg18[%swap3A], %broadcast_in_dim3A_7 {strides = array<i32>} : memref<112xi32, #tpu.memory_space<vmem>>, vector<16xi32>,
    %swap3A_13 = arith.constant 0 : index
    %swap3A_14 = tpu.vector_load %arg19[%swap3A_13] {strides = array<i32>} : memref<112xi32, #tpu.memory_space<vmem>>, vector<16xi32>,
    tpu.vector_store %arg19[%swap3A_13], %broadcast_in_dim3A_7 {strides = array<i32>} : memref<112xi32, #tpu.memory_space<vmem>>, vector<16xi32>,
    %swap3A_15 = arith.constant 0 : index
    %swap3A_16 = tpu.vector_load %arg20[%swap3A_15] {strides = array<i32>} : memref<112xi32, #tpu.memory_space<vmem>>, vector<16xi32>,
    tpu.vector_store %arg20[%swap3A_15], %broadcast_in_dim3A_7 {strides = array<i32>} : memref<112xi32, #tpu.memory_space<vmem>>, vector<16xi32>,
    %swap3A_17 = arith.constant 16 : index
    %swap3A_18 = tpu.vector_load %arg18[%swap3A_17] {strides = array<i32>} : memref<112xi32, #tpu.memory_space<vmem>>, vector<16xi32>,
    tpu.vector_store %arg18[%swap3A_17], %broadcast_in_dim3A_7 {strides = array<i32>} : memref<112xi32, #tpu.memory_space<vmem>>, vector<16xi32>,
    %swap3A_19 = arith.constant 16 : index
    %swap3A_20 = tpu.vector_load %arg19[%swap3A_19] {strides = array<i32>} : memref<112xi32, #tpu.memory_space<vmem>>, vector<16xi32>,
    tpu.vector_store %arg19[%swap3A_19], %broadcast_in_dim3A_7 {strides = array<i32>} : memref<112xi32, #tpu.memory_space<vmem>>, vector<16xi32>,
    %swap3A_21 = arith.constant 16 : index
    %swap3A_22 = tpu.vector_load %arg20[%swap3A_21] {strides = array<i32>} : memref<112xi32, #tpu.memory_space<vmem>>, vector<16xi32>,
    tpu.vector_store %arg20[%swap3A_21], %broadcast_in_dim3A_7 {strides = array<i32>} : memref<112xi32, #tpu.memory_space<vmem>>, vector<16xi32>,
    %swap3A_23 = arith.constant 32 : index
    %swap3A_24 = tpu.vector_load %arg18[%swap3A_23] {strides = array<i32>} : memref<112xi32, #tpu.memory_space<vmem>>, vector<16xi32>,
    tpu.vector_store %arg18[%swap3A_23], %broadcast_in_dim3A_7 {strides = array<i32>} : memref<112xi32, #tpu.memory_space<vmem>>, vector<16xi32>,
    %swap3A_25 = arith.constant 32 : index
    %swap3A_26 = tpu.vector_load %arg19[%swap3A_25] {strides = array<i32>} : memref<112xi32, #tpu.memory_space<vmem>>, vector<16xi32>,
    tpu.vector_store %arg19[%swap3A_25], %broadcast_in_dim3A_7 {strides = array<i32>} : memref<112xi32, #tpu.memory_space<vmem>>, vector<16xi32>,
    %swap3A_27 = arith.constant 32 : index
    %swap3A_28 = tpu.vector_load %arg20[%swap3A_27] {strides = array<i32>} : memref<112xi32, #tpu.memory_space<vmem>>, vector<16xi32>,
    tpu.vector_store %arg20[%swap3A_27], %broadcast_in_dim3A_7 {strides = array<i32>} : memref<112xi32, #tpu.memory_space<vmem>>, vector<16xi32>,
    %swap3A_29 = arith.constant 48 : index
    %swap3A_30 = tpu.vector_load %arg18[%swap3A_29] {strides = array<i32>} : memref<112xi32, #tpu.memory_space<vmem>>, vector<16xi32>,
    tpu.vector_store %arg18[%swap3A_29], %broadcast_in_dim3A_7 {strides = array<i32>} : memref<112xi32, #tpu.memory_space<vmem>>, vector<16xi32>,
    %swap3A_31 = arith.constant 48 : index
    %swap3A_32 = tpu.vector_load %arg19[%swap3A_31] {strides = array<i32>} : memref<112xi32, #tpu.memory_space<vmem>>, vector<16xi32>,
    tpu.vector_store %arg19[%swap3A_31], %broadcast_in_dim3A_7 {strides = array<i32>} : memref<112xi32, #tpu.memory_space<vmem>>, vector<16xi32>,
    %swap3A_33 = arith.constant 48 : index
    %swap3A_34 = tpu.vector_load %arg20[%swap3A_33] {strides = array<i32>} : memref<112xi32, #tpu.memory_space<vmem>>, vector<16xi32>,
    tpu.vector_store %arg20[%swap3A_33], %broadcast_in_dim3A_7 {strides = array<i32>} : memref<112xi32, #tpu.memory_space<vmem>>, vector<16xi32>,
    %swap3A_35 = arith.constant 64 : index
    %swap3A_36 = tpu.vector_load %arg18[%swap3A_35] {strides = array<i32>} : memref<112xi32, #tpu.memory_space<vmem>>, vector<16xi32>,
    tpu.vector_store %arg18[%swap3A_35], %broadcast_in_dim3A_7 {strides = array<i32>} : memref<112xi32, #tpu.memory_space<vmem>>, vector<16xi32>,
    %swap3A_37 = arith.constant 64 : index
    %swap3A_38 = tpu.vector_load %arg19[%swap3A_37] {strides = array<i32>} : memref<112xi32, #tpu.memory_space<vmem>>, vector<16xi32>,
    tpu.vector_store %arg19[%swap3A_37], %broadcast_in_dim3A_7 {strides = array<i32>} : memref<112xi32, #tpu.memory_space<vmem>>, vector<16xi32>,
    %swap3A_39 = arith.constant 64 : index
    %swap3A_40 = tpu.vector_load %arg20[%swap3A_39] {strides = array<i32>} : memref<112xi32, #tpu.memory_space<vmem>>, vector<16xi32>,
    tpu.vector_store %arg20[%swap3A_39], %broadcast_in_dim3A_7 {strides = array<i32>} : memref<112xi32, #tpu.memory_space<vmem>>, vector<16xi32>,
    %swap3A_41 = arith.constant 80 : index
    %swap3A_42 = tpu.vector_load %arg18[%swap3A_41] {strides = array<i32>} : memref<112xi32, #tpu.memory_space<vmem>>, vector<16xi32>,
    tpu.vector_store %arg18[%swap3A_41], %broadcast_in_dim3A_7 {strides = array<i32>} : memref<112xi32, #tpu.memory_space<vmem>>, vector<16xi32>,
    %swap3A_43 = arith.constant 80 : index
    %swap3A_44 = tpu.vector_load %arg19[%swap3A_43] {strides = array<i32>} : memref<112xi32, #tpu.memory_space<vmem>>, vector<16xi32>,
    tpu.vector_store %arg19[%swap3A_43], %broadcast_in_dim3A_7 {strides = array<i32>} : memref<112xi32, #tpu.memory_space<vmem>>, vector<16xi32>,
    %swap3A_45 = arith.constant 80 : index
    %swap3A_46 = tpu.vector_load %arg20[%swap3A_45] {strides = array<i32>} : memref<112xi32, #tpu.memory_space<vmem>>, vector<16xi32>,
    tpu.vector_store %arg20[%swap3A_45], %broadcast_in_dim3A_7 {strides = array<i32>} : memref<112xi32, #tpu.memory_space<vmem>>, vector<16xi32>,
    %swap3A_47 = arith.constant 96 : index
    %swap3A_48 = tpu.vector_load %arg18[%swap3A_47] {strides = array<i32>} : memref<112xi32, #tpu.memory_space<vmem>>, vector<16xi32>,
    tpu.vector_store %arg18[%swap3A_47], %broadcast_in_dim3A_7 {strides = array<i32>} : memref<112xi32, #tpu.memory_space<vmem>>, vector<16xi32>,
    %swap3A_49 = arith.constant 96 : index
    %swap3A_50 = tpu.vector_load %arg19[%swap3A_49] {strides = array<i32>} : memref<112xi32, #tpu.memory_space<vmem>>, vector<16xi32>,
    tpu.vector_store %arg19[%swap3A_49], %broadcast_in_dim3A_7 {strides = array<i32>} : memref<112xi32, #tpu.memory_space<vmem>>, vector<16xi32>,
    %swap3A_51 = arith.constant 96 : index
    %swap3A_52 = tpu.vector_load %arg20[%swap3A_51] {strides = array<i32>} : memref<112xi32, #tpu.memory_space<vmem>>, vector<16xi32>,
    tpu.vector_store %arg20[%swap3A_51], %broadcast_in_dim3A_7 {strides = array<i32>} : memref<112xi32, #tpu.memory_space<vmem>>, vector<16xi32>,
    %swap3A_53 = arith.constant 0 : i32
    %swap3A_54 = arith.constant 0 : i32
    %swap3A_55 = arith.index_cast %swap3A_54 : i32 to index
    %swap3A_56 = memref.load %arg25[%swap3A_55] : memref<8xi32, #tpu.memory_space<smem>>
    memref.store %swap3A_53, %arg25[%swap3A_55] : memref<8xi32, #tpu.memory_space<smem>>
    %iota3A = tpu.iota {dimensions = array<i32: 0>} : vector<16xi32>
    %get3A = arith.constant 0 : index
    %get3A_57 = tpu.vector_load %arg13[%get3A] {strides = array<i32>} : memref<128xf32, #tpu.memory_space<vmem>>, vector<16xf32>,
    %get3A_58 = arith.constant 16 : index
    %get3A_59 = tpu.vector_load %arg13[%get3A_58] {strides = array<i32>} : memref<128xf32, #tpu.memory_space<vmem>>, vector<16xf32>,
    %get3A_60 = arith.constant 32 : index
    %get3A_61 = tpu.vector_load %arg13[%get3A_60] {strides = array<i32>} : memref<128xf32, #tpu.memory_space<vmem>>, vector<16xf32>,
    %get3A_62 = arith.constant 48 : index
    %get3A_63 = tpu.vector_load %arg13[%get3A_62] {strides = array<i32>} : memref<128xf32, #tpu.memory_space<vmem>>, vector<16xf32>,
    %get3A_64 = arith.constant 64 : index
    %get3A_65 = tpu.vector_load %arg13[%get3A_64] {strides = array<i32>} : memref<128xf32, #tpu.memory_space<vmem>>, vector<16xf32>,
    %get3A_66 = arith.constant 80 : index
    %get3A_67 = tpu.vector_load %arg13[%get3A_66] {strides = array<i32>} : memref<128xf32, #tpu.memory_space<vmem>>, vector<16xf32>,
    %get3A_68 = arith.constant 96 : index
    %get3A_69 = tpu.vector_load %arg13[%get3A_68] {strides = array<i32>} : memref<128xf32, #tpu.memory_space<vmem>>, vector<16xf32>,
    %get3A_70 = arith.constant 112 : index
    %get3A_71 = tpu.vector_load %arg13[%get3A_70] {strides = array<i32>} : memref<128xf32, #tpu.memory_space<vmem>>, vector<16xf32>,
    %dma_start3A = arith.constant 0 : i32
    %dma_start3A_72 = tpu.memref_slice %arg2[%dma_start3A] : memref<320000xi32, #tpu.memory_space<hbm>> -> memref<1600xi32, #tpu.memory_space<hbm>>
    %dma_start3A_73 = arith.constant 0 : i32
    %dma_start3A_74 = tpu.memref_slice %arg2[%dma_start3A_73] : memref<320000xi32, #tpu.memory_space<hbm>> -> memref<1600xi32, #tpu.memory_space<hbm>>
    tpu.enqueue_dma source(%dma_start3A_74 : memref<1600xi32, #tpu.memory_space<hbm>>) target(%arg14 : memref<1600xi32, #tpu.memory_space<vmem>>) target_semaphore(%arg30 : memref<!tpu.dma_semaphore, #tpu.memory_space<semaphore_mem>>)
    %dma_start3A_75 = arith.constant 0 : i32
    %dma_start3A_76 = tpu.memref_slice %arg3[%dma_start3A_75] : memref<320000xi32, #tpu.memory_space<hbm>> -> memref<1600xi32, #tpu.memory_space<hbm>>
    %dma_start3A_77 = arith.constant 0 : i32
    %dma_start3A_78 = tpu.memref_slice %arg3[%dma_start3A_77] : memref<320000xi32, #tpu.memory_space<hbm>> -> memref<1600xi32, #tpu.memory_space<hbm>>
    tpu.enqueue_dma source(%dma_start3A_78 : memref<1600xi32, #tpu.memory_space<hbm>>) target(%arg15 : memref<1600xi32, #tpu.memory_space<vmem>>) target_semaphore(%arg31 : memref<!tpu.dma_semaphore, #tpu.memory_space<semaphore_mem>>)
    %scan3A_79 = arith.constant 0 : i32
    %scan3A_80 = arith.constant 100 : i32
    %scan3A_81 = arith.addi %scan3A_79, %scan3A_80 : i32
    %scan3A_82 = arith.constant 1 : i32
    scf.for %scan3A_198 = %scan3A_79 to %scan3A_81 step %scan3A_82  : i32 {
      %mul3A_199 = arith.constant 1 : i32
      %mul3A_200 = arith.muli %scan3A_198, %mul3A_199 : i32
      %add3A_201 = arith.constant 0 : i32
      %add3A_202 = arith.addi %add3A_201, %mul3A_200 : i32
      %mul3A_203 = arith.constant 2 : i32
      %mul3A_204 = arith.muli %mul3A_203, %add3A_202 : i32
      %mul3A_205 = arith.constant 1600 : i32
      %mul3A_206 = arith.muli %mul3A_204, %mul3A_205 : i32
      %dma_wait3A_207 = tpu.memref_slice %arg2[%mul3A_206] : memref<320000xi32, #tpu.memory_space<hbm>> -> memref<1600xi32, #tpu.memory_space<hbm>>
      %dma_wait3A_208 = tpu.memref_slice %arg2[%mul3A_206] : memref<320000xi32, #tpu.memory_space<hbm>> -> memref<1600xi32, #tpu.memory_space<hbm>>
      tpu.wait_dma2 semaphore(%arg30 : memref<!tpu.dma_semaphore, #tpu.memory_space<semaphore_mem>>) src(%dma_wait3A_208 : memref<1600xi32, #tpu.memory_space<hbm>>) dst(%arg14 : memref<1600xi32, #tpu.memory_space<vmem>>)
      %dma_wait3A_209 = tpu.memref_slice %arg3[%mul3A_206] : memref<320000xi32, #tpu.memory_space<hbm>> -> memref<1600xi32, #tpu.memory_space<hbm>>
      %dma_wait3A_210 = tpu.memref_slice %arg3[%mul3A_206] : memref<320000xi32, #tpu.memory_space<hbm>> -> memref<1600xi32, #tpu.memory_space<hbm>>
      tpu.wait_dma2 semaphore(%arg31 : memref<!tpu.dma_semaphore, #tpu.memory_space<semaphore_mem>>) src(%dma_wait3A_210 : memref<1600xi32, #tpu.memory_space<hbm>>) dst(%arg15 : memref<1600xi32, #tpu.memory_space<vmem>>)
      %add3A_211 = arith.constant 1 : i32
      %add3A_212 = arith.addi %mul3A_204, %add3A_211 : i32
      %mul3A_213 = arith.constant 1600 : i32
      %mul3A_214 = arith.muli %add3A_212, %mul3A_213 : i32
      %dma_start3A_215 = tpu.memref_slice %arg2[%mul3A_214] : memref<320000xi32, #tpu.memory_space<hbm>> -> memref<1600xi32, #tpu.memory_space<hbm>>
      %dma_start3A_216 = tpu.memref_slice %arg2[%mul3A_214] : memref<320000xi32, #tpu.memory_space<hbm>> -> memref<1600xi32, #tpu.memory_space<hbm>>
      tpu.enqueue_dma source(%dma_start3A_216 : memref<1600xi32, #tpu.memory_space<hbm>>) target(%arg16 : memref<1600xi32, #tpu.memory_space<vmem>>) target_semaphore(%arg32 : memref<!tpu.dma_semaphore, #tpu.memory_space<semaphore_mem>>)
      %dma_start3A_217 = tpu.memref_slice %arg3[%mul3A_214] : memref<320000xi32, #tpu.memory_space<hbm>> -> memref<1600xi32, #tpu.memory_space<hbm>>
      %dma_start3A_218 = tpu.memref_slice %arg3[%mul3A_214] : memref<320000xi32, #tpu.memory_space<hbm>> -> memref<1600xi32, #tpu.memory_space<hbm>>
      tpu.enqueue_dma source(%dma_start3A_218 : memref<1600xi32, #tpu.memory_space<hbm>>) target(%arg17 : memref<1600xi32, #tpu.memory_space<vmem>>) target_semaphore(%arg33 : memref<!tpu.dma_semaphore, #tpu.memory_space<semaphore_mem>>)
      %mul3A_219 = arith.constant 1600 : i32
      %mul3A_220 = arith.muli %mul3A_204, %mul3A_219 : i32
      %scan3A_221 = arith.constant 0 : i32
      %scan3A_222 = arith.constant 100 : i32
      %scan3A_223 = arith.addi %scan3A_221, %scan3A_222 : i32
      %scan3A_224 = arith.constant 1 : i32
      scf.for %scan3A_245 = %scan3A_221 to %scan3A_223 step %scan3A_224  : i32 {
        %mul3A_246 = arith.constant 1 : i32
        %mul3A_247 = arith.muli %scan3A_245, %mul3A_246 : i32
        %add3A_248 = arith.constant 0 : i32
        %add3A_249 = arith.addi %add3A_248, %mul3A_247 : i32
        %mul3A_250 = arith.constant 16 : i32
        %mul3A_251 = arith.muli %add3A_249, %mul3A_250 : i32
        %get3A_252 = arith.index_cast %mul3A_251 : i32 to index
        %get3A_253 = tpu.vector_load %arg14[%get3A_252] {strides = array<i32>} : memref<1600xi32, #tpu.memory_space<vmem>>, vector<16xi32>,
        %mul3A_254 = arith.constant 16 : i32
        %mul3A_255 = arith.muli %add3A_249, %mul3A_254 : i32
        %get3A_256 = arith.index_cast %mul3A_255 : i32 to index
        %get3A_257 = tpu.vector_load %arg15[%get3A_256] {strides = array<i32>} : memref<1600xi32, #tpu.memory_space<vmem>>, vector<16xi32>,
        %ge3A = vector.broadcast %mul3A_2 : i32 to vector<16xi32>
        %ge3A_258 = arith.cmpi sge, %get3A_253, %ge3A : vector<16xi32>
        %add3A_259 = arith.constant 320 : i32
        %add3A_260 = arith.addi %mul3A_2, %add3A_259 : i32
        %lt3A_261 = vector.broadcast %add3A_260 : i32 to vector<16xi32>
        %lt3A_262 = arith.cmpi slt, %get3A_253, %lt3A_261 : vector<16xi32>
        %and3A = arith.andi %ge3A_258, %lt3A_262 : vector<16xi1>
        %convert_element_type3A_263 = arith.extui %and3A : vector<16xi1> to vector<16xi32>
        %broadcast_in_dim3A_264 = arith.constant true
        %broadcast_in_dim3A_265 = vector.broadcast %broadcast_in_dim3A_264 : i1 to vector<16xi1>
        %masked_cumsum3A = tpu.scan <sum>, %convert_element_type3A_263 masked %broadcast_in_dim3A_265 : vector<16xi32>, vector<16xi1> -> vector<16xi32>
        %get3A_266 = arith.constant 0 : i32
        %get3A_267 = arith.index_cast %get3A_266 : i32 to index
        %get3A_268 = memref.load %arg25[%get3A_267] : memref<8xi32, #tpu.memory_space<smem>>
        %add3A_269 = vector.broadcast %get3A_268 : i32 to vector<16xi32>
        %add3A_270 = arith.addi %add3A_269, %masked_cumsum3A : vector<16xi32>
        %sub3A_271 = arith.subi %add3A_270, %convert_element_type3A_263 : vector<16xi32>
        %mul3A_272 = arith.constant 16 : i32
        %mul3A_273 = arith.muli %add3A_249, %mul3A_272 : i32
        %add3A_274 = arith.addi %mul3A_220, %mul3A_273 : i32
        %add3A_275 = vector.broadcast %add3A_274 : i32 to vector<16xi32>
        %add3A_276 = arith.addi %add3A_275, %iota3A : vector<16xi32>
        tpu.vector_store_idx %arg18[%sub3A_271], %get3A_253 masked %and3A : memref<112xi32, #tpu.memory_space<vmem>>[vector<16xi32>], vector<16xi32>, vector<16xi1>
        tpu.vector_store_idx %arg19[%sub3A_271], %get3A_257 masked %and3A : memref<112xi32, #tpu.memory_space<vmem>>[vector<16xi32>], vector<16xi32>, vector<16xi1>
        tpu.vector_store_idx %arg20[%sub3A_271], %add3A_276 masked %and3A : memref<112xi32, #tpu.memory_space<vmem>>[vector<16xi32>], vector<16xi32>, vector<16xi1>
        %reduce_sum3A = arith.constant true
        %reduce_sum3A_277 = vector.broadcast %reduce_sum3A : i1 to vector<16xi1>
        %reduce_sum3A_278 = tpu.scan <sum>, %convert_element_type3A_263 masked %reduce_sum3A_277 : vector<16xi32>, vector<16xi1> -> vector<16xi32>
        %reduce_sum3A_279 = vector.extract %reduce_sum3A_278[15] : i32 from vector<16xi32>
        %add3A_280 = arith.addi %get3A_268, %reduce_sum3A_279 : i32
        %swap3A_281 = arith.constant 0 : i32
        %swap3A_282 = arith.index_cast %swap3A_281 : i32 to index
        %swap3A_283 = memref.load %arg25[%swap3A_282] : memref<8xi32, #tpu.memory_space<smem>>
        memref.store %add3A_280, %arg25[%swap3A_282] : memref<8xi32, #tpu.memory_space<smem>>
        %ge3A_284 = arith.constant 80 : i32
        %ge3A_285 = arith.cmpi sge, %add3A_280, %ge3A_284 : i32
        %convert_element_type3A_286 = arith.extui %ge3A_285 : i1 to i32
        %cond3A_287 = arith.constant 0 : i32
        %cond3A_288 = arith.cmpi ne, %convert_element_type3A_286, %cond3A_287 : i32
        scf.if %cond3A_288 {
          %dma_start3A_289 = arith.constant 0 : i32
          %dma_start3A_290 = tpu.memref_slice %arg19[%dma_start3A_289] : memref<112xi32, #tpu.memory_space<vmem>> -> memref<80xi32, #tpu.memory_space<vmem>>
          %dma_start3A_291 = arith.constant 0 : i32
          %dma_start3A_292 = arith.constant 0 : i32
          %dma_start3A_293 = tpu.memref_slice %arg4[%dma_start3A_291, %dma_start3A_292] : memref<10240x128xf32, #tpu.memory_space<hbm>> -> memref<10240x128xf32, #tpu.memory_space<hbm>>
          tpu.enqueue_indirect_dma source(%dma_start3A_293 : memref<10240x128xf32, #tpu.memory_space<hbm>>) target(%arg21 : memref<80x128xf32, #tpu.memory_space<vmem>>) offsets(%dma_start3A_290 : memref<80xi32, #tpu.memory_space<vmem>>) semaphore(%arg26 : memref<!tpu.dma_semaphore, #tpu.memory_space<semaphore_mem>>)
          %dma_start3A_294 = arith.constant 0 : i32
          %dma_start3A_295 = tpu.memref_slice %arg19[%dma_start3A_294] : memref<112xi32, #tpu.memory_space<vmem>> -> memref<80xi32, #tpu.memory_space<vmem>>
          %dma_start3A_296 = arith.constant 0 : i32
          %dma_start3A_297 = arith.constant 0 : i32
          %dma_start3A_298 = tpu.memref_slice %arg5[%dma_start3A_296, %dma_start3A_297] : memref<10240x128xf32, #tpu.memory_space<hbm>> -> memref<10240x128xf32, #tpu.memory_space<hbm>>
          tpu.enqueue_indirect_dma source(%dma_start3A_298 : memref<10240x128xf32, #tpu.memory_space<hbm>>) target(%arg22 : memref<80x128xf32, #tpu.memory_space<vmem>>) offsets(%dma_start3A_295 : memref<80xi32, #tpu.memory_space<vmem>>) semaphore(%arg27 : memref<!tpu.dma_semaphore, #tpu.memory_space<semaphore_mem>>)
          %dma_start3A_299 = arith.constant 0 : i32
          %dma_start3A_300 = tpu.memref_slice %arg20[%dma_start3A_299] : memref<112xi32, #tpu.memory_space<vmem>> -> memref<80xi32, #tpu.memory_space<vmem>>
          %dma_start3A_301 = arith.constant 0 : i32
          %dma_start3A_302 = arith.constant 0 : i32
          %dma_start3A_303 = tpu.memref_slice %arg7[%dma_start3A_301, %dma_start3A_302] : memref<320000x128xf32, #tpu.memory_space<hbm>> -> memref<320000x128xf32, #tpu.memory_space<hbm>>
          tpu.enqueue_indirect_dma source(%dma_start3A_303 : memref<320000x128xf32, #tpu.memory_space<hbm>>) target(%arg23 : memref<80x128xf32, #tpu.memory_space<vmem>>) offsets(%dma_start3A_300 : memref<80xi32, #tpu.memory_space<vmem>>) semaphore(%arg28 : memref<!tpu.dma_semaphore, #tpu.memory_space<semaphore_mem>>)
          %dma_start3A_304 = arith.constant 0 : i32
          %dma_start3A_305 = tpu.memref_slice %arg18[%dma_start3A_304] : memref<112xi32, #tpu.memory_space<vmem>> -> memref<80xi32, #tpu.memory_space<vmem>>
          %dma_start3A_306 = arith.constant 0 : i32
          %dma_start3A_307 = arith.constant 0 : i32
          %dma_start3A_308 = tpu.memref_slice %arg6[%dma_start3A_306, %dma_start3A_307] : memref<10240x128xf32, #tpu.memory_space<hbm>> -> memref<10240x128xf32, #tpu.memory_space<hbm>>
          tpu.enqueue_indirect_dma source(%dma_start3A_308 : memref<10240x128xf32, #tpu.memory_space<hbm>>) target(%arg24 : memref<80x128xf32, #tpu.memory_space<vmem>>) offsets(%dma_start3A_305 : memref<80xi32, #tpu.memory_space<vmem>>) semaphore(%arg29 : memref<!tpu.dma_semaphore, #tpu.memory_space<semaphore_mem>>)
          %dma_wait3A_309 = arith.constant 0 : i32
          %dma_wait3A_310 = tpu.memref_slice %arg19[%dma_wait3A_309] : memref<112xi32, #tpu.memory_space<vmem>> -> memref<80xi32, #tpu.memory_space<vmem>>
          %dma_wait3A_311 = arith.constant 0 : i32
          %dma_wait3A_312 = arith.constant 0 : i32
          %dma_wait3A_313 = tpu.memref_slice %arg4[%dma_wait3A_311, %dma_wait3A_312] : memref<10240x128xf32, #tpu.memory_space<hbm>> -> memref<10240x128xf32, #tpu.memory_space<hbm>>
          tpu.wait_indirect_dma semaphore(%arg26 : memref<!tpu.dma_semaphore, #tpu.memory_space<semaphore_mem>>) src(%dma_wait3A_313 : memref<10240x128xf32, #tpu.memory_space<hbm>>) dst(%arg21 : memref<80x128xf32, #tpu.memory_space<vmem>>)
          %dma_wait3A_314 = arith.constant 0 : i32
          %dma_wait3A_315 = tpu.memref_slice %arg19[%dma_wait3A_314] : memref<112xi32, #tpu.memory_space<vmem>> -> memref<80xi32, #tpu.memory_space<vmem>>
          %dma_wait3A_316 = arith.constant 0 : i32
          %dma_wait3A_317 = arith.constant 0 : i32
          %dma_wait3A_318 = tpu.memref_slice %arg5[%dma_wait3A_316, %dma_wait3A_317] : memref<10240x128xf32, #tpu.memory_space<hbm>> -> memref<10240x128xf32, #tpu.memory_space<hbm>>
          tpu.wait_indirect_dma semaphore(%arg27 : memref<!tpu.dma_semaphore, #tpu.memory_space<semaphore_mem>>) src(%dma_wait3A_318 : memref<10240x128xf32, #tpu.memory_space<hbm>>) dst(%arg22 : memref<80x128xf32, #tpu.memory_space<vmem>>)
          %dma_wait3A_319 = arith.constant 0 : i32
          %dma_wait3A_320 = tpu.memref_slice %arg20[%dma_wait3A_319] : memref<112xi32, #tpu.memory_space<vmem>> -> memref<80xi32, #tpu.memory_space<vmem>>
          %dma_wait3A_321 = arith.constant 0 : i32
          %dma_wait3A_322 = arith.constant 0 : i32
          %dma_wait3A_323 = tpu.memref_slice %arg7[%dma_wait3A_321, %dma_wait3A_322] : memref<320000x128xf32, #tpu.memory_space<hbm>> -> memref<320000x128xf32, #tpu.memory_space<hbm>>
          tpu.wait_indirect_dma semaphore(%arg28 : memref<!tpu.dma_semaphore, #tpu.memory_space<semaphore_mem>>) src(%dma_wait3A_323 : memref<320000x128xf32, #tpu.memory_space<hbm>>) dst(%arg23 : memref<80x128xf32, #tpu.memory_space<vmem>>)
          %dma_wait3A_324 = arith.constant 0 : i32
          %dma_wait3A_325 = tpu.memref_slice %arg18[%dma_wait3A_324] : memref<112xi32, #tpu.memory_space<vmem>> -> memref<80xi32, #tpu.memory_space<vmem>>
          %dma_wait3A_326 = arith.constant 0 : i32
          %dma_wait3A_327 = arith.constant 0 : i32
          %dma_wait3A_328 = tpu.memref_slice %arg6[%dma_wait3A_326, %dma_wait3A_327] : memref<10240x128xf32, #tpu.memory_space<hbm>> -> memref<10240x128xf32, #tpu.memory_space<hbm>>
          tpu.wait_indirect_dma semaphore(%arg29 : memref<!tpu.dma_semaphore, #tpu.memory_space<semaphore_mem>>) src(%dma_wait3A_328 : memref<10240x128xf32, #tpu.memory_space<hbm>>) dst(%arg24 : memref<80x128xf32, #tpu.memory_space<vmem>>)
          %scan3A_329 = arith.constant 0 : i32
          %scan3A_330 = arith.constant 80 : i32
          %scan3A_331 = arith.addi %scan3A_329, %scan3A_330 : i32
          %scan3A_332 = arith.constant 1 : i32
          scf.for %scan3A_351 = %scan3A_329 to %scan3A_331 step %scan3A_332  : i32 {
            %mul3A_352 = arith.constant 1 : i32
            %mul3A_353 = arith.muli %scan3A_351, %mul3A_352 : i32
            %add3A_354 = arith.constant 0 : i32
            %add3A_355 = arith.addi %add3A_354, %mul3A_353 : i32
            %get3A_356 = arith.index_cast %add3A_355 : i32 to index
            %get3A_357 = tpu.vector_load %arg18[%get3A_356] {strides = array<i32>} : memref<112xi32, #tpu.memory_space<vmem>>, vector<16xi32>,
            %slice3A = vector.extract_strided_slice %get3A_357 {offsets = [0], sizes = [1], strides = [1]} : vector<16xi32> to vector<1xi32>
            %squeeze3A = vector.extract %slice3A[0] : i32 from vector<1xi32>
            %sub3A_358 = arith.subi %squeeze3A, %mul3A_2 : i32
            %get3A_359 = arith.index_cast %add3A_355 : i32 to index
            %get3A_360 = arith.constant 0 : index
            %get3A_361 = tpu.vector_load %arg21[%get3A_359, %get3A_360] {strides = array<i32>} : memref<80x128xf32, #tpu.memory_space<vmem>>, vector<16xf32>,
            %get3A_362 = arith.index_cast %add3A_355 : i32 to index
            %get3A_363 = arith.constant 0 : index
            %get3A_364 = tpu.vector_load %arg24[%get3A_362, %get3A_363] {strides = array<i32>} : memref<80x128xf32, #tpu.memory_space<vmem>>, vector<16xf32>,
            %add3A_365 = arith.addf %get3A_361, %get3A_364 : vector<16xf32>
            %get3A_366 = arith.index_cast %add3A_355 : i32 to index
            %get3A_367 = arith.constant 0 : index
            %get3A_368 = tpu.vector_load %arg23[%get3A_366, %get3A_367] {strides = array<i32>} : memref<80x128xf32, #tpu.memory_space<vmem>>, vector<16xf32>,
            %add3A_369 = arith.addf %add3A_365, %get3A_368 : vector<16xf32>
            %mul3A_370 = arith.constant 2.000000e-01 : f32
            %mul3A_371 = vector.broadcast %mul3A_370 : f32 to vector<16xf32>
            %mul3A_372 = arith.mulf %mul3A_371, %add3A_369 : vector<16xf32>
            %max3A = arith.maximumf %add3A_369, %mul3A_372 : vector<16xf32>
            %mul3A_373 = arith.mulf %max3A, %get3A_57 : vector<16xf32>
            %add3A_374 = arith.addf %broadcast_in_dim3A_5, %mul3A_373 : vector<16xf32>
            %get3A_375 = arith.index_cast %add3A_355 : i32 to index
            %get3A_376 = arith.constant 16 : index
            %get3A_377 = tpu.vector_load %arg21[%get3A_375, %get3A_376] {strides = array<i32>} : memref<80x128xf32, #tpu.memory_space<vmem>>, vector<16xf32>,
            %get3A_378 = arith.index_cast %add3A_355 : i32 to index
            %get3A_379 = arith.constant 16 : index
            %get3A_380 = tpu.vector_load %arg24[%get3A_378, %get3A_379] {strides = array<i32>} : memref<80x128xf32, #tpu.memory_space<vmem>>, vector<16xf32>,
            %add3A_381 = arith.addf %get3A_377, %get3A_380 : vector<16xf32>
            %get3A_382 = arith.index_cast %add3A_355 : i32 to index
            %get3A_383 = arith.constant 16 : index
            %get3A_384 = tpu.vector_load %arg23[%get3A_382, %get3A_383] {strides = array<i32>} : memref<80x128xf32, #tpu.memory_space<vmem>>, vector<16xf32>,
            %add3A_385 = arith.addf %add3A_381, %get3A_384 : vector<16xf32>
            %mul3A_386 = arith.constant 2.000000e-01 : f32
            %mul3A_387 = vector.broadcast %mul3A_386 : f32 to vector<16xf32>
            %mul3A_388 = arith.mulf %mul3A_387, %add3A_385 : vector<16xf32>
            %max3A_389 = arith.maximumf %add3A_385, %mul3A_388 : vector<16xf32>
            %mul3A_390 = arith.mulf %max3A_389, %get3A_59 : vector<16xf32>
            %add3A_391 = arith.addf %broadcast_in_dim3A_5, %mul3A_390 : vector<16xf32>
            %get3A_392 = arith.index_cast %add3A_355 : i32 to index
            %get3A_393 = arith.constant 32 : index
            %get3A_394 = tpu.vector_load %arg21[%get3A_392, %get3A_393] {strides = array<i32>} : memref<80x128xf32, #tpu.memory_space<vmem>>, vector<16xf32>,
            %get3A_395 = arith.index_cast %add3A_355 : i32 to index
            %get3A_396 = arith.constant 32 : index
            %get3A_397 = tpu.vector_load %arg24[%get3A_395, %get3A_396] {strides = array<i32>} : memref<80x128xf32, #tpu.memory_space<vmem>>, vector<16xf32>,
            %add3A_398 = arith.addf %get3A_394, %get3A_397 : vector<16xf32>
            %get3A_399 = arith.index_cast %add3A_355 : i32 to index
            %get3A_400 = arith.constant 32 : index
            %get3A_401 = tpu.vector_load %arg23[%get3A_399, %get3A_400] {strides = array<i32>} : memref<80x128xf32, #tpu.memory_space<vmem>>, vector<16xf32>,
            %add3A_402 = arith.addf %add3A_398, %get3A_401 : vector<16xf32>
            %mul3A_403 = arith.constant 2.000000e-01 : f32
            %mul3A_404 = vector.broadcast %mul3A_403 : f32 to vector<16xf32>
            %mul3A_405 = arith.mulf %mul3A_404, %add3A_402 : vector<16xf32>
            %max3A_406 = arith.maximumf %add3A_402, %mul3A_405 : vector<16xf32>
            %mul3A_407 = arith.mulf %max3A_406, %get3A_61 : vector<16xf32>
            %add3A_408 = arith.addf %add3A_374, %mul3A_407 : vector<16xf32>
            %get3A_409 = arith.index_cast %add3A_355 : i32 to index
            %get3A_410 = arith.constant 48 : index
            %get3A_411 = tpu.vector_load %arg21[%get3A_409, %get3A_410] {strides = array<i32>} : memref<80x128xf32, #tpu.memory_space<vmem>>, vector<16xf32>,
            %get3A_412 = arith.index_cast %add3A_355 : i32 to index
            %get3A_413 = arith.constant 48 : index
            %get3A_414 = tpu.vector_load %arg24[%get3A_412, %get3A_413] {strides = array<i32>} : memref<80x128xf32, #tpu.memory_space<vmem>>, vector<16xf32>,
            %add3A_415 = arith.addf %get3A_411, %get3A_414 : vector<16xf32>
            %get3A_416 = arith.index_cast %add3A_355 : i32 to index
            %get3A_417 = arith.constant 48 : index
            %get3A_418 = tpu.vector_load %arg23[%get3A_416, %get3A_417] {strides = array<i32>} : memref<80x128xf32, #tpu.memory_space<vmem>>, vector<16xf32>,
            %add3A_419 = arith.addf %add3A_415, %get3A_418 : vector<16xf32>
            %mul3A_420 = arith.constant 2.000000e-01 : f32
            %mul3A_421 = vector.broadcast %mul3A_420 : f32 to vector<16xf32>
            %mul3A_422 = arith.mulf %mul3A_421, %add3A_419 : vector<16xf32>
            %max3A_423 = arith.maximumf %add3A_419, %mul3A_422 : vector<16xf32>
            %mul3A_424 = arith.mulf %max3A_423, %get3A_63 : vector<16xf32>
            %add3A_425 = arith.addf %add3A_391, %mul3A_424 : vector<16xf32>
            %get3A_426 = arith.index_cast %add3A_355 : i32 to index
            %get3A_427 = arith.constant 64 : index
            %get3A_428 = tpu.vector_load %arg21[%get3A_426, %get3A_427] {strides = array<i32>} : memref<80x128xf32, #tpu.memory_space<vmem>>, vector<16xf32>,
            %get3A_429 = arith.index_cast %add3A_355 : i32 to index
            %get3A_430 = arith.constant 64 : index
            %get3A_431 = tpu.vector_load %arg24[%get3A_429, %get3A_430] {strides = array<i32>} : memref<80x128xf32, #tpu.memory_space<vmem>>, vector<16xf32>,
            %add3A_432 = arith.addf %get3A_428, %get3A_431 : vector<16xf32>
            %get3A_433 = arith.index_cast %add3A_355 : i32 to index
            %get3A_434 = arith.constant 64 : index
            %get3A_435 = tpu.vector_load %arg23[%get3A_433, %get3A_434] {strides = array<i32>} : memref<80x128xf32, #tpu.memory_space<vmem>>, vector<16xf32>,
            %add3A_436 = arith.addf %add3A_432, %get3A_435 : vector<16xf32>
            %mul3A_437 = arith.constant 2.000000e-01 : f32
            %mul3A_438 = vector.broadcast %mul3A_437 : f32 to vector<16xf32>
            %mul3A_439 = arith.mulf %mul3A_438, %add3A_436 : vector<16xf32>
            %max3A_440 = arith.maximumf %add3A_436, %mul3A_439 : vector<16xf32>
            %mul3A_441 = arith.mulf %max3A_440, %get3A_65 : vector<16xf32>
            %add3A_442 = arith.addf %add3A_408, %mul3A_441 : vector<16xf32>
            %get3A_443 = arith.index_cast %add3A_355 : i32 to index
            %get3A_444 = arith.constant 80 : index
            %get3A_445 = tpu.vector_load %arg21[%get3A_443, %get3A_444] {strides = array<i32>} : memref<80x128xf32, #tpu.memory_space<vmem>>, vector<16xf32>,
            %get3A_446 = arith.index_cast %add3A_355 : i32 to index
            %get3A_447 = arith.constant 80 : index
            %get3A_448 = tpu.vector_load %arg24[%get3A_446, %get3A_447] {strides = array<i32>} : memref<80x128xf32, #tpu.memory_space<vmem>>, vector<16xf32>,
            %add3A_449 = arith.addf %get3A_445, %get3A_448 : vector<16xf32>
            %get3A_450 = arith.index_cast %add3A_355 : i32 to index
            %get3A_451 = arith.constant 80 : index
            %get3A_452 = tpu.vector_load %arg23[%get3A_450, %get3A_451] {strides = array<i32>} : memref<80x128xf32, #tpu.memory_space<vmem>>, vector<16xf32>,
            %add3A_453 = arith.addf %add3A_449, %get3A_452 : vector<16xf32>
            %mul3A_454 = arith.constant 2.000000e-01 : f32
            %mul3A_455 = vector.broadcast %mul3A_454 : f32 to vector<16xf32>
            %mul3A_456 = arith.mulf %mul3A_455, %add3A_453 : vector<16xf32>
            %max3A_457 = arith.maximumf %add3A_453, %mul3A_456 : vector<16xf32>
            %mul3A_458 = arith.mulf %max3A_457, %get3A_67 : vector<16xf32>
            %add3A_459 = arith.addf %add3A_425, %mul3A_458 : vector<16xf32>
            %get3A_460 = arith.index_cast %add3A_355 : i32 to index
            %get3A_461 = arith.constant 96 : index
            %get3A_462 = tpu.vector_load %arg21[%get3A_460, %get3A_461] {strides = array<i32>} : memref<80x128xf32, #tpu.memory_space<vmem>>, vector<16xf32>,
            %get3A_463 = arith.index_cast %add3A_355 : i32 to index
            %get3A_464 = arith.constant 96 : index
            %get3A_465 = tpu.vector_load %arg24[%get3A_463, %get3A_464] {strides = array<i32>} : memref<80x128xf32, #tpu.memory_space<vmem>>, vector<16xf32>,
            %add3A_466 = arith.addf %get3A_462, %get3A_465 : vector<16xf32>
            %get3A_467 = arith.index_cast %add3A_355 : i32 to index
            %get3A_468 = arith.constant 96 : index
            %get3A_469 = tpu.vector_load %arg23[%get3A_467, %get3A_468] {strides = array<i32>} : memref<80x128xf32, #tpu.memory_space<vmem>>, vector<16xf32>,
            %add3A_470 = arith.addf %add3A_466, %get3A_469 : vector<16xf32>
            %mul3A_471 = arith.constant 2.000000e-01 : f32
            %mul3A_472 = vector.broadcast %mul3A_471 : f32 to vector<16xf32>
            %mul3A_473 = arith.mulf %mul3A_472, %add3A_470 : vector<16xf32>
            %max3A_474 = arith.maximumf %add3A_470, %mul3A_473 : vector<16xf32>
            %mul3A_475 = arith.mulf %max3A_474, %get3A_69 : vector<16xf32>
            %add3A_476 = arith.addf %add3A_442, %mul3A_475 : vector<16xf32>
            %get3A_477 = arith.index_cast %add3A_355 : i32 to index
            %get3A_478 = arith.constant 112 : index
            %get3A_479 = tpu.vector_load %arg21[%get3A_477, %get3A_478] {strides = array<i32>} : memref<80x128xf32, #tpu.memory_space<vmem>>, vector<16xf32>,
            %get3A_480 = arith.index_cast %add3A_355 : i32 to index
            %get3A_481 = arith.constant 112 : index
            %get3A_482 = tpu.vector_load %arg24[%get3A_480, %get3A_481] {strides = array<i32>} : memref<80x128xf32, #tpu.memory_space<vmem>>, vector<16xf32>,
            %add3A_483 = arith.addf %get3A_479, %get3A_482 : vector<16xf32>
            %get3A_484 = arith.index_cast %add3A_355 : i32 to index
            %get3A_485 = arith.constant 112 : index
            %get3A_486 = tpu.vector_load %arg23[%get3A_484, %get3A_485] {strides = array<i32>} : memref<80x128xf32, #tpu.memory_space<vmem>>, vector<16xf32>,
            %add3A_487 = arith.addf %add3A_483, %get3A_486 : vector<16xf32>
            %mul3A_488 = arith.constant 2.000000e-01 : f32
            %mul3A_489 = vector.broadcast %mul3A_488 : f32 to vector<16xf32>
            %mul3A_490 = arith.mulf %mul3A_489, %add3A_487 : vector<16xf32>
            %max3A_491 = arith.maximumf %add3A_487, %mul3A_490 : vector<16xf32>
            %mul3A_492 = arith.mulf %max3A_491, %get3A_71 : vector<16xf32>
            %add3A_493 = arith.addf %add3A_459, %mul3A_492 : vector<16xf32>
            %add3A_494 = arith.addf %add3A_476, %add3A_493 : vector<16xf32>
            %reduce_sum3A_495 = arith.constant true
            %reduce_sum3A_496 = vector.broadcast %reduce_sum3A_495 : i1 to vector<16xi1>
            %reduce_sum3A_497 = tpu.scan <sum>, %add3A_494 masked %reduce_sum3A_496 : vector<16xf32>, vector<16xi1> -> vector<16xf32>
            %reduce_sum3A_498 = vector.extract %reduce_sum3A_497[15] : f32 from vector<16xf32>
            %add3A_499 = vector.broadcast %reduce_sum3A_498 : f32 to vector<16xf32>
            %add3A_500 = arith.addf %broadcast_in_dim3A_5, %add3A_499 : vector<16xf32>
            %exp3A = math.exp %add3A_500 : vector<16xf32>
            %get3A_501 = arith.index_cast %sub3A_358 : i32 to index
            %get3A_502 = arith.constant 0 : index
            %get3A_503 = tpu.vector_load %arg12[%get3A_501, %get3A_502] {strides = array<i32>} : memref<320x16xf32, #tpu.memory_space<vmem>>, vector<16xf32>,
            %add3A_504 = arith.addf %get3A_503, %exp3A : vector<16xf32>
            %swap3A_505 = arith.index_cast %sub3A_358 : i32 to index
            %swap3A_506 = arith.constant 0 : index
            %swap3A_507 = tpu.vector_load %arg12[%swap3A_505, %swap3A_506] {strides = array<i32>} : memref<320x16xf32, #tpu.memory_space<vmem>>, vector<16xf32>,
            tpu.vector_store %arg12[%swap3A_505, %swap3A_506], %add3A_504 {strides = array<i32>} : memref<320x16xf32, #tpu.memory_space<vmem>>, vector<16xf32>,
            %get3A_508 = arith.index_cast %add3A_355 : i32 to index
            %get3A_509 = arith.constant 0 : index
            %get3A_510 = tpu.vector_load %arg22[%get3A_508, %get3A_509] {strides = array<i32>} : memref<80x128xf32, #tpu.memory_space<vmem>>, vector<16xf32>,
            %mul3A_511 = arith.mulf %get3A_510, %exp3A : vector<16xf32>
            %get3A_512 = arith.index_cast %sub3A_358 : i32 to index
            %get3A_513 = arith.constant 0 : index
            %get3A_514 = tpu.vector_load %arg11[%get3A_512, %get3A_513] {strides = array<i32>} : memref<320x128xf32, #tpu.memory_space<vmem>>, vector<16xf32>,
            %max3A_515 = arith.maximumf %get3A_514, %mul3A_511 : vector<16xf32>
            %swap3A_516 = arith.index_cast %sub3A_358 : i32 to index
            %swap3A_517 = arith.constant 0 : index
            %swap3A_518 = tpu.vector_load %arg11[%swap3A_516, %swap3A_517] {strides = array<i32>} : memref<320x128xf32, #tpu.memory_space<vmem>>, vector<16xf32>,
            tpu.vector_store %arg11[%swap3A_516, %swap3A_517], %max3A_515 {strides = array<i32>} : memref<320x128xf32, #tpu.memory_space<vmem>>, vector<16xf32>,
            %get3A_519 = arith.index_cast %add3A_355 : i32 to index
            %get3A_520 = arith.constant 16 : index
            %get3A_521 = tpu.vector_load %arg22[%get3A_519, %get3A_520] {strides = array<i32>} : memref<80x128xf32, #tpu.memory_space<vmem>>, vector<16xf32>,
            %mul3A_522 = arith.mulf %get3A_521, %exp3A : vector<16xf32>
            %get3A_523 = arith.index_cast %sub3A_358 : i32 to index
            %get3A_524 = arith.constant 16 : index
            %get3A_525 = tpu.vector_load %arg11[%get3A_523, %get3A_524] {strides = array<i32>} : memref<320x128xf32, #tpu.memory_space<vmem>>, vector<16xf32>,
            %max3A_526 = arith.maximumf %get3A_525, %mul3A_522 : vector<16xf32>
            %swap3A_527 = arith.index_cast %sub3A_358 : i32 to index
            %swap3A_528 = arith.constant 16 : index
            %swap3A_529 = tpu.vector_load %arg11[%swap3A_527, %swap3A_528] {strides = array<i32>} : memref<320x128xf32, #tpu.memory_space<vmem>>, vector<16xf32>,
            tpu.vector_store %arg11[%swap3A_527, %swap3A_528], %max3A_526 {strides = array<i32>} : memref<320x128xf32, #tpu.memory_space<vmem>>, vector<16xf32>,
            %get3A_530 = arith.index_cast %add3A_355 : i32 to index
            %get3A_531 = arith.constant 32 : index
            %get3A_532 = tpu.vector_load %arg22[%get3A_530, %get3A_531] {strides = array<i32>} : memref<80x128xf32, #tpu.memory_space<vmem>>, vector<16xf32>,
            %mul3A_533 = arith.mulf %get3A_532, %exp3A : vector<16xf32>
            %get3A_534 = arith.index_cast %sub3A_358 : i32 to index
            %get3A_535 = arith.constant 32 : index
            %get3A_536 = tpu.vector_load %arg11[%get3A_534, %get3A_535] {strides = array<i32>} : memref<320x128xf32, #tpu.memory_space<vmem>>, vector<16xf32>,
            %max3A_537 = arith.maximumf %get3A_536, %mul3A_533 : vector<16xf32>
            %swap3A_538 = arith.index_cast %sub3A_358 : i32 to index
            %swap3A_539 = arith.constant 32 : index
            %swap3A_540 = tpu.vector_load %arg11[%swap3A_538, %swap3A_539] {strides = array<i32>} : memref<320x128xf32, #tpu.memory_space<vmem>>, vector<16xf32>,
            tpu.vector_store %arg11[%swap3A_538, %swap3A_539], %max3A_537 {strides = array<i32>} : memref<320x128xf32, #tpu.memory_space<vmem>>, vector<16xf32>,
            %get3A_541 = arith.index_cast %add3A_355 : i32 to index
            %get3A_542 = arith.constant 48 : index
            %get3A_543 = tpu.vector_load %arg22[%get3A_541, %get3A_542] {strides = array<i32>} : memref<80x128xf32, #tpu.memory_space<vmem>>, vector<16xf32>,
            %mul3A_544 = arith.mulf %get3A_543, %exp3A : vector<16xf32>
            %get3A_545 = arith.index_cast %sub3A_358 : i32 to index
            %get3A_546 = arith.constant 48 : index
            %get3A_547 = tpu.vector_load %arg11[%get3A_545, %get3A_546] {strides = array<i32>} : memref<320x128xf32, #tpu.memory_space<vmem>>, vector<16xf32>,
            %max3A_548 = arith.maximumf %get3A_547, %mul3A_544 : vector<16xf32>
            %swap3A_549 = arith.index_cast %sub3A_358 : i32 to index
            %swap3A_550 = arith.constant 48 : index
            %swap3A_551 = tpu.vector_load %arg11[%swap3A_549, %swap3A_550] {strides = array<i32>} : memref<320x128xf32, #tpu.memory_space<vmem>>, vector<16xf32>,
            tpu.vector_store %arg11[%swap3A_549, %swap3A_550], %max3A_548 {strides = array<i32>} : memref<320x128xf32, #tpu.memory_space<vmem>>, vector<16xf32>,
            %get3A_552 = arith.index_cast %add3A_355 : i32 to index
            %get3A_553 = arith.constant 64 : index
            %get3A_554 = tpu.vector_load %arg22[%get3A_552, %get3A_553] {strides = array<i32>} : memref<80x128xf32, #tpu.memory_space<vmem>>, vector<16xf32>,
            %mul3A_555 = arith.mulf %get3A_554, %exp3A : vector<16xf32>
            %get3A_556 = arith.index_cast %sub3A_358 : i32 to index
            %get3A_557 = arith.constant 64 : index
            %get3A_558 = tpu.vector_load %arg11[%get3A_556, %get3A_557] {strides = array<i32>} : memref<320x128xf32, #tpu.memory_space<vmem>>, vector<16xf32>,
            %max3A_559 = arith.maximumf %get3A_558, %mul3A_555 : vector<16xf32>
            %swap3A_560 = arith.index_cast %sub3A_358 : i32 to index
            %swap3A_561 = arith.constant 64 : index
            %swap3A_562 = tpu.vector_load %arg11[%swap3A_560, %swap3A_561] {strides = array<i32>} : memref<320x128xf32, #tpu.memory_space<vmem>>, vector<16xf32>,
            tpu.vector_store %arg11[%swap3A_560, %swap3A_561], %max3A_559 {strides = array<i32>} : memref<320x128xf32, #tpu.memory_space<vmem>>, vector<16xf32>,
            %get3A_563 = arith.index_cast %add3A_355 : i32 to index
            %get3A_564 = arith.constant 80 : index
            %get3A_565 = tpu.vector_load %arg22[%get3A_563, %get3A_564] {strides = array<i32>} : memref<80x128xf32, #tpu.memory_space<vmem>>, vector<16xf32>,
            %mul3A_566 = arith.mulf %get3A_565, %exp3A : vector<16xf32>
            %get3A_567 = arith.index_cast %sub3A_358 : i32 to index
            %get3A_568 = arith.constant 80 : index
            %get3A_569 = tpu.vector_load %arg11[%get3A_567, %get3A_568] {strides = array<i32>} : memref<320x128xf32, #tpu.memory_space<vmem>>, vector<16xf32>,
            %max3A_570 = arith.maximumf %get3A_569, %mul3A_566 : vector<16xf32>
            %swap3A_571 = arith.index_cast %sub3A_358 : i32 to index
            %swap3A_572 = arith.constant 80 : index
            %swap3A_573 = tpu.vector_load %arg11[%swap3A_571, %swap3A_572] {strides = array<i32>} : memref<320x128xf32, #tpu.memory_space<vmem>>, vector<16xf32>,
            tpu.vector_store %arg11[%swap3A_571, %swap3A_572], %max3A_570 {strides = array<i32>} : memref<320x128xf32, #tpu.memory_space<vmem>>, vector<16xf32>,
            %get3A_574 = arith.index_cast %add3A_355 : i32 to index
            %get3A_575 = arith.constant 96 : index
            %get3A_576 = tpu.vector_load %arg22[%get3A_574, %get3A_575] {strides = array<i32>} : memref<80x128xf32, #tpu.memory_space<vmem>>, vector<16xf32>,
            %mul3A_577 = arith.mulf %get3A_576, %exp3A : vector<16xf32>
            %get3A_578 = arith.index_cast %sub3A_358 : i32 to index
            %get3A_579 = arith.constant 96 : index
            %get3A_580 = tpu.vector_load %arg11[%get3A_578, %get3A_579] {strides = array<i32>} : memref<320x128xf32, #tpu.memory_space<vmem>>, vector<16xf32>,
            %max3A_581 = arith.maximumf %get3A_580, %mul3A_577 : vector<16xf32>
            %swap3A_582 = arith.index_cast %sub3A_358 : i32 to index
            %swap3A_583 = arith.constant 96 : index
            %swap3A_584 = tpu.vector_load %arg11[%swap3A_582, %swap3A_583] {strides = array<i32>} : memref<320x128xf32, #tpu.memory_space<vmem>>, vector<16xf32>,
            tpu.vector_store %arg11[%swap3A_582, %swap3A_583], %max3A_581 {strides = array<i32>} : memref<320x128xf32, #tpu.memory_space<vmem>>, vector<16xf32>,
            %get3A_585 = arith.index_cast %add3A_355 : i32 to index
            %get3A_586 = arith.constant 112 : index
            %get3A_587 = tpu.vector_load %arg22[%get3A_585, %get3A_586] {strides = array<i32>} : memref<80x128xf32, #tpu.memory_space<vmem>>, vector<16xf32>,
            %mul3A_588 = arith.mulf %get3A_587, %exp3A : vector<16xf32>
            %get3A_589 = arith.index_cast %sub3A_358 : i32 to index
            %get3A_590 = arith.constant 112 : index
            %get3A_591 = tpu.vector_load %arg11[%get3A_589, %get3A_590] {strides = array<i32>} : memref<320x128xf32, #tpu.memory_space<vmem>>, vector<16xf32>,
            %max3A_592 = arith.maximumf %get3A_591, %mul3A_588 : vector<16xf32>
            %swap3A_593 = arith.index_cast %sub3A_358 : i32 to index
            %swap3A_594 = arith.constant 112 : index
            %swap3A_595 = tpu.vector_load %arg11[%swap3A_593, %swap3A_594] {strides = array<i32>} : memref<320x128xf32, #tpu.memory_space<vmem>>, vector<16xf32>,
            tpu.vector_store %arg11[%swap3A_593, %swap3A_594], %max3A_592 {strides = array<i32>} : memref<320x128xf32, #tpu.memory_space<vmem>>, vector<16xf32>,
          }
          %scan3A_333 = arith.constant 80 : i32
          %get3A_334 = arith.constant 80 : index
          %get3A_335 = tpu.vector_load %arg18[%get3A_334] {strides = array<i32>} : memref<112xi32, #tpu.memory_space<vmem>>, vector<16xi32>,
          %get3A_336 = arith.constant 80 : index
          %get3A_337 = tpu.vector_load %arg19[%get3A_336] {strides = array<i32>} : memref<112xi32, #tpu.memory_space<vmem>>, vector<16xi32>,
          %get3A_338 = arith.constant 80 : index
          %get3A_339 = tpu.vector_load %arg20[%get3A_338] {strides = array<i32>} : memref<112xi32, #tpu.memory_space<vmem>>, vector<16xi32>,
          %swap3A_340 = arith.constant 0 : index
          %swap3A_341 = tpu.vector_load %arg18[%swap3A_340] {strides = array<i32>} : memref<112xi32, #tpu.memory_space<vmem>>, vector<16xi32>,
          tpu.vector_store %arg18[%swap3A_340], %get3A_335 {strides = array<i32>} : memref<112xi32, #tpu.memory_space<vmem>>, vector<16xi32>,
          %swap3A_342 = arith.constant 0 : index
          %swap3A_343 = tpu.vector_load %arg19[%swap3A_342] {strides = array<i32>} : memref<112xi32, #tpu.memory_space<vmem>>, vector<16xi32>,
          tpu.vector_store %arg19[%swap3A_342], %get3A_337 {strides = array<i32>} : memref<112xi32, #tpu.memory_space<vmem>>, vector<16xi32>,
          %swap3A_344 = arith.constant 0 : index
          %swap3A_345 = tpu.vector_load %arg20[%swap3A_344] {strides = array<i32>} : memref<112xi32, #tpu.memory_space<vmem>>, vector<16xi32>,
          tpu.vector_store %arg20[%swap3A_344], %get3A_339 {strides = array<i32>} : memref<112xi32, #tpu.memory_space<vmem>>, vector<16xi32>,
          %sub3A_346 = arith.constant 80 : i32
          %sub3A_347 = arith.subi %add3A_280, %sub3A_346 : i32
          %swap3A_348 = arith.constant 0 : i32
          %swap3A_349 = arith.index_cast %swap3A_348 : i32 to index
          %swap3A_350 = memref.load %arg25[%swap3A_349] : memref<8xi32, #tpu.memory_space<smem>>
          memref.store %sub3A_347, %arg25[%swap3A_349] : memref<8xi32, #tpu.memory_space<smem>>
        } else {
        }
      }
      %scan3A_225 = arith.constant 100 : i32
      %add3A_226 = arith.constant 1 : i32
      %add3A_227 = arith.addi %mul3A_204, %add3A_226 : i32
      %mul3A_228 = arith.constant 1600 : i32
      %mul3A_229 = arith.muli %add3A_227, %mul3A_228 : i32
      %dma_wait3A_230 = tpu.memref_slice %arg2[%mul3A_229] : memref<320000xi32, #tpu.memory_space<hbm>> -> memref<1600xi32, #tpu.memory_space<hbm>>
      %dma_wait3A_231 = tpu.memref_slice %arg2[%mul3A_229] : memref<320000xi32, #tpu.memory_space<hbm>> -> memref<1600xi32, #tpu.memory_space<hbm>>
      tpu.wait_dma2 semaphore(%arg32 : memref<!tpu.dma_semaphore, #tpu.memory_space<semaphore_mem>>) src(%dma_wait3A_231 : memref<1600xi32, #tpu.memory_space<hbm>>) dst(%arg16 : memref<1600xi32, #tpu.memory_space<vmem>>)
      %dma_wait3A_232 = tpu.memref_slice %arg3[%mul3A_229] : memref<320000xi32, #tpu.memory_space<hbm>> -> memref<1600xi32, #tpu.memory_space<hbm>>
      %dma_wait3A_233 = tpu.memref_slice %arg3[%mul3A_229] : memref<320000xi32, #tpu.memory_space<hbm>> -> memref<1600xi32, #tpu.memory_space<hbm>>
      tpu.wait_dma2 semaphore(%arg33 : memref<!tpu.dma_semaphore, #tpu.memory_space<semaphore_mem>>) src(%dma_wait3A_233 : memref<1600xi32, #tpu.memory_space<hbm>>) dst(%arg17 : memref<1600xi32, #tpu.memory_space<vmem>>)
      %add3A_234 = arith.constant 1 : i32
      %add3A_235 = arith.addi %add3A_202, %add3A_234 : i32
      %lt3A = arith.constant 100 : i32
      %lt3A_236 = arith.cmpi slt, %add3A_235, %lt3A : i32
      %convert_element_type3A = arith.extui %lt3A_236 : i1 to i32
      %cond3A = arith.constant 0 : i32
      %cond3A_237 = arith.cmpi ne, %convert_element_type3A, %cond3A : i32
      scf.if %cond3A_237 {
        %add3A_245 = arith.constant 1 : i32
        %add3A_246 = arith.addi %add3A_227, %add3A_245 : i32
        %mul3A_247 = arith.constant 1600 : i32
        %mul3A_248 = arith.muli %add3A_246, %mul3A_247 : i32
        %dma_start3A_249 = tpu.memref_slice %arg2[%mul3A_248] : memref<320000xi32, #tpu.memory_space<hbm>> -> memref<1600xi32, #tpu.memory_space<hbm>>
        %dma_start3A_250 = tpu.memref_slice %arg2[%mul3A_248] : memref<320000xi32, #tpu.memory_space<hbm>> -> memref<1600xi32, #tpu.memory_space<hbm>>
        tpu.enqueue_dma source(%dma_start3A_250 : memref<1600xi32, #tpu.memory_space<hbm>>) target(%arg14 : memref<1600xi32, #tpu.memory_space<vmem>>) target_semaphore(%arg30 : memref<!tpu.dma_semaphore, #tpu.memory_space<semaphore_mem>>)
        %dma_start3A_251 = tpu.memref_slice %arg3[%mul3A_248] : memref<320000xi32, #tpu.memory_space<hbm>> -> memref<1600xi32, #tpu.memory_space<hbm>>
        %dma_start3A_252 = tpu.memref_slice %arg3[%mul3A_248] : memref<320000xi32, #tpu.memory_space<hbm>> -> memref<1600xi32, #tpu.memory_space<hbm>>
        tpu.enqueue_dma source(%dma_start3A_252 : memref<1600xi32, #tpu.memory_space<hbm>>) target(%arg15 : memref<1600xi32, #tpu.memory_space<vmem>>) target_semaphore(%arg31 : memref<!tpu.dma_semaphore, #tpu.memory_space<semaphore_mem>>)
      } else {
      }
      %mul3A_238 = arith.constant 1600 : i32
      %mul3A_239 = arith.muli %add3A_227, %mul3A_238 : i32
      %scan3A_240 = arith.constant 0 : i32
      %scan3A_241 = arith.constant 100 : i32
      %scan3A_242 = arith.addi %scan3A_240, %scan3A_241 : i32
      %scan3A_243 = arith.constant 1 : i32
      scf.for %scan3A_245 = %scan3A_240 to %scan3A_242 step %scan3A_243  : i32 {
        %mul3A_246 = arith.constant 1 : i32
        %mul3A_247 = arith.muli %scan3A_245, %mul3A_246 : i32
        %add3A_248 = arith.constant 0 : i32
        %add3A_249 = arith.addi %add3A_248, %mul3A_247 : i32
        %mul3A_250 = arith.constant 16 : i32
        %mul3A_251 = arith.muli %add3A_249, %mul3A_250 : i32
        %get3A_252 = arith.index_cast %mul3A_251 : i32 to index
        %get3A_253 = tpu.vector_load %arg16[%get3A_252] {strides = array<i32>} : memref<1600xi32, #tpu.memory_space<vmem>>, vector<16xi32>,
        %mul3A_254 = arith.constant 16 : i32
        %mul3A_255 = arith.muli %add3A_249, %mul3A_254 : i32
        %get3A_256 = arith.index_cast %mul3A_255 : i32 to index
        %get3A_257 = tpu.vector_load %arg17[%get3A_256] {strides = array<i32>} : memref<1600xi32, #tpu.memory_space<vmem>>, vector<16xi32>,
        %ge3A = vector.broadcast %mul3A_2 : i32 to vector<16xi32>
        %ge3A_258 = arith.cmpi sge, %get3A_253, %ge3A : vector<16xi32>
        %add3A_259 = arith.constant 320 : i32
        %add3A_260 = arith.addi %mul3A_2, %add3A_259 : i32
        %lt3A_261 = vector.broadcast %add3A_260 : i32 to vector<16xi32>
        %lt3A_262 = arith.cmpi slt, %get3A_253, %lt3A_261 : vector<16xi32>
        %and3A = arith.andi %ge3A_258, %lt3A_262 : vector<16xi1>
        %convert_element_type3A_263 = arith.extui %and3A : vector<16xi1> to vector<16xi32>
        %broadcast_in_dim3A_264 = arith.constant true
        %broadcast_in_dim3A_265 = vector.broadcast %broadcast_in_dim3A_264 : i1 to vector<16xi1>
        %masked_cumsum3A = tpu.scan <sum>, %convert_element_type3A_263 masked %broadcast_in_dim3A_265 : vector<16xi32>, vector<16xi1> -> vector<16xi32>
        %get3A_266 = arith.constant 0 : i32
        %get3A_267 = arith.index_cast %get3A_266 : i32 to index
        %get3A_268 = memref.load %arg25[%get3A_267] : memref<8xi32, #tpu.memory_space<smem>>
        %add3A_269 = vector.broadcast %get3A_268 : i32 to vector<16xi32>
        %add3A_270 = arith.addi %add3A_269, %masked_cumsum3A : vector<16xi32>
        %sub3A_271 = arith.subi %add3A_270, %convert_element_type3A_263 : vector<16xi32>
        %mul3A_272 = arith.constant 16 : i32
        %mul3A_273 = arith.muli %add3A_249, %mul3A_272 : i32
        %add3A_274 = arith.addi %mul3A_239, %mul3A_273 : i32
        %add3A_275 = vector.broadcast %add3A_274 : i32 to vector<16xi32>
        %add3A_276 = arith.addi %add3A_275, %iota3A : vector<16xi32>
        tpu.vector_store_idx %arg18[%sub3A_271], %get3A_253 masked %and3A : memref<112xi32, #tpu.memory_space<vmem>>[vector<16xi32>], vector<16xi32>, vector<16xi1>
        tpu.vector_store_idx %arg19[%sub3A_271], %get3A_257 masked %and3A : memref<112xi32, #tpu.memory_space<vmem>>[vector<16xi32>], vector<16xi32>, vector<16xi1>
        tpu.vector_store_idx %arg20[%sub3A_271], %add3A_276 masked %and3A : memref<112xi32, #tpu.memory_space<vmem>>[vector<16xi32>], vector<16xi32>, vector<16xi1>
        %reduce_sum3A = arith.constant true
        %reduce_sum3A_277 = vector.broadcast %reduce_sum3A : i1 to vector<16xi1>
        %reduce_sum3A_278 = tpu.scan <sum>, %convert_element_type3A_263 masked %reduce_sum3A_277 : vector<16xi32>, vector<16xi1> -> vector<16xi32>
        %reduce_sum3A_279 = vector.extract %reduce_sum3A_278[15] : i32 from vector<16xi32>
        %add3A_280 = arith.addi %get3A_268, %reduce_sum3A_279 : i32
        %swap3A_281 = arith.constant 0 : i32
        %swap3A_282 = arith.index_cast %swap3A_281 : i32 to index
        %swap3A_283 = memref.load %arg25[%swap3A_282] : memref<8xi32, #tpu.memory_space<smem>>
        memref.store %add3A_280, %arg25[%swap3A_282] : memref<8xi32, #tpu.memory_space<smem>>
        %ge3A_284 = arith.constant 80 : i32
        %ge3A_285 = arith.cmpi sge, %add3A_280, %ge3A_284 : i32
        %convert_element_type3A_286 = arith.extui %ge3A_285 : i1 to i32
        %cond3A_287 = arith.constant 0 : i32
        %cond3A_288 = arith.cmpi ne, %convert_element_type3A_286, %cond3A_287 : i32
        scf.if %cond3A_288 {
          %dma_start3A_289 = arith.constant 0 : i32
          %dma_start3A_290 = tpu.memref_slice %arg19[%dma_start3A_289] : memref<112xi32, #tpu.memory_space<vmem>> -> memref<80xi32, #tpu.memory_space<vmem>>
          %dma_start3A_291 = arith.constant 0 : i32
          %dma_start3A_292 = arith.constant 0 : i32
          %dma_start3A_293 = tpu.memref_slice %arg4[%dma_start3A_291, %dma_start3A_292] : memref<10240x128xf32, #tpu.memory_space<hbm>> -> memref<10240x128xf32, #tpu.memory_space<hbm>>
          tpu.enqueue_indirect_dma source(%dma_start3A_293 : memref<10240x128xf32, #tpu.memory_space<hbm>>) target(%arg21 : memref<80x128xf32, #tpu.memory_space<vmem>>) offsets(%dma_start3A_290 : memref<80xi32, #tpu.memory_space<vmem>>) semaphore(%arg26 : memref<!tpu.dma_semaphore, #tpu.memory_space<semaphore_mem>>)
          %dma_start3A_294 = arith.constant 0 : i32
          %dma_start3A_295 = tpu.memref_slice %arg19[%dma_start3A_294] : memref<112xi32, #tpu.memory_space<vmem>> -> memref<80xi32, #tpu.memory_space<vmem>>
          %dma_start3A_296 = arith.constant 0 : i32
          %dma_start3A_297 = arith.constant 0 : i32
          %dma_start3A_298 = tpu.memref_slice %arg5[%dma_start3A_296, %dma_start3A_297] : memref<10240x128xf32, #tpu.memory_space<hbm>> -> memref<10240x128xf32, #tpu.memory_space<hbm>>
          tpu.enqueue_indirect_dma source(%dma_start3A_298 : memref<10240x128xf32, #tpu.memory_space<hbm>>) target(%arg22 : memref<80x128xf32, #tpu.memory_space<vmem>>) offsets(%dma_start3A_295 : memref<80xi32, #tpu.memory_space<vmem>>) semaphore(%arg27 : memref<!tpu.dma_semaphore, #tpu.memory_space<semaphore_mem>>)
          %dma_start3A_299 = arith.constant 0 : i32
          %dma_start3A_300 = tpu.memref_slice %arg20[%dma_start3A_299] : memref<112xi32, #tpu.memory_space<vmem>> -> memref<80xi32, #tpu.memory_space<vmem>>
          %dma_start3A_301 = arith.constant 0 : i32
          %dma_start3A_302 = arith.constant 0 : i32
          %dma_start3A_303 = tpu.memref_slice %arg7[%dma_start3A_301, %dma_start3A_302] : memref<320000x128xf32, #tpu.memory_space<hbm>> -> memref<320000x128xf32, #tpu.memory_space<hbm>>
          tpu.enqueue_indirect_dma source(%dma_start3A_303 : memref<320000x128xf32, #tpu.memory_space<hbm>>) target(%arg23 : memref<80x128xf32, #tpu.memory_space<vmem>>) offsets(%dma_start3A_300 : memref<80xi32, #tpu.memory_space<vmem>>) semaphore(%arg28 : memref<!tpu.dma_semaphore, #tpu.memory_space<semaphore_mem>>)
          %dma_start3A_304 = arith.constant 0 : i32
          %dma_start3A_305 = tpu.memref_slice %arg18[%dma_start3A_304] : memref<112xi32, #tpu.memory_space<vmem>> -> memref<80xi32, #tpu.memory_space<vmem>>
          %dma_start3A_306 = arith.constant 0 : i32
          %dma_start3A_307 = arith.constant 0 : i32
          %dma_start3A_308 = tpu.memref_slice %arg6[%dma_start3A_306, %dma_start3A_307] : memref<10240x128xf32, #tpu.memory_space<hbm>> -> memref<10240x128xf32, #tpu.memory_space<hbm>>
          tpu.enqueue_indirect_dma source(%dma_start3A_308 : memref<10240x128xf32, #tpu.memory_space<hbm>>) target(%arg24 : memref<80x128xf32, #tpu.memory_space<vmem>>) offsets(%dma_start3A_305 : memref<80xi32, #tpu.memory_space<vmem>>) semaphore(%arg29 : memref<!tpu.dma_semaphore, #tpu.memory_space<semaphore_mem>>)
          %dma_wait3A_309 = arith.constant 0 : i32
          %dma_wait3A_310 = tpu.memref_slice %arg19[%dma_wait3A_309] : memref<112xi32, #tpu.memory_space<vmem>> -> memref<80xi32, #tpu.memory_space<vmem>>
          %dma_wait3A_311 = arith.constant 0 : i32
          %dma_wait3A_312 = arith.constant 0 : i32
          %dma_wait3A_313 = tpu.memref_slice %arg4[%dma_wait3A_311, %dma_wait3A_312] : memref<10240x128xf32, #tpu.memory_space<hbm>> -> memref<10240x128xf32, #tpu.memory_space<hbm>>
          tpu.wait_indirect_dma semaphore(%arg26 : memref<!tpu.dma_semaphore, #tpu.memory_space<semaphore_mem>>) src(%dma_wait3A_313 : memref<10240x128xf32, #tpu.memory_space<hbm>>) dst(%arg21 : memref<80x128xf32, #tpu.memory_space<vmem>>)
          %dma_wait3A_314 = arith.constant 0 : i32
          %dma_wait3A_315 = tpu.memref_slice %arg19[%dma_wait3A_314] : memref<112xi32, #tpu.memory_space<vmem>> -> memref<80xi32, #tpu.memory_space<vmem>>
          %dma_wait3A_316 = arith.constant 0 : i32
          %dma_wait3A_317 = arith.constant 0 : i32
          %dma_wait3A_318 = tpu.memref_slice %arg5[%dma_wait3A_316, %dma_wait3A_317] : memref<10240x128xf32, #tpu.memory_space<hbm>> -> memref<10240x128xf32, #tpu.memory_space<hbm>>
          tpu.wait_indirect_dma semaphore(%arg27 : memref<!tpu.dma_semaphore, #tpu.memory_space<semaphore_mem>>) src(%dma_wait3A_318 : memref<10240x128xf32, #tpu.memory_space<hbm>>) dst(%arg22 : memref<80x128xf32, #tpu.memory_space<vmem>>)
          %dma_wait3A_319 = arith.constant 0 : i32
          %dma_wait3A_320 = tpu.memref_slice %arg20[%dma_wait3A_319] : memref<112xi32, #tpu.memory_space<vmem>> -> memref<80xi32, #tpu.memory_space<vmem>>
          %dma_wait3A_321 = arith.constant 0 : i32
          %dma_wait3A_322 = arith.constant 0 : i32
          %dma_wait3A_323 = tpu.memref_slice %arg7[%dma_wait3A_321, %dma_wait3A_322] : memref<320000x128xf32, #tpu.memory_space<hbm>> -> memref<320000x128xf32, #tpu.memory_space<hbm>>
          tpu.wait_indirect_dma semaphore(%arg28 : memref<!tpu.dma_semaphore, #tpu.memory_space<semaphore_mem>>) src(%dma_wait3A_323 : memref<320000x128xf32, #tpu.memory_space<hbm>>) dst(%arg23 : memref<80x128xf32, #tpu.memory_space<vmem>>)
          %dma_wait3A_324 = arith.constant 0 : i32
          %dma_wait3A_325 = tpu.memref_slice %arg18[%dma_wait3A_324] : memref<112xi32, #tpu.memory_space<vmem>> -> memref<80xi32, #tpu.memory_space<vmem>>
          %dma_wait3A_326 = arith.constant 0 : i32
          %dma_wait3A_327 = arith.constant 0 : i32
          %dma_wait3A_328 = tpu.memref_slice %arg6[%dma_wait3A_326, %dma_wait3A_327] : memref<10240x128xf32, #tpu.memory_space<hbm>> -> memref<10240x128xf32, #tpu.memory_space<hbm>>
          tpu.wait_indirect_dma semaphore(%arg29 : memref<!tpu.dma_semaphore, #tpu.memory_space<semaphore_mem>>) src(%dma_wait3A_328 : memref<10240x128xf32, #tpu.memory_space<hbm>>) dst(%arg24 : memref<80x128xf32, #tpu.memory_space<vmem>>)
          %scan3A_329 = arith.constant 0 : i32
          %scan3A_330 = arith.constant 80 : i32
          %scan3A_331 = arith.addi %scan3A_329, %scan3A_330 : i32
          %scan3A_332 = arith.constant 1 : i32
          scf.for %scan3A_351 = %scan3A_329 to %scan3A_331 step %scan3A_332  : i32 {
            %mul3A_352 = arith.constant 1 : i32
            %mul3A_353 = arith.muli %scan3A_351, %mul3A_352 : i32
            %add3A_354 = arith.constant 0 : i32
            %add3A_355 = arith.addi %add3A_354, %mul3A_353 : i32
            %get3A_356 = arith.index_cast %add3A_355 : i32 to index
            %get3A_357 = tpu.vector_load %arg18[%get3A_356] {strides = array<i32>} : memref<112xi32, #tpu.memory_space<vmem>>, vector<16xi32>,
            %slice3A = vector.extract_strided_slice %get3A_357 {offsets = [0], sizes = [1], strides = [1]} : vector<16xi32> to vector<1xi32>
            %squeeze3A = vector.extract %slice3A[0] : i32 from vector<1xi32>
            %sub3A_358 = arith.subi %squeeze3A, %mul3A_2 : i32
            %get3A_359 = arith.index_cast %add3A_355 : i32 to index
            %get3A_360 = arith.constant 0 : index
            %get3A_361 = tpu.vector_load %arg21[%get3A_359, %get3A_360] {strides = array<i32>} : memref<80x128xf32, #tpu.memory_space<vmem>>, vector<16xf32>,
            %get3A_362 = arith.index_cast %add3A_355 : i32 to index
            %get3A_363 = arith.constant 0 : index
            %get3A_364 = tpu.vector_load %arg24[%get3A_362, %get3A_363] {strides = array<i32>} : memref<80x128xf32, #tpu.memory_space<vmem>>, vector<16xf32>,
            %add3A_365 = arith.addf %get3A_361, %get3A_364 : vector<16xf32>
            %get3A_366 = arith.index_cast %add3A_355 : i32 to index
            %get3A_367 = arith.constant 0 : index
            %get3A_368 = tpu.vector_load %arg23[%get3A_366, %get3A_367] {strides = array<i32>} : memref<80x128xf32, #tpu.memory_space<vmem>>, vector<16xf32>,
            %add3A_369 = arith.addf %add3A_365, %get3A_368 : vector<16xf32>
            %mul3A_370 = arith.constant 2.000000e-01 : f32
            %mul3A_371 = vector.broadcast %mul3A_370 : f32 to vector<16xf32>
            %mul3A_372 = arith.mulf %mul3A_371, %add3A_369 : vector<16xf32>
            %max3A = arith.maximumf %add3A_369, %mul3A_372 : vector<16xf32>
            %mul3A_373 = arith.mulf %max3A, %get3A_57 : vector<16xf32>
            %add3A_374 = arith.addf %broadcast_in_dim3A_5, %mul3A_373 : vector<16xf32>
            %get3A_375 = arith.index_cast %add3A_355 : i32 to index
            %get3A_376 = arith.constant 16 : index
            %get3A_377 = tpu.vector_load %arg21[%get3A_375, %get3A_376] {strides = array<i32>} : memref<80x128xf32, #tpu.memory_space<vmem>>, vector<16xf32>,
            %get3A_378 = arith.index_cast %add3A_355 : i32 to index
            %get3A_379 = arith.constant 16 : index
            %get3A_380 = tpu.vector_load %arg24[%get3A_378, %get3A_379] {strides = array<i32>} : memref<80x128xf32, #tpu.memory_space<vmem>>, vector<16xf32>,
            %add3A_381 = arith.addf %get3A_377, %get3A_380 : vector<16xf32>
            %get3A_382 = arith.index_cast %add3A_355 : i32 to index
            %get3A_383 = arith.constant 16 : index
            %get3A_384 = tpu.vector_load %arg23[%get3A_382, %get3A_383] {strides = array<i32>} : memref<80x128xf32, #tpu.memory_space<vmem>>, vector<16xf32>,
            %add3A_385 = arith.addf %add3A_381, %get3A_384 : vector<16xf32>
            %mul3A_386 = arith.constant 2.000000e-01 : f32
            %mul3A_387 = vector.broadcast %mul3A_386 : f32 to vector<16xf32>
            %mul3A_388 = arith.mulf %mul3A_387, %add3A_385 : vector<16xf32>
            %max3A_389 = arith.maximumf %add3A_385, %mul3A_388 : vector<16xf32>
            %mul3A_390 = arith.mulf %max3A_389, %get3A_59 : vector<16xf32>
            %add3A_391 = arith.addf %broadcast_in_dim3A_5, %mul3A_390 : vector<16xf32>
            %get3A_392 = arith.index_cast %add3A_355 : i32 to index
            %get3A_393 = arith.constant 32 : index
            %get3A_394 = tpu.vector_load %arg21[%get3A_392, %get3A_393] {strides = array<i32>} : memref<80x128xf32, #tpu.memory_space<vmem>>, vector<16xf32>,
            %get3A_395 = arith.index_cast %add3A_355 : i32 to index
            %get3A_396 = arith.constant 32 : index
            %get3A_397 = tpu.vector_load %arg24[%get3A_395, %get3A_396] {strides = array<i32>} : memref<80x128xf32, #tpu.memory_space<vmem>>, vector<16xf32>,
            %add3A_398 = arith.addf %get3A_394, %get3A_397 : vector<16xf32>
            %get3A_399 = arith.index_cast %add3A_355 : i32 to index
            %get3A_400 = arith.constant 32 : index
            %get3A_401 = tpu.vector_load %arg23[%get3A_399, %get3A_400] {strides = array<i32>} : memref<80x128xf32, #tpu.memory_space<vmem>>, vector<16xf32>,
            %add3A_402 = arith.addf %add3A_398, %get3A_401 : vector<16xf32>
            %mul3A_403 = arith.constant 2.000000e-01 : f32
            %mul3A_404 = vector.broadcast %mul3A_403 : f32 to vector<16xf32>
            %mul3A_405 = arith.mulf %mul3A_404, %add3A_402 : vector<16xf32>
            %max3A_406 = arith.maximumf %add3A_402, %mul3A_405 : vector<16xf32>
            %mul3A_407 = arith.mulf %max3A_406, %get3A_61 : vector<16xf32>
            %add3A_408 = arith.addf %add3A_374, %mul3A_407 : vector<16xf32>
            %get3A_409 = arith.index_cast %add3A_355 : i32 to index
            %get3A_410 = arith.constant 48 : index
            %get3A_411 = tpu.vector_load %arg21[%get3A_409, %get3A_410] {strides = array<i32>} : memref<80x128xf32, #tpu.memory_space<vmem>>, vector<16xf32>,
            %get3A_412 = arith.index_cast %add3A_355 : i32 to index
            %get3A_413 = arith.constant 48 : index
            %get3A_414 = tpu.vector_load %arg24[%get3A_412, %get3A_413] {strides = array<i32>} : memref<80x128xf32, #tpu.memory_space<vmem>>, vector<16xf32>,
            %add3A_415 = arith.addf %get3A_411, %get3A_414 : vector<16xf32>
            %get3A_416 = arith.index_cast %add3A_355 : i32 to index
            %get3A_417 = arith.constant 48 : index
            %get3A_418 = tpu.vector_load %arg23[%get3A_416, %get3A_417] {strides = array<i32>} : memref<80x128xf32, #tpu.memory_space<vmem>>, vector<16xf32>,
            %add3A_419 = arith.addf %add3A_415, %get3A_418 : vector<16xf32>
            %mul3A_420 = arith.constant 2.000000e-01 : f32
            %mul3A_421 = vector.broadcast %mul3A_420 : f32 to vector<16xf32>
            %mul3A_422 = arith.mulf %mul3A_421, %add3A_419 : vector<16xf32>
            %max3A_423 = arith.maximumf %add3A_419, %mul3A_422 : vector<16xf32>
            %mul3A_424 = arith.mulf %max3A_423, %get3A_63 : vector<16xf32>
            %add3A_425 = arith.addf %add3A_391, %mul3A_424 : vector<16xf32>
            %get3A_426 = arith.index_cast %add3A_355 : i32 to index
            %get3A_427 = arith.constant 64 : index
            %get3A_428 = tpu.vector_load %arg21[%get3A_426, %get3A_427] {strides = array<i32>} : memref<80x128xf32, #tpu.memory_space<vmem>>, vector<16xf32>,
            %get3A_429 = arith.index_cast %add3A_355 : i32 to index
            %get3A_430 = arith.constant 64 : index
            %get3A_431 = tpu.vector_load %arg24[%get3A_429, %get3A_430] {strides = array<i32>} : memref<80x128xf32, #tpu.memory_space<vmem>>, vector<16xf32>,
            %add3A_432 = arith.addf %get3A_428, %get3A_431 : vector<16xf32>
            %get3A_433 = arith.index_cast %add3A_355 : i32 to index
            %get3A_434 = arith.constant 64 : index
            %get3A_435 = tpu.vector_load %arg23[%get3A_433, %get3A_434] {strides = array<i32>} : memref<80x128xf32, #tpu.memory_space<vmem>>, vector<16xf32>,
            %add3A_436 = arith.addf %add3A_432, %get3A_435 : vector<16xf32>
            %mul3A_437 = arith.constant 2.000000e-01 : f32
            %mul3A_438 = vector.broadcast %mul3A_437 : f32 to vector<16xf32>
            %mul3A_439 = arith.mulf %mul3A_438, %add3A_436 : vector<16xf32>
            %max3A_440 = arith.maximumf %add3A_436, %mul3A_439 : vector<16xf32>
            %mul3A_441 = arith.mulf %max3A_440, %get3A_65 : vector<16xf32>
            %add3A_442 = arith.addf %add3A_408, %mul3A_441 : vector<16xf32>
            %get3A_443 = arith.index_cast %add3A_355 : i32 to index
            %get3A_444 = arith.constant 80 : index
            %get3A_445 = tpu.vector_load %arg21[%get3A_443, %get3A_444] {strides = array<i32>} : memref<80x128xf32, #tpu.memory_space<vmem>>, vector<16xf32>,
            %get3A_446 = arith.index_cast %add3A_355 : i32 to index
            %get3A_447 = arith.constant 80 : index
            %get3A_448 = tpu.vector_load %arg24[%get3A_446, %get3A_447] {strides = array<i32>} : memref<80x128xf32, #tpu.memory_space<vmem>>, vector<16xf32>,
            %add3A_449 = arith.addf %get3A_445, %get3A_448 : vector<16xf32>
            %get3A_450 = arith.index_cast %add3A_355 : i32 to index
            %get3A_451 = arith.constant 80 : index
            %get3A_452 = tpu.vector_load %arg23[%get3A_450, %get3A_451] {strides = array<i32>} : memref<80x128xf32, #tpu.memory_space<vmem>>, vector<16xf32>,
            %add3A_453 = arith.addf %add3A_449, %get3A_452 : vector<16xf32>
            %mul3A_454 = arith.constant 2.000000e-01 : f32
            %mul3A_455 = vector.broadcast %mul3A_454 : f32 to vector<16xf32>
            %mul3A_456 = arith.mulf %mul3A_455, %add3A_453 : vector<16xf32>
            %max3A_457 = arith.maximumf %add3A_453, %mul3A_456 : vector<16xf32>
            %mul3A_458 = arith.mulf %max3A_457, %get3A_67 : vector<16xf32>
            %add3A_459 = arith.addf %add3A_425, %mul3A_458 : vector<16xf32>
            %get3A_460 = arith.index_cast %add3A_355 : i32 to index
            %get3A_461 = arith.constant 96 : index
            %get3A_462 = tpu.vector_load %arg21[%get3A_460, %get3A_461] {strides = array<i32>} : memref<80x128xf32, #tpu.memory_space<vmem>>, vector<16xf32>,
            %get3A_463 = arith.index_cast %add3A_355 : i32 to index
            %get3A_464 = arith.constant 96 : index
            %get3A_465 = tpu.vector_load %arg24[%get3A_463, %get3A_464] {strides = array<i32>} : memref<80x128xf32, #tpu.memory_space<vmem>>, vector<16xf32>,
            %add3A_466 = arith.addf %get3A_462, %get3A_465 : vector<16xf32>
            %get3A_467 = arith.index_cast %add3A_355 : i32 to index
            %get3A_468 = arith.constant 96 : index
            %get3A_469 = tpu.vector_load %arg23[%get3A_467, %get3A_468] {strides = array<i32>} : memref<80x128xf32, #tpu.memory_space<vmem>>, vector<16xf32>,
            %add3A_470 = arith.addf %add3A_466, %get3A_469 : vector<16xf32>
            %mul3A_471 = arith.constant 2.000000e-01 : f32
            %mul3A_472 = vector.broadcast %mul3A_471 : f32 to vector<16xf32>
            %mul3A_473 = arith.mulf %mul3A_472, %add3A_470 : vector<16xf32>
            %max3A_474 = arith.maximumf %add3A_470, %mul3A_473 : vector<16xf32>
            %mul3A_475 = arith.mulf %max3A_474, %get3A_69 : vector<16xf32>
            %add3A_476 = arith.addf %add3A_442, %mul3A_475 : vector<16xf32>
            %get3A_477 = arith.index_cast %add3A_355 : i32 to index
            %get3A_478 = arith.constant 112 : index
            %get3A_479 = tpu.vector_load %arg21[%get3A_477, %get3A_478] {strides = array<i32>} : memref<80x128xf32, #tpu.memory_space<vmem>>, vector<16xf32>,
            %get3A_480 = arith.index_cast %add3A_355 : i32 to index
            %get3A_481 = arith.constant 112 : index
            %get3A_482 = tpu.vector_load %arg24[%get3A_480, %get3A_481] {strides = array<i32>} : memref<80x128xf32, #tpu.memory_space<vmem>>, vector<16xf32>,
            %add3A_483 = arith.addf %get3A_479, %get3A_482 : vector<16xf32>
            %get3A_484 = arith.index_cast %add3A_355 : i32 to index
            %get3A_485 = arith.constant 112 : index
            %get3A_486 = tpu.vector_load %arg23[%get3A_484, %get3A_485] {strides = array<i32>} : memref<80x128xf32, #tpu.memory_space<vmem>>, vector<16xf32>,
            %add3A_487 = arith.addf %add3A_483, %get3A_486 : vector<16xf32>
            %mul3A_488 = arith.constant 2.000000e-01 : f32
            %mul3A_489 = vector.broadcast %mul3A_488 : f32 to vector<16xf32>
            %mul3A_490 = arith.mulf %mul3A_489, %add3A_487 : vector<16xf32>
            %max3A_491 = arith.maximumf %add3A_487, %mul3A_490 : vector<16xf32>
            %mul3A_492 = arith.mulf %max3A_491, %get3A_71 : vector<16xf32>
            %add3A_493 = arith.addf %add3A_459, %mul3A_492 : vector<16xf32>
            %add3A_494 = arith.addf %add3A_476, %add3A_493 : vector<16xf32>
            %reduce_sum3A_495 = arith.constant true
            %reduce_sum3A_496 = vector.broadcast %reduce_sum3A_495 : i1 to vector<16xi1>
            %reduce_sum3A_497 = tpu.scan <sum>, %add3A_494 masked %reduce_sum3A_496 : vector<16xf32>, vector<16xi1> -> vector<16xf32>
            %reduce_sum3A_498 = vector.extract %reduce_sum3A_497[15] : f32 from vector<16xf32>
            %add3A_499 = vector.broadcast %reduce_sum3A_498 : f32 to vector<16xf32>
            %add3A_500 = arith.addf %broadcast_in_dim3A_5, %add3A_499 : vector<16xf32>
            %exp3A = math.exp %add3A_500 : vector<16xf32>
            %get3A_501 = arith.index_cast %sub3A_358 : i32 to index
            %get3A_502 = arith.constant 0 : index
            %get3A_503 = tpu.vector_load %arg12[%get3A_501, %get3A_502] {strides = array<i32>} : memref<320x16xf32, #tpu.memory_space<vmem>>, vector<16xf32>,
            %add3A_504 = arith.addf %get3A_503, %exp3A : vector<16xf32>
            %swap3A_505 = arith.index_cast %sub3A_358 : i32 to index
            %swap3A_506 = arith.constant 0 : index
            %swap3A_507 = tpu.vector_load %arg12[%swap3A_505, %swap3A_506] {strides = array<i32>} : memref<320x16xf32, #tpu.memory_space<vmem>>, vector<16xf32>,
            tpu.vector_store %arg12[%swap3A_505, %swap3A_506], %add3A_504 {strides = array<i32>} : memref<320x16xf32, #tpu.memory_space<vmem>>, vector<16xf32>,
            %get3A_508 = arith.index_cast %add3A_355 : i32 to index
            %get3A_509 = arith.constant 0 : index
            %get3A_510 = tpu.vector_load %arg22[%get3A_508, %get3A_509] {strides = array<i32>} : memref<80x128xf32, #tpu.memory_space<vmem>>, vector<16xf32>,
            %mul3A_511 = arith.mulf %get3A_510, %exp3A : vector<16xf32>
            %get3A_512 = arith.index_cast %sub3A_358 : i32 to index
            %get3A_513 = arith.constant 0 : index
            %get3A_514 = tpu.vector_load %arg11[%get3A_512, %get3A_513] {strides = array<i32>} : memref<320x128xf32, #tpu.memory_space<vmem>>, vector<16xf32>,
            %max3A_515 = arith.maximumf %get3A_514, %mul3A_511 : vector<16xf32>
            %swap3A_516 = arith.index_cast %sub3A_358 : i32 to index
            %swap3A_517 = arith.constant 0 : index
            %swap3A_518 = tpu.vector_load %arg11[%swap3A_516, %swap3A_517] {strides = array<i32>} : memref<320x128xf32, #tpu.memory_space<vmem>>, vector<16xf32>,
            tpu.vector_store %arg11[%swap3A_516, %swap3A_517], %max3A_515 {strides = array<i32>} : memref<320x128xf32, #tpu.memory_space<vmem>>, vector<16xf32>,
            %get3A_519 = arith.index_cast %add3A_355 : i32 to index
            %get3A_520 = arith.constant 16 : index
            %get3A_521 = tpu.vector_load %arg22[%get3A_519, %get3A_520] {strides = array<i32>} : memref<80x128xf32, #tpu.memory_space<vmem>>, vector<16xf32>,
            %mul3A_522 = arith.mulf %get3A_521, %exp3A : vector<16xf32>
            %get3A_523 = arith.index_cast %sub3A_358 : i32 to index
            %get3A_524 = arith.constant 16 : index
            %get3A_525 = tpu.vector_load %arg11[%get3A_523, %get3A_524] {strides = array<i32>} : memref<320x128xf32, #tpu.memory_space<vmem>>, vector<16xf32>,
            %max3A_526 = arith.maximumf %get3A_525, %mul3A_522 : vector<16xf32>
            %swap3A_527 = arith.index_cast %sub3A_358 : i32 to index
            %swap3A_528 = arith.constant 16 : index
            %swap3A_529 = tpu.vector_load %arg11[%swap3A_527, %swap3A_528] {strides = array<i32>} : memref<320x128xf32, #tpu.memory_space<vmem>>, vector<16xf32>,
            tpu.vector_store %arg11[%swap3A_527, %swap3A_528], %max3A_526 {strides = array<i32>} : memref<320x128xf32, #tpu.memory_space<vmem>>, vector<16xf32>,
            %get3A_530 = arith.index_cast %add3A_355 : i32 to index
            %get3A_531 = arith.constant 32 : index
            %get3A_532 = tpu.vector_load %arg22[%get3A_530, %get3A_531] {strides = array<i32>} : memref<80x128xf32, #tpu.memory_space<vmem>>, vector<16xf32>,
            %mul3A_533 = arith.mulf %get3A_532, %exp3A : vector<16xf32>
            %get3A_534 = arith.index_cast %sub3A_358 : i32 to index
            %get3A_535 = arith.constant 32 : index
            %get3A_536 = tpu.vector_load %arg11[%get3A_534, %get3A_535] {strides = array<i32>} : memref<320x128xf32, #tpu.memory_space<vmem>>, vector<16xf32>,
            %max3A_537 = arith.maximumf %get3A_536, %mul3A_533 : vector<16xf32>
            %swap3A_538 = arith.index_cast %sub3A_358 : i32 to index
            %swap3A_539 = arith.constant 32 : index
            %swap3A_540 = tpu.vector_load %arg11[%swap3A_538, %swap3A_539] {strides = array<i32>} : memref<320x128xf32, #tpu.memory_space<vmem>>, vector<16xf32>,
            tpu.vector_store %arg11[%swap3A_538, %swap3A_539], %max3A_537 {strides = array<i32>} : memref<320x128xf32, #tpu.memory_space<vmem>>, vector<16xf32>,
            %get3A_541 = arith.index_cast %add3A_355 : i32 to index
            %get3A_542 = arith.constant 48 : index
            %get3A_543 = tpu.vector_load %arg22[%get3A_541, %get3A_542] {strides = array<i32>} : memref<80x128xf32, #tpu.memory_space<vmem>>, vector<16xf32>,
            %mul3A_544 = arith.mulf %get3A_543, %exp3A : vector<16xf32>
            %get3A_545 = arith.index_cast %sub3A_358 : i32 to index
            %get3A_546 = arith.constant 48 : index
            %get3A_547 = tpu.vector_load %arg11[%get3A_545, %get3A_546] {strides = array<i32>} : memref<320x128xf32, #tpu.memory_space<vmem>>, vector<16xf32>,
            %max3A_548 = arith.maximumf %get3A_547, %mul3A_544 : vector<16xf32>
            %swap3A_549 = arith.index_cast %sub3A_358 : i32 to index
            %swap3A_550 = arith.constant 48 : index
            %swap3A_551 = tpu.vector_load %arg11[%swap3A_549, %swap3A_550] {strides = array<i32>} : memref<320x128xf32, #tpu.memory_space<vmem>>, vector<16xf32>,
            tpu.vector_store %arg11[%swap3A_549, %swap3A_550], %max3A_548 {strides = array<i32>} : memref<320x128xf32, #tpu.memory_space<vmem>>, vector<16xf32>,
            %get3A_552 = arith.index_cast %add3A_355 : i32 to index
            %get3A_553 = arith.constant 64 : index
            %get3A_554 = tpu.vector_load %arg22[%get3A_552, %get3A_553] {strides = array<i32>} : memref<80x128xf32, #tpu.memory_space<vmem>>, vector<16xf32>,
            %mul3A_555 = arith.mulf %get3A_554, %exp3A : vector<16xf32>
            %get3A_556 = arith.index_cast %sub3A_358 : i32 to index
            %get3A_557 = arith.constant 64 : index
            %get3A_558 = tpu.vector_load %arg11[%get3A_556, %get3A_557] {strides = array<i32>} : memref<320x128xf32, #tpu.memory_space<vmem>>, vector<16xf32>,
            %max3A_559 = arith.maximumf %get3A_558, %mul3A_555 : vector<16xf32>
            %swap3A_560 = arith.index_cast %sub3A_358 : i32 to index
            %swap3A_561 = arith.constant 64 : index
            %swap3A_562 = tpu.vector_load %arg11[%swap3A_560, %swap3A_561] {strides = array<i32>} : memref<320x128xf32, #tpu.memory_space<vmem>>, vector<16xf32>,
            tpu.vector_store %arg11[%swap3A_560, %swap3A_561], %max3A_559 {strides = array<i32>} : memref<320x128xf32, #tpu.memory_space<vmem>>, vector<16xf32>,
            %get3A_563 = arith.index_cast %add3A_355 : i32 to index
            %get3A_564 = arith.constant 80 : index
            %get3A_565 = tpu.vector_load %arg22[%get3A_563, %get3A_564] {strides = array<i32>} : memref<80x128xf32, #tpu.memory_space<vmem>>, vector<16xf32>,
            %mul3A_566 = arith.mulf %get3A_565, %exp3A : vector<16xf32>
            %get3A_567 = arith.index_cast %sub3A_358 : i32 to index
            %get3A_568 = arith.constant 80 : index
            %get3A_569 = tpu.vector_load %arg11[%get3A_567, %get3A_568] {strides = array<i32>} : memref<320x128xf32, #tpu.memory_space<vmem>>, vector<16xf32>,
            %max3A_570 = arith.maximumf %get3A_569, %mul3A_566 : vector<16xf32>
            %swap3A_571 = arith.index_cast %sub3A_358 : i32 to index
            %swap3A_572 = arith.constant 80 : index
            %swap3A_573 = tpu.vector_load %arg11[%swap3A_571, %swap3A_572] {strides = array<i32>} : memref<320x128xf32, #tpu.memory_space<vmem>>, vector<16xf32>,
            tpu.vector_store %arg11[%swap3A_571, %swap3A_572], %max3A_570 {strides = array<i32>} : memref<320x128xf32, #tpu.memory_space<vmem>>, vector<16xf32>,
            %get3A_574 = arith.index_cast %add3A_355 : i32 to index
            %get3A_575 = arith.constant 96 : index
            %get3A_576 = tpu.vector_load %arg22[%get3A_574, %get3A_575] {strides = array<i32>} : memref<80x128xf32, #tpu.memory_space<vmem>>, vector<16xf32>,
            %mul3A_577 = arith.mulf %get3A_576, %exp3A : vector<16xf32>
            %get3A_578 = arith.index_cast %sub3A_358 : i32 to index
            %get3A_579 = arith.constant 96 : index
            %get3A_580 = tpu.vector_load %arg11[%get3A_578, %get3A_579] {strides = array<i32>} : memref<320x128xf32, #tpu.memory_space<vmem>>, vector<16xf32>,
            %max3A_581 = arith.maximumf %get3A_580, %mul3A_577 : vector<16xf32>
            %swap3A_582 = arith.index_cast %sub3A_358 : i32 to index
            %swap3A_583 = arith.constant 96 : index
            %swap3A_584 = tpu.vector_load %arg11[%swap3A_582, %swap3A_583] {strides = array<i32>} : memref<320x128xf32, #tpu.memory_space<vmem>>, vector<16xf32>,
            tpu.vector_store %arg11[%swap3A_582, %swap3A_583], %max3A_581 {strides = array<i32>} : memref<320x128xf32, #tpu.memory_space<vmem>>, vector<16xf32>,
            %get3A_585 = arith.index_cast %add3A_355 : i32 to index
            %get3A_586 = arith.constant 112 : index
            %get3A_587 = tpu.vector_load %arg22[%get3A_585, %get3A_586] {strides = array<i32>} : memref<80x128xf32, #tpu.memory_space<vmem>>, vector<16xf32>,
            %mul3A_588 = arith.mulf %get3A_587, %exp3A : vector<16xf32>
            %get3A_589 = arith.index_cast %sub3A_358 : i32 to index
            %get3A_590 = arith.constant 112 : index
            %get3A_591 = tpu.vector_load %arg11[%get3A_589, %get3A_590] {strides = array<i32>} : memref<320x128xf32, #tpu.memory_space<vmem>>, vector<16xf32>,
            %max3A_592 = arith.maximumf %get3A_591, %mul3A_588 : vector<16xf32>
            %swap3A_593 = arith.index_cast %sub3A_358 : i32 to index
            %swap3A_594 = arith.constant 112 : index
            %swap3A_595 = tpu.vector_load %arg11[%swap3A_593, %swap3A_594] {strides = array<i32>} : memref<320x128xf32, #tpu.memory_space<vmem>>, vector<16xf32>,
            tpu.vector_store %arg11[%swap3A_593, %swap3A_594], %max3A_592 {strides = array<i32>} : memref<320x128xf32, #tpu.memory_space<vmem>>, vector<16xf32>,
          }
          %scan3A_333 = arith.constant 80 : i32
          %get3A_334 = arith.constant 80 : index
          %get3A_335 = tpu.vector_load %arg18[%get3A_334] {strides = array<i32>} : memref<112xi32, #tpu.memory_space<vmem>>, vector<16xi32>,
          %get3A_336 = arith.constant 80 : index
          %get3A_337 = tpu.vector_load %arg19[%get3A_336] {strides = array<i32>} : memref<112xi32, #tpu.memory_space<vmem>>, vector<16xi32>,
          %get3A_338 = arith.constant 80 : index
          %get3A_339 = tpu.vector_load %arg20[%get3A_338] {strides = array<i32>} : memref<112xi32, #tpu.memory_space<vmem>>, vector<16xi32>,
          %swap3A_340 = arith.constant 0 : index
          %swap3A_341 = tpu.vector_load %arg18[%swap3A_340] {strides = array<i32>} : memref<112xi32, #tpu.memory_space<vmem>>, vector<16xi32>,
          tpu.vector_store %arg18[%swap3A_340], %get3A_335 {strides = array<i32>} : memref<112xi32, #tpu.memory_space<vmem>>, vector<16xi32>,
          %swap3A_342 = arith.constant 0 : index
          %swap3A_343 = tpu.vector_load %arg19[%swap3A_342] {strides = array<i32>} : memref<112xi32, #tpu.memory_space<vmem>>, vector<16xi32>,
          tpu.vector_store %arg19[%swap3A_342], %get3A_337 {strides = array<i32>} : memref<112xi32, #tpu.memory_space<vmem>>, vector<16xi32>,
          %swap3A_344 = arith.constant 0 : index
          %swap3A_345 = tpu.vector_load %arg20[%swap3A_344] {strides = array<i32>} : memref<112xi32, #tpu.memory_space<vmem>>, vector<16xi32>,
          tpu.vector_store %arg20[%swap3A_344], %get3A_339 {strides = array<i32>} : memref<112xi32, #tpu.memory_space<vmem>>, vector<16xi32>,
          %sub3A_346 = arith.constant 80 : i32
          %sub3A_347 = arith.subi %add3A_280, %sub3A_346 : i32
          %swap3A_348 = arith.constant 0 : i32
          %swap3A_349 = arith.index_cast %swap3A_348 : i32 to index
          %swap3A_350 = memref.load %arg25[%swap3A_349] : memref<8xi32, #tpu.memory_space<smem>>
          memref.store %sub3A_347, %arg25[%swap3A_349] : memref<8xi32, #tpu.memory_space<smem>>
        } else {
        }
      }
      %scan3A_244 = arith.constant 100 : i32
    }
    %scan3A_83 = arith.constant 100 : i32
    %get3A_84 = arith.constant 0 : i32
    %get3A_85 = arith.index_cast %get3A_84 : i32 to index
    %get3A_86 = memref.load %arg25[%get3A_85] : memref<8xi32, #tpu.memory_space<smem>>
    %dma_start3A_87 = arith.constant 0 : i32
    %dma_start3A_88 = tpu.memref_slice %arg19[%dma_start3A_87] : memref<112xi32, #tpu.memory_space<vmem>> -> memref<80xi32, #tpu.memory_space<vmem>>
    %dma_start3A_89 = arith.constant 0 : i32
    %dma_start3A_90 = arith.constant 0 : i32
    %dma_start3A_91 = tpu.memref_slice %arg4[%dma_start3A_89, %dma_start3A_90] : memref<10240x128xf32, #tpu.memory_space<hbm>> -> memref<10240x128xf32, #tpu.memory_space<hbm>>
    tpu.enqueue_indirect_dma source(%dma_start3A_91 : memref<10240x128xf32, #tpu.memory_space<hbm>>) target(%arg21 : memref<80x128xf32, #tpu.memory_space<vmem>>) offsets(%dma_start3A_88 : memref<80xi32, #tpu.memory_space<vmem>>) semaphore(%arg26 : memref<!tpu.dma_semaphore, #tpu.memory_space<semaphore_mem>>)
    %dma_start3A_92 = arith.constant 0 : i32
    %dma_start3A_93 = tpu.memref_slice %arg19[%dma_start3A_92] : memref<112xi32, #tpu.memory_space<vmem>> -> memref<80xi32, #tpu.memory_space<vmem>>
    %dma_start3A_94 = arith.constant 0 : i32
    %dma_start3A_95 = arith.constant 0 : i32
    %dma_start3A_96 = tpu.memref_slice %arg5[%dma_start3A_94, %dma_start3A_95] : memref<10240x128xf32, #tpu.memory_space<hbm>> -> memref<10240x128xf32, #tpu.memory_space<hbm>>
    tpu.enqueue_indirect_dma source(%dma_start3A_96 : memref<10240x128xf32, #tpu.memory_space<hbm>>) target(%arg22 : memref<80x128xf32, #tpu.memory_space<vmem>>) offsets(%dma_start3A_93 : memref<80xi32, #tpu.memory_space<vmem>>) semaphore(%arg27 : memref<!tpu.dma_semaphore, #tpu.memory_space<semaphore_mem>>)
    %dma_start3A_97 = arith.constant 0 : i32
    %dma_start3A_98 = tpu.memref_slice %arg20[%dma_start3A_97] : memref<112xi32, #tpu.memory_space<vmem>> -> memref<80xi32, #tpu.memory_space<vmem>>
    %dma_start3A_99 = arith.constant 0 : i32
    %dma_start3A_100 = arith.constant 0 : i32
    %dma_start3A_101 = tpu.memref_slice %arg7[%dma_start3A_99, %dma_start3A_100] : memref<320000x128xf32, #tpu.memory_space<hbm>> -> memref<320000x128xf32, #tpu.memory_space<hbm>>
    tpu.enqueue_indirect_dma source(%dma_start3A_101 : memref<320000x128xf32, #tpu.memory_space<hbm>>) target(%arg23 : memref<80x128xf32, #tpu.memory_space<vmem>>) offsets(%dma_start3A_98 : memref<80xi32, #tpu.memory_space<vmem>>) semaphore(%arg28 : memref<!tpu.dma_semaphore, #tpu.memory_space<semaphore_mem>>)
    %dma_start3A_102 = arith.constant 0 : i32
    %dma_start3A_103 = tpu.memref_slice %arg18[%dma_start3A_102] : memref<112xi32, #tpu.memory_space<vmem>> -> memref<80xi32, #tpu.memory_space<vmem>>
    %dma_start3A_104 = arith.constant 0 : i32
    %dma_start3A_105 = arith.constant 0 : i32
    %dma_start3A_106 = tpu.memref_slice %arg6[%dma_start3A_104, %dma_start3A_105] : memref<10240x128xf32, #tpu.memory_space<hbm>> -> memref<10240x128xf32, #tpu.memory_space<hbm>>
    tpu.enqueue_indirect_dma source(%dma_start3A_106 : memref<10240x128xf32, #tpu.memory_space<hbm>>) target(%arg24 : memref<80x128xf32, #tpu.memory_space<vmem>>) offsets(%dma_start3A_103 : memref<80xi32, #tpu.memory_space<vmem>>) semaphore(%arg29 : memref<!tpu.dma_semaphore, #tpu.memory_space<semaphore_mem>>)
    %dma_wait3A = arith.constant 0 : i32
    %dma_wait3A_107 = tpu.memref_slice %arg19[%dma_wait3A] : memref<112xi32, #tpu.memory_space<vmem>> -> memref<80xi32, #tpu.memory_space<vmem>>
    %dma_wait3A_108 = arith.constant 0 : i32
    %dma_wait3A_109 = arith.constant 0 : i32
    %dma_wait3A_110 = tpu.memref_slice %arg4[%dma_wait3A_108, %dma_wait3A_109] : memref<10240x128xf32, #tpu.memory_space<hbm>> -> memref<10240x128xf32, #tpu.memory_space<hbm>>
    tpu.wait_indirect_dma semaphore(%arg26 : memref<!tpu.dma_semaphore, #tpu.memory_space<semaphore_mem>>) src(%dma_wait3A_110 : memref<10240x128xf32, #tpu.memory_space<hbm>>) dst(%arg21 : memref<80x128xf32, #tpu.memory_space<vmem>>)
    %dma_wait3A_111 = arith.constant 0 : i32
    %dma_wait3A_112 = tpu.memref_slice %arg19[%dma_wait3A_111] : memref<112xi32, #tpu.memory_space<vmem>> -> memref<80xi32, #tpu.memory_space<vmem>>
    %dma_wait3A_113 = arith.constant 0 : i32
    %dma_wait3A_114 = arith.constant 0 : i32
    %dma_wait3A_115 = tpu.memref_slice %arg5[%dma_wait3A_113, %dma_wait3A_114] : memref<10240x128xf32, #tpu.memory_space<hbm>> -> memref<10240x128xf32, #tpu.memory_space<hbm>>
    tpu.wait_indirect_dma semaphore(%arg27 : memref<!tpu.dma_semaphore, #tpu.memory_space<semaphore_mem>>) src(%dma_wait3A_115 : memref<10240x128xf32, #tpu.memory_space<hbm>>) dst(%arg22 : memref<80x128xf32, #tpu.memory_space<vmem>>)
    %dma_wait3A_116 = arith.constant 0 : i32
    %dma_wait3A_117 = tpu.memref_slice %arg20[%dma_wait3A_116] : memref<112xi32, #tpu.memory_space<vmem>> -> memref<80xi32, #tpu.memory_space<vmem>>
    %dma_wait3A_118 = arith.constant 0 : i32
    %dma_wait3A_119 = arith.constant 0 : i32
    %dma_wait3A_120 = tpu.memref_slice %arg7[%dma_wait3A_118, %dma_wait3A_119] : memref<320000x128xf32, #tpu.memory_space<hbm>> -> memref<320000x128xf32, #tpu.memory_space<hbm>>
    tpu.wait_indirect_dma semaphore(%arg28 : memref<!tpu.dma_semaphore, #tpu.memory_space<semaphore_mem>>) src(%dma_wait3A_120 : memref<320000x128xf32, #tpu.memory_space<hbm>>) dst(%arg23 : memref<80x128xf32, #tpu.memory_space<vmem>>)
    %dma_wait3A_121 = arith.constant 0 : i32
    %dma_wait3A_122 = tpu.memref_slice %arg18[%dma_wait3A_121] : memref<112xi32, #tpu.memory_space<vmem>> -> memref<80xi32, #tpu.memory_space<vmem>>
    %dma_wait3A_123 = arith.constant 0 : i32
    %dma_wait3A_124 = arith.constant 0 : i32
    %dma_wait3A_125 = tpu.memref_slice %arg6[%dma_wait3A_123, %dma_wait3A_124] : memref<10240x128xf32, #tpu.memory_space<hbm>> -> memref<10240x128xf32, #tpu.memory_space<hbm>>
    tpu.wait_indirect_dma semaphore(%arg29 : memref<!tpu.dma_semaphore, #tpu.memory_space<semaphore_mem>>) src(%dma_wait3A_125 : memref<10240x128xf32, #tpu.memory_space<hbm>>) dst(%arg24 : memref<80x128xf32, #tpu.memory_space<vmem>>)
    %sub3A = arith.constant 0 : i32
    %sub3A_126 = arith.subi %get3A_86, %sub3A : i32
    %sub3A_127 = arith.constant 1 : i32
    %sub3A_128 = arith.constant 1 : i32
    %sub3A_129 = arith.subi %sub3A_127, %sub3A_128 : i32
    %add3A_130 = arith.addi %sub3A_126, %sub3A_129 : i32
    %div3A = arith.constant 1 : i32
    %div3A_131 = arith.divsi %add3A_130, %div3A : i32
    %while3A = arith.constant 1 : i32
    %while3A_132 = arith.constant 0 : i32
    %while3A_133 = arith.constant 0 : i32
    %while3A_134 = arith.subi %div3A_131, %while3A_133 : i32
    %while3A_135 = arith.addi %while3A_133, %while3A_134 : i32
    %while3A_136 = arith.constant 1 : i32
    %while3A_137 = arith.divsi %while3A_134, %while3A_136 : i32
    %while3A_138 = arith.muli %while3A_137, %while3A_136 : i32
    %while3A_139 = arith.addi %while3A_133, %while3A_138 : i32
    %while3A_140 = arith.constant 1 : i32
    scf.for %while3A_198 = %while3A_133 to %while3A_139 step %while3A_140  : i32 {
      %mul3A_199 = arith.muli %while3A_198, %while3A : i32
      %add3A_200 = arith.addi %while3A_132, %mul3A_199 : i32
      %get3A_201 = arith.index_cast %add3A_200 : i32 to index
      %get3A_202 = tpu.vector_load %arg18[%get3A_201] {strides = array<i32>} : memref<112xi32, #tpu.memory_space<vmem>>, vector<16xi32>,
      %slice3A = vector.extract_strided_slice %get3A_202 {offsets = [0], sizes = [1], strides = [1]} : vector<16xi32> to vector<1xi32>
      %squeeze3A = vector.extract %slice3A[0] : i32 from vector<1xi32>
      %sub3A_203 = arith.subi %squeeze3A, %mul3A_2 : i32
      %get3A_204 = arith.index_cast %add3A_200 : i32 to index
      %get3A_205 = arith.constant 0 : index
      %get3A_206 = tpu.vector_load %arg21[%get3A_204, %get3A_205] {strides = array<i32>} : memref<80x128xf32, #tpu.memory_space<vmem>>, vector<16xf32>,
      %get3A_207 = arith.index_cast %add3A_200 : i32 to index
      %get3A_208 = arith.constant 0 : index
      %get3A_209 = tpu.vector_load %arg24[%get3A_207, %get3A_208] {strides = array<i32>} : memref<80x128xf32, #tpu.memory_space<vmem>>, vector<16xf32>,
      %add3A_210 = arith.addf %get3A_206, %get3A_209 : vector<16xf32>
      %get3A_211 = arith.index_cast %add3A_200 : i32 to index
      %get3A_212 = arith.constant 0 : index
      %get3A_213 = tpu.vector_load %arg23[%get3A_211, %get3A_212] {strides = array<i32>} : memref<80x128xf32, #tpu.memory_space<vmem>>, vector<16xf32>,
      %add3A_214 = arith.addf %add3A_210, %get3A_213 : vector<16xf32>
      %mul3A_215 = arith.constant 2.000000e-01 : f32
      %mul3A_216 = vector.broadcast %mul3A_215 : f32 to vector<16xf32>
      %mul3A_217 = arith.mulf %mul3A_216, %add3A_214 : vector<16xf32>
      %max3A = arith.maximumf %add3A_214, %mul3A_217 : vector<16xf32>
      %mul3A_218 = arith.mulf %max3A, %get3A_57 : vector<16xf32>
      %add3A_219 = arith.addf %broadcast_in_dim3A_5, %mul3A_218 : vector<16xf32>
      %get3A_220 = arith.index_cast %add3A_200 : i32 to index
      %get3A_221 = arith.constant 16 : index
      %get3A_222 = tpu.vector_load %arg21[%get3A_220, %get3A_221] {strides = array<i32>} : memref<80x128xf32, #tpu.memory_space<vmem>>, vector<16xf32>,
      %get3A_223 = arith.index_cast %add3A_200 : i32 to index
      %get3A_224 = arith.constant 16 : index
      %get3A_225 = tpu.vector_load %arg24[%get3A_223, %get3A_224] {strides = array<i32>} : memref<80x128xf32, #tpu.memory_space<vmem>>, vector<16xf32>,
      %add3A_226 = arith.addf %get3A_222, %get3A_225 : vector<16xf32>
      %get3A_227 = arith.index_cast %add3A_200 : i32 to index
      %get3A_228 = arith.constant 16 : index
      %get3A_229 = tpu.vector_load %arg23[%get3A_227, %get3A_228] {strides = array<i32>} : memref<80x128xf32, #tpu.memory_space<vmem>>, vector<16xf32>,
      %add3A_230 = arith.addf %add3A_226, %get3A_229 : vector<16xf32>
      %mul3A_231 = arith.constant 2.000000e-01 : f32
      %mul3A_232 = vector.broadcast %mul3A_231 : f32 to vector<16xf32>
      %mul3A_233 = arith.mulf %mul3A_232, %add3A_230 : vector<16xf32>
      %max3A_234 = arith.maximumf %add3A_230, %mul3A_233 : vector<16xf32>
      %mul3A_235 = arith.mulf %max3A_234, %get3A_59 : vector<16xf32>
      %add3A_236 = arith.addf %broadcast_in_dim3A_5, %mul3A_235 : vector<16xf32>
      %get3A_237 = arith.index_cast %add3A_200 : i32 to index
      %get3A_238 = arith.constant 32 : index
      %get3A_239 = tpu.vector_load %arg21[%get3A_237, %get3A_238] {strides = array<i32>} : memref<80x128xf32, #tpu.memory_space<vmem>>, vector<16xf32>,
      %get3A_240 = arith.index_cast %add3A_200 : i32 to index
      %get3A_241 = arith.constant 32 : index
      %get3A_242 = tpu.vector_load %arg24[%get3A_240, %get3A_241] {strides = array<i32>} : memref<80x128xf32, #tpu.memory_space<vmem>>, vector<16xf32>,
      %add3A_243 = arith.addf %get3A_239, %get3A_242 : vector<16xf32>
      %get3A_244 = arith.index_cast %add3A_200 : i32 to index
      %get3A_245 = arith.constant 32 : index
      %get3A_246 = tpu.vector_load %arg23[%get3A_244, %get3A_245] {strides = array<i32>} : memref<80x128xf32, #tpu.memory_space<vmem>>, vector<16xf32>,
      %add3A_247 = arith.addf %add3A_243, %get3A_246 : vector<16xf32>
      %mul3A_248 = arith.constant 2.000000e-01 : f32
      %mul3A_249 = vector.broadcast %mul3A_248 : f32 to vector<16xf32>
      %mul3A_250 = arith.mulf %mul3A_249, %add3A_247 : vector<16xf32>
      %max3A_251 = arith.maximumf %add3A_247, %mul3A_250 : vector<16xf32>
      %mul3A_252 = arith.mulf %max3A_251, %get3A_61 : vector<16xf32>
      %add3A_253 = arith.addf %add3A_219, %mul3A_252 : vector<16xf32>
      %get3A_254 = arith.index_cast %add3A_200 : i32 to index
      %get3A_255 = arith.constant 48 : index
      %get3A_256 = tpu.vector_load %arg21[%get3A_254, %get3A_255] {strides = array<i32>} : memref<80x128xf32, #tpu.memory_space<vmem>>, vector<16xf32>,
      %get3A_257 = arith.index_cast %add3A_200 : i32 to index
      %get3A_258 = arith.constant 48 : index
      %get3A_259 = tpu.vector_load %arg24[%get3A_257, %get3A_258] {strides = array<i32>} : memref<80x128xf32, #tpu.memory_space<vmem>>, vector<16xf32>,
      %add3A_260 = arith.addf %get3A_256, %get3A_259 : vector<16xf32>
      %get3A_261 = arith.index_cast %add3A_200 : i32 to index
      %get3A_262 = arith.constant 48 : index
      %get3A_263 = tpu.vector_load %arg23[%get3A_261, %get3A_262] {strides = array<i32>} : memref<80x128xf32, #tpu.memory_space<vmem>>, vector<16xf32>,
      %add3A_264 = arith.addf %add3A_260, %get3A_263 : vector<16xf32>
      %mul3A_265 = arith.constant 2.000000e-01 : f32
      %mul3A_266 = vector.broadcast %mul3A_265 : f32 to vector<16xf32>
      %mul3A_267 = arith.mulf %mul3A_266, %add3A_264 : vector<16xf32>
      %max3A_268 = arith.maximumf %add3A_264, %mul3A_267 : vector<16xf32>
      %mul3A_269 = arith.mulf %max3A_268, %get3A_63 : vector<16xf32>
      %add3A_270 = arith.addf %add3A_236, %mul3A_269 : vector<16xf32>
      %get3A_271 = arith.index_cast %add3A_200 : i32 to index
      %get3A_272 = arith.constant 64 : index
      %get3A_273 = tpu.vector_load %arg21[%get3A_271, %get3A_272] {strides = array<i32>} : memref<80x128xf32, #tpu.memory_space<vmem>>, vector<16xf32>,
      %get3A_274 = arith.index_cast %add3A_200 : i32 to index
      %get3A_275 = arith.constant 64 : index
      %get3A_276 = tpu.vector_load %arg24[%get3A_274, %get3A_275] {strides = array<i32>} : memref<80x128xf32, #tpu.memory_space<vmem>>, vector<16xf32>,
      %add3A_277 = arith.addf %get3A_273, %get3A_276 : vector<16xf32>
      %get3A_278 = arith.index_cast %add3A_200 : i32 to index
      %get3A_279 = arith.constant 64 : index
      %get3A_280 = tpu.vector_load %arg23[%get3A_278, %get3A_279] {strides = array<i32>} : memref<80x128xf32, #tpu.memory_space<vmem>>, vector<16xf32>,
      %add3A_281 = arith.addf %add3A_277, %get3A_280 : vector<16xf32>
      %mul3A_282 = arith.constant 2.000000e-01 : f32
      %mul3A_283 = vector.broadcast %mul3A_282 : f32 to vector<16xf32>
      %mul3A_284 = arith.mulf %mul3A_283, %add3A_281 : vector<16xf32>
      %max3A_285 = arith.maximumf %add3A_281, %mul3A_284 : vector<16xf32>
      %mul3A_286 = arith.mulf %max3A_285, %get3A_65 : vector<16xf32>
      %add3A_287 = arith.addf %add3A_253, %mul3A_286 : vector<16xf32>
      %get3A_288 = arith.index_cast %add3A_200 : i32 to index
      %get3A_289 = arith.constant 80 : index
      %get3A_290 = tpu.vector_load %arg21[%get3A_288, %get3A_289] {strides = array<i32>} : memref<80x128xf32, #tpu.memory_space<vmem>>, vector<16xf32>,
      %get3A_291 = arith.index_cast %add3A_200 : i32 to index
      %get3A_292 = arith.constant 80 : index
      %get3A_293 = tpu.vector_load %arg24[%get3A_291, %get3A_292] {strides = array<i32>} : memref<80x128xf32, #tpu.memory_space<vmem>>, vector<16xf32>,
      %add3A_294 = arith.addf %get3A_290, %get3A_293 : vector<16xf32>
      %get3A_295 = arith.index_cast %add3A_200 : i32 to index
      %get3A_296 = arith.constant 80 : index
      %get3A_297 = tpu.vector_load %arg23[%get3A_295, %get3A_296] {strides = array<i32>} : memref<80x128xf32, #tpu.memory_space<vmem>>, vector<16xf32>,
      %add3A_298 = arith.addf %add3A_294, %get3A_297 : vector<16xf32>
      %mul3A_299 = arith.constant 2.000000e-01 : f32
      %mul3A_300 = vector.broadcast %mul3A_299 : f32 to vector<16xf32>
      %mul3A_301 = arith.mulf %mul3A_300, %add3A_298 : vector<16xf32>
      %max3A_302 = arith.maximumf %add3A_298, %mul3A_301 : vector<16xf32>
      %mul3A_303 = arith.mulf %max3A_302, %get3A_67 : vector<16xf32>
      %add3A_304 = arith.addf %add3A_270, %mul3A_303 : vector<16xf32>
      %get3A_305 = arith.index_cast %add3A_200 : i32 to index
      %get3A_306 = arith.constant 96 : index
      %get3A_307 = tpu.vector_load %arg21[%get3A_305, %get3A_306] {strides = array<i32>} : memref<80x128xf32, #tpu.memory_space<vmem>>, vector<16xf32>,
      %get3A_308 = arith.index_cast %add3A_200 : i32 to index
      %get3A_309 = arith.constant 96 : index
      %get3A_310 = tpu.vector_load %arg24[%get3A_308, %get3A_309] {strides = array<i32>} : memref<80x128xf32, #tpu.memory_space<vmem>>, vector<16xf32>,
      %add3A_311 = arith.addf %get3A_307, %get3A_310 : vector<16xf32>
      %get3A_312 = arith.index_cast %add3A_200 : i32 to index
      %get3A_313 = arith.constant 96 : index
      %get3A_314 = tpu.vector_load %arg23[%get3A_312, %get3A_313] {strides = array<i32>} : memref<80x128xf32, #tpu.memory_space<vmem>>, vector<16xf32>,
      %add3A_315 = arith.addf %add3A_311, %get3A_314 : vector<16xf32>
      %mul3A_316 = arith.constant 2.000000e-01 : f32
      %mul3A_317 = vector.broadcast %mul3A_316 : f32 to vector<16xf32>
      %mul3A_318 = arith.mulf %mul3A_317, %add3A_315 : vector<16xf32>
      %max3A_319 = arith.maximumf %add3A_315, %mul3A_318 : vector<16xf32>
      %mul3A_320 = arith.mulf %max3A_319, %get3A_69 : vector<16xf32>
      %add3A_321 = arith.addf %add3A_287, %mul3A_320 : vector<16xf32>
      %get3A_322 = arith.index_cast %add3A_200 : i32 to index
      %get3A_323 = arith.constant 112 : index
      %get3A_324 = tpu.vector_load %arg21[%get3A_322, %get3A_323] {strides = array<i32>} : memref<80x128xf32, #tpu.memory_space<vmem>>, vector<16xf32>,
      %get3A_325 = arith.index_cast %add3A_200 : i32 to index
      %get3A_326 = arith.constant 112 : index
      %get3A_327 = tpu.vector_load %arg24[%get3A_325, %get3A_326] {strides = array<i32>} : memref<80x128xf32, #tpu.memory_space<vmem>>, vector<16xf32>,
      %add3A_328 = arith.addf %get3A_324, %get3A_327 : vector<16xf32>
      %get3A_329 = arith.index_cast %add3A_200 : i32 to index
      %get3A_330 = arith.constant 112 : index
      %get3A_331 = tpu.vector_load %arg23[%get3A_329, %get3A_330] {strides = array<i32>} : memref<80x128xf32, #tpu.memory_space<vmem>>, vector<16xf32>,
      %add3A_332 = arith.addf %add3A_328, %get3A_331 : vector<16xf32>
      %mul3A_333 = arith.constant 2.000000e-01 : f32
      %mul3A_334 = vector.broadcast %mul3A_333 : f32 to vector<16xf32>
      %mul3A_335 = arith.mulf %mul3A_334, %add3A_332 : vector<16xf32>
      %max3A_336 = arith.maximumf %add3A_332, %mul3A_335 : vector<16xf32>
      %mul3A_337 = arith.mulf %max3A_336, %get3A_71 : vector<16xf32>
      %add3A_338 = arith.addf %add3A_304, %mul3A_337 : vector<16xf32>
      %add3A_339 = arith.addf %add3A_321, %add3A_338 : vector<16xf32>
      %reduce_sum3A = arith.constant true
      %reduce_sum3A_340 = vector.broadcast %reduce_sum3A : i1 to vector<16xi1>
      %reduce_sum3A_341 = tpu.scan <sum>, %add3A_339 masked %reduce_sum3A_340 : vector<16xf32>, vector<16xi1> -> vector<16xf32>
      %reduce_sum3A_342 = vector.extract %reduce_sum3A_341[15] : f32 from vector<16xf32>
      %add3A_343 = vector.broadcast %reduce_sum3A_342 : f32 to vector<16xf32>
      %add3A_344 = arith.addf %broadcast_in_dim3A_5, %add3A_343 : vector<16xf32>
      %exp3A = math.exp %add3A_344 : vector<16xf32>
      %get3A_345 = arith.index_cast %sub3A_203 : i32 to index
      %get3A_346 = arith.constant 0 : index
      %get3A_347 = tpu.vector_load %arg12[%get3A_345, %get3A_346] {strides = array<i32>} : memref<320x16xf32, #tpu.memory_space<vmem>>, vector<16xf32>,
      %add3A_348 = arith.addf %get3A_347, %exp3A : vector<16xf32>
      %swap3A_349 = arith.index_cast %sub3A_203 : i32 to index
      %swap3A_350 = arith.constant 0 : index
      %swap3A_351 = tpu.vector_load %arg12[%swap3A_349, %swap3A_350] {strides = array<i32>} : memref<320x16xf32, #tpu.memory_space<vmem>>, vector<16xf32>,
      tpu.vector_store %arg12[%swap3A_349, %swap3A_350], %add3A_348 {strides = array<i32>} : memref<320x16xf32, #tpu.memory_space<vmem>>, vector<16xf32>,
      %get3A_352 = arith.index_cast %add3A_200 : i32 to index
      %get3A_353 = arith.constant 0 : index
      %get3A_354 = tpu.vector_load %arg22[%get3A_352, %get3A_353] {strides = array<i32>} : memref<80x128xf32, #tpu.memory_space<vmem>>, vector<16xf32>,
      %mul3A_355 = arith.mulf %get3A_354, %exp3A : vector<16xf32>
      %get3A_356 = arith.index_cast %sub3A_203 : i32 to index
      %get3A_357 = arith.constant 0 : index
      %get3A_358 = tpu.vector_load %arg11[%get3A_356, %get3A_357] {strides = array<i32>} : memref<320x128xf32, #tpu.memory_space<vmem>>, vector<16xf32>,
      %max3A_359 = arith.maximumf %get3A_358, %mul3A_355 : vector<16xf32>
      %swap3A_360 = arith.index_cast %sub3A_203 : i32 to index
      %swap3A_361 = arith.constant 0 : index
      %swap3A_362 = tpu.vector_load %arg11[%swap3A_360, %swap3A_361] {strides = array<i32>} : memref<320x128xf32, #tpu.memory_space<vmem>>, vector<16xf32>,
      tpu.vector_store %arg11[%swap3A_360, %swap3A_361], %max3A_359 {strides = array<i32>} : memref<320x128xf32, #tpu.memory_space<vmem>>, vector<16xf32>,
      %get3A_363 = arith.index_cast %add3A_200 : i32 to index
      %get3A_364 = arith.constant 16 : index
      %get3A_365 = tpu.vector_load %arg22[%get3A_363, %get3A_364] {strides = array<i32>} : memref<80x128xf32, #tpu.memory_space<vmem>>, vector<16xf32>,
      %mul3A_366 = arith.mulf %get3A_365, %exp3A : vector<16xf32>
      %get3A_367 = arith.index_cast %sub3A_203 : i32 to index
      %get3A_368 = arith.constant 16 : index
      %get3A_369 = tpu.vector_load %arg11[%get3A_367, %get3A_368] {strides = array<i32>} : memref<320x128xf32, #tpu.memory_space<vmem>>, vector<16xf32>,
      %max3A_370 = arith.maximumf %get3A_369, %mul3A_366 : vector<16xf32>
      %swap3A_371 = arith.index_cast %sub3A_203 : i32 to index
      %swap3A_372 = arith.constant 16 : index
      %swap3A_373 = tpu.vector_load %arg11[%swap3A_371, %swap3A_372] {strides = array<i32>} : memref<320x128xf32, #tpu.memory_space<vmem>>, vector<16xf32>,
      tpu.vector_store %arg11[%swap3A_371, %swap3A_372], %max3A_370 {strides = array<i32>} : memref<320x128xf32, #tpu.memory_space<vmem>>, vector<16xf32>,
      %get3A_374 = arith.index_cast %add3A_200 : i32 to index
      %get3A_375 = arith.constant 32 : index
      %get3A_376 = tpu.vector_load %arg22[%get3A_374, %get3A_375] {strides = array<i32>} : memref<80x128xf32, #tpu.memory_space<vmem>>, vector<16xf32>,
      %mul3A_377 = arith.mulf %get3A_376, %exp3A : vector<16xf32>
      %get3A_378 = arith.index_cast %sub3A_203 : i32 to index
      %get3A_379 = arith.constant 32 : index
      %get3A_380 = tpu.vector_load %arg11[%get3A_378, %get3A_379] {strides = array<i32>} : memref<320x128xf32, #tpu.memory_space<vmem>>, vector<16xf32>,
      %max3A_381 = arith.maximumf %get3A_380, %mul3A_377 : vector<16xf32>
      %swap3A_382 = arith.index_cast %sub3A_203 : i32 to index
      %swap3A_383 = arith.constant 32 : index
      %swap3A_384 = tpu.vector_load %arg11[%swap3A_382, %swap3A_383] {strides = array<i32>} : memref<320x128xf32, #tpu.memory_space<vmem>>, vector<16xf32>,
      tpu.vector_store %arg11[%swap3A_382, %swap3A_383], %max3A_381 {strides = array<i32>} : memref<320x128xf32, #tpu.memory_space<vmem>>, vector<16xf32>,
      %get3A_385 = arith.index_cast %add3A_200 : i32 to index
      %get3A_386 = arith.constant 48 : index
      %get3A_387 = tpu.vector_load %arg22[%get3A_385, %get3A_386] {strides = array<i32>} : memref<80x128xf32, #tpu.memory_space<vmem>>, vector<16xf32>,
      %mul3A_388 = arith.mulf %get3A_387, %exp3A : vector<16xf32>
      %get3A_389 = arith.index_cast %sub3A_203 : i32 to index
      %get3A_390 = arith.constant 48 : index
      %get3A_391 = tpu.vector_load %arg11[%get3A_389, %get3A_390] {strides = array<i32>} : memref<320x128xf32, #tpu.memory_space<vmem>>, vector<16xf32>,
      %max3A_392 = arith.maximumf %get3A_391, %mul3A_388 : vector<16xf32>
      %swap3A_393 = arith.index_cast %sub3A_203 : i32 to index
      %swap3A_394 = arith.constant 48 : index
      %swap3A_395 = tpu.vector_load %arg11[%swap3A_393, %swap3A_394] {strides = array<i32>} : memref<320x128xf32, #tpu.memory_space<vmem>>, vector<16xf32>,
      tpu.vector_store %arg11[%swap3A_393, %swap3A_394], %max3A_392 {strides = array<i32>} : memref<320x128xf32, #tpu.memory_space<vmem>>, vector<16xf32>,
      %get3A_396 = arith.index_cast %add3A_200 : i32 to index
      %get3A_397 = arith.constant 64 : index
      %get3A_398 = tpu.vector_load %arg22[%get3A_396, %get3A_397] {strides = array<i32>} : memref<80x128xf32, #tpu.memory_space<vmem>>, vector<16xf32>,
      %mul3A_399 = arith.mulf %get3A_398, %exp3A : vector<16xf32>
      %get3A_400 = arith.index_cast %sub3A_203 : i32 to index
      %get3A_401 = arith.constant 64 : index
      %get3A_402 = tpu.vector_load %arg11[%get3A_400, %get3A_401] {strides = array<i32>} : memref<320x128xf32, #tpu.memory_space<vmem>>, vector<16xf32>,
      %max3A_403 = arith.maximumf %get3A_402, %mul3A_399 : vector<16xf32>
      %swap3A_404 = arith.index_cast %sub3A_203 : i32 to index
      %swap3A_405 = arith.constant 64 : index
      %swap3A_406 = tpu.vector_load %arg11[%swap3A_404, %swap3A_405] {strides = array<i32>} : memref<320x128xf32, #tpu.memory_space<vmem>>, vector<16xf32>,
      tpu.vector_store %arg11[%swap3A_404, %swap3A_405], %max3A_403 {strides = array<i32>} : memref<320x128xf32, #tpu.memory_space<vmem>>, vector<16xf32>,
      %get3A_407 = arith.index_cast %add3A_200 : i32 to index
      %get3A_408 = arith.constant 80 : index
      %get3A_409 = tpu.vector_load %arg22[%get3A_407, %get3A_408] {strides = array<i32>} : memref<80x128xf32, #tpu.memory_space<vmem>>, vector<16xf32>,
      %mul3A_410 = arith.mulf %get3A_409, %exp3A : vector<16xf32>
      %get3A_411 = arith.index_cast %sub3A_203 : i32 to index
      %get3A_412 = arith.constant 80 : index
      %get3A_413 = tpu.vector_load %arg11[%get3A_411, %get3A_412] {strides = array<i32>} : memref<320x128xf32, #tpu.memory_space<vmem>>, vector<16xf32>,
      %max3A_414 = arith.maximumf %get3A_413, %mul3A_410 : vector<16xf32>
      %swap3A_415 = arith.index_cast %sub3A_203 : i32 to index
      %swap3A_416 = arith.constant 80 : index
      %swap3A_417 = tpu.vector_load %arg11[%swap3A_415, %swap3A_416] {strides = array<i32>} : memref<320x128xf32, #tpu.memory_space<vmem>>, vector<16xf32>,
      tpu.vector_store %arg11[%swap3A_415, %swap3A_416], %max3A_414 {strides = array<i32>} : memref<320x128xf32, #tpu.memory_space<vmem>>, vector<16xf32>,
      %get3A_418 = arith.index_cast %add3A_200 : i32 to index
      %get3A_419 = arith.constant 96 : index
      %get3A_420 = tpu.vector_load %arg22[%get3A_418, %get3A_419] {strides = array<i32>} : memref<80x128xf32, #tpu.memory_space<vmem>>, vector<16xf32>,
      %mul3A_421 = arith.mulf %get3A_420, %exp3A : vector<16xf32>
      %get3A_422 = arith.index_cast %sub3A_203 : i32 to index
      %get3A_423 = arith.constant 96 : index
      %get3A_424 = tpu.vector_load %arg11[%get3A_422, %get3A_423] {strides = array<i32>} : memref<320x128xf32, #tpu.memory_space<vmem>>, vector<16xf32>,
      %max3A_425 = arith.maximumf %get3A_424, %mul3A_421 : vector<16xf32>
      %swap3A_426 = arith.index_cast %sub3A_203 : i32 to index
      %swap3A_427 = arith.constant 96 : index
      %swap3A_428 = tpu.vector_load %arg11[%swap3A_426, %swap3A_427] {strides = array<i32>} : memref<320x128xf32, #tpu.memory_space<vmem>>, vector<16xf32>,
      tpu.vector_store %arg11[%swap3A_426, %swap3A_427], %max3A_425 {strides = array<i32>} : memref<320x128xf32, #tpu.memory_space<vmem>>, vector<16xf32>,
      %get3A_429 = arith.index_cast %add3A_200 : i32 to index
      %get3A_430 = arith.constant 112 : index
      %get3A_431 = tpu.vector_load %arg22[%get3A_429, %get3A_430] {strides = array<i32>} : memref<80x128xf32, #tpu.memory_space<vmem>>, vector<16xf32>,
      %mul3A_432 = arith.mulf %get3A_431, %exp3A : vector<16xf32>
      %get3A_433 = arith.index_cast %sub3A_203 : i32 to index
      %get3A_434 = arith.constant 112 : index
      %get3A_435 = tpu.vector_load %arg11[%get3A_433, %get3A_434] {strides = array<i32>} : memref<320x128xf32, #tpu.memory_space<vmem>>, vector<16xf32>,
      %max3A_436 = arith.maximumf %get3A_435, %mul3A_432 : vector<16xf32>
      %swap3A_437 = arith.index_cast %sub3A_203 : i32 to index
      %swap3A_438 = arith.constant 112 : index
      %swap3A_439 = tpu.vector_load %arg11[%swap3A_437, %swap3A_438] {strides = array<i32>} : memref<320x128xf32, #tpu.memory_space<vmem>>, vector<16xf32>,
      tpu.vector_store %arg11[%swap3A_437, %swap3A_438], %max3A_436 {strides = array<i32>} : memref<320x128xf32, #tpu.memory_space<vmem>>, vector<16xf32>,
    }
    %while3A_141 = arith.constant 1 : i32
    scf.for %while3A_198 = %while3A_139 to %while3A_135 step %while3A_141  : i32 {
      %mul3A_199 = arith.muli %while3A_198, %while3A : i32
      %add3A_200 = arith.addi %while3A_132, %mul3A_199 : i32
      %get3A_201 = arith.index_cast %add3A_200 : i32 to index
      %get3A_202 = tpu.vector_load %arg18[%get3A_201] {strides = array<i32>} : memref<112xi32, #tpu.memory_space<vmem>>, vector<16xi32>,
      %slice3A = vector.extract_strided_slice %get3A_202 {offsets = [0], sizes = [1], strides = [1]} : vector<16xi32> to vector<1xi32>
      %squeeze3A = vector.extract %slice3A[0] : i32 from vector<1xi32>
      %sub3A_203 = arith.subi %squeeze3A, %mul3A_2 : i32
      %get3A_204 = arith.index_cast %add3A_200 : i32 to index
      %get3A_205 = arith.constant 0 : index
      %get3A_206 = tpu.vector_load %arg21[%get3A_204, %get3A_205] {strides = array<i32>} : memref<80x128xf32, #tpu.memory_space<vmem>>, vector<16xf32>,
      %get3A_207 = arith.index_cast %add3A_200 : i32 to index
      %get3A_208 = arith.constant 0 : index
      %get3A_209 = tpu.vector_load %arg24[%get3A_207, %get3A_208] {strides = array<i32>} : memref<80x128xf32, #tpu.memory_space<vmem>>, vector<16xf32>,
      %add3A_210 = arith.addf %get3A_206, %get3A_209 : vector<16xf32>
      %get3A_211 = arith.index_cast %add3A_200 : i32 to index
      %get3A_212 = arith.constant 0 : index
      %get3A_213 = tpu.vector_load %arg23[%get3A_211, %get3A_212] {strides = array<i32>} : memref<80x128xf32, #tpu.memory_space<vmem>>, vector<16xf32>,
      %add3A_214 = arith.addf %add3A_210, %get3A_213 : vector<16xf32>
      %mul3A_215 = arith.constant 2.000000e-01 : f32
      %mul3A_216 = vector.broadcast %mul3A_215 : f32 to vector<16xf32>
      %mul3A_217 = arith.mulf %mul3A_216, %add3A_214 : vector<16xf32>
      %max3A = arith.maximumf %add3A_214, %mul3A_217 : vector<16xf32>
      %mul3A_218 = arith.mulf %max3A, %get3A_57 : vector<16xf32>
      %add3A_219 = arith.addf %broadcast_in_dim3A_5, %mul3A_218 : vector<16xf32>
      %get3A_220 = arith.index_cast %add3A_200 : i32 to index
      %get3A_221 = arith.constant 16 : index
      %get3A_222 = tpu.vector_load %arg21[%get3A_220, %get3A_221] {strides = array<i32>} : memref<80x128xf32, #tpu.memory_space<vmem>>, vector<16xf32>,
      %get3A_223 = arith.index_cast %add3A_200 : i32 to index
      %get3A_224 = arith.constant 16 : index
      %get3A_225 = tpu.vector_load %arg24[%get3A_223, %get3A_224] {strides = array<i32>} : memref<80x128xf32, #tpu.memory_space<vmem>>, vector<16xf32>,
      %add3A_226 = arith.addf %get3A_222, %get3A_225 : vector<16xf32>
      %get3A_227 = arith.index_cast %add3A_200 : i32 to index
      %get3A_228 = arith.constant 16 : index
      %get3A_229 = tpu.vector_load %arg23[%get3A_227, %get3A_228] {strides = array<i32>} : memref<80x128xf32, #tpu.memory_space<vmem>>, vector<16xf32>,
      %add3A_230 = arith.addf %add3A_226, %get3A_229 : vector<16xf32>
      %mul3A_231 = arith.constant 2.000000e-01 : f32
      %mul3A_232 = vector.broadcast %mul3A_231 : f32 to vector<16xf32>
      %mul3A_233 = arith.mulf %mul3A_232, %add3A_230 : vector<16xf32>
      %max3A_234 = arith.maximumf %add3A_230, %mul3A_233 : vector<16xf32>
      %mul3A_235 = arith.mulf %max3A_234, %get3A_59 : vector<16xf32>
      %add3A_236 = arith.addf %broadcast_in_dim3A_5, %mul3A_235 : vector<16xf32>
      %get3A_237 = arith.index_cast %add3A_200 : i32 to index
      %get3A_238 = arith.constant 32 : index
      %get3A_239 = tpu.vector_load %arg21[%get3A_237, %get3A_238] {strides = array<i32>} : memref<80x128xf32, #tpu.memory_space<vmem>>, vector<16xf32>,
      %get3A_240 = arith.index_cast %add3A_200 : i32 to index
      %get3A_241 = arith.constant 32 : index
      %get3A_242 = tpu.vector_load %arg24[%get3A_240, %get3A_241] {strides = array<i32>} : memref<80x128xf32, #tpu.memory_space<vmem>>, vector<16xf32>,
      %add3A_243 = arith.addf %get3A_239, %get3A_242 : vector<16xf32>
      %get3A_244 = arith.index_cast %add3A_200 : i32 to index
      %get3A_245 = arith.constant 32 : index
      %get3A_246 = tpu.vector_load %arg23[%get3A_244, %get3A_245] {strides = array<i32>} : memref<80x128xf32, #tpu.memory_space<vmem>>, vector<16xf32>,
      %add3A_247 = arith.addf %add3A_243, %get3A_246 : vector<16xf32>
      %mul3A_248 = arith.constant 2.000000e-01 : f32
      %mul3A_249 = vector.broadcast %mul3A_248 : f32 to vector<16xf32>
      %mul3A_250 = arith.mulf %mul3A_249, %add3A_247 : vector<16xf32>
      %max3A_251 = arith.maximumf %add3A_247, %mul3A_250 : vector<16xf32>
      %mul3A_252 = arith.mulf %max3A_251, %get3A_61 : vector<16xf32>
      %add3A_253 = arith.addf %add3A_219, %mul3A_252 : vector<16xf32>
      %get3A_254 = arith.index_cast %add3A_200 : i32 to index
      %get3A_255 = arith.constant 48 : index
      %get3A_256 = tpu.vector_load %arg21[%get3A_254, %get3A_255] {strides = array<i32>} : memref<80x128xf32, #tpu.memory_space<vmem>>, vector<16xf32>,
      %get3A_257 = arith.index_cast %add3A_200 : i32 to index
      %get3A_258 = arith.constant 48 : index
      %get3A_259 = tpu.vector_load %arg24[%get3A_257, %get3A_258] {strides = array<i32>} : memref<80x128xf32, #tpu.memory_space<vmem>>, vector<16xf32>,
      %add3A_260 = arith.addf %get3A_256, %get3A_259 : vector<16xf32>
      %get3A_261 = arith.index_cast %add3A_200 : i32 to index
      %get3A_262 = arith.constant 48 : index
      %get3A_263 = tpu.vector_load %arg23[%get3A_261, %get3A_262] {strides = array<i32>} : memref<80x128xf32, #tpu.memory_space<vmem>>, vector<16xf32>,
      %add3A_264 = arith.addf %add3A_260, %get3A_263 : vector<16xf32>
      %mul3A_265 = arith.constant 2.000000e-01 : f32
      %mul3A_266 = vector.broadcast %mul3A_265 : f32 to vector<16xf32>
      %mul3A_267 = arith.mulf %mul3A_266, %add3A_264 : vector<16xf32>
      %max3A_268 = arith.maximumf %add3A_264, %mul3A_267 : vector<16xf32>
      %mul3A_269 = arith.mulf %max3A_268, %get3A_63 : vector<16xf32>
      %add3A_270 = arith.addf %add3A_236, %mul3A_269 : vector<16xf32>
      %get3A_271 = arith.index_cast %add3A_200 : i32 to index
      %get3A_272 = arith.constant 64 : index
      %get3A_273 = tpu.vector_load %arg21[%get3A_271, %get3A_272] {strides = array<i32>} : memref<80x128xf32, #tpu.memory_space<vmem>>, vector<16xf32>,
      %get3A_274 = arith.index_cast %add3A_200 : i32 to index
      %get3A_275 = arith.constant 64 : index
      %get3A_276 = tpu.vector_load %arg24[%get3A_274, %get3A_275] {strides = array<i32>} : memref<80x128xf32, #tpu.memory_space<vmem>>, vector<16xf32>,
      %add3A_277 = arith.addf %get3A_273, %get3A_276 : vector<16xf32>
      %get3A_278 = arith.index_cast %add3A_200 : i32 to index
      %get3A_279 = arith.constant 64 : index
      %get3A_280 = tpu.vector_load %arg23[%get3A_278, %get3A_279] {strides = array<i32>} : memref<80x128xf32, #tpu.memory_space<vmem>>, vector<16xf32>,
      %add3A_281 = arith.addf %add3A_277, %get3A_280 : vector<16xf32>
      %mul3A_282 = arith.constant 2.000000e-01 : f32
      %mul3A_283 = vector.broadcast %mul3A_282 : f32 to vector<16xf32>
      %mul3A_284 = arith.mulf %mul3A_283, %add3A_281 : vector<16xf32>
      %max3A_285 = arith.maximumf %add3A_281, %mul3A_284 : vector<16xf32>
      %mul3A_286 = arith.mulf %max3A_285, %get3A_65 : vector<16xf32>
      %add3A_287 = arith.addf %add3A_253, %mul3A_286 : vector<16xf32>
      %get3A_288 = arith.index_cast %add3A_200 : i32 to index
      %get3A_289 = arith.constant 80 : index
      %get3A_290 = tpu.vector_load %arg21[%get3A_288, %get3A_289] {strides = array<i32>} : memref<80x128xf32, #tpu.memory_space<vmem>>, vector<16xf32>,
      %get3A_291 = arith.index_cast %add3A_200 : i32 to index
      %get3A_292 = arith.constant 80 : index
      %get3A_293 = tpu.vector_load %arg24[%get3A_291, %get3A_292] {strides = array<i32>} : memref<80x128xf32, #tpu.memory_space<vmem>>, vector<16xf32>,
      %add3A_294 = arith.addf %get3A_290, %get3A_293 : vector<16xf32>
      %get3A_295 = arith.index_cast %add3A_200 : i32 to index
      %get3A_296 = arith.constant 80 : index
      %get3A_297 = tpu.vector_load %arg23[%get3A_295, %get3A_296] {strides = array<i32>} : memref<80x128xf32, #tpu.memory_space<vmem>>, vector<16xf32>,
      %add3A_298 = arith.addf %add3A_294, %get3A_297 : vector<16xf32>
      %mul3A_299 = arith.constant 2.000000e-01 : f32
      %mul3A_300 = vector.broadcast %mul3A_299 : f32 to vector<16xf32>
      %mul3A_301 = arith.mulf %mul3A_300, %add3A_298 : vector<16xf32>
      %max3A_302 = arith.maximumf %add3A_298, %mul3A_301 : vector<16xf32>
      %mul3A_303 = arith.mulf %max3A_302, %get3A_67 : vector<16xf32>
      %add3A_304 = arith.addf %add3A_270, %mul3A_303 : vector<16xf32>
      %get3A_305 = arith.index_cast %add3A_200 : i32 to index
      %get3A_306 = arith.constant 96 : index
      %get3A_307 = tpu.vector_load %arg21[%get3A_305, %get3A_306] {strides = array<i32>} : memref<80x128xf32, #tpu.memory_space<vmem>>, vector<16xf32>,
      %get3A_308 = arith.index_cast %add3A_200 : i32 to index
      %get3A_309 = arith.constant 96 : index
      %get3A_310 = tpu.vector_load %arg24[%get3A_308, %get3A_309] {strides = array<i32>} : memref<80x128xf32, #tpu.memory_space<vmem>>, vector<16xf32>,
      %add3A_311 = arith.addf %get3A_307, %get3A_310 : vector<16xf32>
      %get3A_312 = arith.index_cast %add3A_200 : i32 to index
      %get3A_313 = arith.constant 96 : index
      %get3A_314 = tpu.vector_load %arg23[%get3A_312, %get3A_313] {strides = array<i32>} : memref<80x128xf32, #tpu.memory_space<vmem>>, vector<16xf32>,
      %add3A_315 = arith.addf %add3A_311, %get3A_314 : vector<16xf32>
      %mul3A_316 = arith.constant 2.000000e-01 : f32
      %mul3A_317 = vector.broadcast %mul3A_316 : f32 to vector<16xf32>
      %mul3A_318 = arith.mulf %mul3A_317, %add3A_315 : vector<16xf32>
      %max3A_319 = arith.maximumf %add3A_315, %mul3A_318 : vector<16xf32>
      %mul3A_320 = arith.mulf %max3A_319, %get3A_69 : vector<16xf32>
      %add3A_321 = arith.addf %add3A_287, %mul3A_320 : vector<16xf32>
      %get3A_322 = arith.index_cast %add3A_200 : i32 to index
      %get3A_323 = arith.constant 112 : index
      %get3A_324 = tpu.vector_load %arg21[%get3A_322, %get3A_323] {strides = array<i32>} : memref<80x128xf32, #tpu.memory_space<vmem>>, vector<16xf32>,
      %get3A_325 = arith.index_cast %add3A_200 : i32 to index
      %get3A_326 = arith.constant 112 : index
      %get3A_327 = tpu.vector_load %arg24[%get3A_325, %get3A_326] {strides = array<i32>} : memref<80x128xf32, #tpu.memory_space<vmem>>, vector<16xf32>,
      %add3A_328 = arith.addf %get3A_324, %get3A_327 : vector<16xf32>
      %get3A_329 = arith.index_cast %add3A_200 : i32 to index
      %get3A_330 = arith.constant 112 : index
      %get3A_331 = tpu.vector_load %arg23[%get3A_329, %get3A_330] {strides = array<i32>} : memref<80x128xf32, #tpu.memory_space<vmem>>, vector<16xf32>,
      %add3A_332 = arith.addf %add3A_328, %get3A_331 : vector<16xf32>
      %mul3A_333 = arith.constant 2.000000e-01 : f32
      %mul3A_334 = vector.broadcast %mul3A_333 : f32 to vector<16xf32>
      %mul3A_335 = arith.mulf %mul3A_334, %add3A_332 : vector<16xf32>
      %max3A_336 = arith.maximumf %add3A_332, %mul3A_335 : vector<16xf32>
      %mul3A_337 = arith.mulf %max3A_336, %get3A_71 : vector<16xf32>
      %add3A_338 = arith.addf %add3A_304, %mul3A_337 : vector<16xf32>
      %add3A_339 = arith.addf %add3A_321, %add3A_338 : vector<16xf32>
      %reduce_sum3A = arith.constant true
      %reduce_sum3A_340 = vector.broadcast %reduce_sum3A : i1 to vector<16xi1>
      %reduce_sum3A_341 = tpu.scan <sum>, %add3A_339 masked %reduce_sum3A_340 : vector<16xf32>, vector<16xi1> -> vector<16xf32>
      %reduce_sum3A_342 = vector.extract %reduce_sum3A_341[15] : f32 from vector<16xf32>
      %add3A_343 = vector.broadcast %reduce_sum3A_342 : f32 to vector<16xf32>
      %add3A_344 = arith.addf %broadcast_in_dim3A_5, %add3A_343 : vector<16xf32>
      %exp3A = math.exp %add3A_344 : vector<16xf32>
      %get3A_345 = arith.index_cast %sub3A_203 : i32 to index
      %get3A_346 = arith.constant 0 : index
      %get3A_347 = tpu.vector_load %arg12[%get3A_345, %get3A_346] {strides = array<i32>} : memref<320x16xf32, #tpu.memory_space<vmem>>, vector<16xf32>,
      %add3A_348 = arith.addf %get3A_347, %exp3A : vector<16xf32>
      %swap3A_349 = arith.index_cast %sub3A_203 : i32 to index
      %swap3A_350 = arith.constant 0 : index
      %swap3A_351 = tpu.vector_load %arg12[%swap3A_349, %swap3A_350] {strides = array<i32>} : memref<320x16xf32, #tpu.memory_space<vmem>>, vector<16xf32>,
      tpu.vector_store %arg12[%swap3A_349, %swap3A_350], %add3A_348 {strides = array<i32>} : memref<320x16xf32, #tpu.memory_space<vmem>>, vector<16xf32>,
      %get3A_352 = arith.index_cast %add3A_200 : i32 to index
      %get3A_353 = arith.constant 0 : index
      %get3A_354 = tpu.vector_load %arg22[%get3A_352, %get3A_353] {strides = array<i32>} : memref<80x128xf32, #tpu.memory_space<vmem>>, vector<16xf32>,
      %mul3A_355 = arith.mulf %get3A_354, %exp3A : vector<16xf32>
      %get3A_356 = arith.index_cast %sub3A_203 : i32 to index
      %get3A_357 = arith.constant 0 : index
      %get3A_358 = tpu.vector_load %arg11[%get3A_356, %get3A_357] {strides = array<i32>} : memref<320x128xf32, #tpu.memory_space<vmem>>, vector<16xf32>,
      %max3A_359 = arith.maximumf %get3A_358, %mul3A_355 : vector<16xf32>
      %swap3A_360 = arith.index_cast %sub3A_203 : i32 to index
      %swap3A_361 = arith.constant 0 : index
      %swap3A_362 = tpu.vector_load %arg11[%swap3A_360, %swap3A_361] {strides = array<i32>} : memref<320x128xf32, #tpu.memory_space<vmem>>, vector<16xf32>,
      tpu.vector_store %arg11[%swap3A_360, %swap3A_361], %max3A_359 {strides = array<i32>} : memref<320x128xf32, #tpu.memory_space<vmem>>, vector<16xf32>,
      %get3A_363 = arith.index_cast %add3A_200 : i32 to index
      %get3A_364 = arith.constant 16 : index
      %get3A_365 = tpu.vector_load %arg22[%get3A_363, %get3A_364] {strides = array<i32>} : memref<80x128xf32, #tpu.memory_space<vmem>>, vector<16xf32>,
      %mul3A_366 = arith.mulf %get3A_365, %exp3A : vector<16xf32>
      %get3A_367 = arith.index_cast %sub3A_203 : i32 to index
      %get3A_368 = arith.constant 16 : index
      %get3A_369 = tpu.vector_load %arg11[%get3A_367, %get3A_368] {strides = array<i32>} : memref<320x128xf32, #tpu.memory_space<vmem>>, vector<16xf32>,
      %max3A_370 = arith.maximumf %get3A_369, %mul3A_366 : vector<16xf32>
      %swap3A_371 = arith.index_cast %sub3A_203 : i32 to index
      %swap3A_372 = arith.constant 16 : index
      %swap3A_373 = tpu.vector_load %arg11[%swap3A_371, %swap3A_372] {strides = array<i32>} : memref<320x128xf32, #tpu.memory_space<vmem>>, vector<16xf32>,
      tpu.vector_store %arg11[%swap3A_371, %swap3A_372], %max3A_370 {strides = array<i32>} : memref<320x128xf32, #tpu.memory_space<vmem>>, vector<16xf32>,
      %get3A_374 = arith.index_cast %add3A_200 : i32 to index
      %get3A_375 = arith.constant 32 : index
      %get3A_376 = tpu.vector_load %arg22[%get3A_374, %get3A_375] {strides = array<i32>} : memref<80x128xf32, #tpu.memory_space<vmem>>, vector<16xf32>,
      %mul3A_377 = arith.mulf %get3A_376, %exp3A : vector<16xf32>
      %get3A_378 = arith.index_cast %sub3A_203 : i32 to index
      %get3A_379 = arith.constant 32 : index
      %get3A_380 = tpu.vector_load %arg11[%get3A_378, %get3A_379] {strides = array<i32>} : memref<320x128xf32, #tpu.memory_space<vmem>>, vector<16xf32>,
      %max3A_381 = arith.maximumf %get3A_380, %mul3A_377 : vector<16xf32>
      %swap3A_382 = arith.index_cast %sub3A_203 : i32 to index
      %swap3A_383 = arith.constant 32 : index
      %swap3A_384 = tpu.vector_load %arg11[%swap3A_382, %swap3A_383] {strides = array<i32>} : memref<320x128xf32, #tpu.memory_space<vmem>>, vector<16xf32>,
      tpu.vector_store %arg11[%swap3A_382, %swap3A_383], %max3A_381 {strides = array<i32>} : memref<320x128xf32, #tpu.memory_space<vmem>>, vector<16xf32>,
      %get3A_385 = arith.index_cast %add3A_200 : i32 to index
      %get3A_386 = arith.constant 48 : index
      %get3A_387 = tpu.vector_load %arg22[%get3A_385, %get3A_386] {strides = array<i32>} : memref<80x128xf32, #tpu.memory_space<vmem>>, vector<16xf32>,
      %mul3A_388 = arith.mulf %get3A_387, %exp3A : vector<16xf32>
      %get3A_389 = arith.index_cast %sub3A_203 : i32 to index
      %get3A_390 = arith.constant 48 : index
      %get3A_391 = tpu.vector_load %arg11[%get3A_389, %get3A_390] {strides = array<i32>} : memref<320x128xf32, #tpu.memory_space<vmem>>, vector<16xf32>,
      %max3A_392 = arith.maximumf %get3A_391, %mul3A_388 : vector<16xf32>
      %swap3A_393 = arith.index_cast %sub3A_203 : i32 to index
      %swap3A_394 = arith.constant 48 : index
      %swap3A_395 = tpu.vector_load %arg11[%swap3A_393, %swap3A_394] {strides = array<i32>} : memref<320x128xf32, #tpu.memory_space<vmem>>, vector<16xf32>,
      tpu.vector_store %arg11[%swap3A_393, %swap3A_394], %max3A_392 {strides = array<i32>} : memref<320x128xf32, #tpu.memory_space<vmem>>, vector<16xf32>,
      %get3A_396 = arith.index_cast %add3A_200 : i32 to index
      %get3A_397 = arith.constant 64 : index
      %get3A_398 = tpu.vector_load %arg22[%get3A_396, %get3A_397] {strides = array<i32>} : memref<80x128xf32, #tpu.memory_space<vmem>>, vector<16xf32>,
      %mul3A_399 = arith.mulf %get3A_398, %exp3A : vector<16xf32>
      %get3A_400 = arith.index_cast %sub3A_203 : i32 to index
      %get3A_401 = arith.constant 64 : index
      %get3A_402 = tpu.vector_load %arg11[%get3A_400, %get3A_401] {strides = array<i32>} : memref<320x128xf32, #tpu.memory_space<vmem>>, vector<16xf32>,
      %max3A_403 = arith.maximumf %get3A_402, %mul3A_399 : vector<16xf32>
      %swap3A_404 = arith.index_cast %sub3A_203 : i32 to index
      %swap3A_405 = arith.constant 64 : index
      %swap3A_406 = tpu.vector_load %arg11[%swap3A_404, %swap3A_405] {strides = array<i32>} : memref<320x128xf32, #tpu.memory_space<vmem>>, vector<16xf32>,
      tpu.vector_store %arg11[%swap3A_404, %swap3A_405], %max3A_403 {strides = array<i32>} : memref<320x128xf32, #tpu.memory_space<vmem>>, vector<16xf32>,
      %get3A_407 = arith.index_cast %add3A_200 : i32 to index
      %get3A_408 = arith.constant 80 : index
      %get3A_409 = tpu.vector_load %arg22[%get3A_407, %get3A_408] {strides = array<i32>} : memref<80x128xf32, #tpu.memory_space<vmem>>, vector<16xf32>,
      %mul3A_410 = arith.mulf %get3A_409, %exp3A : vector<16xf32>
      %get3A_411 = arith.index_cast %sub3A_203 : i32 to index
      %get3A_412 = arith.constant 80 : index
      %get3A_413 = tpu.vector_load %arg11[%get3A_411, %get3A_412] {strides = array<i32>} : memref<320x128xf32, #tpu.memory_space<vmem>>, vector<16xf32>,
      %max3A_414 = arith.maximumf %get3A_413, %mul3A_410 : vector<16xf32>
      %swap3A_415 = arith.index_cast %sub3A_203 : i32 to index
      %swap3A_416 = arith.constant 80 : index
      %swap3A_417 = tpu.vector_load %arg11[%swap3A_415, %swap3A_416] {strides = array<i32>} : memref<320x128xf32, #tpu.memory_space<vmem>>, vector<16xf32>,
      tpu.vector_store %arg11[%swap3A_415, %swap3A_416], %max3A_414 {strides = array<i32>} : memref<320x128xf32, #tpu.memory_space<vmem>>, vector<16xf32>,
      %get3A_418 = arith.index_cast %add3A_200 : i32 to index
      %get3A_419 = arith.constant 96 : index
      %get3A_420 = tpu.vector_load %arg22[%get3A_418, %get3A_419] {strides = array<i32>} : memref<80x128xf32, #tpu.memory_space<vmem>>, vector<16xf32>,
      %mul3A_421 = arith.mulf %get3A_420, %exp3A : vector<16xf32>
      %get3A_422 = arith.index_cast %sub3A_203 : i32 to index
      %get3A_423 = arith.constant 96 : index
      %get3A_424 = tpu.vector_load %arg11[%get3A_422, %get3A_423] {strides = array<i32>} : memref<320x128xf32, #tpu.memory_space<vmem>>, vector<16xf32>,
      %max3A_425 = arith.maximumf %get3A_424, %mul3A_421 : vector<16xf32>
      %swap3A_426 = arith.index_cast %sub3A_203 : i32 to index
      %swap3A_427 = arith.constant 96 : index
      %swap3A_428 = tpu.vector_load %arg11[%swap3A_426, %swap3A_427] {strides = array<i32>} : memref<320x128xf32, #tpu.memory_space<vmem>>, vector<16xf32>,
      tpu.vector_store %arg11[%swap3A_426, %swap3A_427], %max3A_425 {strides = array<i32>} : memref<320x128xf32, #tpu.memory_space<vmem>>, vector<16xf32>,
      %get3A_429 = arith.index_cast %add3A_200 : i32 to index
      %get3A_430 = arith.constant 112 : index
      %get3A_431 = tpu.vector_load %arg22[%get3A_429, %get3A_430] {strides = array<i32>} : memref<80x128xf32, #tpu.memory_space<vmem>>, vector<16xf32>,
      %mul3A_432 = arith.mulf %get3A_431, %exp3A : vector<16xf32>
      %get3A_433 = arith.index_cast %sub3A_203 : i32 to index
      %get3A_434 = arith.constant 112 : index
      %get3A_435 = tpu.vector_load %arg11[%get3A_433, %get3A_434] {strides = array<i32>} : memref<320x128xf32, #tpu.memory_space<vmem>>, vector<16xf32>,
      %max3A_436 = arith.maximumf %get3A_435, %mul3A_432 : vector<16xf32>
      %swap3A_437 = arith.index_cast %sub3A_203 : i32 to index
      %swap3A_438 = arith.constant 112 : index
      %swap3A_439 = tpu.vector_load %arg11[%swap3A_437, %swap3A_438] {strides = array<i32>} : memref<320x128xf32, #tpu.memory_space<vmem>>, vector<16xf32>,
      tpu.vector_store %arg11[%swap3A_437, %swap3A_438], %max3A_436 {strides = array<i32>} : memref<320x128xf32, #tpu.memory_space<vmem>>, vector<16xf32>,
    }
    %add3A_142 = arith.constant 0 : i32
    %add3A_143 = arith.addi %mul3A_2, %add3A_142 : i32
    "tpu.region"() ({
      %run_scoped3A = tpu.sem_alloc : memref<!tpu.dma_semaphore, #tpu.memory_space<semaphore_mem>>
      %dma_start3A_198 = arith.constant 0 : i32
      %dma_start3A_199 = arith.constant 0 : i32
      %dma_start3A_200 = tpu.memref_slice %arg21[%dma_start3A_198, %dma_start3A_199] : memref<80x128xf32, #tpu.memory_space<vmem>> -> memref<40x128xf32, #tpu.memory_space<vmem>>
      %dma_start3A_201 = arith.constant 0 : i32
      %dma_start3A_202 = tpu.memref_slice %arg8[%add3A_143, %dma_start3A_201] : memref<10240x128xf32, #tpu.memory_space<hbm>> -> memref<40x128xf32, #tpu.memory_space<hbm>>
      %dma_start3A_203 = arith.constant 0 : i32
      %dma_start3A_204 = arith.constant 0 : i32
      %dma_start3A_205 = tpu.memref_slice %arg21[%dma_start3A_203, %dma_start3A_204] : memref<80x128xf32, #tpu.memory_space<vmem>> -> memref<40x128xf32, #tpu.memory_space<vmem>>
      %dma_start3A_206 = arith.constant 0 : i32
      %dma_start3A_207 = tpu.memref_slice %arg8[%add3A_143, %dma_start3A_206] : memref<10240x128xf32, #tpu.memory_space<hbm>> -> memref<40x128xf32, #tpu.memory_space<hbm>>
      tpu.enqueue_dma source(%dma_start3A_207 : memref<40x128xf32, #tpu.memory_space<hbm>>) target(%dma_start3A_205 : memref<40x128xf32, #tpu.memory_space<vmem>>) target_semaphore(%run_scoped3A : memref<!tpu.dma_semaphore, #tpu.memory_space<semaphore_mem>>)
      %dma_wait3A_208 = arith.constant 0 : i32
      %dma_wait3A_209 = arith.constant 0 : i32
      %dma_wait3A_210 = tpu.memref_slice %arg21[%dma_wait3A_208, %dma_wait3A_209] : memref<80x128xf32, #tpu.memory_space<vmem>> -> memref<40x128xf32, #tpu.memory_space<vmem>>
      %dma_wait3A_211 = arith.constant 0 : i32
      %dma_wait3A_212 = tpu.memref_slice %arg8[%add3A_143, %dma_wait3A_211] : memref<10240x128xf32, #tpu.memory_space<hbm>> -> memref<40x128xf32, #tpu.memory_space<hbm>>
      %dma_wait3A_213 = arith.constant 0 : i32
      %dma_wait3A_214 = arith.constant 0 : i32
      %dma_wait3A_215 = tpu.memref_slice %arg21[%dma_wait3A_213, %dma_wait3A_214] : memref<80x128xf32, #tpu.memory_space<vmem>> -> memref<40x128xf32, #tpu.memory_space<vmem>>
      %dma_wait3A_216 = arith.constant 0 : i32
      %dma_wait3A_217 = tpu.memref_slice %arg8[%add3A_143, %dma_wait3A_216] : memref<10240x128xf32, #tpu.memory_space<hbm>> -> memref<40x128xf32, #tpu.memory_space<hbm>>
      tpu.wait_dma2 semaphore(%run_scoped3A : memref<!tpu.dma_semaphore, #tpu.memory_space<semaphore_mem>>) src(%dma_wait3A_217 : memref<40x128xf32, #tpu.memory_space<hbm>>) dst(%dma_wait3A_215 : memref<40x128xf32, #tpu.memory_space<vmem>>)
      tpu.yield
    }) : () -> ()
    %scan3A_144 = arith.constant 0 : i32
    %scan3A_145 = arith.constant 40 : i32
    %scan3A_146 = arith.addi %scan3A_144, %scan3A_145 : i32
    %scan3A_147 = arith.constant 1 : i32
    scf.for %scan3A_198 = %scan3A_144 to %scan3A_146 step %scan3A_147  : i32 {
      %mul3A_199 = arith.constant 1 : i32
      %mul3A_200 = arith.muli %scan3A_198, %mul3A_199 : i32
      %add3A_201 = arith.constant 0 : i32
      %add3A_202 = arith.addi %add3A_201, %mul3A_200 : i32
      %add3A_203 = arith.constant 0 : i32
      %add3A_204 = arith.addi %add3A_203, %add3A_202 : i32
      %get3A_205 = arith.index_cast %add3A_204 : i32 to index
      %get3A_206 = arith.constant 0 : index
      %get3A_207 = tpu.vector_load %arg12[%get3A_205, %get3A_206] {strides = array<i32>} : memref<320x16xf32, #tpu.memory_space<vmem>>, vector<16xf32>,
      %add3A_208 = arith.constant 1.000000e-16 : f32
      %add3A_209 = vector.broadcast %add3A_208 : f32 to vector<16xf32>
      %add3A_210 = arith.addf %get3A_207, %add3A_209 : vector<16xf32>
      %get3A_211 = arith.index_cast %add3A_204 : i32 to index
      %get3A_212 = arith.constant 0 : index
      %get3A_213 = tpu.vector_load %arg11[%get3A_211, %get3A_212] {strides = array<i32>} : memref<320x128xf32, #tpu.memory_space<vmem>>, vector<16xf32>,
      %gt3A = arith.constant -3.000000e+38 : f32
      %gt3A_214 = vector.broadcast %gt3A : f32 to vector<16xf32>
      %gt3A_215 = arith.cmpf ogt, %get3A_213, %gt3A_214 : vector<16xf32>
      %div3A_216 = arith.divf %get3A_213, %add3A_210 : vector<16xf32>
      %max3A = arith.constant -1.000000e+09 : f32
      %max3A_217 = vector.broadcast %max3A : f32 to vector<16xf32>
      %max3A_218 = arith.maximumf %div3A_216, %max3A_217 : vector<16xf32>
      %min3A = arith.constant 1.000000e+09 : f32
      %min3A_219 = vector.broadcast %min3A : f32 to vector<16xf32>
      %min3A_220 = arith.minimumf %max3A_218, %min3A_219 : vector<16xf32>
      %jit3A = arith.constant 0.000000e+00 : f32
      %broadcast_in_dim3A_221 = vector.broadcast %jit3A : f32 to vector<16xf32>
      %select_n3A = arith.select %gt3A_215, %min3A_220, %broadcast_in_dim3A_221 : vector<16xi1>, vector<16xf32>
      %get3A_222 = arith.index_cast %add3A_202 : i32 to index
      %get3A_223 = arith.constant 0 : index
      %get3A_224 = tpu.vector_load %arg21[%get3A_222, %get3A_223] {strides = array<i32>} : memref<80x128xf32, #tpu.memory_space<vmem>>, vector<16xf32>,
      %add3A_225 = arith.addf %select_n3A, %get3A_224 : vector<16xf32>
      %swap3A_226 = arith.index_cast %add3A_204 : i32 to index
      %swap3A_227 = arith.constant 0 : index
      %swap3A_228 = tpu.vector_load %arg11[%swap3A_226, %swap3A_227] {strides = array<i32>} : memref<320x128xf32, #tpu.memory_space<vmem>>, vector<16xf32>,
      tpu.vector_store %arg11[%swap3A_226, %swap3A_227], %add3A_225 {strides = array<i32>} : memref<320x128xf32, #tpu.memory_space<vmem>>, vector<16xf32>,
      %get3A_229 = arith.index_cast %add3A_204 : i32 to index
      %get3A_230 = arith.constant 16 : index
      %get3A_231 = tpu.vector_load %arg11[%get3A_229, %get3A_230] {strides = array<i32>} : memref<320x128xf32, #tpu.memory_space<vmem>>, vector<16xf32>,
      %gt3A_232 = arith.constant -3.000000e+38 : f32
      %gt3A_233 = vector.broadcast %gt3A_232 : f32 to vector<16xf32>
      %gt3A_234 = arith.cmpf ogt, %get3A_231, %gt3A_233 : vector<16xf32>
      %div3A_235 = arith.divf %get3A_231, %add3A_210 : vector<16xf32>
      %max3A_236 = arith.constant -1.000000e+09 : f32
      %max3A_237 = vector.broadcast %max3A_236 : f32 to vector<16xf32>
      %max3A_238 = arith.maximumf %div3A_235, %max3A_237 : vector<16xf32>
      %min3A_239 = arith.constant 1.000000e+09 : f32
      %min3A_240 = vector.broadcast %min3A_239 : f32 to vector<16xf32>
      %min3A_241 = arith.minimumf %max3A_238, %min3A_240 : vector<16xf32>
      %jit3A_242 = arith.constant 0.000000e+00 : f32
      %broadcast_in_dim3A_243 = vector.broadcast %jit3A_242 : f32 to vector<16xf32>
      %select_n3A_244 = arith.select %gt3A_234, %min3A_241, %broadcast_in_dim3A_243 : vector<16xi1>, vector<16xf32>
      %get3A_245 = arith.index_cast %add3A_202 : i32 to index
      %get3A_246 = arith.constant 16 : index
      %get3A_247 = tpu.vector_load %arg21[%get3A_245, %get3A_246] {strides = array<i32>} : memref<80x128xf32, #tpu.memory_space<vmem>>, vector<16xf32>,
      %add3A_248 = arith.addf %select_n3A_244, %get3A_247 : vector<16xf32>
      %swap3A_249 = arith.index_cast %add3A_204 : i32 to index
      %swap3A_250 = arith.constant 16 : index
      %swap3A_251 = tpu.vector_load %arg11[%swap3A_249, %swap3A_250] {strides = array<i32>} : memref<320x128xf32, #tpu.memory_space<vmem>>, vector<16xf32>,
      tpu.vector_store %arg11[%swap3A_249, %swap3A_250], %add3A_248 {strides = array<i32>} : memref<320x128xf32, #tpu.memory_space<vmem>>, vector<16xf32>,
      %get3A_252 = arith.index_cast %add3A_204 : i32 to index
      %get3A_253 = arith.constant 32 : index
      %get3A_254 = tpu.vector_load %arg11[%get3A_252, %get3A_253] {strides = array<i32>} : memref<320x128xf32, #tpu.memory_space<vmem>>, vector<16xf32>,
      %gt3A_255 = arith.constant -3.000000e+38 : f32
      %gt3A_256 = vector.broadcast %gt3A_255 : f32 to vector<16xf32>
      %gt3A_257 = arith.cmpf ogt, %get3A_254, %gt3A_256 : vector<16xf32>
      %div3A_258 = arith.divf %get3A_254, %add3A_210 : vector<16xf32>
      %max3A_259 = arith.constant -1.000000e+09 : f32
      %max3A_260 = vector.broadcast %max3A_259 : f32 to vector<16xf32>
      %max3A_261 = arith.maximumf %div3A_258, %max3A_260 : vector<16xf32>
      %min3A_262 = arith.constant 1.000000e+09 : f32
      %min3A_263 = vector.broadcast %min3A_262 : f32 to vector<16xf32>
      %min3A_264 = arith.minimumf %max3A_261, %min3A_263 : vector<16xf32>
      %jit3A_265 = arith.constant 0.000000e+00 : f32
      %broadcast_in_dim3A_266 = vector.broadcast %jit3A_265 : f32 to vector<16xf32>
      %select_n3A_267 = arith.select %gt3A_257, %min3A_264, %broadcast_in_dim3A_266 : vector<16xi1>, vector<16xf32>
      %get3A_268 = arith.index_cast %add3A_202 : i32 to index
      %get3A_269 = arith.constant 32 : index
      %get3A_270 = tpu.vector_load %arg21[%get3A_268, %get3A_269] {strides = array<i32>} : memref<80x128xf32, #tpu.memory_space<vmem>>, vector<16xf32>,
      %add3A_271 = arith.addf %select_n3A_267, %get3A_270 : vector<16xf32>
      %swap3A_272 = arith.index_cast %add3A_204 : i32 to index
      %swap3A_273 = arith.constant 32 : index
      %swap3A_274 = tpu.vector_load %arg11[%swap3A_272, %swap3A_273] {strides = array<i32>} : memref<320x128xf32, #tpu.memory_space<vmem>>, vector<16xf32>,
      tpu.vector_store %arg11[%swap3A_272, %swap3A_273], %add3A_271 {strides = array<i32>} : memref<320x128xf32, #tpu.memory_space<vmem>>, vector<16xf32>,
      %get3A_275 = arith.index_cast %add3A_204 : i32 to index
      %get3A_276 = arith.constant 48 : index
      %get3A_277 = tpu.vector_load %arg11[%get3A_275, %get3A_276] {strides = array<i32>} : memref<320x128xf32, #tpu.memory_space<vmem>>, vector<16xf32>,
      %gt3A_278 = arith.constant -3.000000e+38 : f32
      %gt3A_279 = vector.broadcast %gt3A_278 : f32 to vector<16xf32>
      %gt3A_280 = arith.cmpf ogt, %get3A_277, %gt3A_279 : vector<16xf32>
      %div3A_281 = arith.divf %get3A_277, %add3A_210 : vector<16xf32>
      %max3A_282 = arith.constant -1.000000e+09 : f32
      %max3A_283 = vector.broadcast %max3A_282 : f32 to vector<16xf32>
      %max3A_284 = arith.maximumf %div3A_281, %max3A_283 : vector<16xf32>
      %min3A_285 = arith.constant 1.000000e+09 : f32
      %min3A_286 = vector.broadcast %min3A_285 : f32 to vector<16xf32>
      %min3A_287 = arith.minimumf %max3A_284, %min3A_286 : vector<16xf32>
      %jit3A_288 = arith.constant 0.000000e+00 : f32
      %broadcast_in_dim3A_289 = vector.broadcast %jit3A_288 : f32 to vector<16xf32>
      %select_n3A_290 = arith.select %gt3A_280, %min3A_287, %broadcast_in_dim3A_289 : vector<16xi1>, vector<16xf32>
      %get3A_291 = arith.index_cast %add3A_202 : i32 to index
      %get3A_292 = arith.constant 48 : index
      %get3A_293 = tpu.vector_load %arg21[%get3A_291, %get3A_292] {strides = array<i32>} : memref<80x128xf32, #tpu.memory_space<vmem>>, vector<16xf32>,
      %add3A_294 = arith.addf %select_n3A_290, %get3A_293 : vector<16xf32>
      %swap3A_295 = arith.index_cast %add3A_204 : i32 to index
      %swap3A_296 = arith.constant 48 : index
      %swap3A_297 = tpu.vector_load %arg11[%swap3A_295, %swap3A_296] {strides = array<i32>} : memref<320x128xf32, #tpu.memory_space<vmem>>, vector<16xf32>,
      tpu.vector_store %arg11[%swap3A_295, %swap3A_296], %add3A_294 {strides = array<i32>} : memref<320x128xf32, #tpu.memory_space<vmem>>, vector<16xf32>,
      %get3A_298 = arith.index_cast %add3A_204 : i32 to index
      %get3A_299 = arith.constant 64 : index
      %get3A_300 = tpu.vector_load %arg11[%get3A_298, %get3A_299] {strides = array<i32>} : memref<320x128xf32, #tpu.memory_space<vmem>>, vector<16xf32>,
      %gt3A_301 = arith.constant -3.000000e+38 : f32
      %gt3A_302 = vector.broadcast %gt3A_301 : f32 to vector<16xf32>
      %gt3A_303 = arith.cmpf ogt, %get3A_300, %gt3A_302 : vector<16xf32>
      %div3A_304 = arith.divf %get3A_300, %add3A_210 : vector<16xf32>
      %max3A_305 = arith.constant -1.000000e+09 : f32
      %max3A_306 = vector.broadcast %max3A_305 : f32 to vector<16xf32>
      %max3A_307 = arith.maximumf %div3A_304, %max3A_306 : vector<16xf32>
      %min3A_308 = arith.constant 1.000000e+09 : f32
      %min3A_309 = vector.broadcast %min3A_308 : f32 to vector<16xf32>
      %min3A_310 = arith.minimumf %max3A_307, %min3A_309 : vector<16xf32>
      %jit3A_311 = arith.constant 0.000000e+00 : f32
      %broadcast_in_dim3A_312 = vector.broadcast %jit3A_311 : f32 to vector<16xf32>
      %select_n3A_313 = arith.select %gt3A_303, %min3A_310, %broadcast_in_dim3A_312 : vector<16xi1>, vector<16xf32>
      %get3A_314 = arith.index_cast %add3A_202 : i32 to index
      %get3A_315 = arith.constant 64 : index
      %get3A_316 = tpu.vector_load %arg21[%get3A_314, %get3A_315] {strides = array<i32>} : memref<80x128xf32, #tpu.memory_space<vmem>>, vector<16xf32>,
      %add3A_317 = arith.addf %select_n3A_313, %get3A_316 : vector<16xf32>
      %swap3A_318 = arith.index_cast %add3A_204 : i32 to index
      %swap3A_319 = arith.constant 64 : index
      %swap3A_320 = tpu.vector_load %arg11[%swap3A_318, %swap3A_319] {strides = array<i32>} : memref<320x128xf32, #tpu.memory_space<vmem>>, vector<16xf32>,
      tpu.vector_store %arg11[%swap3A_318, %swap3A_319], %add3A_317 {strides = array<i32>} : memref<320x128xf32, #tpu.memory_space<vmem>>, vector<16xf32>,
      %get3A_321 = arith.index_cast %add3A_204 : i32 to index
      %get3A_322 = arith.constant 80 : index
      %get3A_323 = tpu.vector_load %arg11[%get3A_321, %get3A_322] {strides = array<i32>} : memref<320x128xf32, #tpu.memory_space<vmem>>, vector<16xf32>,
      %gt3A_324 = arith.constant -3.000000e+38 : f32
      %gt3A_325 = vector.broadcast %gt3A_324 : f32 to vector<16xf32>
      %gt3A_326 = arith.cmpf ogt, %get3A_323, %gt3A_325 : vector<16xf32>
      %div3A_327 = arith.divf %get3A_323, %add3A_210 : vector<16xf32>
      %max3A_328 = arith.constant -1.000000e+09 : f32
      %max3A_329 = vector.broadcast %max3A_328 : f32 to vector<16xf32>
      %max3A_330 = arith.maximumf %div3A_327, %max3A_329 : vector<16xf32>
      %min3A_331 = arith.constant 1.000000e+09 : f32
      %min3A_332 = vector.broadcast %min3A_331 : f32 to vector<16xf32>
      %min3A_333 = arith.minimumf %max3A_330, %min3A_332 : vector<16xf32>
      %jit3A_334 = arith.constant 0.000000e+00 : f32
      %broadcast_in_dim3A_335 = vector.broadcast %jit3A_334 : f32 to vector<16xf32>
      %select_n3A_336 = arith.select %gt3A_326, %min3A_333, %broadcast_in_dim3A_335 : vector<16xi1>, vector<16xf32>
      %get3A_337 = arith.index_cast %add3A_202 : i32 to index
      %get3A_338 = arith.constant 80 : index
      %get3A_339 = tpu.vector_load %arg21[%get3A_337, %get3A_338] {strides = array<i32>} : memref<80x128xf32, #tpu.memory_space<vmem>>, vector<16xf32>,
      %add3A_340 = arith.addf %select_n3A_336, %get3A_339 : vector<16xf32>
      %swap3A_341 = arith.index_cast %add3A_204 : i32 to index
      %swap3A_342 = arith.constant 80 : index
      %swap3A_343 = tpu.vector_load %arg11[%swap3A_341, %swap3A_342] {strides = array<i32>} : memref<320x128xf32, #tpu.memory_space<vmem>>, vector<16xf32>,
      tpu.vector_store %arg11[%swap3A_341, %swap3A_342], %add3A_340 {strides = array<i32>} : memref<320x128xf32, #tpu.memory_space<vmem>>, vector<16xf32>,
      %get3A_344 = arith.index_cast %add3A_204 : i32 to index
      %get3A_345 = arith.constant 96 : index
      %get3A_346 = tpu.vector_load %arg11[%get3A_344, %get3A_345] {strides = array<i32>} : memref<320x128xf32, #tpu.memory_space<vmem>>, vector<16xf32>,
      %gt3A_347 = arith.constant -3.000000e+38 : f32
      %gt3A_348 = vector.broadcast %gt3A_347 : f32 to vector<16xf32>
      %gt3A_349 = arith.cmpf ogt, %get3A_346, %gt3A_348 : vector<16xf32>
      %div3A_350 = arith.divf %get3A_346, %add3A_210 : vector<16xf32>
      %max3A_351 = arith.constant -1.000000e+09 : f32
      %max3A_352 = vector.broadcast %max3A_351 : f32 to vector<16xf32>
      %max3A_353 = arith.maximumf %div3A_350, %max3A_352 : vector<16xf32>
      %min3A_354 = arith.constant 1.000000e+09 : f32
      %min3A_355 = vector.broadcast %min3A_354 : f32 to vector<16xf32>
      %min3A_356 = arith.minimumf %max3A_353, %min3A_355 : vector<16xf32>
      %jit3A_357 = arith.constant 0.000000e+00 : f32
      %broadcast_in_dim3A_358 = vector.broadcast %jit3A_357 : f32 to vector<16xf32>
      %select_n3A_359 = arith.select %gt3A_349, %min3A_356, %broadcast_in_dim3A_358 : vector<16xi1>, vector<16xf32>
      %get3A_360 = arith.index_cast %add3A_202 : i32 to index
      %get3A_361 = arith.constant 96 : index
      %get3A_362 = tpu.vector_load %arg21[%get3A_360, %get3A_361] {strides = array<i32>} : memref<80x128xf32, #tpu.memory_space<vmem>>, vector<16xf32>,
      %add3A_363 = arith.addf %select_n3A_359, %get3A_362 : vector<16xf32>
      %swap3A_364 = arith.index_cast %add3A_204 : i32 to index
      %swap3A_365 = arith.constant 96 : index
      %swap3A_366 = tpu.vector_load %arg11[%swap3A_364, %swap3A_365] {strides = array<i32>} : memref<320x128xf32, #tpu.memory_space<vmem>>, vector<16xf32>,
      tpu.vector_store %arg11[%swap3A_364, %swap3A_365], %add3A_363 {strides = array<i32>} : memref<320x128xf32, #tpu.memory_space<vmem>>, vector<16xf32>,
      %get3A_367 = arith.index_cast %add3A_204 : i32 to index
      %get3A_368 = arith.constant 112 : index
      %get3A_369 = tpu.vector_load %arg11[%get3A_367, %get3A_368] {strides = array<i32>} : memref<320x128xf32, #tpu.memory_space<vmem>>, vector<16xf32>,
      %gt3A_370 = arith.constant -3.000000e+38 : f32
      %gt3A_371 = vector.broadcast %gt3A_370 : f32 to vector<16xf32>
      %gt3A_372 = arith.cmpf ogt, %get3A_369, %gt3A_371 : vector<16xf32>
      %div3A_373 = arith.divf %get3A_369, %add3A_210 : vector<16xf32>
      %max3A_374 = arith.constant -1.000000e+09 : f32
      %max3A_375 = vector.broadcast %max3A_374 : f32 to vector<16xf32>
      %max3A_376 = arith.maximumf %div3A_373, %max3A_375 : vector<16xf32>
      %min3A_377 = arith.constant 1.000000e+09 : f32
      %min3A_378 = vector.broadcast %min3A_377 : f32 to vector<16xf32>
      %min3A_379 = arith.minimumf %max3A_376, %min3A_378 : vector<16xf32>
      %jit3A_380 = arith.constant 0.000000e+00 : f32
      %broadcast_in_dim3A_381 = vector.broadcast %jit3A_380 : f32 to vector<16xf32>
      %select_n3A_382 = arith.select %gt3A_372, %min3A_379, %broadcast_in_dim3A_381 : vector<16xi1>, vector<16xf32>
      %get3A_383 = arith.index_cast %add3A_202 : i32 to index
      %get3A_384 = arith.constant 112 : index
      %get3A_385 = tpu.vector_load %arg21[%get3A_383, %get3A_384] {strides = array<i32>} : memref<80x128xf32, #tpu.memory_space<vmem>>, vector<16xf32>,
      %add3A_386 = arith.addf %select_n3A_382, %get3A_385 : vector<16xf32>
      %swap3A_387 = arith.index_cast %add3A_204 : i32 to index
      %swap3A_388 = arith.constant 112 : index
      %swap3A_389 = tpu.vector_load %arg11[%swap3A_387, %swap3A_388] {strides = array<i32>} : memref<320x128xf32, #tpu.memory_space<vmem>>, vector<16xf32>,
      tpu.vector_store %arg11[%swap3A_387, %swap3A_388], %add3A_386 {strides = array<i32>} : memref<320x128xf32, #tpu.memory_space<vmem>>, vector<16xf32>,
    }
    %scan3A_148 = arith.constant 40 : i32
    %add3A_149 = arith.constant 40 : i32
    %add3A_150 = arith.addi %mul3A_2, %add3A_149 : i32
    "tpu.region"() ({
      %run_scoped3A = tpu.sem_alloc : memref<!tpu.dma_semaphore, #tpu.memory_space<semaphore_mem>>
      %dma_start3A_198 = arith.constant 0 : i32
      %dma_start3A_199 = arith.constant 0 : i32
      %dma_start3A_200 = tpu.memref_slice %arg21[%dma_start3A_198, %dma_start3A_199] : memref<80x128xf32, #tpu.memory_space<vmem>> -> memref<40x128xf32, #tpu.memory_space<vmem>>
      %dma_start3A_201 = arith.constant 0 : i32
      %dma_start3A_202 = tpu.memref_slice %arg8[%add3A_150, %dma_start3A_201] : memref<10240x128xf32, #tpu.memory_space<hbm>> -> memref<40x128xf32, #tpu.memory_space<hbm>>
      %dma_start3A_203 = arith.constant 0 : i32
      %dma_start3A_204 = arith.constant 0 : i32
      %dma_start3A_205 = tpu.memref_slice %arg21[%dma_start3A_203, %dma_start3A_204] : memref<80x128xf32, #tpu.memory_space<vmem>> -> memref<40x128xf32, #tpu.memory_space<vmem>>
      %dma_start3A_206 = arith.constant 0 : i32
      %dma_start3A_207 = tpu.memref_slice %arg8[%add3A_150, %dma_start3A_206] : memref<10240x128xf32, #tpu.memory_space<hbm>> -> memref<40x128xf32, #tpu.memory_space<hbm>>
      tpu.enqueue_dma source(%dma_start3A_207 : memref<40x128xf32, #tpu.memory_space<hbm>>) target(%dma_start3A_205 : memref<40x128xf32, #tpu.memory_space<vmem>>) target_semaphore(%run_scoped3A : memref<!tpu.dma_semaphore, #tpu.memory_space<semaphore_mem>>)
      %dma_wait3A_208 = arith.constant 0 : i32
      %dma_wait3A_209 = arith.constant 0 : i32
      %dma_wait3A_210 = tpu.memref_slice %arg21[%dma_wait3A_208, %dma_wait3A_209] : memref<80x128xf32, #tpu.memory_space<vmem>> -> memref<40x128xf32, #tpu.memory_space<vmem>>
      %dma_wait3A_211 = arith.constant 0 : i32
      %dma_wait3A_212 = tpu.memref_slice %arg8[%add3A_150, %dma_wait3A_211] : memref<10240x128xf32, #tpu.memory_space<hbm>> -> memref<40x128xf32, #tpu.memory_space<hbm>>
      %dma_wait3A_213 = arith.constant 0 : i32
      %dma_wait3A_214 = arith.constant 0 : i32
      %dma_wait3A_215 = tpu.memref_slice %arg21[%dma_wait3A_213, %dma_wait3A_214] : memref<80x128xf32, #tpu.memory_space<vmem>> -> memref<40x128xf32, #tpu.memory_space<vmem>>
      %dma_wait3A_216 = arith.constant 0 : i32
      %dma_wait3A_217 = tpu.memref_slice %arg8[%add3A_150, %dma_wait3A_216] : memref<10240x128xf32, #tpu.memory_space<hbm>> -> memref<40x128xf32, #tpu.memory_space<hbm>>
      tpu.wait_dma2 semaphore(%run_scoped3A : memref<!tpu.dma_semaphore, #tpu.memory_space<semaphore_mem>>) src(%dma_wait3A_217 : memref<40x128xf32, #tpu.memory_space<hbm>>) dst(%dma_wait3A_215 : memref<40x128xf32, #tpu.memory_space<vmem>>)
      tpu.yield
    }) : () -> ()
    %scan3A_151 = arith.constant 0 : i32
    %scan3A_152 = arith.constant 40 : i32
    %scan3A_153 = arith.addi %scan3A_151, %scan3A_152 : i32
    %scan3A_154 = arith.constant 1 : i32
    scf.for %scan3A_198 = %scan3A_151 to %scan3A_153 step %scan3A_154  : i32 {
      %mul3A_199 = arith.constant 1 : i32
      %mul3A_200 = arith.muli %scan3A_198, %mul3A_199 : i32
      %add3A_201 = arith.constant 0 : i32
      %add3A_202 = arith.addi %add3A_201, %mul3A_200 : i32
      %add3A_203 = arith.constant 40 : i32
      %add3A_204 = arith.addi %add3A_203, %add3A_202 : i32
      %get3A_205 = arith.index_cast %add3A_204 : i32 to index
      %get3A_206 = arith.constant 0 : index
      %get3A_207 = tpu.vector_load %arg12[%get3A_205, %get3A_206] {strides = array<i32>} : memref<320x16xf32, #tpu.memory_space<vmem>>, vector<16xf32>,
      %add3A_208 = arith.constant 1.000000e-16 : f32
      %add3A_209 = vector.broadcast %add3A_208 : f32 to vector<16xf32>
      %add3A_210 = arith.addf %get3A_207, %add3A_209 : vector<16xf32>
      %get3A_211 = arith.index_cast %add3A_204 : i32 to index
      %get3A_212 = arith.constant 0 : index
      %get3A_213 = tpu.vector_load %arg11[%get3A_211, %get3A_212] {strides = array<i32>} : memref<320x128xf32, #tpu.memory_space<vmem>>, vector<16xf32>,
      %gt3A = arith.constant -3.000000e+38 : f32
      %gt3A_214 = vector.broadcast %gt3A : f32 to vector<16xf32>
      %gt3A_215 = arith.cmpf ogt, %get3A_213, %gt3A_214 : vector<16xf32>
      %div3A_216 = arith.divf %get3A_213, %add3A_210 : vector<16xf32>
      %max3A = arith.constant -1.000000e+09 : f32
      %max3A_217 = vector.broadcast %max3A : f32 to vector<16xf32>
      %max3A_218 = arith.maximumf %div3A_216, %max3A_217 : vector<16xf32>
      %min3A = arith.constant 1.000000e+09 : f32
      %min3A_219 = vector.broadcast %min3A : f32 to vector<16xf32>
      %min3A_220 = arith.minimumf %max3A_218, %min3A_219 : vector<16xf32>
      %jit3A = arith.constant 0.000000e+00 : f32
      %broadcast_in_dim3A_221 = vector.broadcast %jit3A : f32 to vector<16xf32>
      %select_n3A = arith.select %gt3A_215, %min3A_220, %broadcast_in_dim3A_221 : vector<16xi1>, vector<16xf32>
      %get3A_222 = arith.index_cast %add3A_202 : i32 to index
      %get3A_223 = arith.constant 0 : index
      %get3A_224 = tpu.vector_load %arg21[%get3A_222, %get3A_223] {strides = array<i32>} : memref<80x128xf32, #tpu.memory_space<vmem>>, vector<16xf32>,
      %add3A_225 = arith.addf %select_n3A, %get3A_224 : vector<16xf32>
      %swap3A_226 = arith.index_cast %add3A_204 : i32 to index
      %swap3A_227 = arith.constant 0 : index
      %swap3A_228 = tpu.vector_load %arg11[%swap3A_226, %swap3A_227] {strides = array<i32>} : memref<320x128xf32, #tpu.memory_space<vmem>>, vector<16xf32>,
      tpu.vector_store %arg11[%swap3A_226, %swap3A_227], %add3A_225 {strides = array<i32>} : memref<320x128xf32, #tpu.memory_space<vmem>>, vector<16xf32>,
      %get3A_229 = arith.index_cast %add3A_204 : i32 to index
      %get3A_230 = arith.constant 16 : index
      %get3A_231 = tpu.vector_load %arg11[%get3A_229, %get3A_230] {strides = array<i32>} : memref<320x128xf32, #tpu.memory_space<vmem>>, vector<16xf32>,
      %gt3A_232 = arith.constant -3.000000e+38 : f32
      %gt3A_233 = vector.broadcast %gt3A_232 : f32 to vector<16xf32>
      %gt3A_234 = arith.cmpf ogt, %get3A_231, %gt3A_233 : vector<16xf32>
      %div3A_235 = arith.divf %get3A_231, %add3A_210 : vector<16xf32>
      %max3A_236 = arith.constant -1.000000e+09 : f32
      %max3A_237 = vector.broadcast %max3A_236 : f32 to vector<16xf32>
      %max3A_238 = arith.maximumf %div3A_235, %max3A_237 : vector<16xf32>
      %min3A_239 = arith.constant 1.000000e+09 : f32
      %min3A_240 = vector.broadcast %min3A_239 : f32 to vector<16xf32>
      %min3A_241 = arith.minimumf %max3A_238, %min3A_240 : vector<16xf32>
      %jit3A_242 = arith.constant 0.000000e+00 : f32
      %broadcast_in_dim3A_243 = vector.broadcast %jit3A_242 : f32 to vector<16xf32>
      %select_n3A_244 = arith.select %gt3A_234, %min3A_241, %broadcast_in_dim3A_243 : vector<16xi1>, vector<16xf32>
      %get3A_245 = arith.index_cast %add3A_202 : i32 to index
      %get3A_246 = arith.constant 16 : index
      %get3A_247 = tpu.vector_load %arg21[%get3A_245, %get3A_246] {strides = array<i32>} : memref<80x128xf32, #tpu.memory_space<vmem>>, vector<16xf32>,
      %add3A_248 = arith.addf %select_n3A_244, %get3A_247 : vector<16xf32>
      %swap3A_249 = arith.index_cast %add3A_204 : i32 to index
      %swap3A_250 = arith.constant 16 : index
      %swap3A_251 = tpu.vector_load %arg11[%swap3A_249, %swap3A_250] {strides = array<i32>} : memref<320x128xf32, #tpu.memory_space<vmem>>, vector<16xf32>,
      tpu.vector_store %arg11[%swap3A_249, %swap3A_250], %add3A_248 {strides = array<i32>} : memref<320x128xf32, #tpu.memory_space<vmem>>, vector<16xf32>,
      %get3A_252 = arith.index_cast %add3A_204 : i32 to index
      %get3A_253 = arith.constant 32 : index
      %get3A_254 = tpu.vector_load %arg11[%get3A_252, %get3A_253] {strides = array<i32>} : memref<320x128xf32, #tpu.memory_space<vmem>>, vector<16xf32>,
      %gt3A_255 = arith.constant -3.000000e+38 : f32
      %gt3A_256 = vector.broadcast %gt3A_255 : f32 to vector<16xf32>
      %gt3A_257 = arith.cmpf ogt, %get3A_254, %gt3A_256 : vector<16xf32>
      %div3A_258 = arith.divf %get3A_254, %add3A_210 : vector<16xf32>
      %max3A_259 = arith.constant -1.000000e+09 : f32
      %max3A_260 = vector.broadcast %max3A_259 : f32 to vector<16xf32>
      %max3A_261 = arith.maximumf %div3A_258, %max3A_260 : vector<16xf32>
      %min3A_262 = arith.constant 1.000000e+09 : f32
      %min3A_263 = vector.broadcast %min3A_262 : f32 to vector<16xf32>
      %min3A_264 = arith.minimumf %max3A_261, %min3A_263 : vector<16xf32>
      %jit3A_265 = arith.constant 0.000000e+00 : f32
      %broadcast_in_dim3A_266 = vector.broadcast %jit3A_265 : f32 to vector<16xf32>
      %select_n3A_267 = arith.select %gt3A_257, %min3A_264, %broadcast_in_dim3A_266 : vector<16xi1>, vector<16xf32>
      %get3A_268 = arith.index_cast %add3A_202 : i32 to index
      %get3A_269 = arith.constant 32 : index
      %get3A_270 = tpu.vector_load %arg21[%get3A_268, %get3A_269] {strides = array<i32>} : memref<80x128xf32, #tpu.memory_space<vmem>>, vector<16xf32>,
      %add3A_271 = arith.addf %select_n3A_267, %get3A_270 : vector<16xf32>
      %swap3A_272 = arith.index_cast %add3A_204 : i32 to index
      %swap3A_273 = arith.constant 32 : index
      %swap3A_274 = tpu.vector_load %arg11[%swap3A_272, %swap3A_273] {strides = array<i32>} : memref<320x128xf32, #tpu.memory_space<vmem>>, vector<16xf32>,
      tpu.vector_store %arg11[%swap3A_272, %swap3A_273], %add3A_271 {strides = array<i32>} : memref<320x128xf32, #tpu.memory_space<vmem>>, vector<16xf32>,
      %get3A_275 = arith.index_cast %add3A_204 : i32 to index
      %get3A_276 = arith.constant 48 : index
      %get3A_277 = tpu.vector_load %arg11[%get3A_275, %get3A_276] {strides = array<i32>} : memref<320x128xf32, #tpu.memory_space<vmem>>, vector<16xf32>,
      %gt3A_278 = arith.constant -3.000000e+38 : f32
      %gt3A_279 = vector.broadcast %gt3A_278 : f32 to vector<16xf32>
      %gt3A_280 = arith.cmpf ogt, %get3A_277, %gt3A_279 : vector<16xf32>
      %div3A_281 = arith.divf %get3A_277, %add3A_210 : vector<16xf32>
      %max3A_282 = arith.constant -1.000000e+09 : f32
      %max3A_283 = vector.broadcast %max3A_282 : f32 to vector<16xf32>
      %max3A_284 = arith.maximumf %div3A_281, %max3A_283 : vector<16xf32>
      %min3A_285 = arith.constant 1.000000e+09 : f32
      %min3A_286 = vector.broadcast %min3A_285 : f32 to vector<16xf32>
      %min3A_287 = arith.minimumf %max3A_284, %min3A_286 : vector<16xf32>
      %jit3A_288 = arith.constant 0.000000e+00 : f32
      %broadcast_in_dim3A_289 = vector.broadcast %jit3A_288 : f32 to vector<16xf32>
      %select_n3A_290 = arith.select %gt3A_280, %min3A_287, %broadcast_in_dim3A_289 : vector<16xi1>, vector<16xf32>
      %get3A_291 = arith.index_cast %add3A_202 : i32 to index
      %get3A_292 = arith.constant 48 : index
      %get3A_293 = tpu.vector_load %arg21[%get3A_291, %get3A_292] {strides = array<i32>} : memref<80x128xf32, #tpu.memory_space<vmem>>, vector<16xf32>,
      %add3A_294 = arith.addf %select_n3A_290, %get3A_293 : vector<16xf32>
      %swap3A_295 = arith.index_cast %add3A_204 : i32 to index
      %swap3A_296 = arith.constant 48 : index
      %swap3A_297 = tpu.vector_load %arg11[%swap3A_295, %swap3A_296] {strides = array<i32>} : memref<320x128xf32, #tpu.memory_space<vmem>>, vector<16xf32>,
      tpu.vector_store %arg11[%swap3A_295, %swap3A_296], %add3A_294 {strides = array<i32>} : memref<320x128xf32, #tpu.memory_space<vmem>>, vector<16xf32>,
      %get3A_298 = arith.index_cast %add3A_204 : i32 to index
      %get3A_299 = arith.constant 64 : index
      %get3A_300 = tpu.vector_load %arg11[%get3A_298, %get3A_299] {strides = array<i32>} : memref<320x128xf32, #tpu.memory_space<vmem>>, vector<16xf32>,
      %gt3A_301 = arith.constant -3.000000e+38 : f32
      %gt3A_302 = vector.broadcast %gt3A_301 : f32 to vector<16xf32>
      %gt3A_303 = arith.cmpf ogt, %get3A_300, %gt3A_302 : vector<16xf32>
      %div3A_304 = arith.divf %get3A_300, %add3A_210 : vector<16xf32>
      %max3A_305 = arith.constant -1.000000e+09 : f32
      %max3A_306 = vector.broadcast %max3A_305 : f32 to vector<16xf32>
      %max3A_307 = arith.maximumf %div3A_304, %max3A_306 : vector<16xf32>
      %min3A_308 = arith.constant 1.000000e+09 : f32
      %min3A_309 = vector.broadcast %min3A_308 : f32 to vector<16xf32>
      %min3A_310 = arith.minimumf %max3A_307, %min3A_309 : vector<16xf32>
      %jit3A_311 = arith.constant 0.000000e+00 : f32
      %broadcast_in_dim3A_312 = vector.broadcast %jit3A_311 : f32 to vector<16xf32>
      %select_n3A_313 = arith.select %gt3A_303, %min3A_310, %broadcast_in_dim3A_312 : vector<16xi1>, vector<16xf32>
      %get3A_314 = arith.index_cast %add3A_202 : i32 to index
      %get3A_315 = arith.constant 64 : index
      %get3A_316 = tpu.vector_load %arg21[%get3A_314, %get3A_315] {strides = array<i32>} : memref<80x128xf32, #tpu.memory_space<vmem>>, vector<16xf32>,
      %add3A_317 = arith.addf %select_n3A_313, %get3A_316 : vector<16xf32>
      %swap3A_318 = arith.index_cast %add3A_204 : i32 to index
      %swap3A_319 = arith.constant 64 : index
      %swap3A_320 = tpu.vector_load %arg11[%swap3A_318, %swap3A_319] {strides = array<i32>} : memref<320x128xf32, #tpu.memory_space<vmem>>, vector<16xf32>,
      tpu.vector_store %arg11[%swap3A_318, %swap3A_319], %add3A_317 {strides = array<i32>} : memref<320x128xf32, #tpu.memory_space<vmem>>, vector<16xf32>,
      %get3A_321 = arith.index_cast %add3A_204 : i32 to index
      %get3A_322 = arith.constant 80 : index
      %get3A_323 = tpu.vector_load %arg11[%get3A_321, %get3A_322] {strides = array<i32>} : memref<320x128xf32, #tpu.memory_space<vmem>>, vector<16xf32>,
      %gt3A_324 = arith.constant -3.000000e+38 : f32
      %gt3A_325 = vector.broadcast %gt3A_324 : f32 to vector<16xf32>
      %gt3A_326 = arith.cmpf ogt, %get3A_323, %gt3A_325 : vector<16xf32>
      %div3A_327 = arith.divf %get3A_323, %add3A_210 : vector<16xf32>
      %max3A_328 = arith.constant -1.000000e+09 : f32
      %max3A_329 = vector.broadcast %max3A_328 : f32 to vector<16xf32>
      %max3A_330 = arith.maximumf %div3A_327, %max3A_329 : vector<16xf32>
      %min3A_331 = arith.constant 1.000000e+09 : f32
      %min3A_332 = vector.broadcast %min3A_331 : f32 to vector<16xf32>
      %min3A_333 = arith.minimumf %max3A_330, %min3A_332 : vector<16xf32>
      %jit3A_334 = arith.constant 0.000000e+00 : f32
      %broadcast_in_dim3A_335 = vector.broadcast %jit3A_334 : f32 to vector<16xf32>
      %select_n3A_336 = arith.select %gt3A_326, %min3A_333, %broadcast_in_dim3A_335 : vector<16xi1>, vector<16xf32>
      %get3A_337 = arith.index_cast %add3A_202 : i32 to index
      %get3A_338 = arith.constant 80 : index
      %get3A_339 = tpu.vector_load %arg21[%get3A_337, %get3A_338] {strides = array<i32>} : memref<80x128xf32, #tpu.memory_space<vmem>>, vector<16xf32>,
      %add3A_340 = arith.addf %select_n3A_336, %get3A_339 : vector<16xf32>
      %swap3A_341 = arith.index_cast %add3A_204 : i32 to index
      %swap3A_342 = arith.constant 80 : index
      %swap3A_343 = tpu.vector_load %arg11[%swap3A_341, %swap3A_342] {strides = array<i32>} : memref<320x128xf32, #tpu.memory_space<vmem>>, vector<16xf32>,
      tpu.vector_store %arg11[%swap3A_341, %swap3A_342], %add3A_340 {strides = array<i32>} : memref<320x128xf32, #tpu.memory_space<vmem>>, vector<16xf32>,
      %get3A_344 = arith.index_cast %add3A_204 : i32 to index
      %get3A_345 = arith.constant 96 : index
      %get3A_346 = tpu.vector_load %arg11[%get3A_344, %get3A_345] {strides = array<i32>} : memref<320x128xf32, #tpu.memory_space<vmem>>, vector<16xf32>,
      %gt3A_347 = arith.constant -3.000000e+38 : f32
      %gt3A_348 = vector.broadcast %gt3A_347 : f32 to vector<16xf32>
      %gt3A_349 = arith.cmpf ogt, %get3A_346, %gt3A_348 : vector<16xf32>
      %div3A_350 = arith.divf %get3A_346, %add3A_210 : vector<16xf32>
      %max3A_351 = arith.constant -1.000000e+09 : f32
      %max3A_352 = vector.broadcast %max3A_351 : f32 to vector<16xf32>
      %max3A_353 = arith.maximumf %div3A_350, %max3A_352 : vector<16xf32>
      %min3A_354 = arith.constant 1.000000e+09 : f32
      %min3A_355 = vector.broadcast %min3A_354 : f32 to vector<16xf32>
      %min3A_356 = arith.minimumf %max3A_353, %min3A_355 : vector<16xf32>
      %jit3A_357 = arith.constant 0.000000e+00 : f32
      %broadcast_in_dim3A_358 = vector.broadcast %jit3A_357 : f32 to vector<16xf32>
      %select_n3A_359 = arith.select %gt3A_349, %min3A_356, %broadcast_in_dim3A_358 : vector<16xi1>, vector<16xf32>
      %get3A_360 = arith.index_cast %add3A_202 : i32 to index
      %get3A_361 = arith.constant 96 : index
      %get3A_362 = tpu.vector_load %arg21[%get3A_360, %get3A_361] {strides = array<i32>} : memref<80x128xf32, #tpu.memory_space<vmem>>, vector<16xf32>,
      %add3A_363 = arith.addf %select_n3A_359, %get3A_362 : vector<16xf32>
      %swap3A_364 = arith.index_cast %add3A_204 : i32 to index
      %swap3A_365 = arith.constant 96 : index
      %swap3A_366 = tpu.vector_load %arg11[%swap3A_364, %swap3A_365] {strides = array<i32>} : memref<320x128xf32, #tpu.memory_space<vmem>>, vector<16xf32>,
      tpu.vector_store %arg11[%swap3A_364, %swap3A_365], %add3A_363 {strides = array<i32>} : memref<320x128xf32, #tpu.memory_space<vmem>>, vector<16xf32>,
      %get3A_367 = arith.index_cast %add3A_204 : i32 to index
      %get3A_368 = arith.constant 112 : index
      %get3A_369 = tpu.vector_load %arg11[%get3A_367, %get3A_368] {strides = array<i32>} : memref<320x128xf32, #tpu.memory_space<vmem>>, vector<16xf32>,
      %gt3A_370 = arith.constant -3.000000e+38 : f32
      %gt3A_371 = vector.broadcast %gt3A_370 : f32 to vector<16xf32>
      %gt3A_372 = arith.cmpf ogt, %get3A_369, %gt3A_371 : vector<16xf32>
      %div3A_373 = arith.divf %get3A_369, %add3A_210 : vector<16xf32>
      %max3A_374 = arith.constant -1.000000e+09 : f32
      %max3A_375 = vector.broadcast %max3A_374 : f32 to vector<16xf32>
      %max3A_376 = arith.maximumf %div3A_373, %max3A_375 : vector<16xf32>
      %min3A_377 = arith.constant 1.000000e+09 : f32
      %min3A_378 = vector.broadcast %min3A_377 : f32 to vector<16xf32>
      %min3A_379 = arith.minimumf %max3A_376, %min3A_378 : vector<16xf32>
      %jit3A_380 = arith.constant 0.000000e+00 : f32
      %broadcast_in_dim3A_381 = vector.broadcast %jit3A_380 : f32 to vector<16xf32>
      %select_n3A_382 = arith.select %gt3A_372, %min3A_379, %broadcast_in_dim3A_381 : vector<16xi1>, vector<16xf32>
      %get3A_383 = arith.index_cast %add3A_202 : i32 to index
      %get3A_384 = arith.constant 112 : index
      %get3A_385 = tpu.vector_load %arg21[%get3A_383, %get3A_384] {strides = array<i32>} : memref<80x128xf32, #tpu.memory_space<vmem>>, vector<16xf32>,
      %add3A_386 = arith.addf %select_n3A_382, %get3A_385 : vector<16xf32>
      %swap3A_387 = arith.index_cast %add3A_204 : i32 to index
      %swap3A_388 = arith.constant 112 : index
      %swap3A_389 = tpu.vector_load %arg11[%swap3A_387, %swap3A_388] {strides = array<i32>} : memref<320x128xf32, #tpu.memory_space<vmem>>, vector<16xf32>,
      tpu.vector_store %arg11[%swap3A_387, %swap3A_388], %add3A_386 {strides = array<i32>} : memref<320x128xf32, #tpu.memory_space<vmem>>, vector<16xf32>,
    }
    %scan3A_155 = arith.constant 40 : i32
    %add3A_156 = arith.constant 80 : i32
    %add3A_157 = arith.addi %mul3A_2, %add3A_156 : i32
    "tpu.region"() ({
      %run_scoped3A = tpu.sem_alloc : memref<!tpu.dma_semaphore, #tpu.memory_space<semaphore_mem>>
      %dma_start3A_198 = arith.constant 0 : i32
      %dma_start3A_199 = arith.constant 0 : i32
      %dma_start3A_200 = tpu.memref_slice %arg21[%dma_start3A_198, %dma_start3A_199] : memref<80x128xf32, #tpu.memory_space<vmem>> -> memref<40x128xf32, #tpu.memory_space<vmem>>
      %dma_start3A_201 = arith.constant 0 : i32
      %dma_start3A_202 = tpu.memref_slice %arg8[%add3A_157, %dma_start3A_201] : memref<10240x128xf32, #tpu.memory_space<hbm>> -> memref<40x128xf32, #tpu.memory_space<hbm>>
      %dma_start3A_203 = arith.constant 0 : i32
      %dma_start3A_204 = arith.constant 0 : i32
      %dma_start3A_205 = tpu.memref_slice %arg21[%dma_start3A_203, %dma_start3A_204] : memref<80x128xf32, #tpu.memory_space<vmem>> -> memref<40x128xf32, #tpu.memory_space<vmem>>
      %dma_start3A_206 = arith.constant 0 : i32
      %dma_start3A_207 = tpu.memref_slice %arg8[%add3A_157, %dma_start3A_206] : memref<10240x128xf32, #tpu.memory_space<hbm>> -> memref<40x128xf32, #tpu.memory_space<hbm>>
      tpu.enqueue_dma source(%dma_start3A_207 : memref<40x128xf32, #tpu.memory_space<hbm>>) target(%dma_start3A_205 : memref<40x128xf32, #tpu.memory_space<vmem>>) target_semaphore(%run_scoped3A : memref<!tpu.dma_semaphore, #tpu.memory_space<semaphore_mem>>)
      %dma_wait3A_208 = arith.constant 0 : i32
      %dma_wait3A_209 = arith.constant 0 : i32
      %dma_wait3A_210 = tpu.memref_slice %arg21[%dma_wait3A_208, %dma_wait3A_209] : memref<80x128xf32, #tpu.memory_space<vmem>> -> memref<40x128xf32, #tpu.memory_space<vmem>>
      %dma_wait3A_211 = arith.constant 0 : i32
      %dma_wait3A_212 = tpu.memref_slice %arg8[%add3A_157, %dma_wait3A_211] : memref<10240x128xf32, #tpu.memory_space<hbm>> -> memref<40x128xf32, #tpu.memory_space<hbm>>
      %dma_wait3A_213 = arith.constant 0 : i32
      %dma_wait3A_214 = arith.constant 0 : i32
      %dma_wait3A_215 = tpu.memref_slice %arg21[%dma_wait3A_213, %dma_wait3A_214] : memref<80x128xf32, #tpu.memory_space<vmem>> -> memref<40x128xf32, #tpu.memory_space<vmem>>
      %dma_wait3A_216 = arith.constant 0 : i32
      %dma_wait3A_217 = tpu.memref_slice %arg8[%add3A_157, %dma_wait3A_216] : memref<10240x128xf32, #tpu.memory_space<hbm>> -> memref<40x128xf32, #tpu.memory_space<hbm>>
      tpu.wait_dma2 semaphore(%run_scoped3A : memref<!tpu.dma_semaphore, #tpu.memory_space<semaphore_mem>>) src(%dma_wait3A_217 : memref<40x128xf32, #tpu.memory_space<hbm>>) dst(%dma_wait3A_215 : memref<40x128xf32, #tpu.memory_space<vmem>>)
      tpu.yield
    }) : () -> ()
    %scan3A_158 = arith.constant 0 : i32
    %scan3A_159 = arith.constant 40 : i32
    %scan3A_160 = arith.addi %scan3A_158, %scan3A_159 : i32
    %scan3A_161 = arith.constant 1 : i32
    scf.for %scan3A_198 = %scan3A_158 to %scan3A_160 step %scan3A_161  : i32 {
      %mul3A_199 = arith.constant 1 : i32
      %mul3A_200 = arith.muli %scan3A_198, %mul3A_199 : i32
      %add3A_201 = arith.constant 0 : i32
      %add3A_202 = arith.addi %add3A_201, %mul3A_200 : i32
      %add3A_203 = arith.constant 80 : i32
      %add3A_204 = arith.addi %add3A_203, %add3A_202 : i32
      %get3A_205 = arith.index_cast %add3A_204 : i32 to index
      %get3A_206 = arith.constant 0 : index
      %get3A_207 = tpu.vector_load %arg12[%get3A_205, %get3A_206] {strides = array<i32>} : memref<320x16xf32, #tpu.memory_space<vmem>>, vector<16xf32>,
      %add3A_208 = arith.constant 1.000000e-16 : f32
      %add3A_209 = vector.broadcast %add3A_208 : f32 to vector<16xf32>
      %add3A_210 = arith.addf %get3A_207, %add3A_209 : vector<16xf32>
      %get3A_211 = arith.index_cast %add3A_204 : i32 to index
      %get3A_212 = arith.constant 0 : index
      %get3A_213 = tpu.vector_load %arg11[%get3A_211, %get3A_212] {strides = array<i32>} : memref<320x128xf32, #tpu.memory_space<vmem>>, vector<16xf32>,
      %gt3A = arith.constant -3.000000e+38 : f32
      %gt3A_214 = vector.broadcast %gt3A : f32 to vector<16xf32>
      %gt3A_215 = arith.cmpf ogt, %get3A_213, %gt3A_214 : vector<16xf32>
      %div3A_216 = arith.divf %get3A_213, %add3A_210 : vector<16xf32>
      %max3A = arith.constant -1.000000e+09 : f32
      %max3A_217 = vector.broadcast %max3A : f32 to vector<16xf32>
      %max3A_218 = arith.maximumf %div3A_216, %max3A_217 : vector<16xf32>
      %min3A = arith.constant 1.000000e+09 : f32
      %min3A_219 = vector.broadcast %min3A : f32 to vector<16xf32>
      %min3A_220 = arith.minimumf %max3A_218, %min3A_219 : vector<16xf32>
      %jit3A = arith.constant 0.000000e+00 : f32
      %broadcast_in_dim3A_221 = vector.broadcast %jit3A : f32 to vector<16xf32>
      %select_n3A = arith.select %gt3A_215, %min3A_220, %broadcast_in_dim3A_221 : vector<16xi1>, vector<16xf32>
      %get3A_222 = arith.index_cast %add3A_202 : i32 to index
      %get3A_223 = arith.constant 0 : index
      %get3A_224 = tpu.vector_load %arg21[%get3A_222, %get3A_223] {strides = array<i32>} : memref<80x128xf32, #tpu.memory_space<vmem>>, vector<16xf32>,
      %add3A_225 = arith.addf %select_n3A, %get3A_224 : vector<16xf32>
      %swap3A_226 = arith.index_cast %add3A_204 : i32 to index
      %swap3A_227 = arith.constant 0 : index
      %swap3A_228 = tpu.vector_load %arg11[%swap3A_226, %swap3A_227] {strides = array<i32>} : memref<320x128xf32, #tpu.memory_space<vmem>>, vector<16xf32>,
      tpu.vector_store %arg11[%swap3A_226, %swap3A_227], %add3A_225 {strides = array<i32>} : memref<320x128xf32, #tpu.memory_space<vmem>>, vector<16xf32>,
      %get3A_229 = arith.index_cast %add3A_204 : i32 to index
      %get3A_230 = arith.constant 16 : index
      %get3A_231 = tpu.vector_load %arg11[%get3A_229, %get3A_230] {strides = array<i32>} : memref<320x128xf32, #tpu.memory_space<vmem>>, vector<16xf32>,
      %gt3A_232 = arith.constant -3.000000e+38 : f32
      %gt3A_233 = vector.broadcast %gt3A_232 : f32 to vector<16xf32>
      %gt3A_234 = arith.cmpf ogt, %get3A_231, %gt3A_233 : vector<16xf32>
      %div3A_235 = arith.divf %get3A_231, %add3A_210 : vector<16xf32>
      %max3A_236 = arith.constant -1.000000e+09 : f32
      %max3A_237 = vector.broadcast %max3A_236 : f32 to vector<16xf32>
      %max3A_238 = arith.maximumf %div3A_235, %max3A_237 : vector<16xf32>
      %min3A_239 = arith.constant 1.000000e+09 : f32
      %min3A_240 = vector.broadcast %min3A_239 : f32 to vector<16xf32>
      %min3A_241 = arith.minimumf %max3A_238, %min3A_240 : vector<16xf32>
      %jit3A_242 = arith.constant 0.000000e+00 : f32
      %broadcast_in_dim3A_243 = vector.broadcast %jit3A_242 : f32 to vector<16xf32>
      %select_n3A_244 = arith.select %gt3A_234, %min3A_241, %broadcast_in_dim3A_243 : vector<16xi1>, vector<16xf32>
      %get3A_245 = arith.index_cast %add3A_202 : i32 to index
      %get3A_246 = arith.constant 16 : index
      %get3A_247 = tpu.vector_load %arg21[%get3A_245, %get3A_246] {strides = array<i32>} : memref<80x128xf32, #tpu.memory_space<vmem>>, vector<16xf32>,
      %add3A_248 = arith.addf %select_n3A_244, %get3A_247 : vector<16xf32>
      %swap3A_249 = arith.index_cast %add3A_204 : i32 to index
      %swap3A_250 = arith.constant 16 : index
      %swap3A_251 = tpu.vector_load %arg11[%swap3A_249, %swap3A_250] {strides = array<i32>} : memref<320x128xf32, #tpu.memory_space<vmem>>, vector<16xf32>,
      tpu.vector_store %arg11[%swap3A_249, %swap3A_250], %add3A_248 {strides = array<i32>} : memref<320x128xf32, #tpu.memory_space<vmem>>, vector<16xf32>,
      %get3A_252 = arith.index_cast %add3A_204 : i32 to index
      %get3A_253 = arith.constant 32 : index
      %get3A_254 = tpu.vector_load %arg11[%get3A_252, %get3A_253] {strides = array<i32>} : memref<320x128xf32, #tpu.memory_space<vmem>>, vector<16xf32>,
      %gt3A_255 = arith.constant -3.000000e+38 : f32
      %gt3A_256 = vector.broadcast %gt3A_255 : f32 to vector<16xf32>
      %gt3A_257 = arith.cmpf ogt, %get3A_254, %gt3A_256 : vector<16xf32>
      %div3A_258 = arith.divf %get3A_254, %add3A_210 : vector<16xf32>
      %max3A_259 = arith.constant -1.000000e+09 : f32
      %max3A_260 = vector.broadcast %max3A_259 : f32 to vector<16xf32>
      %max3A_261 = arith.maximumf %div3A_258, %max3A_260 : vector<16xf32>
      %min3A_262 = arith.constant 1.000000e+09 : f32
      %min3A_263 = vector.broadcast %min3A_262 : f32 to vector<16xf32>
      %min3A_264 = arith.minimumf %max3A_261, %min3A_263 : vector<16xf32>
      %jit3A_265 = arith.constant 0.000000e+00 : f32
      %broadcast_in_dim3A_266 = vector.broadcast %jit3A_265 : f32 to vector<16xf32>
      %select_n3A_267 = arith.select %gt3A_257, %min3A_264, %broadcast_in_dim3A_266 : vector<16xi1>, vector<16xf32>
      %get3A_268 = arith.index_cast %add3A_202 : i32 to index
      %get3A_269 = arith.constant 32 : index
      %get3A_270 = tpu.vector_load %arg21[%get3A_268, %get3A_269] {strides = array<i32>} : memref<80x128xf32, #tpu.memory_space<vmem>>, vector<16xf32>,
      %add3A_271 = arith.addf %select_n3A_267, %get3A_270 : vector<16xf32>
      %swap3A_272 = arith.index_cast %add3A_204 : i32 to index
      %swap3A_273 = arith.constant 32 : index
      %swap3A_274 = tpu.vector_load %arg11[%swap3A_272, %swap3A_273] {strides = array<i32>} : memref<320x128xf32, #tpu.memory_space<vmem>>, vector<16xf32>,
      tpu.vector_store %arg11[%swap3A_272, %swap3A_273], %add3A_271 {strides = array<i32>} : memref<320x128xf32, #tpu.memory_space<vmem>>, vector<16xf32>,
      %get3A_275 = arith.index_cast %add3A_204 : i32 to index
      %get3A_276 = arith.constant 48 : index
      %get3A_277 = tpu.vector_load %arg11[%get3A_275, %get3A_276] {strides = array<i32>} : memref<320x128xf32, #tpu.memory_space<vmem>>, vector<16xf32>,
      %gt3A_278 = arith.constant -3.000000e+38 : f32
      %gt3A_279 = vector.broadcast %gt3A_278 : f32 to vector<16xf32>
      %gt3A_280 = arith.cmpf ogt, %get3A_277, %gt3A_279 : vector<16xf32>
      %div3A_281 = arith.divf %get3A_277, %add3A_210 : vector<16xf32>
      %max3A_282 = arith.constant -1.000000e+09 : f32
      %max3A_283 = vector.broadcast %max3A_282 : f32 to vector<16xf32>
      %max3A_284 = arith.maximumf %div3A_281, %max3A_283 : vector<16xf32>
      %min3A_285 = arith.constant 1.000000e+09 : f32
      %min3A_286 = vector.broadcast %min3A_285 : f32 to vector<16xf32>
      %min3A_287 = arith.minimumf %max3A_284, %min3A_286 : vector<16xf32>
      %jit3A_288 = arith.constant 0.000000e+00 : f32
      %broadcast_in_dim3A_289 = vector.broadcast %jit3A_288 : f32 to vector<16xf32>
      %select_n3A_290 = arith.select %gt3A_280, %min3A_287, %broadcast_in_dim3A_289 : vector<16xi1>, vector<16xf32>
      %get3A_291 = arith.index_cast %add3A_202 : i32 to index
      %get3A_292 = arith.constant 48 : index
      %get3A_293 = tpu.vector_load %arg21[%get3A_291, %get3A_292] {strides = array<i32>} : memref<80x128xf32, #tpu.memory_space<vmem>>, vector<16xf32>,
      %add3A_294 = arith.addf %select_n3A_290, %get3A_293 : vector<16xf32>
      %swap3A_295 = arith.index_cast %add3A_204 : i32 to index
      %swap3A_296 = arith.constant 48 : index
      %swap3A_297 = tpu.vector_load %arg11[%swap3A_295, %swap3A_296] {strides = array<i32>} : memref<320x128xf32, #tpu.memory_space<vmem>>, vector<16xf32>,
      tpu.vector_store %arg11[%swap3A_295, %swap3A_296], %add3A_294 {strides = array<i32>} : memref<320x128xf32, #tpu.memory_space<vmem>>, vector<16xf32>,
      %get3A_298 = arith.index_cast %add3A_204 : i32 to index
      %get3A_299 = arith.constant 64 : index
      %get3A_300 = tpu.vector_load %arg11[%get3A_298, %get3A_299] {strides = array<i32>} : memref<320x128xf32, #tpu.memory_space<vmem>>, vector<16xf32>,
      %gt3A_301 = arith.constant -3.000000e+38 : f32
      %gt3A_302 = vector.broadcast %gt3A_301 : f32 to vector<16xf32>
      %gt3A_303 = arith.cmpf ogt, %get3A_300, %gt3A_302 : vector<16xf32>
      %div3A_304 = arith.divf %get3A_300, %add3A_210 : vector<16xf32>
      %max3A_305 = arith.constant -1.000000e+09 : f32
      %max3A_306 = vector.broadcast %max3A_305 : f32 to vector<16xf32>
      %max3A_307 = arith.maximumf %div3A_304, %max3A_306 : vector<16xf32>
      %min3A_308 = arith.constant 1.000000e+09 : f32
      %min3A_309 = vector.broadcast %min3A_308 : f32 to vector<16xf32>
      %min3A_310 = arith.minimumf %max3A_307, %min3A_309 : vector<16xf32>
      %jit3A_311 = arith.constant 0.000000e+00 : f32
      %broadcast_in_dim3A_312 = vector.broadcast %jit3A_311 : f32 to vector<16xf32>
      %select_n3A_313 = arith.select %gt3A_303, %min3A_310, %broadcast_in_dim3A_312 : vector<16xi1>, vector<16xf32>
      %get3A_314 = arith.index_cast %add3A_202 : i32 to index
      %get3A_315 = arith.constant 64 : index
      %get3A_316 = tpu.vector_load %arg21[%get3A_314, %get3A_315] {strides = array<i32>} : memref<80x128xf32, #tpu.memory_space<vmem>>, vector<16xf32>,
      %add3A_317 = arith.addf %select_n3A_313, %get3A_316 : vector<16xf32>
      %swap3A_318 = arith.index_cast %add3A_204 : i32 to index
      %swap3A_319 = arith.constant 64 : index
      %swap3A_320 = tpu.vector_load %arg11[%swap3A_318, %swap3A_319] {strides = array<i32>} : memref<320x128xf32, #tpu.memory_space<vmem>>, vector<16xf32>,
      tpu.vector_store %arg11[%swap3A_318, %swap3A_319], %add3A_317 {strides = array<i32>} : memref<320x128xf32, #tpu.memory_space<vmem>>, vector<16xf32>,
      %get3A_321 = arith.index_cast %add3A_204 : i32 to index
      %get3A_322 = arith.constant 80 : index
      %get3A_323 = tpu.vector_load %arg11[%get3A_321, %get3A_322] {strides = array<i32>} : memref<320x128xf32, #tpu.memory_space<vmem>>, vector<16xf32>,
      %gt3A_324 = arith.constant -3.000000e+38 : f32
      %gt3A_325 = vector.broadcast %gt3A_324 : f32 to vector<16xf32>
      %gt3A_326 = arith.cmpf ogt, %get3A_323, %gt3A_325 : vector<16xf32>
      %div3A_327 = arith.divf %get3A_323, %add3A_210 : vector<16xf32>
      %max3A_328 = arith.constant -1.000000e+09 : f32
      %max3A_329 = vector.broadcast %max3A_328 : f32 to vector<16xf32>
      %max3A_330 = arith.maximumf %div3A_327, %max3A_329 : vector<16xf32>
      %min3A_331 = arith.constant 1.000000e+09 : f32
      %min3A_332 = vector.broadcast %min3A_331 : f32 to vector<16xf32>
      %min3A_333 = arith.minimumf %max3A_330, %min3A_332 : vector<16xf32>
      %jit3A_334 = arith.constant 0.000000e+00 : f32
      %broadcast_in_dim3A_335 = vector.broadcast %jit3A_334 : f32 to vector<16xf32>
      %select_n3A_336 = arith.select %gt3A_326, %min3A_333, %broadcast_in_dim3A_335 : vector<16xi1>, vector<16xf32>
      %get3A_337 = arith.index_cast %add3A_202 : i32 to index
      %get3A_338 = arith.constant 80 : index
      %get3A_339 = tpu.vector_load %arg21[%get3A_337, %get3A_338] {strides = array<i32>} : memref<80x128xf32, #tpu.memory_space<vmem>>, vector<16xf32>,
      %add3A_340 = arith.addf %select_n3A_336, %get3A_339 : vector<16xf32>
      %swap3A_341 = arith.index_cast %add3A_204 : i32 to index
      %swap3A_342 = arith.constant 80 : index
      %swap3A_343 = tpu.vector_load %arg11[%swap3A_341, %swap3A_342] {strides = array<i32>} : memref<320x128xf32, #tpu.memory_space<vmem>>, vector<16xf32>,
      tpu.vector_store %arg11[%swap3A_341, %swap3A_342], %add3A_340 {strides = array<i32>} : memref<320x128xf32, #tpu.memory_space<vmem>>, vector<16xf32>,
      %get3A_344 = arith.index_cast %add3A_204 : i32 to index
      %get3A_345 = arith.constant 96 : index
      %get3A_346 = tpu.vector_load %arg11[%get3A_344, %get3A_345] {strides = array<i32>} : memref<320x128xf32, #tpu.memory_space<vmem>>, vector<16xf32>,
      %gt3A_347 = arith.constant -3.000000e+38 : f32
      %gt3A_348 = vector.broadcast %gt3A_347 : f32 to vector<16xf32>
      %gt3A_349 = arith.cmpf ogt, %get3A_346, %gt3A_348 : vector<16xf32>
      %div3A_350 = arith.divf %get3A_346, %add3A_210 : vector<16xf32>
      %max3A_351 = arith.constant -1.000000e+09 : f32
      %max3A_352 = vector.broadcast %max3A_351 : f32 to vector<16xf32>
      %max3A_353 = arith.maximumf %div3A_350, %max3A_352 : vector<16xf32>
      %min3A_354 = arith.constant 1.000000e+09 : f32
      %min3A_355 = vector.broadcast %min3A_354 : f32 to vector<16xf32>
      %min3A_356 = arith.minimumf %max3A_353, %min3A_355 : vector<16xf32>
      %jit3A_357 = arith.constant 0.000000e+00 : f32
      %broadcast_in_dim3A_358 = vector.broadcast %jit3A_357 : f32 to vector<16xf32>
      %select_n3A_359 = arith.select %gt3A_349, %min3A_356, %broadcast_in_dim3A_358 : vector<16xi1>, vector<16xf32>
      %get3A_360 = arith.index_cast %add3A_202 : i32 to index
      %get3A_361 = arith.constant 96 : index
      %get3A_362 = tpu.vector_load %arg21[%get3A_360, %get3A_361] {strides = array<i32>} : memref<80x128xf32, #tpu.memory_space<vmem>>, vector<16xf32>,
      %add3A_363 = arith.addf %select_n3A_359, %get3A_362 : vector<16xf32>
      %swap3A_364 = arith.index_cast %add3A_204 : i32 to index
      %swap3A_365 = arith.constant 96 : index
      %swap3A_366 = tpu.vector_load %arg11[%swap3A_364, %swap3A_365] {strides = array<i32>} : memref<320x128xf32, #tpu.memory_space<vmem>>, vector<16xf32>,
      tpu.vector_store %arg11[%swap3A_364, %swap3A_365], %add3A_363 {strides = array<i32>} : memref<320x128xf32, #tpu.memory_space<vmem>>, vector<16xf32>,
      %get3A_367 = arith.index_cast %add3A_204 : i32 to index
      %get3A_368 = arith.constant 112 : index
      %get3A_369 = tpu.vector_load %arg11[%get3A_367, %get3A_368] {strides = array<i32>} : memref<320x128xf32, #tpu.memory_space<vmem>>, vector<16xf32>,
      %gt3A_370 = arith.constant -3.000000e+38 : f32
      %gt3A_371 = vector.broadcast %gt3A_370 : f32 to vector<16xf32>
      %gt3A_372 = arith.cmpf ogt, %get3A_369, %gt3A_371 : vector<16xf32>
      %div3A_373 = arith.divf %get3A_369, %add3A_210 : vector<16xf32>
      %max3A_374 = arith.constant -1.000000e+09 : f32
      %max3A_375 = vector.broadcast %max3A_374 : f32 to vector<16xf32>
      %max3A_376 = arith.maximumf %div3A_373, %max3A_375 : vector<16xf32>
      %min3A_377 = arith.constant 1.000000e+09 : f32
      %min3A_378 = vector.broadcast %min3A_377 : f32 to vector<16xf32>
      %min3A_379 = arith.minimumf %max3A_376, %min3A_378 : vector<16xf32>
      %jit3A_380 = arith.constant 0.000000e+00 : f32
      %broadcast_in_dim3A_381 = vector.broadcast %jit3A_380 : f32 to vector<16xf32>
      %select_n3A_382 = arith.select %gt3A_372, %min3A_379, %broadcast_in_dim3A_381 : vector<16xi1>, vector<16xf32>
      %get3A_383 = arith.index_cast %add3A_202 : i32 to index
      %get3A_384 = arith.constant 112 : index
      %get3A_385 = tpu.vector_load %arg21[%get3A_383, %get3A_384] {strides = array<i32>} : memref<80x128xf32, #tpu.memory_space<vmem>>, vector<16xf32>,
      %add3A_386 = arith.addf %select_n3A_382, %get3A_385 : vector<16xf32>
      %swap3A_387 = arith.index_cast %add3A_204 : i32 to index
      %swap3A_388 = arith.constant 112 : index
      %swap3A_389 = tpu.vector_load %arg11[%swap3A_387, %swap3A_388] {strides = array<i32>} : memref<320x128xf32, #tpu.memory_space<vmem>>, vector<16xf32>,
      tpu.vector_store %arg11[%swap3A_387, %swap3A_388], %add3A_386 {strides = array<i32>} : memref<320x128xf32, #tpu.memory_space<vmem>>, vector<16xf32>,
    }
    %scan3A_162 = arith.constant 40 : i32
    %add3A_163 = arith.constant 120 : i32
    %add3A_164 = arith.addi %mul3A_2, %add3A_163 : i32
    "tpu.region"() ({
      %run_scoped3A = tpu.sem_alloc : memref<!tpu.dma_semaphore, #tpu.memory_space<semaphore_mem>>
      %dma_start3A_198 = arith.constant 0 : i32
      %dma_start3A_199 = arith.constant 0 : i32
      %dma_start3A_200 = tpu.memref_slice %arg21[%dma_start3A_198, %dma_start3A_199] : memref<80x128xf32, #tpu.memory_space<vmem>> -> memref<40x128xf32, #tpu.memory_space<vmem>>
      %dma_start3A_201 = arith.constant 0 : i32
      %dma_start3A_202 = tpu.memref_slice %arg8[%add3A_164, %dma_start3A_201] : memref<10240x128xf32, #tpu.memory_space<hbm>> -> memref<40x128xf32, #tpu.memory_space<hbm>>
      %dma_start3A_203 = arith.constant 0 : i32
      %dma_start3A_204 = arith.constant 0 : i32
      %dma_start3A_205 = tpu.memref_slice %arg21[%dma_start3A_203, %dma_start3A_204] : memref<80x128xf32, #tpu.memory_space<vmem>> -> memref<40x128xf32, #tpu.memory_space<vmem>>
      %dma_start3A_206 = arith.constant 0 : i32
      %dma_start3A_207 = tpu.memref_slice %arg8[%add3A_164, %dma_start3A_206] : memref<10240x128xf32, #tpu.memory_space<hbm>> -> memref<40x128xf32, #tpu.memory_space<hbm>>
      tpu.enqueue_dma source(%dma_start3A_207 : memref<40x128xf32, #tpu.memory_space<hbm>>) target(%dma_start3A_205 : memref<40x128xf32, #tpu.memory_space<vmem>>) target_semaphore(%run_scoped3A : memref<!tpu.dma_semaphore, #tpu.memory_space<semaphore_mem>>)
      %dma_wait3A_208 = arith.constant 0 : i32
      %dma_wait3A_209 = arith.constant 0 : i32
      %dma_wait3A_210 = tpu.memref_slice %arg21[%dma_wait3A_208, %dma_wait3A_209] : memref<80x128xf32, #tpu.memory_space<vmem>> -> memref<40x128xf32, #tpu.memory_space<vmem>>
      %dma_wait3A_211 = arith.constant 0 : i32
      %dma_wait3A_212 = tpu.memref_slice %arg8[%add3A_164, %dma_wait3A_211] : memref<10240x128xf32, #tpu.memory_space<hbm>> -> memref<40x128xf32, #tpu.memory_space<hbm>>
      %dma_wait3A_213 = arith.constant 0 : i32
      %dma_wait3A_214 = arith.constant 0 : i32
      %dma_wait3A_215 = tpu.memref_slice %arg21[%dma_wait3A_213, %dma_wait3A_214] : memref<80x128xf32, #tpu.memory_space<vmem>> -> memref<40x128xf32, #tpu.memory_space<vmem>>
      %dma_wait3A_216 = arith.constant 0 : i32
      %dma_wait3A_217 = tpu.memref_slice %arg8[%add3A_164, %dma_wait3A_216] : memref<10240x128xf32, #tpu.memory_space<hbm>> -> memref<40x128xf32, #tpu.memory_space<hbm>>
      tpu.wait_dma2 semaphore(%run_scoped3A : memref<!tpu.dma_semaphore, #tpu.memory_space<semaphore_mem>>) src(%dma_wait3A_217 : memref<40x128xf32, #tpu.memory_space<hbm>>) dst(%dma_wait3A_215 : memref<40x128xf32, #tpu.memory_space<vmem>>)
      tpu.yield
    }) : () -> ()
    %scan3A_165 = arith.constant 0 : i32
    %scan3A_166 = arith.constant 40 : i32
    %scan3A_167 = arith.addi %scan3A_165, %scan3A_166 : i32
    %scan3A_168 = arith.constant 1 : i32
    scf.for %scan3A_198 = %scan3A_165 to %scan3A_167 step %scan3A_168  : i32 {
      %mul3A_199 = arith.constant 1 : i32
      %mul3A_200 = arith.muli %scan3A_198, %mul3A_199 : i32
      %add3A_201 = arith.constant 0 : i32
      %add3A_202 = arith.addi %add3A_201, %mul3A_200 : i32
      %add3A_203 = arith.constant 120 : i32
      %add3A_204 = arith.addi %add3A_203, %add3A_202 : i32
      %get3A_205 = arith.index_cast %add3A_204 : i32 to index
      %get3A_206 = arith.constant 0 : index
      %get3A_207 = tpu.vector_load %arg12[%get3A_205, %get3A_206] {strides = array<i32>} : memref<320x16xf32, #tpu.memory_space<vmem>>, vector<16xf32>,
      %add3A_208 = arith.constant 1.000000e-16 : f32
      %add3A_209 = vector.broadcast %add3A_208 : f32 to vector<16xf32>
      %add3A_210 = arith.addf %get3A_207, %add3A_209 : vector<16xf32>
      %get3A_211 = arith.index_cast %add3A_204 : i32 to index
      %get3A_212 = arith.constant 0 : index
      %get3A_213 = tpu.vector_load %arg11[%get3A_211, %get3A_212] {strides = array<i32>} : memref<320x128xf32, #tpu.memory_space<vmem>>, vector<16xf32>,
      %gt3A = arith.constant -3.000000e+38 : f32
      %gt3A_214 = vector.broadcast %gt3A : f32 to vector<16xf32>
      %gt3A_215 = arith.cmpf ogt, %get3A_213, %gt3A_214 : vector<16xf32>
      %div3A_216 = arith.divf %get3A_213, %add3A_210 : vector<16xf32>
      %max3A = arith.constant -1.000000e+09 : f32
      %max3A_217 = vector.broadcast %max3A : f32 to vector<16xf32>
      %max3A_218 = arith.maximumf %div3A_216, %max3A_217 : vector<16xf32>
      %min3A = arith.constant 1.000000e+09 : f32
      %min3A_219 = vector.broadcast %min3A : f32 to vector<16xf32>
      %min3A_220 = arith.minimumf %max3A_218, %min3A_219 : vector<16xf32>
      %jit3A = arith.constant 0.000000e+00 : f32
      %broadcast_in_dim3A_221 = vector.broadcast %jit3A : f32 to vector<16xf32>
      %select_n3A = arith.select %gt3A_215, %min3A_220, %broadcast_in_dim3A_221 : vector<16xi1>, vector<16xf32>
      %get3A_222 = arith.index_cast %add3A_202 : i32 to index
      %get3A_223 = arith.constant 0 : index
      %get3A_224 = tpu.vector_load %arg21[%get3A_222, %get3A_223] {strides = array<i32>} : memref<80x128xf32, #tpu.memory_space<vmem>>, vector<16xf32>,
      %add3A_225 = arith.addf %select_n3A, %get3A_224 : vector<16xf32>
      %swap3A_226 = arith.index_cast %add3A_204 : i32 to index
      %swap3A_227 = arith.constant 0 : index
      %swap3A_228 = tpu.vector_load %arg11[%swap3A_226, %swap3A_227] {strides = array<i32>} : memref<320x128xf32, #tpu.memory_space<vmem>>, vector<16xf32>,
      tpu.vector_store %arg11[%swap3A_226, %swap3A_227], %add3A_225 {strides = array<i32>} : memref<320x128xf32, #tpu.memory_space<vmem>>, vector<16xf32>,
      %get3A_229 = arith.index_cast %add3A_204 : i32 to index
      %get3A_230 = arith.constant 16 : index
      %get3A_231 = tpu.vector_load %arg11[%get3A_229, %get3A_230] {strides = array<i32>} : memref<320x128xf32, #tpu.memory_space<vmem>>, vector<16xf32>,
      %gt3A_232 = arith.constant -3.000000e+38 : f32
      %gt3A_233 = vector.broadcast %gt3A_232 : f32 to vector<16xf32>
      %gt3A_234 = arith.cmpf ogt, %get3A_231, %gt3A_233 : vector<16xf32>
      %div3A_235 = arith.divf %get3A_231, %add3A_210 : vector<16xf32>
      %max3A_236 = arith.constant -1.000000e+09 : f32
      %max3A_237 = vector.broadcast %max3A_236 : f32 to vector<16xf32>
      %max3A_238 = arith.maximumf %div3A_235, %max3A_237 : vector<16xf32>
      %min3A_239 = arith.constant 1.000000e+09 : f32
      %min3A_240 = vector.broadcast %min3A_239 : f32 to vector<16xf32>
      %min3A_241 = arith.minimumf %max3A_238, %min3A_240 : vector<16xf32>
      %jit3A_242 = arith.constant 0.000000e+00 : f32
      %broadcast_in_dim3A_243 = vector.broadcast %jit3A_242 : f32 to vector<16xf32>
      %select_n3A_244 = arith.select %gt3A_234, %min3A_241, %broadcast_in_dim3A_243 : vector<16xi1>, vector<16xf32>
      %get3A_245 = arith.index_cast %add3A_202 : i32 to index
      %get3A_246 = arith.constant 16 : index
      %get3A_247 = tpu.vector_load %arg21[%get3A_245, %get3A_246] {strides = array<i32>} : memref<80x128xf32, #tpu.memory_space<vmem>>, vector<16xf32>,
      %add3A_248 = arith.addf %select_n3A_244, %get3A_247 : vector<16xf32>
      %swap3A_249 = arith.index_cast %add3A_204 : i32 to index
      %swap3A_250 = arith.constant 16 : index
      %swap3A_251 = tpu.vector_load %arg11[%swap3A_249, %swap3A_250] {strides = array<i32>} : memref<320x128xf32, #tpu.memory_space<vmem>>, vector<16xf32>,
      tpu.vector_store %arg11[%swap3A_249, %swap3A_250], %add3A_248 {strides = array<i32>} : memref<320x128xf32, #tpu.memory_space<vmem>>, vector<16xf32>,
      %get3A_252 = arith.index_cast %add3A_204 : i32 to index
      %get3A_253 = arith.constant 32 : index
      %get3A_254 = tpu.vector_load %arg11[%get3A_252, %get3A_253] {strides = array<i32>} : memref<320x128xf32, #tpu.memory_space<vmem>>, vector<16xf32>,
      %gt3A_255 = arith.constant -3.000000e+38 : f32
      %gt3A_256 = vector.broadcast %gt3A_255 : f32 to vector<16xf32>
      %gt3A_257 = arith.cmpf ogt, %get3A_254, %gt3A_256 : vector<16xf32>
      %div3A_258 = arith.divf %get3A_254, %add3A_210 : vector<16xf32>
      %max3A_259 = arith.constant -1.000000e+09 : f32
      %max3A_260 = vector.broadcast %max3A_259 : f32 to vector<16xf32>
      %max3A_261 = arith.maximumf %div3A_258, %max3A_260 : vector<16xf32>
      %min3A_262 = arith.constant 1.000000e+09 : f32
      %min3A_263 = vector.broadcast %min3A_262 : f32 to vector<16xf32>
      %min3A_264 = arith.minimumf %max3A_261, %min3A_263 : vector<16xf32>
      %jit3A_265 = arith.constant 0.000000e+00 : f32
      %broadcast_in_dim3A_266 = vector.broadcast %jit3A_265 : f32 to vector<16xf32>
      %select_n3A_267 = arith.select %gt3A_257, %min3A_264, %broadcast_in_dim3A_266 : vector<16xi1>, vector<16xf32>
      %get3A_268 = arith.index_cast %add3A_202 : i32 to index
      %get3A_269 = arith.constant 32 : index
      %get3A_270 = tpu.vector_load %arg21[%get3A_268, %get3A_269] {strides = array<i32>} : memref<80x128xf32, #tpu.memory_space<vmem>>, vector<16xf32>,
      %add3A_271 = arith.addf %select_n3A_267, %get3A_270 : vector<16xf32>
      %swap3A_272 = arith.index_cast %add3A_204 : i32 to index
      %swap3A_273 = arith.constant 32 : index
      %swap3A_274 = tpu.vector_load %arg11[%swap3A_272, %swap3A_273] {strides = array<i32>} : memref<320x128xf32, #tpu.memory_space<vmem>>, vector<16xf32>,
      tpu.vector_store %arg11[%swap3A_272, %swap3A_273], %add3A_271 {strides = array<i32>} : memref<320x128xf32, #tpu.memory_space<vmem>>, vector<16xf32>,
      %get3A_275 = arith.index_cast %add3A_204 : i32 to index
      %get3A_276 = arith.constant 48 : index
      %get3A_277 = tpu.vector_load %arg11[%get3A_275, %get3A_276] {strides = array<i32>} : memref<320x128xf32, #tpu.memory_space<vmem>>, vector<16xf32>,
      %gt3A_278 = arith.constant -3.000000e+38 : f32
      %gt3A_279 = vector.broadcast %gt3A_278 : f32 to vector<16xf32>
      %gt3A_280 = arith.cmpf ogt, %get3A_277, %gt3A_279 : vector<16xf32>
      %div3A_281 = arith.divf %get3A_277, %add3A_210 : vector<16xf32>
      %max3A_282 = arith.constant -1.000000e+09 : f32
      %max3A_283 = vector.broadcast %max3A_282 : f32 to vector<16xf32>
      %max3A_284 = arith.maximumf %div3A_281, %max3A_283 : vector<16xf32>
      %min3A_285 = arith.constant 1.000000e+09 : f32
      %min3A_286 = vector.broadcast %min3A_285 : f32 to vector<16xf32>
      %min3A_287 = arith.minimumf %max3A_284, %min3A_286 : vector<16xf32>
      %jit3A_288 = arith.constant 0.000000e+00 : f32
      %broadcast_in_dim3A_289 = vector.broadcast %jit3A_288 : f32 to vector<16xf32>
      %select_n3A_290 = arith.select %gt3A_280, %min3A_287, %broadcast_in_dim3A_289 : vector<16xi1>, vector<16xf32>
      %get3A_291 = arith.index_cast %add3A_202 : i32 to index
      %get3A_292 = arith.constant 48 : index
      %get3A_293 = tpu.vector_load %arg21[%get3A_291, %get3A_292] {strides = array<i32>} : memref<80x128xf32, #tpu.memory_space<vmem>>, vector<16xf32>,
      %add3A_294 = arith.addf %select_n3A_290, %get3A_293 : vector<16xf32>
      %swap3A_295 = arith.index_cast %add3A_204 : i32 to index
      %swap3A_296 = arith.constant 48 : index
      %swap3A_297 = tpu.vector_load %arg11[%swap3A_295, %swap3A_296] {strides = array<i32>} : memref<320x128xf32, #tpu.memory_space<vmem>>, vector<16xf32>,
      tpu.vector_store %arg11[%swap3A_295, %swap3A_296], %add3A_294 {strides = array<i32>} : memref<320x128xf32, #tpu.memory_space<vmem>>, vector<16xf32>,
      %get3A_298 = arith.index_cast %add3A_204 : i32 to index
      %get3A_299 = arith.constant 64 : index
      %get3A_300 = tpu.vector_load %arg11[%get3A_298, %get3A_299] {strides = array<i32>} : memref<320x128xf32, #tpu.memory_space<vmem>>, vector<16xf32>,
      %gt3A_301 = arith.constant -3.000000e+38 : f32
      %gt3A_302 = vector.broadcast %gt3A_301 : f32 to vector<16xf32>
      %gt3A_303 = arith.cmpf ogt, %get3A_300, %gt3A_302 : vector<16xf32>
      %div3A_304 = arith.divf %get3A_300, %add3A_210 : vector<16xf32>
      %max3A_305 = arith.constant -1.000000e+09 : f32
      %max3A_306 = vector.broadcast %max3A_305 : f32 to vector<16xf32>
      %max3A_307 = arith.maximumf %div3A_304, %max3A_306 : vector<16xf32>
      %min3A_308 = arith.constant 1.000000e+09 : f32
      %min3A_309 = vector.broadcast %min3A_308 : f32 to vector<16xf32>
      %min3A_310 = arith.minimumf %max3A_307, %min3A_309 : vector<16xf32>
      %jit3A_311 = arith.constant 0.000000e+00 : f32
      %broadcast_in_dim3A_312 = vector.broadcast %jit3A_311 : f32 to vector<16xf32>
      %select_n3A_313 = arith.select %gt3A_303, %min3A_310, %broadcast_in_dim3A_312 : vector<16xi1>, vector<16xf32>
      %get3A_314 = arith.index_cast %add3A_202 : i32 to index
      %get3A_315 = arith.constant 64 : index
      %get3A_316 = tpu.vector_load %arg21[%get3A_314, %get3A_315] {strides = array<i32>} : memref<80x128xf32, #tpu.memory_space<vmem>>, vector<16xf32>,
      %add3A_317 = arith.addf %select_n3A_313, %get3A_316 : vector<16xf32>
      %swap3A_318 = arith.index_cast %add3A_204 : i32 to index
      %swap3A_319 = arith.constant 64 : index
      %swap3A_320 = tpu.vector_load %arg11[%swap3A_318, %swap3A_319] {strides = array<i32>} : memref<320x128xf32, #tpu.memory_space<vmem>>, vector<16xf32>,
      tpu.vector_store %arg11[%swap3A_318, %swap3A_319], %add3A_317 {strides = array<i32>} : memref<320x128xf32, #tpu.memory_space<vmem>>, vector<16xf32>,
      %get3A_321 = arith.index_cast %add3A_204 : i32 to index
      %get3A_322 = arith.constant 80 : index
      %get3A_323 = tpu.vector_load %arg11[%get3A_321, %get3A_322] {strides = array<i32>} : memref<320x128xf32, #tpu.memory_space<vmem>>, vector<16xf32>,
      %gt3A_324 = arith.constant -3.000000e+38 : f32
      %gt3A_325 = vector.broadcast %gt3A_324 : f32 to vector<16xf32>
      %gt3A_326 = arith.cmpf ogt, %get3A_323, %gt3A_325 : vector<16xf32>
      %div3A_327 = arith.divf %get3A_323, %add3A_210 : vector<16xf32>
      %max3A_328 = arith.constant -1.000000e+09 : f32
      %max3A_329 = vector.broadcast %max3A_328 : f32 to vector<16xf32>
      %max3A_330 = arith.maximumf %div3A_327, %max3A_329 : vector<16xf32>
      %min3A_331 = arith.constant 1.000000e+09 : f32
      %min3A_332 = vector.broadcast %min3A_331 : f32 to vector<16xf32>
      %min3A_333 = arith.minimumf %max3A_330, %min3A_332 : vector<16xf32>
      %jit3A_334 = arith.constant 0.000000e+00 : f32
      %broadcast_in_dim3A_335 = vector.broadcast %jit3A_334 : f32 to vector<16xf32>
      %select_n3A_336 = arith.select %gt3A_326, %min3A_333, %broadcast_in_dim3A_335 : vector<16xi1>, vector<16xf32>
      %get3A_337 = arith.index_cast %add3A_202 : i32 to index
      %get3A_338 = arith.constant 80 : index
      %get3A_339 = tpu.vector_load %arg21[%get3A_337, %get3A_338] {strides = array<i32>} : memref<80x128xf32, #tpu.memory_space<vmem>>, vector<16xf32>,
      %add3A_340 = arith.addf %select_n3A_336, %get3A_339 : vector<16xf32>
      %swap3A_341 = arith.index_cast %add3A_204 : i32 to index
      %swap3A_342 = arith.constant 80 : index
      %swap3A_343 = tpu.vector_load %arg11[%swap3A_341, %swap3A_342] {strides = array<i32>} : memref<320x128xf32, #tpu.memory_space<vmem>>, vector<16xf32>,
      tpu.vector_store %arg11[%swap3A_341, %swap3A_342], %add3A_340 {strides = array<i32>} : memref<320x128xf32, #tpu.memory_space<vmem>>, vector<16xf32>,
      %get3A_344 = arith.index_cast %add3A_204 : i32 to index
      %get3A_345 = arith.constant 96 : index
      %get3A_346 = tpu.vector_load %arg11[%get3A_344, %get3A_345] {strides = array<i32>} : memref<320x128xf32, #tpu.memory_space<vmem>>, vector<16xf32>,
      %gt3A_347 = arith.constant -3.000000e+38 : f32
      %gt3A_348 = vector.broadcast %gt3A_347 : f32 to vector<16xf32>
      %gt3A_349 = arith.cmpf ogt, %get3A_346, %gt3A_348 : vector<16xf32>
      %div3A_350 = arith.divf %get3A_346, %add3A_210 : vector<16xf32>
      %max3A_351 = arith.constant -1.000000e+09 : f32
      %max3A_352 = vector.broadcast %max3A_351 : f32 to vector<16xf32>
      %max3A_353 = arith.maximumf %div3A_350, %max3A_352 : vector<16xf32>
      %min3A_354 = arith.constant 1.000000e+09 : f32
      %min3A_355 = vector.broadcast %min3A_354 : f32 to vector<16xf32>
      %min3A_356 = arith.minimumf %max3A_353, %min3A_355 : vector<16xf32>
      %jit3A_357 = arith.constant 0.000000e+00 : f32
      %broadcast_in_dim3A_358 = vector.broadcast %jit3A_357 : f32 to vector<16xf32>
      %select_n3A_359 = arith.select %gt3A_349, %min3A_356, %broadcast_in_dim3A_358 : vector<16xi1>, vector<16xf32>
      %get3A_360 = arith.index_cast %add3A_202 : i32 to index
      %get3A_361 = arith.constant 96 : index
      %get3A_362 = tpu.vector_load %arg21[%get3A_360, %get3A_361] {strides = array<i32>} : memref<80x128xf32, #tpu.memory_space<vmem>>, vector<16xf32>,
      %add3A_363 = arith.addf %select_n3A_359, %get3A_362 : vector<16xf32>
      %swap3A_364 = arith.index_cast %add3A_204 : i32 to index
      %swap3A_365 = arith.constant 96 : index
      %swap3A_366 = tpu.vector_load %arg11[%swap3A_364, %swap3A_365] {strides = array<i32>} : memref<320x128xf32, #tpu.memory_space<vmem>>, vector<16xf32>,
      tpu.vector_store %arg11[%swap3A_364, %swap3A_365], %add3A_363 {strides = array<i32>} : memref<320x128xf32, #tpu.memory_space<vmem>>, vector<16xf32>,
      %get3A_367 = arith.index_cast %add3A_204 : i32 to index
      %get3A_368 = arith.constant 112 : index
      %get3A_369 = tpu.vector_load %arg11[%get3A_367, %get3A_368] {strides = array<i32>} : memref<320x128xf32, #tpu.memory_space<vmem>>, vector<16xf32>,
      %gt3A_370 = arith.constant -3.000000e+38 : f32
      %gt3A_371 = vector.broadcast %gt3A_370 : f32 to vector<16xf32>
      %gt3A_372 = arith.cmpf ogt, %get3A_369, %gt3A_371 : vector<16xf32>
      %div3A_373 = arith.divf %get3A_369, %add3A_210 : vector<16xf32>
      %max3A_374 = arith.constant -1.000000e+09 : f32
      %max3A_375 = vector.broadcast %max3A_374 : f32 to vector<16xf32>
      %max3A_376 = arith.maximumf %div3A_373, %max3A_375 : vector<16xf32>
      %min3A_377 = arith.constant 1.000000e+09 : f32
      %min3A_378 = vector.broadcast %min3A_377 : f32 to vector<16xf32>
      %min3A_379 = arith.minimumf %max3A_376, %min3A_378 : vector<16xf32>
      %jit3A_380 = arith.constant 0.000000e+00 : f32
      %broadcast_in_dim3A_381 = vector.broadcast %jit3A_380 : f32 to vector<16xf32>
      %select_n3A_382 = arith.select %gt3A_372, %min3A_379, %broadcast_in_dim3A_381 : vector<16xi1>, vector<16xf32>
      %get3A_383 = arith.index_cast %add3A_202 : i32 to index
      %get3A_384 = arith.constant 112 : index
      %get3A_385 = tpu.vector_load %arg21[%get3A_383, %get3A_384] {strides = array<i32>} : memref<80x128xf32, #tpu.memory_space<vmem>>, vector<16xf32>,
      %add3A_386 = arith.addf %select_n3A_382, %get3A_385 : vector<16xf32>
      %swap3A_387 = arith.index_cast %add3A_204 : i32 to index
      %swap3A_388 = arith.constant 112 : index
      %swap3A_389 = tpu.vector_load %arg11[%swap3A_387, %swap3A_388] {strides = array<i32>} : memref<320x128xf32, #tpu.memory_space<vmem>>, vector<16xf32>,
      tpu.vector_store %arg11[%swap3A_387, %swap3A_388], %add3A_386 {strides = array<i32>} : memref<320x128xf32, #tpu.memory_space<vmem>>, vector<16xf32>,
    }
    %scan3A_169 = arith.constant 40 : i32
    %add3A_170 = arith.constant 160 : i32
    %add3A_171 = arith.addi %mul3A_2, %add3A_170 : i32
    "tpu.region"() ({
      %run_scoped3A = tpu.sem_alloc : memref<!tpu.dma_semaphore, #tpu.memory_space<semaphore_mem>>
      %dma_start3A_198 = arith.constant 0 : i32
      %dma_start3A_199 = arith.constant 0 : i32
      %dma_start3A_200 = tpu.memref_slice %arg21[%dma_start3A_198, %dma_start3A_199] : memref<80x128xf32, #tpu.memory_space<vmem>> -> memref<40x128xf32, #tpu.memory_space<vmem>>
      %dma_start3A_201 = arith.constant 0 : i32
      %dma_start3A_202 = tpu.memref_slice %arg8[%add3A_171, %dma_start3A_201] : memref<10240x128xf32, #tpu.memory_space<hbm>> -> memref<40x128xf32, #tpu.memory_space<hbm>>
      %dma_start3A_203 = arith.constant 0 : i32
      %dma_start3A_204 = arith.constant 0 : i32
      %dma_start3A_205 = tpu.memref_slice %arg21[%dma_start3A_203, %dma_start3A_204] : memref<80x128xf32, #tpu.memory_space<vmem>> -> memref<40x128xf32, #tpu.memory_space<vmem>>
      %dma_start3A_206 = arith.constant 0 : i32
      %dma_start3A_207 = tpu.memref_slice %arg8[%add3A_171, %dma_start3A_206] : memref<10240x128xf32, #tpu.memory_space<hbm>> -> memref<40x128xf32, #tpu.memory_space<hbm>>
      tpu.enqueue_dma source(%dma_start3A_207 : memref<40x128xf32, #tpu.memory_space<hbm>>) target(%dma_start3A_205 : memref<40x128xf32, #tpu.memory_space<vmem>>) target_semaphore(%run_scoped3A : memref<!tpu.dma_semaphore, #tpu.memory_space<semaphore_mem>>)
      %dma_wait3A_208 = arith.constant 0 : i32
      %dma_wait3A_209 = arith.constant 0 : i32
      %dma_wait3A_210 = tpu.memref_slice %arg21[%dma_wait3A_208, %dma_wait3A_209] : memref<80x128xf32, #tpu.memory_space<vmem>> -> memref<40x128xf32, #tpu.memory_space<vmem>>
      %dma_wait3A_211 = arith.constant 0 : i32
      %dma_wait3A_212 = tpu.memref_slice %arg8[%add3A_171, %dma_wait3A_211] : memref<10240x128xf32, #tpu.memory_space<hbm>> -> memref<40x128xf32, #tpu.memory_space<hbm>>
      %dma_wait3A_213 = arith.constant 0 : i32
      %dma_wait3A_214 = arith.constant 0 : i32
      %dma_wait3A_215 = tpu.memref_slice %arg21[%dma_wait3A_213, %dma_wait3A_214] : memref<80x128xf32, #tpu.memory_space<vmem>> -> memref<40x128xf32, #tpu.memory_space<vmem>>
      %dma_wait3A_216 = arith.constant 0 : i32
      %dma_wait3A_217 = tpu.memref_slice %arg8[%add3A_171, %dma_wait3A_216] : memref<10240x128xf32, #tpu.memory_space<hbm>> -> memref<40x128xf32, #tpu.memory_space<hbm>>
      tpu.wait_dma2 semaphore(%run_scoped3A : memref<!tpu.dma_semaphore, #tpu.memory_space<semaphore_mem>>) src(%dma_wait3A_217 : memref<40x128xf32, #tpu.memory_space<hbm>>) dst(%dma_wait3A_215 : memref<40x128xf32, #tpu.memory_space<vmem>>)
      tpu.yield
    }) : () -> ()
    %scan3A_172 = arith.constant 0 : i32
    %scan3A_173 = arith.constant 40 : i32
    %scan3A_174 = arith.addi %scan3A_172, %scan3A_173 : i32
    %scan3A_175 = arith.constant 1 : i32
    scf.for %scan3A_198 = %scan3A_172 to %scan3A_174 step %scan3A_175  : i32 {
      %mul3A_199 = arith.constant 1 : i32
      %mul3A_200 = arith.muli %scan3A_198, %mul3A_199 : i32
      %add3A_201 = arith.constant 0 : i32
      %add3A_202 = arith.addi %add3A_201, %mul3A_200 : i32
      %add3A_203 = arith.constant 160 : i32
      %add3A_204 = arith.addi %add3A_203, %add3A_202 : i32
      %get3A_205 = arith.index_cast %add3A_204 : i32 to index
      %get3A_206 = arith.constant 0 : index
      %get3A_207 = tpu.vector_load %arg12[%get3A_205, %get3A_206] {strides = array<i32>} : memref<320x16xf32, #tpu.memory_space<vmem>>, vector<16xf32>,
      %add3A_208 = arith.constant 1.000000e-16 : f32
      %add3A_209 = vector.broadcast %add3A_208 : f32 to vector<16xf32>
      %add3A_210 = arith.addf %get3A_207, %add3A_209 : vector<16xf32>
      %get3A_211 = arith.index_cast %add3A_204 : i32 to index
      %get3A_212 = arith.constant 0 : index
      %get3A_213 = tpu.vector_load %arg11[%get3A_211, %get3A_212] {strides = array<i32>} : memref<320x128xf32, #tpu.memory_space<vmem>>, vector<16xf32>,
      %gt3A = arith.constant -3.000000e+38 : f32
      %gt3A_214 = vector.broadcast %gt3A : f32 to vector<16xf32>
      %gt3A_215 = arith.cmpf ogt, %get3A_213, %gt3A_214 : vector<16xf32>
      %div3A_216 = arith.divf %get3A_213, %add3A_210 : vector<16xf32>
      %max3A = arith.constant -1.000000e+09 : f32
      %max3A_217 = vector.broadcast %max3A : f32 to vector<16xf32>
      %max3A_218 = arith.maximumf %div3A_216, %max3A_217 : vector<16xf32>
      %min3A = arith.constant 1.000000e+09 : f32
      %min3A_219 = vector.broadcast %min3A : f32 to vector<16xf32>
      %min3A_220 = arith.minimumf %max3A_218, %min3A_219 : vector<16xf32>
      %jit3A = arith.constant 0.000000e+00 : f32
      %broadcast_in_dim3A_221 = vector.broadcast %jit3A : f32 to vector<16xf32>
      %select_n3A = arith.select %gt3A_215, %min3A_220, %broadcast_in_dim3A_221 : vector<16xi1>, vector<16xf32>
      %get3A_222 = arith.index_cast %add3A_202 : i32 to index
      %get3A_223 = arith.constant 0 : index
      %get3A_224 = tpu.vector_load %arg21[%get3A_222, %get3A_223] {strides = array<i32>} : memref<80x128xf32, #tpu.memory_space<vmem>>, vector<16xf32>,
      %add3A_225 = arith.addf %select_n3A, %get3A_224 : vector<16xf32>
      %swap3A_226 = arith.index_cast %add3A_204 : i32 to index
      %swap3A_227 = arith.constant 0 : index
      %swap3A_228 = tpu.vector_load %arg11[%swap3A_226, %swap3A_227] {strides = array<i32>} : memref<320x128xf32, #tpu.memory_space<vmem>>, vector<16xf32>,
      tpu.vector_store %arg11[%swap3A_226, %swap3A_227], %add3A_225 {strides = array<i32>} : memref<320x128xf32, #tpu.memory_space<vmem>>, vector<16xf32>,
      %get3A_229 = arith.index_cast %add3A_204 : i32 to index
      %get3A_230 = arith.constant 16 : index
      %get3A_231 = tpu.vector_load %arg11[%get3A_229, %get3A_230] {strides = array<i32>} : memref<320x128xf32, #tpu.memory_space<vmem>>, vector<16xf32>,
      %gt3A_232 = arith.constant -3.000000e+38 : f32
      %gt3A_233 = vector.broadcast %gt3A_232 : f32 to vector<16xf32>
      %gt3A_234 = arith.cmpf ogt, %get3A_231, %gt3A_233 : vector<16xf32>
      %div3A_235 = arith.divf %get3A_231, %add3A_210 : vector<16xf32>
      %max3A_236 = arith.constant -1.000000e+09 : f32
      %max3A_237 = vector.broadcast %max3A_236 : f32 to vector<16xf32>
      %max3A_238 = arith.maximumf %div3A_235, %max3A_237 : vector<16xf32>
      %min3A_239 = arith.constant 1.000000e+09 : f32
      %min3A_240 = vector.broadcast %min3A_239 : f32 to vector<16xf32>
      %min3A_241 = arith.minimumf %max3A_238, %min3A_240 : vector<16xf32>
      %jit3A_242 = arith.constant 0.000000e+00 : f32
      %broadcast_in_dim3A_243 = vector.broadcast %jit3A_242 : f32 to vector<16xf32>
      %select_n3A_244 = arith.select %gt3A_234, %min3A_241, %broadcast_in_dim3A_243 : vector<16xi1>, vector<16xf32>
      %get3A_245 = arith.index_cast %add3A_202 : i32 to index
      %get3A_246 = arith.constant 16 : index
      %get3A_247 = tpu.vector_load %arg21[%get3A_245, %get3A_246] {strides = array<i32>} : memref<80x128xf32, #tpu.memory_space<vmem>>, vector<16xf32>,
      %add3A_248 = arith.addf %select_n3A_244, %get3A_247 : vector<16xf32>
      %swap3A_249 = arith.index_cast %add3A_204 : i32 to index
      %swap3A_250 = arith.constant 16 : index
      %swap3A_251 = tpu.vector_load %arg11[%swap3A_249, %swap3A_250] {strides = array<i32>} : memref<320x128xf32, #tpu.memory_space<vmem>>, vector<16xf32>,
      tpu.vector_store %arg11[%swap3A_249, %swap3A_250], %add3A_248 {strides = array<i32>} : memref<320x128xf32, #tpu.memory_space<vmem>>, vector<16xf32>,
      %get3A_252 = arith.index_cast %add3A_204 : i32 to index
      %get3A_253 = arith.constant 32 : index
      %get3A_254 = tpu.vector_load %arg11[%get3A_252, %get3A_253] {strides = array<i32>} : memref<320x128xf32, #tpu.memory_space<vmem>>, vector<16xf32>,
      %gt3A_255 = arith.constant -3.000000e+38 : f32
      %gt3A_256 = vector.broadcast %gt3A_255 : f32 to vector<16xf32>
      %gt3A_257 = arith.cmpf ogt, %get3A_254, %gt3A_256 : vector<16xf32>
      %div3A_258 = arith.divf %get3A_254, %add3A_210 : vector<16xf32>
      %max3A_259 = arith.constant -1.000000e+09 : f32
      %max3A_260 = vector.broadcast %max3A_259 : f32 to vector<16xf32>
      %max3A_261 = arith.maximumf %div3A_258, %max3A_260 : vector<16xf32>
      %min3A_262 = arith.constant 1.000000e+09 : f32
      %min3A_263 = vector.broadcast %min3A_262 : f32 to vector<16xf32>
      %min3A_264 = arith.minimumf %max3A_261, %min3A_263 : vector<16xf32>
      %jit3A_265 = arith.constant 0.000000e+00 : f32
      %broadcast_in_dim3A_266 = vector.broadcast %jit3A_265 : f32 to vector<16xf32>
      %select_n3A_267 = arith.select %gt3A_257, %min3A_264, %broadcast_in_dim3A_266 : vector<16xi1>, vector<16xf32>
      %get3A_268 = arith.index_cast %add3A_202 : i32 to index
      %get3A_269 = arith.constant 32 : index
      %get3A_270 = tpu.vector_load %arg21[%get3A_268, %get3A_269] {strides = array<i32>} : memref<80x128xf32, #tpu.memory_space<vmem>>, vector<16xf32>,
      %add3A_271 = arith.addf %select_n3A_267, %get3A_270 : vector<16xf32>
      %swap3A_272 = arith.index_cast %add3A_204 : i32 to index
      %swap3A_273 = arith.constant 32 : index
      %swap3A_274 = tpu.vector_load %arg11[%swap3A_272, %swap3A_273] {strides = array<i32>} : memref<320x128xf32, #tpu.memory_space<vmem>>, vector<16xf32>,
      tpu.vector_store %arg11[%swap3A_272, %swap3A_273], %add3A_271 {strides = array<i32>} : memref<320x128xf32, #tpu.memory_space<vmem>>, vector<16xf32>,
      %get3A_275 = arith.index_cast %add3A_204 : i32 to index
      %get3A_276 = arith.constant 48 : index
      %get3A_277 = tpu.vector_load %arg11[%get3A_275, %get3A_276] {strides = array<i32>} : memref<320x128xf32, #tpu.memory_space<vmem>>, vector<16xf32>,
      %gt3A_278 = arith.constant -3.000000e+38 : f32
      %gt3A_279 = vector.broadcast %gt3A_278 : f32 to vector<16xf32>
      %gt3A_280 = arith.cmpf ogt, %get3A_277, %gt3A_279 : vector<16xf32>
      %div3A_281 = arith.divf %get3A_277, %add3A_210 : vector<16xf32>
      %max3A_282 = arith.constant -1.000000e+09 : f32
      %max3A_283 = vector.broadcast %max3A_282 : f32 to vector<16xf32>
      %max3A_284 = arith.maximumf %div3A_281, %max3A_283 : vector<16xf32>
      %min3A_285 = arith.constant 1.000000e+09 : f32
      %min3A_286 = vector.broadcast %min3A_285 : f32 to vector<16xf32>
      %min3A_287 = arith.minimumf %max3A_284, %min3A_286 : vector<16xf32>
      %jit3A_288 = arith.constant 0.000000e+00 : f32
      %broadcast_in_dim3A_289 = vector.broadcast %jit3A_288 : f32 to vector<16xf32>
      %select_n3A_290 = arith.select %gt3A_280, %min3A_287, %broadcast_in_dim3A_289 : vector<16xi1>, vector<16xf32>
      %get3A_291 = arith.index_cast %add3A_202 : i32 to index
      %get3A_292 = arith.constant 48 : index
      %get3A_293 = tpu.vector_load %arg21[%get3A_291, %get3A_292] {strides = array<i32>} : memref<80x128xf32, #tpu.memory_space<vmem>>, vector<16xf32>,
      %add3A_294 = arith.addf %select_n3A_290, %get3A_293 : vector<16xf32>
      %swap3A_295 = arith.index_cast %add3A_204 : i32 to index
      %swap3A_296 = arith.constant 48 : index
      %swap3A_297 = tpu.vector_load %arg11[%swap3A_295, %swap3A_296] {strides = array<i32>} : memref<320x128xf32, #tpu.memory_space<vmem>>, vector<16xf32>,
      tpu.vector_store %arg11[%swap3A_295, %swap3A_296], %add3A_294 {strides = array<i32>} : memref<320x128xf32, #tpu.memory_space<vmem>>, vector<16xf32>,
      %get3A_298 = arith.index_cast %add3A_204 : i32 to index
      %get3A_299 = arith.constant 64 : index
      %get3A_300 = tpu.vector_load %arg11[%get3A_298, %get3A_299] {strides = array<i32>} : memref<320x128xf32, #tpu.memory_space<vmem>>, vector<16xf32>,
      %gt3A_301 = arith.constant -3.000000e+38 : f32
      %gt3A_302 = vector.broadcast %gt3A_301 : f32 to vector<16xf32>
      %gt3A_303 = arith.cmpf ogt, %get3A_300, %gt3A_302 : vector<16xf32>
      %div3A_304 = arith.divf %get3A_300, %add3A_210 : vector<16xf32>
      %max3A_305 = arith.constant -1.000000e+09 : f32
      %max3A_306 = vector.broadcast %max3A_305 : f32 to vector<16xf32>
      %max3A_307 = arith.maximumf %div3A_304, %max3A_306 : vector<16xf32>
      %min3A_308 = arith.constant 1.000000e+09 : f32
      %min3A_309 = vector.broadcast %min3A_308 : f32 to vector<16xf32>
      %min3A_310 = arith.minimumf %max3A_307, %min3A_309 : vector<16xf32>
      %jit3A_311 = arith.constant 0.000000e+00 : f32
      %broadcast_in_dim3A_312 = vector.broadcast %jit3A_311 : f32 to vector<16xf32>
      %select_n3A_313 = arith.select %gt3A_303, %min3A_310, %broadcast_in_dim3A_312 : vector<16xi1>, vector<16xf32>
      %get3A_314 = arith.index_cast %add3A_202 : i32 to index
      %get3A_315 = arith.constant 64 : index
      %get3A_316 = tpu.vector_load %arg21[%get3A_314, %get3A_315] {strides = array<i32>} : memref<80x128xf32, #tpu.memory_space<vmem>>, vector<16xf32>,
      %add3A_317 = arith.addf %select_n3A_313, %get3A_316 : vector<16xf32>
      %swap3A_318 = arith.index_cast %add3A_204 : i32 to index
      %swap3A_319 = arith.constant 64 : index
      %swap3A_320 = tpu.vector_load %arg11[%swap3A_318, %swap3A_319] {strides = array<i32>} : memref<320x128xf32, #tpu.memory_space<vmem>>, vector<16xf32>,
      tpu.vector_store %arg11[%swap3A_318, %swap3A_319], %add3A_317 {strides = array<i32>} : memref<320x128xf32, #tpu.memory_space<vmem>>, vector<16xf32>,
      %get3A_321 = arith.index_cast %add3A_204 : i32 to index
      %get3A_322 = arith.constant 80 : index
      %get3A_323 = tpu.vector_load %arg11[%get3A_321, %get3A_322] {strides = array<i32>} : memref<320x128xf32, #tpu.memory_space<vmem>>, vector<16xf32>,
      %gt3A_324 = arith.constant -3.000000e+38 : f32
      %gt3A_325 = vector.broadcast %gt3A_324 : f32 to vector<16xf32>
      %gt3A_326 = arith.cmpf ogt, %get3A_323, %gt3A_325 : vector<16xf32>
      %div3A_327 = arith.divf %get3A_323, %add3A_210 : vector<16xf32>
      %max3A_328 = arith.constant -1.000000e+09 : f32
      %max3A_329 = vector.broadcast %max3A_328 : f32 to vector<16xf32>
      %max3A_330 = arith.maximumf %div3A_327, %max3A_329 : vector<16xf32>
      %min3A_331 = arith.constant 1.000000e+09 : f32
      %min3A_332 = vector.broadcast %min3A_331 : f32 to vector<16xf32>
      %min3A_333 = arith.minimumf %max3A_330, %min3A_332 : vector<16xf32>
      %jit3A_334 = arith.constant 0.000000e+00 : f32
      %broadcast_in_dim3A_335 = vector.broadcast %jit3A_334 : f32 to vector<16xf32>
      %select_n3A_336 = arith.select %gt3A_326, %min3A_333, %broadcast_in_dim3A_335 : vector<16xi1>, vector<16xf32>
      %get3A_337 = arith.index_cast %add3A_202 : i32 to index
      %get3A_338 = arith.constant 80 : index
      %get3A_339 = tpu.vector_load %arg21[%get3A_337, %get3A_338] {strides = array<i32>} : memref<80x128xf32, #tpu.memory_space<vmem>>, vector<16xf32>,
      %add3A_340 = arith.addf %select_n3A_336, %get3A_339 : vector<16xf32>
      %swap3A_341 = arith.index_cast %add3A_204 : i32 to index
      %swap3A_342 = arith.constant 80 : index
      %swap3A_343 = tpu.vector_load %arg11[%swap3A_341, %swap3A_342] {strides = array<i32>} : memref<320x128xf32, #tpu.memory_space<vmem>>, vector<16xf32>,
      tpu.vector_store %arg11[%swap3A_341, %swap3A_342], %add3A_340 {strides = array<i32>} : memref<320x128xf32, #tpu.memory_space<vmem>>, vector<16xf32>,
      %get3A_344 = arith.index_cast %add3A_204 : i32 to index
      %get3A_345 = arith.constant 96 : index
      %get3A_346 = tpu.vector_load %arg11[%get3A_344, %get3A_345] {strides = array<i32>} : memref<320x128xf32, #tpu.memory_space<vmem>>, vector<16xf32>,
      %gt3A_347 = arith.constant -3.000000e+38 : f32
      %gt3A_348 = vector.broadcast %gt3A_347 : f32 to vector<16xf32>
      %gt3A_349 = arith.cmpf ogt, %get3A_346, %gt3A_348 : vector<16xf32>
      %div3A_350 = arith.divf %get3A_346, %add3A_210 : vector<16xf32>
      %max3A_351 = arith.constant -1.000000e+09 : f32
      %max3A_352 = vector.broadcast %max3A_351 : f32 to vector<16xf32>
      %max3A_353 = arith.maximumf %div3A_350, %max3A_352 : vector<16xf32>
      %min3A_354 = arith.constant 1.000000e+09 : f32
      %min3A_355 = vector.broadcast %min3A_354 : f32 to vector<16xf32>
      %min3A_356 = arith.minimumf %max3A_353, %min3A_355 : vector<16xf32>
      %jit3A_357 = arith.constant 0.000000e+00 : f32
      %broadcast_in_dim3A_358 = vector.broadcast %jit3A_357 : f32 to vector<16xf32>
      %select_n3A_359 = arith.select %gt3A_349, %min3A_356, %broadcast_in_dim3A_358 : vector<16xi1>, vector<16xf32>
      %get3A_360 = arith.index_cast %add3A_202 : i32 to index
      %get3A_361 = arith.constant 96 : index
      %get3A_362 = tpu.vector_load %arg21[%get3A_360, %get3A_361] {strides = array<i32>} : memref<80x128xf32, #tpu.memory_space<vmem>>, vector<16xf32>,
      %add3A_363 = arith.addf %select_n3A_359, %get3A_362 : vector<16xf32>
      %swap3A_364 = arith.index_cast %add3A_204 : i32 to index
      %swap3A_365 = arith.constant 96 : index
      %swap3A_366 = tpu.vector_load %arg11[%swap3A_364, %swap3A_365] {strides = array<i32>} : memref<320x128xf32, #tpu.memory_space<vmem>>, vector<16xf32>,
      tpu.vector_store %arg11[%swap3A_364, %swap3A_365], %add3A_363 {strides = array<i32>} : memref<320x128xf32, #tpu.memory_space<vmem>>, vector<16xf32>,
      %get3A_367 = arith.index_cast %add3A_204 : i32 to index
      %get3A_368 = arith.constant 112 : index
      %get3A_369 = tpu.vector_load %arg11[%get3A_367, %get3A_368] {strides = array<i32>} : memref<320x128xf32, #tpu.memory_space<vmem>>, vector<16xf32>,
      %gt3A_370 = arith.constant -3.000000e+38 : f32
      %gt3A_371 = vector.broadcast %gt3A_370 : f32 to vector<16xf32>
      %gt3A_372 = arith.cmpf ogt, %get3A_369, %gt3A_371 : vector<16xf32>
      %div3A_373 = arith.divf %get3A_369, %add3A_210 : vector<16xf32>
      %max3A_374 = arith.constant -1.000000e+09 : f32
      %max3A_375 = vector.broadcast %max3A_374 : f32 to vector<16xf32>
      %max3A_376 = arith.maximumf %div3A_373, %max3A_375 : vector<16xf32>
      %min3A_377 = arith.constant 1.000000e+09 : f32
      %min3A_378 = vector.broadcast %min3A_377 : f32 to vector<16xf32>
      %min3A_379 = arith.minimumf %max3A_376, %min3A_378 : vector<16xf32>
      %jit3A_380 = arith.constant 0.000000e+00 : f32
      %broadcast_in_dim3A_381 = vector.broadcast %jit3A_380 : f32 to vector<16xf32>
      %select_n3A_382 = arith.select %gt3A_372, %min3A_379, %broadcast_in_dim3A_381 : vector<16xi1>, vector<16xf32>
      %get3A_383 = arith.index_cast %add3A_202 : i32 to index
      %get3A_384 = arith.constant 112 : index
      %get3A_385 = tpu.vector_load %arg21[%get3A_383, %get3A_384] {strides = array<i32>} : memref<80x128xf32, #tpu.memory_space<vmem>>, vector<16xf32>,
      %add3A_386 = arith.addf %select_n3A_382, %get3A_385 : vector<16xf32>
      %swap3A_387 = arith.index_cast %add3A_204 : i32 to index
      %swap3A_388 = arith.constant 112 : index
      %swap3A_389 = tpu.vector_load %arg11[%swap3A_387, %swap3A_388] {strides = array<i32>} : memref<320x128xf32, #tpu.memory_space<vmem>>, vector<16xf32>,
      tpu.vector_store %arg11[%swap3A_387, %swap3A_388], %add3A_386 {strides = array<i32>} : memref<320x128xf32, #tpu.memory_space<vmem>>, vector<16xf32>,
    }
    %scan3A_176 = arith.constant 40 : i32
    %add3A_177 = arith.constant 200 : i32
    %add3A_178 = arith.addi %mul3A_2, %add3A_177 : i32
    "tpu.region"() ({
      %run_scoped3A = tpu.sem_alloc : memref<!tpu.dma_semaphore, #tpu.memory_space<semaphore_mem>>
      %dma_start3A_198 = arith.constant 0 : i32
      %dma_start3A_199 = arith.constant 0 : i32
      %dma_start3A_200 = tpu.memref_slice %arg21[%dma_start3A_198, %dma_start3A_199] : memref<80x128xf32, #tpu.memory_space<vmem>> -> memref<40x128xf32, #tpu.memory_space<vmem>>
      %dma_start3A_201 = arith.constant 0 : i32
      %dma_start3A_202 = tpu.memref_slice %arg8[%add3A_178, %dma_start3A_201] : memref<10240x128xf32, #tpu.memory_space<hbm>> -> memref<40x128xf32, #tpu.memory_space<hbm>>
      %dma_start3A_203 = arith.constant 0 : i32
      %dma_start3A_204 = arith.constant 0 : i32
      %dma_start3A_205 = tpu.memref_slice %arg21[%dma_start3A_203, %dma_start3A_204] : memref<80x128xf32, #tpu.memory_space<vmem>> -> memref<40x128xf32, #tpu.memory_space<vmem>>
      %dma_start3A_206 = arith.constant 0 : i32
      %dma_start3A_207 = tpu.memref_slice %arg8[%add3A_178, %dma_start3A_206] : memref<10240x128xf32, #tpu.memory_space<hbm>> -> memref<40x128xf32, #tpu.memory_space<hbm>>
      tpu.enqueue_dma source(%dma_start3A_207 : memref<40x128xf32, #tpu.memory_space<hbm>>) target(%dma_start3A_205 : memref<40x128xf32, #tpu.memory_space<vmem>>) target_semaphore(%run_scoped3A : memref<!tpu.dma_semaphore, #tpu.memory_space<semaphore_mem>>)
      %dma_wait3A_208 = arith.constant 0 : i32
      %dma_wait3A_209 = arith.constant 0 : i32
      %dma_wait3A_210 = tpu.memref_slice %arg21[%dma_wait3A_208, %dma_wait3A_209] : memref<80x128xf32, #tpu.memory_space<vmem>> -> memref<40x128xf32, #tpu.memory_space<vmem>>
      %dma_wait3A_211 = arith.constant 0 : i32
      %dma_wait3A_212 = tpu.memref_slice %arg8[%add3A_178, %dma_wait3A_211] : memref<10240x128xf32, #tpu.memory_space<hbm>> -> memref<40x128xf32, #tpu.memory_space<hbm>>
      %dma_wait3A_213 = arith.constant 0 : i32
      %dma_wait3A_214 = arith.constant 0 : i32
      %dma_wait3A_215 = tpu.memref_slice %arg21[%dma_wait3A_213, %dma_wait3A_214] : memref<80x128xf32, #tpu.memory_space<vmem>> -> memref<40x128xf32, #tpu.memory_space<vmem>>
      %dma_wait3A_216 = arith.constant 0 : i32
      %dma_wait3A_217 = tpu.memref_slice %arg8[%add3A_178, %dma_wait3A_216] : memref<10240x128xf32, #tpu.memory_space<hbm>> -> memref<40x128xf32, #tpu.memory_space<hbm>>
      tpu.wait_dma2 semaphore(%run_scoped3A : memref<!tpu.dma_semaphore, #tpu.memory_space<semaphore_mem>>) src(%dma_wait3A_217 : memref<40x128xf32, #tpu.memory_space<hbm>>) dst(%dma_wait3A_215 : memref<40x128xf32, #tpu.memory_space<vmem>>)
      tpu.yield
    }) : () -> ()
    %scan3A_179 = arith.constant 0 : i32
    %scan3A_180 = arith.constant 40 : i32
    %scan3A_181 = arith.addi %scan3A_179, %scan3A_180 : i32
    %scan3A_182 = arith.constant 1 : i32
    scf.for %scan3A_198 = %scan3A_179 to %scan3A_181 step %scan3A_182  : i32 {
      %mul3A_199 = arith.constant 1 : i32
      %mul3A_200 = arith.muli %scan3A_198, %mul3A_199 : i32
      %add3A_201 = arith.constant 0 : i32
      %add3A_202 = arith.addi %add3A_201, %mul3A_200 : i32
      %add3A_203 = arith.constant 200 : i32
      %add3A_204 = arith.addi %add3A_203, %add3A_202 : i32
      %get3A_205 = arith.index_cast %add3A_204 : i32 to index
      %get3A_206 = arith.constant 0 : index
      %get3A_207 = tpu.vector_load %arg12[%get3A_205, %get3A_206] {strides = array<i32>} : memref<320x16xf32, #tpu.memory_space<vmem>>, vector<16xf32>,
      %add3A_208 = arith.constant 1.000000e-16 : f32
      %add3A_209 = vector.broadcast %add3A_208 : f32 to vector<16xf32>
      %add3A_210 = arith.addf %get3A_207, %add3A_209 : vector<16xf32>
      %get3A_211 = arith.index_cast %add3A_204 : i32 to index
      %get3A_212 = arith.constant 0 : index
      %get3A_213 = tpu.vector_load %arg11[%get3A_211, %get3A_212] {strides = array<i32>} : memref<320x128xf32, #tpu.memory_space<vmem>>, vector<16xf32>,
      %gt3A = arith.constant -3.000000e+38 : f32
      %gt3A_214 = vector.broadcast %gt3A : f32 to vector<16xf32>
      %gt3A_215 = arith.cmpf ogt, %get3A_213, %gt3A_214 : vector<16xf32>
      %div3A_216 = arith.divf %get3A_213, %add3A_210 : vector<16xf32>
      %max3A = arith.constant -1.000000e+09 : f32
      %max3A_217 = vector.broadcast %max3A : f32 to vector<16xf32>
      %max3A_218 = arith.maximumf %div3A_216, %max3A_217 : vector<16xf32>
      %min3A = arith.constant 1.000000e+09 : f32
      %min3A_219 = vector.broadcast %min3A : f32 to vector<16xf32>
      %min3A_220 = arith.minimumf %max3A_218, %min3A_219 : vector<16xf32>
      %jit3A = arith.constant 0.000000e+00 : f32
      %broadcast_in_dim3A_221 = vector.broadcast %jit3A : f32 to vector<16xf32>
      %select_n3A = arith.select %gt3A_215, %min3A_220, %broadcast_in_dim3A_221 : vector<16xi1>, vector<16xf32>
      %get3A_222 = arith.index_cast %add3A_202 : i32 to index
      %get3A_223 = arith.constant 0 : index
      %get3A_224 = tpu.vector_load %arg21[%get3A_222, %get3A_223] {strides = array<i32>} : memref<80x128xf32, #tpu.memory_space<vmem>>, vector<16xf32>,
      %add3A_225 = arith.addf %select_n3A, %get3A_224 : vector<16xf32>
      %swap3A_226 = arith.index_cast %add3A_204 : i32 to index
      %swap3A_227 = arith.constant 0 : index
      %swap3A_228 = tpu.vector_load %arg11[%swap3A_226, %swap3A_227] {strides = array<i32>} : memref<320x128xf32, #tpu.memory_space<vmem>>, vector<16xf32>,
      tpu.vector_store %arg11[%swap3A_226, %swap3A_227], %add3A_225 {strides = array<i32>} : memref<320x128xf32, #tpu.memory_space<vmem>>, vector<16xf32>,
      %get3A_229 = arith.index_cast %add3A_204 : i32 to index
      %get3A_230 = arith.constant 16 : index
      %get3A_231 = tpu.vector_load %arg11[%get3A_229, %get3A_230] {strides = array<i32>} : memref<320x128xf32, #tpu.memory_space<vmem>>, vector<16xf32>,
      %gt3A_232 = arith.constant -3.000000e+38 : f32
      %gt3A_233 = vector.broadcast %gt3A_232 : f32 to vector<16xf32>
      %gt3A_234 = arith.cmpf ogt, %get3A_231, %gt3A_233 : vector<16xf32>
      %div3A_235 = arith.divf %get3A_231, %add3A_210 : vector<16xf32>
      %max3A_236 = arith.constant -1.000000e+09 : f32
      %max3A_237 = vector.broadcast %max3A_236 : f32 to vector<16xf32>
      %max3A_238 = arith.maximumf %div3A_235, %max3A_237 : vector<16xf32>
      %min3A_239 = arith.constant 1.000000e+09 : f32
      %min3A_240 = vector.broadcast %min3A_239 : f32 to vector<16xf32>
      %min3A_241 = arith.minimumf %max3A_238, %min3A_240 : vector<16xf32>
      %jit3A_242 = arith.constant 0.000000e+00 : f32
      %broadcast_in_dim3A_243 = vector.broadcast %jit3A_242 : f32 to vector<16xf32>
      %select_n3A_244 = arith.select %gt3A_234, %min3A_241, %broadcast_in_dim3A_243 : vector<16xi1>, vector<16xf32>
      %get3A_245 = arith.index_cast %add3A_202 : i32 to index
      %get3A_246 = arith.constant 16 : index
      %get3A_247 = tpu.vector_load %arg21[%get3A_245, %get3A_246] {strides = array<i32>} : memref<80x128xf32, #tpu.memory_space<vmem>>, vector<16xf32>,
      %add3A_248 = arith.addf %select_n3A_244, %get3A_247 : vector<16xf32>
      %swap3A_249 = arith.index_cast %add3A_204 : i32 to index
      %swap3A_250 = arith.constant 16 : index
      %swap3A_251 = tpu.vector_load %arg11[%swap3A_249, %swap3A_250] {strides = array<i32>} : memref<320x128xf32, #tpu.memory_space<vmem>>, vector<16xf32>,
      tpu.vector_store %arg11[%swap3A_249, %swap3A_250], %add3A_248 {strides = array<i32>} : memref<320x128xf32, #tpu.memory_space<vmem>>, vector<16xf32>,
      %get3A_252 = arith.index_cast %add3A_204 : i32 to index
      %get3A_253 = arith.constant 32 : index
      %get3A_254 = tpu.vector_load %arg11[%get3A_252, %get3A_253] {strides = array<i32>} : memref<320x128xf32, #tpu.memory_space<vmem>>, vector<16xf32>,
      %gt3A_255 = arith.constant -3.000000e+38 : f32
      %gt3A_256 = vector.broadcast %gt3A_255 : f32 to vector<16xf32>
      %gt3A_257 = arith.cmpf ogt, %get3A_254, %gt3A_256 : vector<16xf32>
      %div3A_258 = arith.divf %get3A_254, %add3A_210 : vector<16xf32>
      %max3A_259 = arith.constant -1.000000e+09 : f32
      %max3A_260 = vector.broadcast %max3A_259 : f32 to vector<16xf32>
      %max3A_261 = arith.maximumf %div3A_258, %max3A_260 : vector<16xf32>
      %min3A_262 = arith.constant 1.000000e+09 : f32
      %min3A_263 = vector.broadcast %min3A_262 : f32 to vector<16xf32>
      %min3A_264 = arith.minimumf %max3A_261, %min3A_263 : vector<16xf32>
      %jit3A_265 = arith.constant 0.000000e+00 : f32
      %broadcast_in_dim3A_266 = vector.broadcast %jit3A_265 : f32 to vector<16xf32>
      %select_n3A_267 = arith.select %gt3A_257, %min3A_264, %broadcast_in_dim3A_266 : vector<16xi1>, vector<16xf32>
      %get3A_268 = arith.index_cast %add3A_202 : i32 to index
      %get3A_269 = arith.constant 32 : index
      %get3A_270 = tpu.vector_load %arg21[%get3A_268, %get3A_269] {strides = array<i32>} : memref<80x128xf32, #tpu.memory_space<vmem>>, vector<16xf32>,
      %add3A_271 = arith.addf %select_n3A_267, %get3A_270 : vector<16xf32>
      %swap3A_272 = arith.index_cast %add3A_204 : i32 to index
      %swap3A_273 = arith.constant 32 : index
      %swap3A_274 = tpu.vector_load %arg11[%swap3A_272, %swap3A_273] {strides = array<i32>} : memref<320x128xf32, #tpu.memory_space<vmem>>, vector<16xf32>,
      tpu.vector_store %arg11[%swap3A_272, %swap3A_273], %add3A_271 {strides = array<i32>} : memref<320x128xf32, #tpu.memory_space<vmem>>, vector<16xf32>,
      %get3A_275 = arith.index_cast %add3A_204 : i32 to index
      %get3A_276 = arith.constant 48 : index
      %get3A_277 = tpu.vector_load %arg11[%get3A_275, %get3A_276] {strides = array<i32>} : memref<320x128xf32, #tpu.memory_space<vmem>>, vector<16xf32>,
      %gt3A_278 = arith.constant -3.000000e+38 : f32
      %gt3A_279 = vector.broadcast %gt3A_278 : f32 to vector<16xf32>
      %gt3A_280 = arith.cmpf ogt, %get3A_277, %gt3A_279 : vector<16xf32>
      %div3A_281 = arith.divf %get3A_277, %add3A_210 : vector<16xf32>
      %max3A_282 = arith.constant -1.000000e+09 : f32
      %max3A_283 = vector.broadcast %max3A_282 : f32 to vector<16xf32>
      %max3A_284 = arith.maximumf %div3A_281, %max3A_283 : vector<16xf32>
      %min3A_285 = arith.constant 1.000000e+09 : f32
      %min3A_286 = vector.broadcast %min3A_285 : f32 to vector<16xf32>
      %min3A_287 = arith.minimumf %max3A_284, %min3A_286 : vector<16xf32>
      %jit3A_288 = arith.constant 0.000000e+00 : f32
      %broadcast_in_dim3A_289 = vector.broadcast %jit3A_288 : f32 to vector<16xf32>
      %select_n3A_290 = arith.select %gt3A_280, %min3A_287, %broadcast_in_dim3A_289 : vector<16xi1>, vector<16xf32>
      %get3A_291 = arith.index_cast %add3A_202 : i32 to index
      %get3A_292 = arith.constant 48 : index
      %get3A_293 = tpu.vector_load %arg21[%get3A_291, %get3A_292] {strides = array<i32>} : memref<80x128xf32, #tpu.memory_space<vmem>>, vector<16xf32>,
      %add3A_294 = arith.addf %select_n3A_290, %get3A_293 : vector<16xf32>
      %swap3A_295 = arith.index_cast %add3A_204 : i32 to index
      %swap3A_296 = arith.constant 48 : index
      %swap3A_297 = tpu.vector_load %arg11[%swap3A_295, %swap3A_296] {strides = array<i32>} : memref<320x128xf32, #tpu.memory_space<vmem>>, vector<16xf32>,
      tpu.vector_store %arg11[%swap3A_295, %swap3A_296], %add3A_294 {strides = array<i32>} : memref<320x128xf32, #tpu.memory_space<vmem>>, vector<16xf32>,
      %get3A_298 = arith.index_cast %add3A_204 : i32 to index
      %get3A_299 = arith.constant 64 : index
      %get3A_300 = tpu.vector_load %arg11[%get3A_298, %get3A_299] {strides = array<i32>} : memref<320x128xf32, #tpu.memory_space<vmem>>, vector<16xf32>,
      %gt3A_301 = arith.constant -3.000000e+38 : f32
      %gt3A_302 = vector.broadcast %gt3A_301 : f32 to vector<16xf32>
      %gt3A_303 = arith.cmpf ogt, %get3A_300, %gt3A_302 : vector<16xf32>
      %div3A_304 = arith.divf %get3A_300, %add3A_210 : vector<16xf32>
      %max3A_305 = arith.constant -1.000000e+09 : f32
      %max3A_306 = vector.broadcast %max3A_305 : f32 to vector<16xf32>
      %max3A_307 = arith.maximumf %div3A_304, %max3A_306 : vector<16xf32>
      %min3A_308 = arith.constant 1.000000e+09 : f32
      %min3A_309 = vector.broadcast %min3A_308 : f32 to vector<16xf32>
      %min3A_310 = arith.minimumf %max3A_307, %min3A_309 : vector<16xf32>
      %jit3A_311 = arith.constant 0.000000e+00 : f32
      %broadcast_in_dim3A_312 = vector.broadcast %jit3A_311 : f32 to vector<16xf32>
      %select_n3A_313 = arith.select %gt3A_303, %min3A_310, %broadcast_in_dim3A_312 : vector<16xi1>, vector<16xf32>
      %get3A_314 = arith.index_cast %add3A_202 : i32 to index
      %get3A_315 = arith.constant 64 : index
      %get3A_316 = tpu.vector_load %arg21[%get3A_314, %get3A_315] {strides = array<i32>} : memref<80x128xf32, #tpu.memory_space<vmem>>, vector<16xf32>,
      %add3A_317 = arith.addf %select_n3A_313, %get3A_316 : vector<16xf32>
      %swap3A_318 = arith.index_cast %add3A_204 : i32 to index
      %swap3A_319 = arith.constant 64 : index
      %swap3A_320 = tpu.vector_load %arg11[%swap3A_318, %swap3A_319] {strides = array<i32>} : memref<320x128xf32, #tpu.memory_space<vmem>>, vector<16xf32>,
      tpu.vector_store %arg11[%swap3A_318, %swap3A_319], %add3A_317 {strides = array<i32>} : memref<320x128xf32, #tpu.memory_space<vmem>>, vector<16xf32>,
      %get3A_321 = arith.index_cast %add3A_204 : i32 to index
      %get3A_322 = arith.constant 80 : index
      %get3A_323 = tpu.vector_load %arg11[%get3A_321, %get3A_322] {strides = array<i32>} : memref<320x128xf32, #tpu.memory_space<vmem>>, vector<16xf32>,
      %gt3A_324 = arith.constant -3.000000e+38 : f32
      %gt3A_325 = vector.broadcast %gt3A_324 : f32 to vector<16xf32>
      %gt3A_326 = arith.cmpf ogt, %get3A_323, %gt3A_325 : vector<16xf32>
      %div3A_327 = arith.divf %get3A_323, %add3A_210 : vector<16xf32>
      %max3A_328 = arith.constant -1.000000e+09 : f32
      %max3A_329 = vector.broadcast %max3A_328 : f32 to vector<16xf32>
      %max3A_330 = arith.maximumf %div3A_327, %max3A_329 : vector<16xf32>
      %min3A_331 = arith.constant 1.000000e+09 : f32
      %min3A_332 = vector.broadcast %min3A_331 : f32 to vector<16xf32>
      %min3A_333 = arith.minimumf %max3A_330, %min3A_332 : vector<16xf32>
      %jit3A_334 = arith.constant 0.000000e+00 : f32
      %broadcast_in_dim3A_335 = vector.broadcast %jit3A_334 : f32 to vector<16xf32>
      %select_n3A_336 = arith.select %gt3A_326, %min3A_333, %broadcast_in_dim3A_335 : vector<16xi1>, vector<16xf32>
      %get3A_337 = arith.index_cast %add3A_202 : i32 to index
      %get3A_338 = arith.constant 80 : index
      %get3A_339 = tpu.vector_load %arg21[%get3A_337, %get3A_338] {strides = array<i32>} : memref<80x128xf32, #tpu.memory_space<vmem>>, vector<16xf32>,
      %add3A_340 = arith.addf %select_n3A_336, %get3A_339 : vector<16xf32>
      %swap3A_341 = arith.index_cast %add3A_204 : i32 to index
      %swap3A_342 = arith.constant 80 : index
      %swap3A_343 = tpu.vector_load %arg11[%swap3A_341, %swap3A_342] {strides = array<i32>} : memref<320x128xf32, #tpu.memory_space<vmem>>, vector<16xf32>,
      tpu.vector_store %arg11[%swap3A_341, %swap3A_342], %add3A_340 {strides = array<i32>} : memref<320x128xf32, #tpu.memory_space<vmem>>, vector<16xf32>,
      %get3A_344 = arith.index_cast %add3A_204 : i32 to index
      %get3A_345 = arith.constant 96 : index
      %get3A_346 = tpu.vector_load %arg11[%get3A_344, %get3A_345] {strides = array<i32>} : memref<320x128xf32, #tpu.memory_space<vmem>>, vector<16xf32>,
      %gt3A_347 = arith.constant -3.000000e+38 : f32
      %gt3A_348 = vector.broadcast %gt3A_347 : f32 to vector<16xf32>
      %gt3A_349 = arith.cmpf ogt, %get3A_346, %gt3A_348 : vector<16xf32>
      %div3A_350 = arith.divf %get3A_346, %add3A_210 : vector<16xf32>
      %max3A_351 = arith.constant -1.000000e+09 : f32
      %max3A_352 = vector.broadcast %max3A_351 : f32 to vector<16xf32>
      %max3A_353 = arith.maximumf %div3A_350, %max3A_352 : vector<16xf32>
      %min3A_354 = arith.constant 1.000000e+09 : f32
      %min3A_355 = vector.broadcast %min3A_354 : f32 to vector<16xf32>
      %min3A_356 = arith.minimumf %max3A_353, %min3A_355 : vector<16xf32>
      %jit3A_357 = arith.constant 0.000000e+00 : f32
      %broadcast_in_dim3A_358 = vector.broadcast %jit3A_357 : f32 to vector<16xf32>
      %select_n3A_359 = arith.select %gt3A_349, %min3A_356, %broadcast_in_dim3A_358 : vector<16xi1>, vector<16xf32>
      %get3A_360 = arith.index_cast %add3A_202 : i32 to index
      %get3A_361 = arith.constant 96 : index
      %get3A_362 = tpu.vector_load %arg21[%get3A_360, %get3A_361] {strides = array<i32>} : memref<80x128xf32, #tpu.memory_space<vmem>>, vector<16xf32>,
      %add3A_363 = arith.addf %select_n3A_359, %get3A_362 : vector<16xf32>
      %swap3A_364 = arith.index_cast %add3A_204 : i32 to index
      %swap3A_365 = arith.constant 96 : index
      %swap3A_366 = tpu.vector_load %arg11[%swap3A_364, %swap3A_365] {strides = array<i32>} : memref<320x128xf32, #tpu.memory_space<vmem>>, vector<16xf32>,
      tpu.vector_store %arg11[%swap3A_364, %swap3A_365], %add3A_363 {strides = array<i32>} : memref<320x128xf32, #tpu.memory_space<vmem>>, vector<16xf32>,
      %get3A_367 = arith.index_cast %add3A_204 : i32 to index
      %get3A_368 = arith.constant 112 : index
      %get3A_369 = tpu.vector_load %arg11[%get3A_367, %get3A_368] {strides = array<i32>} : memref<320x128xf32, #tpu.memory_space<vmem>>, vector<16xf32>,
      %gt3A_370 = arith.constant -3.000000e+38 : f32
      %gt3A_371 = vector.broadcast %gt3A_370 : f32 to vector<16xf32>
      %gt3A_372 = arith.cmpf ogt, %get3A_369, %gt3A_371 : vector<16xf32>
      %div3A_373 = arith.divf %get3A_369, %add3A_210 : vector<16xf32>
      %max3A_374 = arith.constant -1.000000e+09 : f32
      %max3A_375 = vector.broadcast %max3A_374 : f32 to vector<16xf32>
      %max3A_376 = arith.maximumf %div3A_373, %max3A_375 : vector<16xf32>
      %min3A_377 = arith.constant 1.000000e+09 : f32
      %min3A_378 = vector.broadcast %min3A_377 : f32 to vector<16xf32>
      %min3A_379 = arith.minimumf %max3A_376, %min3A_378 : vector<16xf32>
      %jit3A_380 = arith.constant 0.000000e+00 : f32
      %broadcast_in_dim3A_381 = vector.broadcast %jit3A_380 : f32 to vector<16xf32>
      %select_n3A_382 = arith.select %gt3A_372, %min3A_379, %broadcast_in_dim3A_381 : vector<16xi1>, vector<16xf32>
      %get3A_383 = arith.index_cast %add3A_202 : i32 to index
      %get3A_384 = arith.constant 112 : index
      %get3A_385 = tpu.vector_load %arg21[%get3A_383, %get3A_384] {strides = array<i32>} : memref<80x128xf32, #tpu.memory_space<vmem>>, vector<16xf32>,
      %add3A_386 = arith.addf %select_n3A_382, %get3A_385 : vector<16xf32>
      %swap3A_387 = arith.index_cast %add3A_204 : i32 to index
      %swap3A_388 = arith.constant 112 : index
      %swap3A_389 = tpu.vector_load %arg11[%swap3A_387, %swap3A_388] {strides = array<i32>} : memref<320x128xf32, #tpu.memory_space<vmem>>, vector<16xf32>,
      tpu.vector_store %arg11[%swap3A_387, %swap3A_388], %add3A_386 {strides = array<i32>} : memref<320x128xf32, #tpu.memory_space<vmem>>, vector<16xf32>,
    }
    %scan3A_183 = arith.constant 40 : i32
    %add3A_184 = arith.constant 240 : i32
    %add3A_185 = arith.addi %mul3A_2, %add3A_184 : i32
    "tpu.region"() ({
      %run_scoped3A = tpu.sem_alloc : memref<!tpu.dma_semaphore, #tpu.memory_space<semaphore_mem>>
      %dma_start3A_198 = arith.constant 0 : i32
      %dma_start3A_199 = arith.constant 0 : i32
      %dma_start3A_200 = tpu.memref_slice %arg21[%dma_start3A_198, %dma_start3A_199] : memref<80x128xf32, #tpu.memory_space<vmem>> -> memref<40x128xf32, #tpu.memory_space<vmem>>
      %dma_start3A_201 = arith.constant 0 : i32
      %dma_start3A_202 = tpu.memref_slice %arg8[%add3A_185, %dma_start3A_201] : memref<10240x128xf32, #tpu.memory_space<hbm>> -> memref<40x128xf32, #tpu.memory_space<hbm>>
      %dma_start3A_203 = arith.constant 0 : i32
      %dma_start3A_204 = arith.constant 0 : i32
      %dma_start3A_205 = tpu.memref_slice %arg21[%dma_start3A_203, %dma_start3A_204] : memref<80x128xf32, #tpu.memory_space<vmem>> -> memref<40x128xf32, #tpu.memory_space<vmem>>
      %dma_start3A_206 = arith.constant 0 : i32
      %dma_start3A_207 = tpu.memref_slice %arg8[%add3A_185, %dma_start3A_206] : memref<10240x128xf32, #tpu.memory_space<hbm>> -> memref<40x128xf32, #tpu.memory_space<hbm>>
      tpu.enqueue_dma source(%dma_start3A_207 : memref<40x128xf32, #tpu.memory_space<hbm>>) target(%dma_start3A_205 : memref<40x128xf32, #tpu.memory_space<vmem>>) target_semaphore(%run_scoped3A : memref<!tpu.dma_semaphore, #tpu.memory_space<semaphore_mem>>)
      %dma_wait3A_208 = arith.constant 0 : i32
      %dma_wait3A_209 = arith.constant 0 : i32
      %dma_wait3A_210 = tpu.memref_slice %arg21[%dma_wait3A_208, %dma_wait3A_209] : memref<80x128xf32, #tpu.memory_space<vmem>> -> memref<40x128xf32, #tpu.memory_space<vmem>>
      %dma_wait3A_211 = arith.constant 0 : i32
      %dma_wait3A_212 = tpu.memref_slice %arg8[%add3A_185, %dma_wait3A_211] : memref<10240x128xf32, #tpu.memory_space<hbm>> -> memref<40x128xf32, #tpu.memory_space<hbm>>
      %dma_wait3A_213 = arith.constant 0 : i32
      %dma_wait3A_214 = arith.constant 0 : i32
      %dma_wait3A_215 = tpu.memref_slice %arg21[%dma_wait3A_213, %dma_wait3A_214] : memref<80x128xf32, #tpu.memory_space<vmem>> -> memref<40x128xf32, #tpu.memory_space<vmem>>
      %dma_wait3A_216 = arith.constant 0 : i32
      %dma_wait3A_217 = tpu.memref_slice %arg8[%add3A_185, %dma_wait3A_216] : memref<10240x128xf32, #tpu.memory_space<hbm>> -> memref<40x128xf32, #tpu.memory_space<hbm>>
      tpu.wait_dma2 semaphore(%run_scoped3A : memref<!tpu.dma_semaphore, #tpu.memory_space<semaphore_mem>>) src(%dma_wait3A_217 : memref<40x128xf32, #tpu.memory_space<hbm>>) dst(%dma_wait3A_215 : memref<40x128xf32, #tpu.memory_space<vmem>>)
      tpu.yield
    }) : () -> ()
    %scan3A_186 = arith.constant 0 : i32
    %scan3A_187 = arith.constant 40 : i32
    %scan3A_188 = arith.addi %scan3A_186, %scan3A_187 : i32
    %scan3A_189 = arith.constant 1 : i32
    scf.for %scan3A_198 = %scan3A_186 to %scan3A_188 step %scan3A_189  : i32 {
      %mul3A_199 = arith.constant 1 : i32
      %mul3A_200 = arith.muli %scan3A_198, %mul3A_199 : i32
      %add3A_201 = arith.constant 0 : i32
      %add3A_202 = arith.addi %add3A_201, %mul3A_200 : i32
      %add3A_203 = arith.constant 240 : i32
      %add3A_204 = arith.addi %add3A_203, %add3A_202 : i32
      %get3A_205 = arith.index_cast %add3A_204 : i32 to index
      %get3A_206 = arith.constant 0 : index
      %get3A_207 = tpu.vector_load %arg12[%get3A_205, %get3A_206] {strides = array<i32>} : memref<320x16xf32, #tpu.memory_space<vmem>>, vector<16xf32>,
      %add3A_208 = arith.constant 1.000000e-16 : f32
      %add3A_209 = vector.broadcast %add3A_208 : f32 to vector<16xf32>
      %add3A_210 = arith.addf %get3A_207, %add3A_209 : vector<16xf32>
      %get3A_211 = arith.index_cast %add3A_204 : i32 to index
      %get3A_212 = arith.constant 0 : index
      %get3A_213 = tpu.vector_load %arg11[%get3A_211, %get3A_212] {strides = array<i32>} : memref<320x128xf32, #tpu.memory_space<vmem>>, vector<16xf32>,
      %gt3A = arith.constant -3.000000e+38 : f32
      %gt3A_214 = vector.broadcast %gt3A : f32 to vector<16xf32>
      %gt3A_215 = arith.cmpf ogt, %get3A_213, %gt3A_214 : vector<16xf32>
      %div3A_216 = arith.divf %get3A_213, %add3A_210 : vector<16xf32>
      %max3A = arith.constant -1.000000e+09 : f32
      %max3A_217 = vector.broadcast %max3A : f32 to vector<16xf32>
      %max3A_218 = arith.maximumf %div3A_216, %max3A_217 : vector<16xf32>
      %min3A = arith.constant 1.000000e+09 : f32
      %min3A_219 = vector.broadcast %min3A : f32 to vector<16xf32>
      %min3A_220 = arith.minimumf %max3A_218, %min3A_219 : vector<16xf32>
      %jit3A = arith.constant 0.000000e+00 : f32
      %broadcast_in_dim3A_221 = vector.broadcast %jit3A : f32 to vector<16xf32>
      %select_n3A = arith.select %gt3A_215, %min3A_220, %broadcast_in_dim3A_221 : vector<16xi1>, vector<16xf32>
      %get3A_222 = arith.index_cast %add3A_202 : i32 to index
      %get3A_223 = arith.constant 0 : index
      %get3A_224 = tpu.vector_load %arg21[%get3A_222, %get3A_223] {strides = array<i32>} : memref<80x128xf32, #tpu.memory_space<vmem>>, vector<16xf32>,
      %add3A_225 = arith.addf %select_n3A, %get3A_224 : vector<16xf32>
      %swap3A_226 = arith.index_cast %add3A_204 : i32 to index
      %swap3A_227 = arith.constant 0 : index
      %swap3A_228 = tpu.vector_load %arg11[%swap3A_226, %swap3A_227] {strides = array<i32>} : memref<320x128xf32, #tpu.memory_space<vmem>>, vector<16xf32>,
      tpu.vector_store %arg11[%swap3A_226, %swap3A_227], %add3A_225 {strides = array<i32>} : memref<320x128xf32, #tpu.memory_space<vmem>>, vector<16xf32>,
      %get3A_229 = arith.index_cast %add3A_204 : i32 to index
      %get3A_230 = arith.constant 16 : index
      %get3A_231 = tpu.vector_load %arg11[%get3A_229, %get3A_230] {strides = array<i32>} : memref<320x128xf32, #tpu.memory_space<vmem>>, vector<16xf32>,
      %gt3A_232 = arith.constant -3.000000e+38 : f32
      %gt3A_233 = vector.broadcast %gt3A_232 : f32 to vector<16xf32>
      %gt3A_234 = arith.cmpf ogt, %get3A_231, %gt3A_233 : vector<16xf32>
      %div3A_235 = arith.divf %get3A_231, %add3A_210 : vector<16xf32>
      %max3A_236 = arith.constant -1.000000e+09 : f32
      %max3A_237 = vector.broadcast %max3A_236 : f32 to vector<16xf32>
      %max3A_238 = arith.maximumf %div3A_235, %max3A_237 : vector<16xf32>
      %min3A_239 = arith.constant 1.000000e+09 : f32
      %min3A_240 = vector.broadcast %min3A_239 : f32 to vector<16xf32>
      %min3A_241 = arith.minimumf %max3A_238, %min3A_240 : vector<16xf32>
      %jit3A_242 = arith.constant 0.000000e+00 : f32
      %broadcast_in_dim3A_243 = vector.broadcast %jit3A_242 : f32 to vector<16xf32>
      %select_n3A_244 = arith.select %gt3A_234, %min3A_241, %broadcast_in_dim3A_243 : vector<16xi1>, vector<16xf32>
      %get3A_245 = arith.index_cast %add3A_202 : i32 to index
      %get3A_246 = arith.constant 16 : index
      %get3A_247 = tpu.vector_load %arg21[%get3A_245, %get3A_246] {strides = array<i32>} : memref<80x128xf32, #tpu.memory_space<vmem>>, vector<16xf32>,
      %add3A_248 = arith.addf %select_n3A_244, %get3A_247 : vector<16xf32>
      %swap3A_249 = arith.index_cast %add3A_204 : i32 to index
      %swap3A_250 = arith.constant 16 : index
      %swap3A_251 = tpu.vector_load %arg11[%swap3A_249, %swap3A_250] {strides = array<i32>} : memref<320x128xf32, #tpu.memory_space<vmem>>, vector<16xf32>,
      tpu.vector_store %arg11[%swap3A_249, %swap3A_250], %add3A_248 {strides = array<i32>} : memref<320x128xf32, #tpu.memory_space<vmem>>, vector<16xf32>,
      %get3A_252 = arith.index_cast %add3A_204 : i32 to index
      %get3A_253 = arith.constant 32 : index
      %get3A_254 = tpu.vector_load %arg11[%get3A_252, %get3A_253] {strides = array<i32>} : memref<320x128xf32, #tpu.memory_space<vmem>>, vector<16xf32>,
      %gt3A_255 = arith.constant -3.000000e+38 : f32
      %gt3A_256 = vector.broadcast %gt3A_255 : f32 to vector<16xf32>
      %gt3A_257 = arith.cmpf ogt, %get3A_254, %gt3A_256 : vector<16xf32>
      %div3A_258 = arith.divf %get3A_254, %add3A_210 : vector<16xf32>
      %max3A_259 = arith.constant -1.000000e+09 : f32
      %max3A_260 = vector.broadcast %max3A_259 : f32 to vector<16xf32>
      %max3A_261 = arith.maximumf %div3A_258, %max3A_260 : vector<16xf32>
      %min3A_262 = arith.constant 1.000000e+09 : f32
      %min3A_263 = vector.broadcast %min3A_262 : f32 to vector<16xf32>
      %min3A_264 = arith.minimumf %max3A_261, %min3A_263 : vector<16xf32>
      %jit3A_265 = arith.constant 0.000000e+00 : f32
      %broadcast_in_dim3A_266 = vector.broadcast %jit3A_265 : f32 to vector<16xf32>
      %select_n3A_267 = arith.select %gt3A_257, %min3A_264, %broadcast_in_dim3A_266 : vector<16xi1>, vector<16xf32>
      %get3A_268 = arith.index_cast %add3A_202 : i32 to index
      %get3A_269 = arith.constant 32 : index
      %get3A_270 = tpu.vector_load %arg21[%get3A_268, %get3A_269] {strides = array<i32>} : memref<80x128xf32, #tpu.memory_space<vmem>>, vector<16xf32>,
      %add3A_271 = arith.addf %select_n3A_267, %get3A_270 : vector<16xf32>
      %swap3A_272 = arith.index_cast %add3A_204 : i32 to index
      %swap3A_273 = arith.constant 32 : index
      %swap3A_274 = tpu.vector_load %arg11[%swap3A_272, %swap3A_273] {strides = array<i32>} : memref<320x128xf32, #tpu.memory_space<vmem>>, vector<16xf32>,
      tpu.vector_store %arg11[%swap3A_272, %swap3A_273], %add3A_271 {strides = array<i32>} : memref<320x128xf32, #tpu.memory_space<vmem>>, vector<16xf32>,
      %get3A_275 = arith.index_cast %add3A_204 : i32 to index
      %get3A_276 = arith.constant 48 : index
      %get3A_277 = tpu.vector_load %arg11[%get3A_275, %get3A_276] {strides = array<i32>} : memref<320x128xf32, #tpu.memory_space<vmem>>, vector<16xf32>,
      %gt3A_278 = arith.constant -3.000000e+38 : f32
      %gt3A_279 = vector.broadcast %gt3A_278 : f32 to vector<16xf32>
      %gt3A_280 = arith.cmpf ogt, %get3A_277, %gt3A_279 : vector<16xf32>
      %div3A_281 = arith.divf %get3A_277, %add3A_210 : vector<16xf32>
      %max3A_282 = arith.constant -1.000000e+09 : f32
      %max3A_283 = vector.broadcast %max3A_282 : f32 to vector<16xf32>
      %max3A_284 = arith.maximumf %div3A_281, %max3A_283 : vector<16xf32>
      %min3A_285 = arith.constant 1.000000e+09 : f32
      %min3A_286 = vector.broadcast %min3A_285 : f32 to vector<16xf32>
      %min3A_287 = arith.minimumf %max3A_284, %min3A_286 : vector<16xf32>
      %jit3A_288 = arith.constant 0.000000e+00 : f32
      %broadcast_in_dim3A_289 = vector.broadcast %jit3A_288 : f32 to vector<16xf32>
      %select_n3A_290 = arith.select %gt3A_280, %min3A_287, %broadcast_in_dim3A_289 : vector<16xi1>, vector<16xf32>
      %get3A_291 = arith.index_cast %add3A_202 : i32 to index
      %get3A_292 = arith.constant 48 : index
      %get3A_293 = tpu.vector_load %arg21[%get3A_291, %get3A_292] {strides = array<i32>} : memref<80x128xf32, #tpu.memory_space<vmem>>, vector<16xf32>,
      %add3A_294 = arith.addf %select_n3A_290, %get3A_293 : vector<16xf32>
      %swap3A_295 = arith.index_cast %add3A_204 : i32 to index
      %swap3A_296 = arith.constant 48 : index
      %swap3A_297 = tpu.vector_load %arg11[%swap3A_295, %swap3A_296] {strides = array<i32>} : memref<320x128xf32, #tpu.memory_space<vmem>>, vector<16xf32>,
      tpu.vector_store %arg11[%swap3A_295, %swap3A_296], %add3A_294 {strides = array<i32>} : memref<320x128xf32, #tpu.memory_space<vmem>>, vector<16xf32>,
      %get3A_298 = arith.index_cast %add3A_204 : i32 to index
      %get3A_299 = arith.constant 64 : index
      %get3A_300 = tpu.vector_load %arg11[%get3A_298, %get3A_299] {strides = array<i32>} : memref<320x128xf32, #tpu.memory_space<vmem>>, vector<16xf32>,
      %gt3A_301 = arith.constant -3.000000e+38 : f32
      %gt3A_302 = vector.broadcast %gt3A_301 : f32 to vector<16xf32>
      %gt3A_303 = arith.cmpf ogt, %get3A_300, %gt3A_302 : vector<16xf32>
      %div3A_304 = arith.divf %get3A_300, %add3A_210 : vector<16xf32>
      %max3A_305 = arith.constant -1.000000e+09 : f32
      %max3A_306 = vector.broadcast %max3A_305 : f32 to vector<16xf32>
      %max3A_307 = arith.maximumf %div3A_304, %max3A_306 : vector<16xf32>
      %min3A_308 = arith.constant 1.000000e+09 : f32
      %min3A_309 = vector.broadcast %min3A_308 : f32 to vector<16xf32>
      %min3A_310 = arith.minimumf %max3A_307, %min3A_309 : vector<16xf32>
      %jit3A_311 = arith.constant 0.000000e+00 : f32
      %broadcast_in_dim3A_312 = vector.broadcast %jit3A_311 : f32 to vector<16xf32>
      %select_n3A_313 = arith.select %gt3A_303, %min3A_310, %broadcast_in_dim3A_312 : vector<16xi1>, vector<16xf32>
      %get3A_314 = arith.index_cast %add3A_202 : i32 to index
      %get3A_315 = arith.constant 64 : index
      %get3A_316 = tpu.vector_load %arg21[%get3A_314, %get3A_315] {strides = array<i32>} : memref<80x128xf32, #tpu.memory_space<vmem>>, vector<16xf32>,
      %add3A_317 = arith.addf %select_n3A_313, %get3A_316 : vector<16xf32>
      %swap3A_318 = arith.index_cast %add3A_204 : i32 to index
      %swap3A_319 = arith.constant 64 : index
      %swap3A_320 = tpu.vector_load %arg11[%swap3A_318, %swap3A_319] {strides = array<i32>} : memref<320x128xf32, #tpu.memory_space<vmem>>, vector<16xf32>,
      tpu.vector_store %arg11[%swap3A_318, %swap3A_319], %add3A_317 {strides = array<i32>} : memref<320x128xf32, #tpu.memory_space<vmem>>, vector<16xf32>,
      %get3A_321 = arith.index_cast %add3A_204 : i32 to index
      %get3A_322 = arith.constant 80 : index
      %get3A_323 = tpu.vector_load %arg11[%get3A_321, %get3A_322] {strides = array<i32>} : memref<320x128xf32, #tpu.memory_space<vmem>>, vector<16xf32>,
      %gt3A_324 = arith.constant -3.000000e+38 : f32
      %gt3A_325 = vector.broadcast %gt3A_324 : f32 to vector<16xf32>
      %gt3A_326 = arith.cmpf ogt, %get3A_323, %gt3A_325 : vector<16xf32>
      %div3A_327 = arith.divf %get3A_323, %add3A_210 : vector<16xf32>
      %max3A_328 = arith.constant -1.000000e+09 : f32
      %max3A_329 = vector.broadcast %max3A_328 : f32 to vector<16xf32>
      %max3A_330 = arith.maximumf %div3A_327, %max3A_329 : vector<16xf32>
      %min3A_331 = arith.constant 1.000000e+09 : f32
      %min3A_332 = vector.broadcast %min3A_331 : f32 to vector<16xf32>
      %min3A_333 = arith.minimumf %max3A_330, %min3A_332 : vector<16xf32>
      %jit3A_334 = arith.constant 0.000000e+00 : f32
      %broadcast_in_dim3A_335 = vector.broadcast %jit3A_334 : f32 to vector<16xf32>
      %select_n3A_336 = arith.select %gt3A_326, %min3A_333, %broadcast_in_dim3A_335 : vector<16xi1>, vector<16xf32>
      %get3A_337 = arith.index_cast %add3A_202 : i32 to index
      %get3A_338 = arith.constant 80 : index
      %get3A_339 = tpu.vector_load %arg21[%get3A_337, %get3A_338] {strides = array<i32>} : memref<80x128xf32, #tpu.memory_space<vmem>>, vector<16xf32>,
      %add3A_340 = arith.addf %select_n3A_336, %get3A_339 : vector<16xf32>
      %swap3A_341 = arith.index_cast %add3A_204 : i32 to index
      %swap3A_342 = arith.constant 80 : index
      %swap3A_343 = tpu.vector_load %arg11[%swap3A_341, %swap3A_342] {strides = array<i32>} : memref<320x128xf32, #tpu.memory_space<vmem>>, vector<16xf32>,
      tpu.vector_store %arg11[%swap3A_341, %swap3A_342], %add3A_340 {strides = array<i32>} : memref<320x128xf32, #tpu.memory_space<vmem>>, vector<16xf32>,
      %get3A_344 = arith.index_cast %add3A_204 : i32 to index
      %get3A_345 = arith.constant 96 : index
      %get3A_346 = tpu.vector_load %arg11[%get3A_344, %get3A_345] {strides = array<i32>} : memref<320x128xf32, #tpu.memory_space<vmem>>, vector<16xf32>,
      %gt3A_347 = arith.constant -3.000000e+38 : f32
      %gt3A_348 = vector.broadcast %gt3A_347 : f32 to vector<16xf32>
      %gt3A_349 = arith.cmpf ogt, %get3A_346, %gt3A_348 : vector<16xf32>
      %div3A_350 = arith.divf %get3A_346, %add3A_210 : vector<16xf32>
      %max3A_351 = arith.constant -1.000000e+09 : f32
      %max3A_352 = vector.broadcast %max3A_351 : f32 to vector<16xf32>
      %max3A_353 = arith.maximumf %div3A_350, %max3A_352 : vector<16xf32>
      %min3A_354 = arith.constant 1.000000e+09 : f32
      %min3A_355 = vector.broadcast %min3A_354 : f32 to vector<16xf32>
      %min3A_356 = arith.minimumf %max3A_353, %min3A_355 : vector<16xf32>
      %jit3A_357 = arith.constant 0.000000e+00 : f32
      %broadcast_in_dim3A_358 = vector.broadcast %jit3A_357 : f32 to vector<16xf32>
      %select_n3A_359 = arith.select %gt3A_349, %min3A_356, %broadcast_in_dim3A_358 : vector<16xi1>, vector<16xf32>
      %get3A_360 = arith.index_cast %add3A_202 : i32 to index
      %get3A_361 = arith.constant 96 : index
      %get3A_362 = tpu.vector_load %arg21[%get3A_360, %get3A_361] {strides = array<i32>} : memref<80x128xf32, #tpu.memory_space<vmem>>, vector<16xf32>,
      %add3A_363 = arith.addf %select_n3A_359, %get3A_362 : vector<16xf32>
      %swap3A_364 = arith.index_cast %add3A_204 : i32 to index
      %swap3A_365 = arith.constant 96 : index
      %swap3A_366 = tpu.vector_load %arg11[%swap3A_364, %swap3A_365] {strides = array<i32>} : memref<320x128xf32, #tpu.memory_space<vmem>>, vector<16xf32>,
      tpu.vector_store %arg11[%swap3A_364, %swap3A_365], %add3A_363 {strides = array<i32>} : memref<320x128xf32, #tpu.memory_space<vmem>>, vector<16xf32>,
      %get3A_367 = arith.index_cast %add3A_204 : i32 to index
      %get3A_368 = arith.constant 112 : index
      %get3A_369 = tpu.vector_load %arg11[%get3A_367, %get3A_368] {strides = array<i32>} : memref<320x128xf32, #tpu.memory_space<vmem>>, vector<16xf32>,
      %gt3A_370 = arith.constant -3.000000e+38 : f32
      %gt3A_371 = vector.broadcast %gt3A_370 : f32 to vector<16xf32>
      %gt3A_372 = arith.cmpf ogt, %get3A_369, %gt3A_371 : vector<16xf32>
      %div3A_373 = arith.divf %get3A_369, %add3A_210 : vector<16xf32>
      %max3A_374 = arith.constant -1.000000e+09 : f32
      %max3A_375 = vector.broadcast %max3A_374 : f32 to vector<16xf32>
      %max3A_376 = arith.maximumf %div3A_373, %max3A_375 : vector<16xf32>
      %min3A_377 = arith.constant 1.000000e+09 : f32
      %min3A_378 = vector.broadcast %min3A_377 : f32 to vector<16xf32>
      %min3A_379 = arith.minimumf %max3A_376, %min3A_378 : vector<16xf32>
      %jit3A_380 = arith.constant 0.000000e+00 : f32
      %broadcast_in_dim3A_381 = vector.broadcast %jit3A_380 : f32 to vector<16xf32>
      %select_n3A_382 = arith.select %gt3A_372, %min3A_379, %broadcast_in_dim3A_381 : vector<16xi1>, vector<16xf32>
      %get3A_383 = arith.index_cast %add3A_202 : i32 to index
      %get3A_384 = arith.constant 112 : index
      %get3A_385 = tpu.vector_load %arg21[%get3A_383, %get3A_384] {strides = array<i32>} : memref<80x128xf32, #tpu.memory_space<vmem>>, vector<16xf32>,
      %add3A_386 = arith.addf %select_n3A_382, %get3A_385 : vector<16xf32>
      %swap3A_387 = arith.index_cast %add3A_204 : i32 to index
      %swap3A_388 = arith.constant 112 : index
      %swap3A_389 = tpu.vector_load %arg11[%swap3A_387, %swap3A_388] {strides = array<i32>} : memref<320x128xf32, #tpu.memory_space<vmem>>, vector<16xf32>,
      tpu.vector_store %arg11[%swap3A_387, %swap3A_388], %add3A_386 {strides = array<i32>} : memref<320x128xf32, #tpu.memory_space<vmem>>, vector<16xf32>,
    }
    %scan3A_190 = arith.constant 40 : i32
    %add3A_191 = arith.constant 280 : i32
    %add3A_192 = arith.addi %mul3A_2, %add3A_191 : i32
    "tpu.region"() ({
      %run_scoped3A = tpu.sem_alloc : memref<!tpu.dma_semaphore, #tpu.memory_space<semaphore_mem>>
      %dma_start3A_198 = arith.constant 0 : i32
      %dma_start3A_199 = arith.constant 0 : i32
      %dma_start3A_200 = tpu.memref_slice %arg21[%dma_start3A_198, %dma_start3A_199] : memref<80x128xf32, #tpu.memory_space<vmem>> -> memref<40x128xf32, #tpu.memory_space<vmem>>
      %dma_start3A_201 = arith.constant 0 : i32
      %dma_start3A_202 = tpu.memref_slice %arg8[%add3A_192, %dma_start3A_201] : memref<10240x128xf32, #tpu.memory_space<hbm>> -> memref<40x128xf32, #tpu.memory_space<hbm>>
      %dma_start3A_203 = arith.constant 0 : i32
      %dma_start3A_204 = arith.constant 0 : i32
      %dma_start3A_205 = tpu.memref_slice %arg21[%dma_start3A_203, %dma_start3A_204] : memref<80x128xf32, #tpu.memory_space<vmem>> -> memref<40x128xf32, #tpu.memory_space<vmem>>
      %dma_start3A_206 = arith.constant 0 : i32
      %dma_start3A_207 = tpu.memref_slice %arg8[%add3A_192, %dma_start3A_206] : memref<10240x128xf32, #tpu.memory_space<hbm>> -> memref<40x128xf32, #tpu.memory_space<hbm>>
      tpu.enqueue_dma source(%dma_start3A_207 : memref<40x128xf32, #tpu.memory_space<hbm>>) target(%dma_start3A_205 : memref<40x128xf32, #tpu.memory_space<vmem>>) target_semaphore(%run_scoped3A : memref<!tpu.dma_semaphore, #tpu.memory_space<semaphore_mem>>)
      %dma_wait3A_208 = arith.constant 0 : i32
      %dma_wait3A_209 = arith.constant 0 : i32
      %dma_wait3A_210 = tpu.memref_slice %arg21[%dma_wait3A_208, %dma_wait3A_209] : memref<80x128xf32, #tpu.memory_space<vmem>> -> memref<40x128xf32, #tpu.memory_space<vmem>>
      %dma_wait3A_211 = arith.constant 0 : i32
      %dma_wait3A_212 = tpu.memref_slice %arg8[%add3A_192, %dma_wait3A_211] : memref<10240x128xf32, #tpu.memory_space<hbm>> -> memref<40x128xf32, #tpu.memory_space<hbm>>
      %dma_wait3A_213 = arith.constant 0 : i32
      %dma_wait3A_214 = arith.constant 0 : i32
      %dma_wait3A_215 = tpu.memref_slice %arg21[%dma_wait3A_213, %dma_wait3A_214] : memref<80x128xf32, #tpu.memory_space<vmem>> -> memref<40x128xf32, #tpu.memory_space<vmem>>
      %dma_wait3A_216 = arith.constant 0 : i32
      %dma_wait3A_217 = tpu.memref_slice %arg8[%add3A_192, %dma_wait3A_216] : memref<10240x128xf32, #tpu.memory_space<hbm>> -> memref<40x128xf32, #tpu.memory_space<hbm>>
      tpu.wait_dma2 semaphore(%run_scoped3A : memref<!tpu.dma_semaphore, #tpu.memory_space<semaphore_mem>>) src(%dma_wait3A_217 : memref<40x128xf32, #tpu.memory_space<hbm>>) dst(%dma_wait3A_215 : memref<40x128xf32, #tpu.memory_space<vmem>>)
      tpu.yield
    }) : () -> ()
    %scan3A_193 = arith.constant 0 : i32
    %scan3A_194 = arith.constant 40 : i32
    %scan3A_195 = arith.addi %scan3A_193, %scan3A_194 : i32
    %scan3A_196 = arith.constant 1 : i32
    scf.for %scan3A_198 = %scan3A_193 to %scan3A_195 step %scan3A_196  : i32 {
      %mul3A_199 = arith.constant 1 : i32
      %mul3A_200 = arith.muli %scan3A_198, %mul3A_199 : i32
      %add3A_201 = arith.constant 0 : i32
      %add3A_202 = arith.addi %add3A_201, %mul3A_200 : i32
      %add3A_203 = arith.constant 280 : i32
      %add3A_204 = arith.addi %add3A_203, %add3A_202 : i32
      %get3A_205 = arith.index_cast %add3A_204 : i32 to index
      %get3A_206 = arith.constant 0 : index
      %get3A_207 = tpu.vector_load %arg12[%get3A_205, %get3A_206] {strides = array<i32>} : memref<320x16xf32, #tpu.memory_space<vmem>>, vector<16xf32>,
      %add3A_208 = arith.constant 1.000000e-16 : f32
      %add3A_209 = vector.broadcast %add3A_208 : f32 to vector<16xf32>
      %add3A_210 = arith.addf %get3A_207, %add3A_209 : vector<16xf32>
      %get3A_211 = arith.index_cast %add3A_204 : i32 to index
      %get3A_212 = arith.constant 0 : index
      %get3A_213 = tpu.vector_load %arg11[%get3A_211, %get3A_212] {strides = array<i32>} : memref<320x128xf32, #tpu.memory_space<vmem>>, vector<16xf32>,
      %gt3A = arith.constant -3.000000e+38 : f32
      %gt3A_214 = vector.broadcast %gt3A : f32 to vector<16xf32>
      %gt3A_215 = arith.cmpf ogt, %get3A_213, %gt3A_214 : vector<16xf32>
      %div3A_216 = arith.divf %get3A_213, %add3A_210 : vector<16xf32>
      %max3A = arith.constant -1.000000e+09 : f32
      %max3A_217 = vector.broadcast %max3A : f32 to vector<16xf32>
      %max3A_218 = arith.maximumf %div3A_216, %max3A_217 : vector<16xf32>
      %min3A = arith.constant 1.000000e+09 : f32
      %min3A_219 = vector.broadcast %min3A : f32 to vector<16xf32>
      %min3A_220 = arith.minimumf %max3A_218, %min3A_219 : vector<16xf32>
      %jit3A = arith.constant 0.000000e+00 : f32
      %broadcast_in_dim3A_221 = vector.broadcast %jit3A : f32 to vector<16xf32>
      %select_n3A = arith.select %gt3A_215, %min3A_220, %broadcast_in_dim3A_221 : vector<16xi1>, vector<16xf32>
      %get3A_222 = arith.index_cast %add3A_202 : i32 to index
      %get3A_223 = arith.constant 0 : index
      %get3A_224 = tpu.vector_load %arg21[%get3A_222, %get3A_223] {strides = array<i32>} : memref<80x128xf32, #tpu.memory_space<vmem>>, vector<16xf32>,
      %add3A_225 = arith.addf %select_n3A, %get3A_224 : vector<16xf32>
      %swap3A_226 = arith.index_cast %add3A_204 : i32 to index
      %swap3A_227 = arith.constant 0 : index
      %swap3A_228 = tpu.vector_load %arg11[%swap3A_226, %swap3A_227] {strides = array<i32>} : memref<320x128xf32, #tpu.memory_space<vmem>>, vector<16xf32>,
      tpu.vector_store %arg11[%swap3A_226, %swap3A_227], %add3A_225 {strides = array<i32>} : memref<320x128xf32, #tpu.memory_space<vmem>>, vector<16xf32>,
      %get3A_229 = arith.index_cast %add3A_204 : i32 to index
      %get3A_230 = arith.constant 16 : index
      %get3A_231 = tpu.vector_load %arg11[%get3A_229, %get3A_230] {strides = array<i32>} : memref<320x128xf32, #tpu.memory_space<vmem>>, vector<16xf32>,
      %gt3A_232 = arith.constant -3.000000e+38 : f32
      %gt3A_233 = vector.broadcast %gt3A_232 : f32 to vector<16xf32>
      %gt3A_234 = arith.cmpf ogt, %get3A_231, %gt3A_233 : vector<16xf32>
      %div3A_235 = arith.divf %get3A_231, %add3A_210 : vector<16xf32>
      %max3A_236 = arith.constant -1.000000e+09 : f32
      %max3A_237 = vector.broadcast %max3A_236 : f32 to vector<16xf32>
      %max3A_238 = arith.maximumf %div3A_235, %max3A_237 : vector<16xf32>
      %min3A_239 = arith.constant 1.000000e+09 : f32
      %min3A_240 = vector.broadcast %min3A_239 : f32 to vector<16xf32>
      %min3A_241 = arith.minimumf %max3A_238, %min3A_240 : vector<16xf32>
      %jit3A_242 = arith.constant 0.000000e+00 : f32
      %broadcast_in_dim3A_243 = vector.broadcast %jit3A_242 : f32 to vector<16xf32>
      %select_n3A_244 = arith.select %gt3A_234, %min3A_241, %broadcast_in_dim3A_243 : vector<16xi1>, vector<16xf32>
      %get3A_245 = arith.index_cast %add3A_202 : i32 to index
      %get3A_246 = arith.constant 16 : index
      %get3A_247 = tpu.vector_load %arg21[%get3A_245, %get3A_246] {strides = array<i32>} : memref<80x128xf32, #tpu.memory_space<vmem>>, vector<16xf32>,
      %add3A_248 = arith.addf %select_n3A_244, %get3A_247 : vector<16xf32>
      %swap3A_249 = arith.index_cast %add3A_204 : i32 to index
      %swap3A_250 = arith.constant 16 : index
      %swap3A_251 = tpu.vector_load %arg11[%swap3A_249, %swap3A_250] {strides = array<i32>} : memref<320x128xf32, #tpu.memory_space<vmem>>, vector<16xf32>,
      tpu.vector_store %arg11[%swap3A_249, %swap3A_250], %add3A_248 {strides = array<i32>} : memref<320x128xf32, #tpu.memory_space<vmem>>, vector<16xf32>,
      %get3A_252 = arith.index_cast %add3A_204 : i32 to index
      %get3A_253 = arith.constant 32 : index
      %get3A_254 = tpu.vector_load %arg11[%get3A_252, %get3A_253] {strides = array<i32>} : memref<320x128xf32, #tpu.memory_space<vmem>>, vector<16xf32>,
      %gt3A_255 = arith.constant -3.000000e+38 : f32
      %gt3A_256 = vector.broadcast %gt3A_255 : f32 to vector<16xf32>
      %gt3A_257 = arith.cmpf ogt, %get3A_254, %gt3A_256 : vector<16xf32>
      %div3A_258 = arith.divf %get3A_254, %add3A_210 : vector<16xf32>
      %max3A_259 = arith.constant -1.000000e+09 : f32
      %max3A_260 = vector.broadcast %max3A_259 : f32 to vector<16xf32>
      %max3A_261 = arith.maximumf %div3A_258, %max3A_260 : vector<16xf32>
      %min3A_262 = arith.constant 1.000000e+09 : f32
      %min3A_263 = vector.broadcast %min3A_262 : f32 to vector<16xf32>
      %min3A_264 = arith.minimumf %max3A_261, %min3A_263 : vector<16xf32>
      %jit3A_265 = arith.constant 0.000000e+00 : f32
      %broadcast_in_dim3A_266 = vector.broadcast %jit3A_265 : f32 to vector<16xf32>
      %select_n3A_267 = arith.select %gt3A_257, %min3A_264, %broadcast_in_dim3A_266 : vector<16xi1>, vector<16xf32>
      %get3A_268 = arith.index_cast %add3A_202 : i32 to index
      %get3A_269 = arith.constant 32 : index
      %get3A_270 = tpu.vector_load %arg21[%get3A_268, %get3A_269] {strides = array<i32>} : memref<80x128xf32, #tpu.memory_space<vmem>>, vector<16xf32>,
      %add3A_271 = arith.addf %select_n3A_267, %get3A_270 : vector<16xf32>
      %swap3A_272 = arith.index_cast %add3A_204 : i32 to index
      %swap3A_273 = arith.constant 32 : index
      %swap3A_274 = tpu.vector_load %arg11[%swap3A_272, %swap3A_273] {strides = array<i32>} : memref<320x128xf32, #tpu.memory_space<vmem>>, vector<16xf32>,
      tpu.vector_store %arg11[%swap3A_272, %swap3A_273], %add3A_271 {strides = array<i32>} : memref<320x128xf32, #tpu.memory_space<vmem>>, vector<16xf32>,
      %get3A_275 = arith.index_cast %add3A_204 : i32 to index
      %get3A_276 = arith.constant 48 : index
      %get3A_277 = tpu.vector_load %arg11[%get3A_275, %get3A_276] {strides = array<i32>} : memref<320x128xf32, #tpu.memory_space<vmem>>, vector<16xf32>,
      %gt3A_278 = arith.constant -3.000000e+38 : f32
      %gt3A_279 = vector.broadcast %gt3A_278 : f32 to vector<16xf32>
      %gt3A_280 = arith.cmpf ogt, %get3A_277, %gt3A_279 : vector<16xf32>
      %div3A_281 = arith.divf %get3A_277, %add3A_210 : vector<16xf32>
      %max3A_282 = arith.constant -1.000000e+09 : f32
      %max3A_283 = vector.broadcast %max3A_282 : f32 to vector<16xf32>
      %max3A_284 = arith.maximumf %div3A_281, %max3A_283 : vector<16xf32>
      %min3A_285 = arith.constant 1.000000e+09 : f32
      %min3A_286 = vector.broadcast %min3A_285 : f32 to vector<16xf32>
      %min3A_287 = arith.minimumf %max3A_284, %min3A_286 : vector<16xf32>
      %jit3A_288 = arith.constant 0.000000e+00 : f32
      %broadcast_in_dim3A_289 = vector.broadcast %jit3A_288 : f32 to vector<16xf32>
      %select_n3A_290 = arith.select %gt3A_280, %min3A_287, %broadcast_in_dim3A_289 : vector<16xi1>, vector<16xf32>
      %get3A_291 = arith.index_cast %add3A_202 : i32 to index
      %get3A_292 = arith.constant 48 : index
      %get3A_293 = tpu.vector_load %arg21[%get3A_291, %get3A_292] {strides = array<i32>} : memref<80x128xf32, #tpu.memory_space<vmem>>, vector<16xf32>,
      %add3A_294 = arith.addf %select_n3A_290, %get3A_293 : vector<16xf32>
      %swap3A_295 = arith.index_cast %add3A_204 : i32 to index
      %swap3A_296 = arith.constant 48 : index
      %swap3A_297 = tpu.vector_load %arg11[%swap3A_295, %swap3A_296] {strides = array<i32>} : memref<320x128xf32, #tpu.memory_space<vmem>>, vector<16xf32>,
      tpu.vector_store %arg11[%swap3A_295, %swap3A_296], %add3A_294 {strides = array<i32>} : memref<320x128xf32, #tpu.memory_space<vmem>>, vector<16xf32>,
      %get3A_298 = arith.index_cast %add3A_204 : i32 to index
      %get3A_299 = arith.constant 64 : index
      %get3A_300 = tpu.vector_load %arg11[%get3A_298, %get3A_299] {strides = array<i32>} : memref<320x128xf32, #tpu.memory_space<vmem>>, vector<16xf32>,
      %gt3A_301 = arith.constant -3.000000e+38 : f32
      %gt3A_302 = vector.broadcast %gt3A_301 : f32 to vector<16xf32>
      %gt3A_303 = arith.cmpf ogt, %get3A_300, %gt3A_302 : vector<16xf32>
      %div3A_304 = arith.divf %get3A_300, %add3A_210 : vector<16xf32>
      %max3A_305 = arith.constant -1.000000e+09 : f32
      %max3A_306 = vector.broadcast %max3A_305 : f32 to vector<16xf32>
      %max3A_307 = arith.maximumf %div3A_304, %max3A_306 : vector<16xf32>
      %min3A_308 = arith.constant 1.000000e+09 : f32
      %min3A_309 = vector.broadcast %min3A_308 : f32 to vector<16xf32>
      %min3A_310 = arith.minimumf %max3A_307, %min3A_309 : vector<16xf32>
      %jit3A_311 = arith.constant 0.000000e+00 : f32
      %broadcast_in_dim3A_312 = vector.broadcast %jit3A_311 : f32 to vector<16xf32>
      %select_n3A_313 = arith.select %gt3A_303, %min3A_310, %broadcast_in_dim3A_312 : vector<16xi1>, vector<16xf32>
      %get3A_314 = arith.index_cast %add3A_202 : i32 to index
      %get3A_315 = arith.constant 64 : index
      %get3A_316 = tpu.vector_load %arg21[%get3A_314, %get3A_315] {strides = array<i32>} : memref<80x128xf32, #tpu.memory_space<vmem>>, vector<16xf32>,
      %add3A_317 = arith.addf %select_n3A_313, %get3A_316 : vector<16xf32>
      %swap3A_318 = arith.index_cast %add3A_204 : i32 to index
      %swap3A_319 = arith.constant 64 : index
      %swap3A_320 = tpu.vector_load %arg11[%swap3A_318, %swap3A_319] {strides = array<i32>} : memref<320x128xf32, #tpu.memory_space<vmem>>, vector<16xf32>,
      tpu.vector_store %arg11[%swap3A_318, %swap3A_319], %add3A_317 {strides = array<i32>} : memref<320x128xf32, #tpu.memory_space<vmem>>, vector<16xf32>,
      %get3A_321 = arith.index_cast %add3A_204 : i32 to index
      %get3A_322 = arith.constant 80 : index
      %get3A_323 = tpu.vector_load %arg11[%get3A_321, %get3A_322] {strides = array<i32>} : memref<320x128xf32, #tpu.memory_space<vmem>>, vector<16xf32>,
      %gt3A_324 = arith.constant -3.000000e+38 : f32
      %gt3A_325 = vector.broadcast %gt3A_324 : f32 to vector<16xf32>
      %gt3A_326 = arith.cmpf ogt, %get3A_323, %gt3A_325 : vector<16xf32>
      %div3A_327 = arith.divf %get3A_323, %add3A_210 : vector<16xf32>
      %max3A_328 = arith.constant -1.000000e+09 : f32
      %max3A_329 = vector.broadcast %max3A_328 : f32 to vector<16xf32>
      %max3A_330 = arith.maximumf %div3A_327, %max3A_329 : vector<16xf32>
      %min3A_331 = arith.constant 1.000000e+09 : f32
      %min3A_332 = vector.broadcast %min3A_331 : f32 to vector<16xf32>
      %min3A_333 = arith.minimumf %max3A_330, %min3A_332 : vector<16xf32>
      %jit3A_334 = arith.constant 0.000000e+00 : f32
      %broadcast_in_dim3A_335 = vector.broadcast %jit3A_334 : f32 to vector<16xf32>
      %select_n3A_336 = arith.select %gt3A_326, %min3A_333, %broadcast_in_dim3A_335 : vector<16xi1>, vector<16xf32>
      %get3A_337 = arith.index_cast %add3A_202 : i32 to index
      %get3A_338 = arith.constant 80 : index
      %get3A_339 = tpu.vector_load %arg21[%get3A_337, %get3A_338] {strides = array<i32>} : memref<80x128xf32, #tpu.memory_space<vmem>>, vector<16xf32>,
      %add3A_340 = arith.addf %select_n3A_336, %get3A_339 : vector<16xf32>
      %swap3A_341 = arith.index_cast %add3A_204 : i32 to index
      %swap3A_342 = arith.constant 80 : index
      %swap3A_343 = tpu.vector_load %arg11[%swap3A_341, %swap3A_342] {strides = array<i32>} : memref<320x128xf32, #tpu.memory_space<vmem>>, vector<16xf32>,
      tpu.vector_store %arg11[%swap3A_341, %swap3A_342], %add3A_340 {strides = array<i32>} : memref<320x128xf32, #tpu.memory_space<vmem>>, vector<16xf32>,
      %get3A_344 = arith.index_cast %add3A_204 : i32 to index
      %get3A_345 = arith.constant 96 : index
      %get3A_346 = tpu.vector_load %arg11[%get3A_344, %get3A_345] {strides = array<i32>} : memref<320x128xf32, #tpu.memory_space<vmem>>, vector<16xf32>,
      %gt3A_347 = arith.constant -3.000000e+38 : f32
      %gt3A_348 = vector.broadcast %gt3A_347 : f32 to vector<16xf32>
      %gt3A_349 = arith.cmpf ogt, %get3A_346, %gt3A_348 : vector<16xf32>
      %div3A_350 = arith.divf %get3A_346, %add3A_210 : vector<16xf32>
      %max3A_351 = arith.constant -1.000000e+09 : f32
      %max3A_352 = vector.broadcast %max3A_351 : f32 to vector<16xf32>
      %max3A_353 = arith.maximumf %div3A_350, %max3A_352 : vector<16xf32>
      %min3A_354 = arith.constant 1.000000e+09 : f32
      %min3A_355 = vector.broadcast %min3A_354 : f32 to vector<16xf32>
      %min3A_356 = arith.minimumf %max3A_353, %min3A_355 : vector<16xf32>
      %jit3A_357 = arith.constant 0.000000e+00 : f32
      %broadcast_in_dim3A_358 = vector.broadcast %jit3A_357 : f32 to vector<16xf32>
      %select_n3A_359 = arith.select %gt3A_349, %min3A_356, %broadcast_in_dim3A_358 : vector<16xi1>, vector<16xf32>
      %get3A_360 = arith.index_cast %add3A_202 : i32 to index
      %get3A_361 = arith.constant 96 : index
      %get3A_362 = tpu.vector_load %arg21[%get3A_360, %get3A_361] {strides = array<i32>} : memref<80x128xf32, #tpu.memory_space<vmem>>, vector<16xf32>,
      %add3A_363 = arith.addf %select_n3A_359, %get3A_362 : vector<16xf32>
      %swap3A_364 = arith.index_cast %add3A_204 : i32 to index
      %swap3A_365 = arith.constant 96 : index
      %swap3A_366 = tpu.vector_load %arg11[%swap3A_364, %swap3A_365] {strides = array<i32>} : memref<320x128xf32, #tpu.memory_space<vmem>>, vector<16xf32>,
      tpu.vector_store %arg11[%swap3A_364, %swap3A_365], %add3A_363 {strides = array<i32>} : memref<320x128xf32, #tpu.memory_space<vmem>>, vector<16xf32>,
      %get3A_367 = arith.index_cast %add3A_204 : i32 to index
      %get3A_368 = arith.constant 112 : index
      %get3A_369 = tpu.vector_load %arg11[%get3A_367, %get3A_368] {strides = array<i32>} : memref<320x128xf32, #tpu.memory_space<vmem>>, vector<16xf32>,
      %gt3A_370 = arith.constant -3.000000e+38 : f32
      %gt3A_371 = vector.broadcast %gt3A_370 : f32 to vector<16xf32>
      %gt3A_372 = arith.cmpf ogt, %get3A_369, %gt3A_371 : vector<16xf32>
      %div3A_373 = arith.divf %get3A_369, %add3A_210 : vector<16xf32>
      %max3A_374 = arith.constant -1.000000e+09 : f32
      %max3A_375 = vector.broadcast %max3A_374 : f32 to vector<16xf32>
      %max3A_376 = arith.maximumf %div3A_373, %max3A_375 : vector<16xf32>
      %min3A_377 = arith.constant 1.000000e+09 : f32
      %min3A_378 = vector.broadcast %min3A_377 : f32 to vector<16xf32>
      %min3A_379 = arith.minimumf %max3A_376, %min3A_378 : vector<16xf32>
      %jit3A_380 = arith.constant 0.000000e+00 : f32
      %broadcast_in_dim3A_381 = vector.broadcast %jit3A_380 : f32 to vector<16xf32>
      %select_n3A_382 = arith.select %gt3A_372, %min3A_379, %broadcast_in_dim3A_381 : vector<16xi1>, vector<16xf32>
      %get3A_383 = arith.index_cast %add3A_202 : i32 to index
      %get3A_384 = arith.constant 112 : index
      %get3A_385 = tpu.vector_load %arg21[%get3A_383, %get3A_384] {strides = array<i32>} : memref<80x128xf32, #tpu.memory_space<vmem>>, vector<16xf32>,
      %add3A_386 = arith.addf %select_n3A_382, %get3A_385 : vector<16xf32>
      %swap3A_387 = arith.index_cast %add3A_204 : i32 to index
      %swap3A_388 = arith.constant 112 : index
      %swap3A_389 = tpu.vector_load %arg11[%swap3A_387, %swap3A_388] {strides = array<i32>} : memref<320x128xf32, #tpu.memory_space<vmem>>, vector<16xf32>,
      tpu.vector_store %arg11[%swap3A_387, %swap3A_388], %add3A_386 {strides = array<i32>} : memref<320x128xf32, #tpu.memory_space<vmem>>, vector<16xf32>,
    }
    %scan3A_197 = arith.constant 40 : i32
    "tpu.region"() ({
      %run_scoped3A = tpu.sem_alloc : memref<!tpu.dma_semaphore, #tpu.memory_space<semaphore_mem>>
      %dma_start3A_198 = arith.constant 0 : i32
      %dma_start3A_199 = tpu.memref_slice %arg10[%mul3A_2, %dma_start3A_198] : memref<10240x128xf32, #tpu.memory_space<hbm>> -> memref<320x128xf32, #tpu.memory_space<hbm>>
      %dma_start3A_200 = arith.constant 0 : i32
      %dma_start3A_201 = tpu.memref_slice %arg10[%mul3A_2, %dma_start3A_200] : memref<10240x128xf32, #tpu.memory_space<hbm>> -> memref<320x128xf32, #tpu.memory_space<hbm>>
      tpu.enqueue_dma source(%arg11 : memref<320x128xf32, #tpu.memory_space<vmem>>) target(%dma_start3A_201 : memref<320x128xf32, #tpu.memory_space<hbm>>) target_semaphore(%run_scoped3A : memref<!tpu.dma_semaphore, #tpu.memory_space<semaphore_mem>>)
      %dma_wait3A_202 = arith.constant 0 : i32
      %dma_wait3A_203 = tpu.memref_slice %arg10[%mul3A_2, %dma_wait3A_202] : memref<10240x128xf32, #tpu.memory_space<hbm>> -> memref<320x128xf32, #tpu.memory_space<hbm>>
      %dma_wait3A_204 = arith.constant 0 : i32
      %dma_wait3A_205 = tpu.memref_slice %arg10[%mul3A_2, %dma_wait3A_204] : memref<10240x128xf32, #tpu.memory_space<hbm>> -> memref<320x128xf32, #tpu.memory_space<hbm>>
      tpu.wait_dma2 semaphore(%run_scoped3A : memref<!tpu.dma_semaphore, #tpu.memory_space<semaphore_mem>>) src(%arg11 : memref<320x128xf32, #tpu.memory_space<vmem>>) dst(%dma_wait3A_205 : memref<320x128xf32, #tpu.memory_space<hbm>>)
      tpu.yield
    }) : () -> ()
    return
  }
}

module attributes {stable_mosaic.version = 14 : i64} {
  func.func @_edge_prep_kernel(%arg0: i32, %arg1: memref<4000x128xf32, #tpu.memory_space<vmem>>, %arg2: memref<128x128xf32, #tpu.memory_space<vmem>>, %arg3: memref<4000x128xf32, #tpu.memory_space<vmem>>) attributes {dimension_semantics = [#tpu.dimension_semantics<arbitrary>], iteration_bounds = array<i64: 80>, scalar_prefetch = 0 : i64, scratch_operands = 0 : i64, tpu.core_type = #tpu.core_type<tc>, window_params = [{transform_indices = @transform_0, window_bounds = array<i64: 4000, 128>}, {pipeline_mode = #tpu.pipeline_mode<synchronous>, transform_indices = @transform_1, window_bounds = array<i64: 128, 128>}, {transform_indices = @transform_2, window_bounds = array<i64: 4000, 128>}]} {
    %get3A = arith.constant 0 : index
    %get3A_0 = arith.constant 0 : index
    %get3A_1 = vector.load %arg1[%get3A, %get3A_0] : memref<4000x128xf32, #tpu.memory_space<vmem>>, vector<4000x128xf32>
    %get3A_2 = arith.constant 0 : index
    %get3A_3 = arith.constant 0 : index
    %get3A_4 = vector.load %arg2[%get3A_2, %get3A_3] : memref<128x128xf32, #tpu.memory_space<vmem>>, vector<128x128xf32>
    %dot_general3A = arith.constant dense<0.000000e+00> : vector<4000x128xf32>
    %dot_general3A_5 = tpu.matmul %get3A_1, %get3A_4, %dot_general3A {dimension_numbers = #tpu.dot_dimension_numbers<[1], [0], [0], [1], [0, 0, 1, 1], [], []>, transpose_lhs_hint = false} : vector<4000x128xf32>, vector<128x128xf32>, vector<4000x128xf32> -> vector<4000x128xf32>
    %swap3A = arith.constant 0 : index
    %swap3A_6 = arith.constant 0 : index
    %swap3A_7 = vector.load %arg3[%swap3A, %swap3A_6] : memref<4000x128xf32, #tpu.memory_space<vmem>>, vector<4000x128xf32>
    tpu.vector_store %arg3[%swap3A, %swap3A_6], %dot_general3A_5 {strides = array<i32>} : memref<4000x128xf32, #tpu.memory_space<vmem>>, vector<4000x128xf32>,
    return
  }
  func.func @transform_0(%arg0: i32) -> (i32, i32) {
    %c0_i32 = arith.constant 0 : i32
    %c0_i32_0 = arith.constant 0 : i32
    return %arg0, %c0_i32 : i32, i32
  }
  func.func @transform_1(%arg0: i32) -> (i32, i32) {
    %c0_i32 = arith.constant 0 : i32
    %c0_i32_0 = arith.constant 0 : i32
    %c0_i32_1 = arith.constant 0 : i32
    return %c0_i32, %c0_i32_0 : i32, i32
  }
  func.func @transform_2(%arg0: i32) -> (i32, i32) {
    %c0_i32 = arith.constant 0 : i32
    %c0_i32_0 = arith.constant 0 : i32
    return %arg0, %c0_i32 : i32, i32
  }
}

module attributes {stable_mosaic.version = 14 : i64} {
  func.func @_node_prep_kernel(%arg0: i32, %arg1: memref<2000x128xf32, #tpu.memory_space<vmem>>, %arg2: memref<2000x128xf32, #tpu.memory_space<vmem>>, %arg3: memref<2000x128xf32, #tpu.memory_space<vmem>>, %arg4: memref<16x128xf32, #tpu.memory_space<vmem>>, %arg5: memref<1x1x2000xi32, #tpu.memory_space<vmem>>, %arg6: memref<256x128xf32, #tpu.memory_space<vmem>>, %arg7: memref<256x128xf32, #tpu.memory_space<vmem>>, %arg8: memref<128x128xf32, #tpu.memory_space<vmem>>, %arg9: memref<2000x128xf32, #tpu.memory_space<vmem>>, %arg10: memref<2000x128xf32, #tpu.memory_space<vmem>>, %arg11: memref<2000x128xf32, #tpu.memory_space<vmem>>) attributes {dimension_semantics = [#tpu.dimension_semantics<arbitrary>], iteration_bounds = array<i64: 5>, scalar_prefetch = 0 : i64, scratch_operands = 0 : i64, tpu.core_type = #tpu.core_type<tc>, window_params = [{transform_indices = @transform_0, window_bounds = array<i64: 2000, 128>}, {transform_indices = @transform_1, window_bounds = array<i64: 2000, 128>}, {transform_indices = @transform_2, window_bounds = array<i64: 2000, 128>}, {transform_indices = @transform_3, window_bounds = array<i64: 16, 128>}, {transform_indices = @transform_4, window_bounds = array<i64: 1, 1, 2000>}, {pipeline_mode = #tpu.pipeline_mode<synchronous>, transform_indices = @transform_5, window_bounds = array<i64: 256, 128>}, {pipeline_mode = #tpu.pipeline_mode<synchronous>, transform_indices = @transform_6, window_bounds = array<i64: 256, 128>}, {pipeline_mode = #tpu.pipeline_mode<synchronous>, transform_indices = @transform_7, window_bounds = array<i64: 128, 128>}, {transform_indices = @transform_8, window_bounds = array<i64: 2000, 128>}, {transform_indices = @transform_9, window_bounds = array<i64: 2000, 128>}, {transform_indices = @transform_10, window_bounds = array<i64: 2000, 128>}]} {
    %get3A = arith.constant 0 : index
    %get3A_0 = arith.constant 0 : index
    %get3A_1 = vector.load %arg1[%get3A, %get3A_0] : memref<2000x128xf32, #tpu.memory_space<vmem>>, vector<2000x128xf32>
    %get3A_2 = arith.constant 0 : index
    %get3A_3 = arith.constant 0 : index
    %get3A_4 = vector.load %arg2[%get3A_2, %get3A_3] : memref<2000x128xf32, #tpu.memory_space<vmem>>, vector<2000x128xf32>
    %get3A_5 = arith.constant 0 : index
    %get3A_6 = arith.constant 0 : index
    %get3A_7 = arith.constant 0 : index
    %get3A_8 = vector.load %arg5[%get3A_5, %get3A_6, %get3A_7] : memref<1x1x2000xi32, #tpu.memory_space<vmem>>, vector<1x1x2000xi32>
    %get3A_9 = vector.shape_cast %get3A_8 : vector<1x1x2000xi32> to vector<2000xi32>
    %reshape3A = vector.shape_cast %get3A_9 : vector<2000xi32> to vector<2000x1xi32>
    %iota3A = tpu.iota {dimensions = array<i32: 1>} : vector<1x16xi32>
    %eq3A = vector.broadcast %reshape3A : vector<2000x1xi32> to vector<2000x16xi32>
    %eq3A_10 = vector.broadcast %iota3A : vector<1x16xi32> to vector<2000x16xi32>
    %eq3A_11 = arith.cmpi eq, %eq3A, %eq3A_10 : vector<2000x16xi32>
    %convert_element_type3A = arith.extui %eq3A_11 : vector<2000x16xi1> to vector<2000x16xi32>
    %convert_element_type3A_12 = arith.sitofp %convert_element_type3A : vector<2000x16xi32> to vector<2000x16xf32>
    %get3A_13 = arith.constant 0 : index
    %get3A_14 = arith.constant 0 : index
    %get3A_15 = vector.load %arg4[%get3A_13, %get3A_14] : memref<16x128xf32, #tpu.memory_space<vmem>>, vector<16x128xf32>
    %dot_general3A = arith.constant dense<0.000000e+00> : vector<2000x128xf32>
    %dot_general3A_16 = tpu.matmul %convert_element_type3A_12, %get3A_15, %dot_general3A {dimension_numbers = #tpu.dot_dimension_numbers<[1], [0], [0], [1], [0, 0, 1, 1], [], []>, transpose_lhs_hint = false} : vector<2000x16xf32>, vector<16x128xf32>, vector<2000x128xf32> -> vector<2000x128xf32>
    %add3A = arith.addf %get3A_1, %dot_general3A_16 : vector<2000x128xf32>
    %get3A_17 = arith.constant 0 : index
    %get3A_18 = arith.constant 0 : index
    %get3A_19 = vector.load %arg6[%get3A_17, %get3A_18] : memref<256x128xf32, #tpu.memory_space<vmem>>, vector<256x128xf32>
    %get3A_20 = arith.constant 0 : index
    %get3A_21 = arith.constant 0 : index
    %get3A_22 = vector.load %arg7[%get3A_20, %get3A_21] : memref<256x128xf32, #tpu.memory_space<vmem>>, vector<256x128xf32>
    %slice3A = vector.extract_strided_slice %get3A_19 {offsets = [0, 0], sizes = [128, 128], strides = [1, 1]} : vector<256x128xf32> to vector<128x128xf32>
    %dot_general3A_23 = arith.constant dense<0.000000e+00> : vector<2000x128xf32>
    %dot_general3A_24 = tpu.matmul %add3A, %slice3A, %dot_general3A_23 {dimension_numbers = #tpu.dot_dimension_numbers<[1], [0], [0], [1], [0, 0, 1, 1], [], []>, transpose_lhs_hint = false} : vector<2000x128xf32>, vector<128x128xf32>, vector<2000x128xf32> -> vector<2000x128xf32>
    %slice3A_25 = vector.extract_strided_slice %get3A_19 {offsets = [128, 0], sizes = [128, 128], strides = [1, 1]} : vector<256x128xf32> to vector<128x128xf32>
    %dot_general3A_26 = arith.constant dense<0.000000e+00> : vector<2000x128xf32>
    %dot_general3A_27 = tpu.matmul %get3A_4, %slice3A_25, %dot_general3A_26 {dimension_numbers = #tpu.dot_dimension_numbers<[1], [0], [0], [1], [0, 0, 1, 1], [], []>, transpose_lhs_hint = false} : vector<2000x128xf32>, vector<128x128xf32>, vector<2000x128xf32> -> vector<2000x128xf32>
    %add3A_28 = arith.addf %dot_general3A_24, %dot_general3A_27 : vector<2000x128xf32>
    %slice3A_29 = vector.extract_strided_slice %get3A_22 {offsets = [0, 0], sizes = [128, 128], strides = [1, 1]} : vector<256x128xf32> to vector<128x128xf32>
    %dot_general3A_30 = arith.constant dense<0.000000e+00> : vector<2000x128xf32>
    %dot_general3A_31 = tpu.matmul %add3A, %slice3A_29, %dot_general3A_30 {dimension_numbers = #tpu.dot_dimension_numbers<[1], [0], [0], [1], [0, 0, 1, 1], [], []>, transpose_lhs_hint = false} : vector<2000x128xf32>, vector<128x128xf32>, vector<2000x128xf32> -> vector<2000x128xf32>
    %slice3A_32 = vector.extract_strided_slice %get3A_22 {offsets = [128, 0], sizes = [128, 128], strides = [1, 1]} : vector<256x128xf32> to vector<128x128xf32>
    %dot_general3A_33 = arith.constant dense<0.000000e+00> : vector<2000x128xf32>
    %dot_general3A_34 = tpu.matmul %get3A_4, %slice3A_32, %dot_general3A_33 {dimension_numbers = #tpu.dot_dimension_numbers<[1], [0], [0], [1], [0, 0, 1, 1], [], []>, transpose_lhs_hint = false} : vector<2000x128xf32>, vector<128x128xf32>, vector<2000x128xf32> -> vector<2000x128xf32>
    %add3A_35 = arith.addf %dot_general3A_31, %dot_general3A_34 : vector<2000x128xf32>
    %get3A_36 = arith.constant 0 : index
    %get3A_37 = arith.constant 0 : index
    %get3A_38 = vector.load %arg3[%get3A_36, %get3A_37] : memref<2000x128xf32, #tpu.memory_space<vmem>>, vector<2000x128xf32>
    %get3A_39 = arith.constant 0 : index
    %get3A_40 = arith.constant 0 : index
    %get3A_41 = vector.load %arg8[%get3A_39, %get3A_40] : memref<128x128xf32, #tpu.memory_space<vmem>>, vector<128x128xf32>
    %dot_general3A_42 = arith.constant dense<0.000000e+00> : vector<2000x128xf32>
    %dot_general3A_43 = tpu.matmul %get3A_38, %get3A_41, %dot_general3A_42 {dimension_numbers = #tpu.dot_dimension_numbers<[1], [0], [0], [1], [0, 0, 1, 1], [], []>, transpose_lhs_hint = false} : vector<2000x128xf32>, vector<128x128xf32>, vector<2000x128xf32> -> vector<2000x128xf32>
    %add3A_44 = arith.addf %add3A_28, %dot_general3A_43 : vector<2000x128xf32>
    %swap3A = arith.constant 0 : index
    %swap3A_45 = arith.constant 0 : index
    %swap3A_46 = vector.load %arg9[%swap3A, %swap3A_45] : memref<2000x128xf32, #tpu.memory_space<vmem>>, vector<2000x128xf32>
    tpu.vector_store %arg9[%swap3A, %swap3A_45], %add3A_44 {strides = array<i32>} : memref<2000x128xf32, #tpu.memory_space<vmem>>, vector<2000x128xf32>,
    %swap3A_47 = arith.constant 0 : index
    %swap3A_48 = arith.constant 0 : index
    %swap3A_49 = vector.load %arg10[%swap3A_47, %swap3A_48] : memref<2000x128xf32, #tpu.memory_space<vmem>>, vector<2000x128xf32>
    tpu.vector_store %arg10[%swap3A_47, %swap3A_48], %add3A_28 {strides = array<i32>} : memref<2000x128xf32, #tpu.memory_space<vmem>>, vector<2000x128xf32>,
    %swap3A_50 = arith.constant 0 : index
    %swap3A_51 = arith.constant 0 : index
    %swap3A_52 = vector.load %arg11[%swap3A_50, %swap3A_51] : memref<2000x128xf32, #tpu.memory_space<vmem>>, vector<2000x128xf32>
    tpu.vector_store %arg11[%swap3A_50, %swap3A_51], %add3A_35 {strides = array<i32>} : memref<2000x128xf32, #tpu.memory_space<vmem>>, vector<2000x128xf32>,
    return
  }
  func.func @transform_0(%arg0: i32) -> (i32, i32) {
    %c0_i32 = arith.constant 0 : i32
    %c0_i32_0 = arith.constant 0 : i32
    return %arg0, %c0_i32 : i32, i32
  }
  func.func @transform_1(%arg0: i32) -> (i32, i32) {
    %c0_i32 = arith.constant 0 : i32
    %c0_i32_0 = arith.constant 0 : i32
    return %arg0, %c0_i32 : i32, i32
  }
  func.func @transform_2(%arg0: i32) -> (i32, i32) {
    %c0_i32 = arith.constant 0 : i32
    %c0_i32_0 = arith.constant 0 : i32
    return %arg0, %c0_i32 : i32, i32
  }
  func.func @transform_3(%arg0: i32) -> (i32, i32) {
    %c0_i32 = arith.constant 0 : i32
    %c0_i32_0 = arith.constant 0 : i32
    %c0_i32_1 = arith.constant 0 : i32
    return %c0_i32, %c0_i32_0 : i32, i32
  }
  func.func @transform_4(%arg0: i32) -> (i32, i32, i32) {
    %c0_i32 = arith.constant 0 : i32
    %c0_i32_0 = arith.constant 0 : i32
    %c0_i32_1 = arith.constant 0 : i32
    return %arg0, %c0_i32, %c0_i32_0 : i32, i32, i32
  }
  func.func @transform_5(%arg0: i32) -> (i32, i32) {
    %c0_i32 = arith.constant 0 : i32
    %c0_i32_0 = arith.constant 0 : i32
    %c0_i32_1 = arith.constant 0 : i32
    return %c0_i32, %c0_i32_0 : i32, i32
  }
  func.func @transform_6(%arg0: i32) -> (i32, i32) {
    %c0_i32 = arith.constant 0 : i32
    %c0_i32_0 = arith.constant 0 : i32
    %c0_i32_1 = arith.constant 0 : i32
    return %c0_i32, %c0_i32_0 : i32, i32
  }
  func.func @transform_7(%arg0: i32) -> (i32, i32) {
    %c0_i32 = arith.constant 0 : i32
    %c0_i32_0 = arith.constant 0 : i32
    %c0_i32_1 = arith.constant 0 : i32
    return %c0_i32, %c0_i32_0 : i32, i32
  }
  func.func @transform_8(%arg0: i32) -> (i32, i32) {
    %c0_i32 = arith.constant 0 : i32
    %c0_i32_0 = arith.constant 0 : i32
    return %arg0, %c0_i32 : i32, i32
  }
  func.func @transform_9(%arg0: i32) -> (i32, i32) {
    %c0_i32 = arith.constant 0 : i32
    %c0_i32_0 = arith.constant 0 : i32
    return %arg0, %c0_i32 : i32, i32
  }
  func.func @transform_10(%arg0: i32) -> (i32, i32) {
    %c0_i32 = arith.constant 0 : i32
    %c0_i32_0 = arith.constant 0 : i32
    return %arg0, %c0_i32 : i32, i32
  }
}

</mosaic_0001>

<sc_bundles>
// kernel: kernel.5.cloned.1.call-start
scs
__scs_entry_jumppad:
0x0: {  	(pc) =	sbr.rel $0x88, $3  }
0x1: {  	(tag) =	ssettag $0x0;
	lr =	simm.s32 $0x1  }
0x2: {  	[smem:$0x3F96] =	sst lr;
	_ =	strace $0xD0000000  }
0x3: {  	_ = 	snop  }
0x4: {  	_ = 	snop  }
0x5: {  	_ = 	snop  }
0x6: {  	_ = 	snop  }
0x7: {  	_ = 	snop  }
__scs_overlays_trampoline_lowered:
0x8: {  	[smem:$0x3FA5] =	sst s0  }
0x9: {  	[smem:$0x3FA6] =	sst s1  }
0xa: {  	[smem:$0x3FA7] =	sst s2  }
0xb: {  	[smem:$0x3FA8] =	sst s3  }
0xc: {  	[smem:$0x3FA9] =	sst s4  }
0xd: {  	[smem:$0x3FAA] =	sst s5  }
0xe: {  	[smem:$0x3FAB] =	sst s6  }
0xf: {  	[smem:$0x3FAC] =	sst s7  }
0x10: {  	[smem:$0x3FAD] =	sst s8  }
0x11: {  	[smem:$0x3FAE] =	sst s9;
	s0 =	simm.s32 @!p0 $0x0  }
0x12: {  	s1 =	sld [smem:$0x3F94];
	s0 =	simm.s32 @p0 $0x1  }
0x13: {  	[smem:$0x3FAF] =	sst s0;
	s0 =	simm.s32 @!p1 $0x0  }
0x14: {  	s2 =	sld [smem:$0x3F93];
	s0 =	simm.s32 @p1 $0x1  }
0x15: {  	[smem:$0x3FB0] =	sst s0;
	s0 =	simm.s32 @!p2 $0x0  }
0x16: {  	s3 =	sld [smem:$0x3FDB];
	s0 =	simm.s32 @p2 $0x1  }
0x17: {  	s4 =	simm.s32 $0x1BF5;
	[smem:$0x3FB2] =	sst s0  }
0x18: {  	s0 =	sld [smem:$0x3F95];
	_ =	swait.ge [sflag:s4], $0x0  }
0x19: {  	s7 =	sld [smem:$0x3F96]  }
0x1a: {  	s8 =	sadd.s32 $0xFFFFE003, lr  }
0x1b: {  	s9 =	sadd.s32 $0xFFFFFEF7, lr;
	s5 =	simm.s32 $0xFFFFFFFF;
	p2 =	slt.u32 s8, $0xFFFFF086  }
0x1c: {  	p1 =	slt.u32 s9, $0xF7A;
	s5 =	simm.s32 @!p2 $0x0  }
0x1d: {  	s5 =	simm.s32 @p1 $0x1;
	p0 =	seq.s32 s7, s2  }
0x1e: {  	s7 =	smul.u32 @!p0 $0xF7A, s2;
	p2 =	seq.s32 @!p0 s5, $0x0  }
0x1f: {  	s9 =	smul.u32 $0xF7A, s1;
	s8 =	simm.s32 @!p0 $0x1BF5;
	p2 =	por !p2, p0  }
0x20: {  	[sflag:s8] =	ssyncset.s32 @!p0 $0xFFFFF086;
	s6 =	sadd.s32 @!p0 s3, s7;
	s7 =	simm.s32 @!p0 $0x108  }
0x21: {  	s3 =	sadd.s32 s3, s9;
	s6 =	sadd.s32 @!p0 $0x88, s6;
	s7 =	simm.s32 @p2 $0x1082  }
0x22: {  	[simem:s7], [sflag:s8] =	dma.local @!p0 [hbm:s6], $0xF7A  }
0x23: {  	s9 =	sor.u32 $0xD0000000, s2;
	s6 =	simm.s32 $0x108;
	_ =	swait.ge @!p0 [sflag:s8], $0x0  }
0x24: {  	s3 =	sadd.s32 $0x88, s3;
	s6 =	simm.s32 @!p1 $0x1082;
	[sflag:s4] =	ssyncset.s32 $0xFFFFF086  }
0x25: {  	[simem:s6], [sflag:s4] =	dma.local [hbm:s3], $0xF7A  }
0x26: {  	[smem:$0x3F96] =	sst s1;
	(tag) =	ssettag s2;
	_ =	strace s9  }
0x27: {  	s1 =	sld [smem:$0x3FA6]  }
0x28: {  	s2 =	sld [smem:$0x3FA7]  }
0x29: {  	s4 =	sld [smem:$0x3FA9]  }
0x2a: {  	p0 =	seq.s32 s5, $0x0;
	s5 =	sld [smem:$0x3FAA]  }
0x2b: {  	s6 =	sld [smem:$0x3FAB]  }
0x2c: {  	s7 =	sld [smem:$0x3FAC]  }
0x2d: {  	s3 =	simm.s32 $0x108;
	s8 =	sld [smem:$0x3FAD]  }
0x2e: {  	s3 =	simm.s32 @!p0 $0x1082;
	s9 =	sld [smem:$0x3FAE]  }
0x2f: {  	lr =	sadd.s32 s0, s3;
	s0 =	sld [smem:$0x3FA5]  }
0x30: {  	s3 =	sld [smem:$0x3FA8]  }
0x31: {  	[smem:$0x3FB1] =	sst s10  }
0x32: {  	s10 =	sld [smem:$0x3FAF];
	_ =	sdelay $0x3  }
0x33: {  	p0 =	seq.s32 s10, $0x1;
	s10 =	sld [smem:$0x3FB1];
	_ =	sdelay $0x3  }
0x34: {  	[smem:$0x3FB1] =	sst s10  }
0x35: {  	s10 =	sld [smem:$0x3FB0];
	_ =	sdelay $0x3  }
0x36: {  	p1 =	seq.s32 s10, $0x1;
	s10 =	sld [smem:$0x3FB1];
	_ =	sdelay $0x3  }
0x37: {  	[smem:$0x3FB1] =	sst s10  }
0x38: {  	s10 =	sld [smem:$0x3FB2]  }
0x39: {  	_ = 	snop;
	(pc) =	sbr.ind lr, $3  }
0x3a: {  	_ = 	snop  }
0x3b: {  	_ = 	snop  }
0x3c: {  	p2 =	seq.s32 s10, $0x1;
	s10 =	sld [smem:$0x3FB1]  }
0x3d: {  	_ =	shalt  }
0x3e: {  	_ =	shalt  }
0x3f: {  	_ =	shalt  }
0x40: {  	_ =	shalt  }
0x41: {  	_ =	shalt  }
0x42: {  	_ =	shalt  }
0x43: {  	_ =	shalt  }
0x44: {  	_ =	shalt  }
0x45: {  	_ =	shalt  }
0x46: {  	_ =	shalt  }
0x47: {  	_ =	shalt  }
0x48: {  	_ =	shalt  }
0x49: {  	_ =	shalt  }
0x4a: {  	_ =	shalt  }
0x4b: {  	_ =	shalt  }
0x4c: {  	_ =	shalt  }
0x4d: {  	_ =	shalt  }
0x4e: {  	_ =	shalt  }
0x4f: {  	_ =	shalt  }
0x50: {  	_ =	shalt  }
0x51: {  	_ =	shalt  }
0x52: {  	_ =	shalt  }
0x53: {  	_ =	shalt  }
0x54: {  	_ =	shalt  }
0x55: {  	_ =	shalt  }
0x56: {  	_ =	shalt  }
0x57: {  	_ =	shalt  }
0x58: {  	_ =	shalt  }
0x59: {  	_ =	shalt  }
0x5a: {  	_ =	shalt  }
0x5b: {  	_ =	shalt  }
0x5c: {  	_ =	shalt  }
0x5d: {  	_ =	shalt  }
0x5e: {  	_ =	shalt  }
0x5f: {  	_ =	shalt  }
0x60: {  	_ =	shalt  }
0x61: {  	_ =	shalt  }
0x62: {  	_ =	shalt  }
0x63: {  	_ =	shalt  }
0x64: {  	_ =	shalt  }
0x65: {  	_ =	shalt  }
0x66: {  	_ =	shalt  }
0x67: {  	_ =	shalt  }
0x68: {  	_ =	shalt  }
0x69: {  	_ =	shalt  }
0x6a: {  	_ =	shalt  }
0x6b: {  	_ =	shalt  }
0x6c: {  	_ =	shalt  }
0x6d: {  	_ =	shalt  }
0x6e: {  	_ =	shalt  }
0x6f: {  	_ =	shalt  }
0x70: {  	_ =	shalt  }
0x71: {  	_ =	shalt  }
0x72: {  	_ =	shalt  }
0x73: {  	_ =	shalt  }
0x74: {  	_ =	shalt  }
0x75: {  	_ =	shalt  }
0x76: {  	_ =	shalt  }
0x77: {  	_ =	shalt  }
0x78: {  	_ =	shalt  }
0x79: {  	_ =	shalt  }
0x7a: {  	_ =	shalt  }
0x7b: {  	_ =	shalt  }
0x7c: {  	_ =	shalt  }
0x7d: {  	_ =	shalt  }
0x7e: {  	_ =	shalt  }
0x7f: {  	_ =	shalt  }
0x80: {  	_ =	shalt  }
0x81: {  	_ =	shalt  }
0x82: {  	_ =	shalt  }
0x83: {  	_ =	shalt  }
0x84: {  	_ =	shalt  }
0x85: {  	_ =	shalt  }
0x86: {  	_ =	shalt  }
0x87: {  	_ =	shalt  }
.Lfunc_end0:
.L_simem_size_0:
called_computation_lowered:
.L_overlay_start_0:
0x88: {  	s2 =	sld [smem:$0x3FD9]  }
0x89: {  	s3 =	sld [smem:$0x3FFE];
	_ =	sdelay $0x1  }
0x8a: {  	s1 =	srdreg.scid  }
0x8b: {  	s0 =	sand.u32 $0x1, s1  }
0x8c: {  	s14 =	sshll.u32 s0, $0xA;
	s2 =	sadd.s32 s3, s2  }
0x8d: {  	s2 =	sadd.s32 s2, s14  }
0x8e: {  	[smem:$0x3FBD] =	sst s2  }
0x8f: {  	_ = 	snop  }
0x90: {  	s2 =	sld [smem:$0x3FD0];
	_ =	sdelay $0x2  }
0x91: {  	s4 =	simm.s32 $0xA;
	s5 =	simm.s32 $0x10;
	s15 =	sld [smem:$0x3FBF]  }
0x92: {  	[smem:s5], [sflag:s4] =	dma.local [hbm:s2], $0x1  }
0x93: {  	_ =	swait.eq [sflag:s4], $0x1  }
0x94: {  	[sflag:s4] =	ssyncset.done $0x0  }
0x95: {  	s16 =	sld [smem:$0x10];
	[sflag:s4] =	ssyncadd.s32 $0xFFFFFFFF  }
0x96: {  	s17 =	sld [smem:$0x11];
	(tm) =	ssettm $0x1  }
0x97: {  	s18 =	sld [smem:$0x3FFB];
	_ =	sdelay $0x3  }
0x98: {  	_ =	strace s18  }
0x99: {  	s5 =	sld [smem:$0x3FFC];
	_ =	sdelay $0x3  }
0x9a: {  	_ =	strace s5  }
0x9b: {  	s5 =	sld [smem:$0x3FFD];
	_ =	sdelay $0x3  }
0x9c: {  	_ =	strace s5  }
0x9d: {  	_ =	strace $0x8FFFFFFF  }
0x9e: {  	s19 =	sld [smem:$0x3FDB];
	_ =	sdelay $0x1  }
0x9f: {  	s6 =	simm.s32 $_scs_section_size  }
0xa0: {  	s7 =	simm.s32 $_size__tile_overlayer_lowered;
	s8 =	simm.s32 $_tile_overlayer_lowered  }
0xa1: {  	s22 =	simm.s32 $0x1BFF;
	s21 =	sshll.u32 s8, $0x1;
	s5 =	sadd.s32 s6, s19  }
0xa2: {  	s9 =	simm.s32 $0x0;
	s20 =	sshll.u32 s7, $0x1;
	s7 =	sadd.s32 s21, s5  }
0xa3: {  	[timem:s9], [sflag:s22] =	dma.local [hbm:s7], s20  }
0xa4: {  	_ =	swait.ge [sflag:s22], s20  }
0xa5: {  	s6 =	ssub.s32 $0x0, s20;
	[sflag:s22] =	ssyncset.done $0x0  }
0xa6: {  	[sflag:s22] =	ssyncadd.s32 s6;
	_ =	sdelay $0x1  }
0xa7: {  	s23 =	simm.s32 $0x1B8B  }
0xa8: {  	_ =	swait.ge [sflag:s23], $0x1  }
0xa9: {  	[sflag:s23] =	ssyncset.done $0x0  }
0xaa: {  	s25 =	simm.s32 $0x1B8E;
	s24 =	sld [smem:$0x3FFE];
	[sflag:s23] =	ssyncadd.s32 $0xFFFFFFFF  }
0xab: {  	s26 =	simm.s32 $execute0_lowered;
	[smem:$0x3FD2] =	sst s25  }
0xac: {  	s7 =	sshll.u32 s26, $0x1;
	_ =	strace $0x80000046;
	[dreg:$0x1] =	wrdreg $0xFFFFFFFF  }
0xad: {  	s28 =	simm.s32 $_size_execute0_lowered;
	s5 =	sadd.s32 s5, s7;
	[dreg:$0x0] =	wrdreg $0x0  }
0xae: {  	s7 =	sshll.u32 s28, $0x1;
	[dreg:$0x2] =	wrdreg s5  }
0xaf: {  	[dreg:$0x3] =	wrdreg s7  }
0xb0: {  	[dreg:$0x4] =	wrdreg $0xC0  }
0xb1: {  	_ =	task [dreg:s9], $0x5FFFF  }
0xb2: {  	[dreg:$0x1] =	wrdreg $0xFFFFFFFF  }
0xb3: {  	[dreg:$0x0] =	wrdreg $0x60  }
0xb4: {  	[dreg:$0x2] =	wrdreg s24  }
0xb5: {  	[dreg:$0x3] =	wrdreg s16  }
0xb6: {  	[dreg:$0x4] =	wrdreg s17  }
0xb7: {  	[dreg:$0x5] =	wrdreg s15  }
0xb8: {  	[dreg:$0x6] =	wrdreg $0x9  }
0xb9: {  	_ =	task.clear_ibuf [dreg:s9], $0x7FFFF;
	_ =	strace $0x90000046  }
0xba: {  	s29 =	simm.s32 $0x9;
	_ =	strace $0x80000048  }
0xbb: {  	_ =	swait.ge [sflag:s29], $0x1  }
0xbc: {  	[sflag:s29] =	ssyncadd.s32 $0xFFFFFFFF  }
0xbd: {  	_ =	strace $0x90000048  }
0xbe: {  	_ =	sfence  }
0xbf: {  	s30 =	sld [smem:$0x0];
	_ =	sdelay $0x2  }
0xc0: {  	s31 =	sshll.u32 s1, $0xD;
	s1 =	sshrl.u32 s1, $0x2  }
0xc1: {  	s3 =	sand.u32 $0x4000, s31;
	s1 =	sadd.s32 s1, s30  }
0xc2: {  	s0 =	sor.u32 s3, s0;
	s1 =	sshll.u32 s1, $0x11  }
0xc3: {  	s0 =	sor.u32 s1, s0  }
0xc4: {  	s0 =	sadd.s32 $0x8F2B, s0  }
0xc5: {  	[sflag:s0] =	ssyncadd.remote.s32 $0x1  }
0xc6: {  	_ =	sfence.sel $0xFFFF  }
0xc7: {  	[dreg:$0x0] =	wrdreg $0xFFFFFFFF;
	(pc) =	sbr.abs _section_cstart, $3  }
0xc8: {  	[dreg:$0x1] =	wrdreg $0xFFFFFFFF  }
0xc9: {  	_ =	task.clear_ibuf [dreg:s9], $0x2FFFF;
	_ =	strace $0x9FFFFFFF  }
0xca: {  	(tm) =	ssettm $0x7FFFFFFF  }
0xcb: {  	_ =	shalt  }
tec
execute0_lowered:
.L_overlay_start_1:
0x0: {  	(tag) =	ssettag $0x1  }
0x1: {  	s0 =	rddreg [dreg:$0x0]  }
0x2: {  	s2 =	rddreg [dreg:$0x2];
	s17 =	simm.s32 $0x0;
	s1 =	srdreg.scid  }
0x3: {  	s3 =	stileid.u32;
	s19 =	simm.s32 $0x9;
	s30 =	simm.s32 $0x15A80  }
0x4: {  	s31 =	simm.s32 $0x15B00;
	s13 =	simm.s32 $0x3;
	s14 =	simm.s32 $0x4  }
0x5: {  	s15 =	simm.s32 $0x7;
	[smem:$0x7FF] =	sst s17;
	s1 =	sand.u32 $0x1, s1  }
0x6: {  	s3 =	sshll.u32 s3, $0x1;
	s6 =	sadd.s32 $0xE00, s0;
	s7 =	sadd.s32 $0x32C00, s0  }
0x7: {  	s8 =	sadd.s32 $0x5AC00, s0;
	s9 =	sadd.s32 $0x82C00, s0;
	s3 =	sor.u32 s1, s3  }
0x8: {  	s11 =	sadd.s32 $0xAC00, s0;
	s1 =	ssub.s32 $0x2, s1;
	s4 =	smul.u32 $0x1400, s3  }
0x9: {  	_ =	strace $0x80000047;
	s5 =	smul.u32 $0xA000, s3;
	s12 =	sshrl.u32 s1, $0x1  }
0xa: {  	s1 =	ssub.s32 s1, s12;
	s0 =	sadd.s32 s4, s0;
	s4 =	sadd.s32 s11, s4  }
0xb: {  	s10 =	smul.u32 $0x140, s3;
	s29 =	smax.u32 s1, $0x1;
	[dreg:$0x5] =	wrdreg s4  }
0xc: {  	s21 =	sshrl.u32 s5, $0x3;
	s4 =	sadd.s32 $0x280, s4;
	[dreg:$0xe] =	wrdreg s29  }
0xd: {  	s3 =	sadd.s32 s11, s21;
	s0 =	sadd.s32 $0xAAC00, s0;
	[dreg:$0x6] =	wrdreg s4  }
0xe: {  	s16 =	simm.s32 $0x8;
	s23 =	sadd.s32 $0x500, s3;
	[dreg:$0xd] =	wrdreg s0  }
0xf: {  	s12 =	simm.s32 $0x2;
	s24 =	sadd.s32 $0x780, s3;
	[dreg:$0x7] =	wrdreg s23  }
0x10: {  	s22 =	sadd.s32 $0x140, s10;
	s25 =	sadd.s32 $0xA00, s3;
	[dreg:$0x8] =	wrdreg s24  }
0x11: {  	s5 =	simm.s32 $0x1;
	s26 =	sadd.s32 $0xC80, s3;
	[dreg:$0x9] =	wrdreg s25  }
0x12: {  	s21 =	simm.s32 $0x18400;
	s28 =	sadd.s32 $0xF00, s3;
	[dreg:$0xa] =	wrdreg s26  }
0x13: {  	s11 =	simm.s32 $0x0;
	s3 =	sadd.s32 $0x1180, s3;
	[dreg:$0xb] =	wrdreg s28  }
0x14: {  	v2 =	vimm.f32 $-Inf;
	v3 =	vimm.f32 $0.0e+00;
	v4 =	vimm.s32 $0x0;
	s0 =	simm.s32 $0x15B80;
	s4 =	simm.s32 $0x15C00;
	[dreg:$0xc] =	wrdreg s3  }
0x15: {  	v5 =	vlaneseq.u32;
	v1 =	vmov s10;
	v0 =	vmov s22;
	s3 =	simm.s32 $0x50;
	s23 =	simm.s32 $0x1AC00;
	s24 =	simm.s32 $0x1D400  }
.LBB2_1:
0x16: {  	[dreg:$0xf] =	wrdreg s11  }
0x17: {  	s1 =	rddreg [dreg:$0x3];
	s29 =	simm.s32 $0x14000  }
0x18: {  	[tilespmem:s29], [sflag:$0x9] =	stream.linear.gather [hbm4b:s1+s17], $0x80, $0x38;
	[tilespmem:$0x1FC00] =	vst v63  }
0x19: {  	_ =	swait.ge [sflag:s19], $0x80  }
0x1a: {  	[sflag:s19] =	ssyncset.done $0x0  }
0x1b: {  	s11 =	simm.s32 $0x200;
	s1 =	simm.s32 $0x0;
	[sflag:s19] =	ssyncadd.s32 $0xFFFFFF80  }
.LBB2_2:
0x1c: {  	p0 =	sne.s32 s11, $0x27E00;
	[tilespmem:s1+$0xA000] =	vst v3  }
0x1d: {  	[tilespmem:s1+$0x0] =	vst v2  }
0x1e: {  	[tilespmem:s1+$0x10] =	vst v2  }
0x1f: {  	[tilespmem:s1+$0x20] =	vst v2  }
.Ltmp0:
0x20: {  	[tilespmem:s1+$0x30] =	vst v2;
	(pc) =	sbr.rel @p0 .LBB2_2-.Ltmp0, $4  }
0x21: {  	[tilespmem:s1+$0x40] =	vst v2  }
0x22: {  	[tilespmem:s1+$0x50] =	vst v2  }
0x23: {  	[tilespmem:s1+$0x60] =	vst v2  }
0x24: {  	[tilespmem:s1+$0x70] =	vst v2;
	s1 =	sshra.s32 s11, $0x2;
	s11 =	sadd.s32 $0x200, s11  }
0x25: {  	[tilespmem:s1+$0xA000] =	vst v3  }
0x26: {  	[tilespmem:s1+$0x0] =	vst v2  }
0x27: {  	[tilespmem:s1+$0x10] =	vst v2  }
0x28: {  	[tilespmem:s1+$0x20] =	vst v2  }
0x29: {  	[tilespmem:s1+$0x30] =	vst v2  }
0x2a: {  	[tilespmem:s1+$0x40] =	vst v2  }
0x2b: {  	[tilespmem:s1+$0x50] =	vst v2  }
0x2c: {  	[tilespmem:s1+$0x60] =	vst v2  }
0x2d: {  	[tilespmem:s1+$0x70] =	vst v2  }
0x2e: {  	[tilespmem:$0x15A80] =	vst v4  }
0x2f: {  	[tilespmem:$0x15B00] =	vst v4  }
0x30: {  	[tilespmem:$0x15B80] =	vst v4  }
0x31: {  	[tilespmem:$0x15A90] =	vst v4  }
0x32: {  	[tilespmem:$0x15B10] =	vst v4  }
0x33: {  	[tilespmem:$0x15B90] =	vst v4  }
0x34: {  	[tilespmem:$0x15AA0] =	vst v4  }
0x35: {  	[tilespmem:$0x15B20] =	vst v4  }
0x36: {  	[tilespmem:$0x15BA0] =	vst v4  }
0x37: {  	[tilespmem:$0x15AB0] =	vst v4  }
0x38: {  	[tilespmem:$0x15B30] =	vst v4  }
0x39: {  	[tilespmem:$0x15BB0] =	vst v4  }
0x3a: {  	[tilespmem:$0x15AC0] =	vst v4  }
0x3b: {  	[tilespmem:$0x15B40] =	vst v4  }
0x3c: {  	v6 =	vld [tilespmem:$0x14000];
	[tilespmem:$0x15BC0] =	vst v4  }
0x3d: {  	v7 =	vld [tilespmem:$0x14010];
	[tilespmem:$0x15AD0] =	vst v4  }
0x3e: {  	v8 =	vld [tilespmem:$0x14020];
	[tilespmem:$0x15B50] =	vst v4  }
0x3f: {  	v9 =	vld [tilespmem:$0x14030];
	[tilespmem:$0x15BD0] =	vst v4  }
0x40: {  	v10 =	vld [tilespmem:$0x14040];
	[tilespmem:$0x15AE0] =	vst v4  }
0x41: {  	v11 =	vld [tilespmem:$0x14050];
	[tilespmem:$0x15B60] =	vst v4  }
.Ltmp1:
0x42: {  	s19 =	simm.s32 $0x0;
	s28 =	simm.s32 $0x14080;
	v12 =	vld [tilespmem:$0x14060];
	[tilespmem:$0x15BE0] =	vst v4;
	(pc) =	sbr.rel .LBB2_5-.Ltmp1, $4  }
0x43: {  	v13 =	vld [tilespmem:$0x14070];
	[tilespmem:s28], [sflag:$0x5] =	stream.linear.gather [hbm4b:s6+s19], $0x640, $0x38  }
0x44: {  	s29 =	rddreg [dreg:$0x1];
	s11 =	simm.s32 $0x14700  }
0x45: {  	[tilespmem:s11], [sflag:$0x6] =	stream.linear.gather [hbm4b:s29+s19], $0x640, $0x38;
	[tilespmem:$0x1FC00] =	vst v63  }
0x46: {  	s18 =	simm.s32 $0x0;
	s11 =	simm.s32 $0x0  }
.LBB2_4:
0x47: {  	p0 =	seq.s32 s11, $0x64  }
.Ltmp2:
0x48: {  	_ = 	snop;
	(pc) =	sbr.rel @p0 .LBB2_17-.Ltmp2, $1  }
0x49: {  	_ =	sdelay $0x3  }
.LBB2_5:
0x4a: {  	s1 =	simm.s32 $0x5  }
0x4b: {  	_ =	swait.ge [sflag:s1], $0x640  }
0x4c: {  	s17 =	smul.u32 $0xC80, s11;
	[sflag:s1] =	ssyncset.done $0x0  }
0x4d: {  	s22 =	simm.s32 $0x6;
	[sflag:s1] =	ssyncadd.s32 $0xFFFFF9C0  }
0x4e: {  	s20 =	sadd.s32 $0x640, s17;
	_ =	swait.ge [sflag:s22], $0x640  }
0x4f: {  	s25 =	simm.s32 $0x14D80;
	s29 =	sshrl.u32 s20, $0x3;
	[sflag:s22] =	ssyncset.done $0x0  }
.Ltmp3:
0x50: {  	s26 =	sadd.s32 s6, s29;
	[sflag:s22] =	ssyncadd.s32 $0xFFFFF9C0;
	(pc) =	sbr.rel .LBB2_6-.Ltmp3, $4  }
0x51: {  	[tilespmem:s25], [sflag:$0x7] =	stream.linear.gather [hbm4b:s26+s19], $0x640, $0x38;
	[tilespmem:$0x1FC00] =	vst v63  }
0x52: {  	s28 =	rddreg [dreg:$0x1]  }
0x53: {  	s22 =	simm.s32 $0x0;
	s1 =	sadd.s32 s28, s29;
	s29 =	simm.s32 $0x15400  }
0x54: {  	[tilespmem:s29], [sflag:$0x8] =	stream.linear.gather [hbm4b:s1+s19], $0x640, $0x38;
	[tilespmem:$0x1FC00] =	vst v63  }
.LBB2_9:
0x55: {  	[tilespmem:s25+$0x30] =	vst v15  }
0x56: {  	v15 =	vld [tilespmem:s28+$0x18440];
	_ =	sdelay $0x1  }
0x57: {  	v16 =	vld [tilespmem:s25+$0x40];
	_ =	sdelay $0x2  }
0x58: {  	v15 =	vmul.f32 v15, v14;
	_ =	sdelay $0x1  }
0x59: {  	v15 =	vmax.f32 v16, v15  }
0x5a: {  	[tilespmem:s25+$0x40] =	vst v15  }
0x5b: {  	v15 =	vld [tilespmem:s28+$0x18450];
	_ =	sdelay $0x1  }
0x5c: {  	v60 =	vld [tilespmem:s25+$0x50];
	_ =	sdelay $0x2  }
0x5d: {  	v15 =	vmul.f32 v15, v14;
	_ =	sdelay $0x1  }
0x5e: {  	v15 =	vmax.f32 v60, v15  }
0x5f: {  	[tilespmem:s25+$0x50] =	vst v15  }
0x60: {  	v15 =	vld [tilespmem:s28+$0x18460];
	_ =	sdelay $0x1  }
0x61: {  	v61 =	vld [tilespmem:s25+$0x60];
	_ =	sdelay $0x2  }
0x62: {  	v15 =	vmul.f32 v15, v14;
	_ =	sdelay $0x1  }
0x63: {  	v15 =	vmax.f32 v61, v15  }
0x64: {  	[tilespmem:s25+$0x60] =	vst v15  }
0x65: {  	v15 =	vld [tilespmem:s28+$0x18470];
	_ =	sdelay $0x1  }
0x66: {  	v62 =	vld [tilespmem:s25+$0x70];
	_ =	sdelay $0x2  }
0x67: {  	v14 =	vmul.f32 v15, v14;
	_ =	sdelay $0x1  }
0x68: {  	v14 =	vmax.f32 v62, v14  }
0x69: {  	[tilespmem:s25+$0x70] =	vst v14  }
0x6a: {  	v14 =	vld [tilespmem:$0x15AD0]  }
0x6b: {  	v15 =	vld [tilespmem:$0x15B50]  }
0x6c: {  	v63 =	vld [tilespmem:$0x15BD0];
	_ =	sdelay $0x2  }
0x6d: {  	[tilespmem:$0x15A80] =	vst v14  }
0x6e: {  	s18 =	sadd.s32 $0xFFFFFFB0, s18;
	[tilespmem:$0x15B00] =	vst v15  }
0x6f: {  	[smem:$0x0] =	sst s18;
	[tilespmem:$0x15B80] =	vst v63  }
.LBB2_10:
0x70: {  	s22 =	sadd.s32 $0x1, s22  }
0x71: {  	p0 =	sne.s32 s22, $0x64  }
.Ltmp4:
0x72: {  	_ = 	snop;
	(pc) =	sbr.rel @!p0 .LBB2_11-.Ltmp4, $1  }
0x73: {  	_ =	sdelay $0x3  }
.LBB2_6:
0x74: {  	s1 =	sshll.u32 s22, $0x4  }
0x75: {  	v14 =	vld [tilespmem:s1+$0x14080];
	_ =	sdelay $0x4  }
0x76: {  	vm0 =	vge.s32 v14, v1;
	vm1 =	vlt.s32 v14, v0  }
0x77: {  	vm0 =	vmand vm0, vm1  }
0x78: {  	v15 =	vsel vm0, $0x1, v4  }
0x79: {  	(xrf0) =	vadd.scan.msk.s32 $0xffff, v15;
	_ =	sdelay $0x5  }
0x7a: {  	v15, _, _ =	vpop (xrf0)  }
0x7b: {  	(v2sf) =	vpush v15, $0xF;
	_ =	sdelay $0xc  }
0x7c: {  	v16 =	vsel vm0, $0xFFFFFFFF, v4  }
0x7d: {  	v16 =	vadd.s32 s18, v16  }
0x7e: {  	v15 =	vadd.s32 v15, v16;
	s25 =	spop (v2sf)  }
0x7f: {  	v63 =	vld [tilespmem:s1+$0x14700];
	s18 =	sadd.s32 s18, s25  }
0x80: {  	p0 =	slt.s32 s18, $0x50  }
.Ltmp5:
0x81: {  	_ = 	snop;
	(pc) =	sbr.rel @p0 .LBB2_10-.Ltmp5, $4  }
0x82: {  	_ = 	snop  }
0x83: {  	s1 =	sadd.s32 s17, s1;
	[tilespmem:v15+s30+$0x0] =	vst.idx.msk vm0, v14  }
0x84: {  	v14 =	vor.u32 s1, v5;
	[tilespmem:v15+s31+$0x0] =	vst.idx.msk vm0, v63  }
0x85: {  	[tilespmem:v15+s0+$0x0] =	vst.idx.msk vm0, v14;
	[smem:$0x0] =	sst s18  }
0x86: {  	[tilespmem:s4], [sflag:$0x1] =	stream.indirect.gather [hbm4b:s7+s3], $0x80, s31, s3, $0xb8;
	[tilespmem:$0x1FC00] =	vst v63  }
0x87: {  	_ = 	snop  }
0x88: {  	[tilespmem:s21], [sflag:$0x2] =	stream.indirect.gather [hbm4b:s8+s3], $0x80, s31, s3, $0xb8;
	[tilespmem:$0x1FC00] =	vst v63  }
0x89: {  	_ = 	snop  }
0x8a: {  	[tilespmem:s23], [sflag:$0x3] =	stream.indirect.gather [hbm4b:s2+s3], $0x80, s0, s3, $0xb8;
	[tilespmem:$0x1FC00] =	vst v63  }
0x8b: {  	s29 =	simm.s32 $0x15A80  }
0x8c: {  	[tilespmem:s24], [sflag:$0x4] =	stream.indirect.gather [hbm4b:s9+s3], $0x80, s29, s3, $0xb8;
	[tilespmem:$0x1FC00] =	vst v63  }
0x8d: {  	_ =	swait.ge [sflag:s5], $0x2800  }
0x8e: {  	[sflag:s5] =	ssyncset.done $0x0  }
0x8f: {  	[sflag:s5] =	ssyncadd.s32 $0xFFFFD800  }
0x90: {  	_ =	swait.ge [sflag:s12], $0x2800  }
0x91: {  	[sflag:s12] =	ssyncset.done $0x0  }
0x92: {  	[sflag:s12] =	ssyncadd.s32 $0xFFFFD800  }
0x93: {  	_ =	swait.ge [sflag:s13], $0x2800  }
0x94: {  	[sflag:s13] =	ssyncset.done $0x0  }
0x95: {  	[sflag:s13] =	ssyncadd.s32 $0xFFFFD800  }
0x96: {  	_ =	swait.ge [sflag:s14], $0x2800  }
0x97: {  	[sflag:s14] =	ssyncset.done $0x0  }
0x98: {  	s28 =	simm.s32 $0x0;
	[sflag:s14] =	ssyncadd.s32 $0xFFFFD800  }
0x99: {  	v14 =	vld [tilespmem:s28+$0x1AC30]  }
0x9a: {  	v15 =	vld [tilespmem:s28+$0x1AC40]  }
0x9b: {  	v17 =	vld [tilespmem:s28+$0x15C40]  }
0x9c: {  	v18 =	vld [tilespmem:s28+$0x1AC50]  }
0x9d: {  	v19 =	vld [tilespmem:s28+$0x15C50]  }
0x9e: {  	v20 =	vld [tilespmem:s28+$0x15C00]  }
0x9f: {  	v21 =	vld [tilespmem:s28+$0x1D450]  }
0xa0: {  	v22 =	vld [tilespmem:s28+$0x1D400]  }
0xa1: {  	v23 =	vld [tilespmem:s28+$0x1D430]  }
0xa2: {  	v24 =	vld [tilespmem:s28+$0x15C20]  }
0xa3: {  	v25 =	vld [tilespmem:s28+$0x1D410]  }
0xa4: {  	v26 =	vld [tilespmem:s28+$0x1D440]  }
0xa5: {  	v27 =	vld [tilespmem:s28+$0x15C30]  }
0xa6: {  	v28 =	vld [tilespmem:s28+$0x1D420]  }
0xa7: {  	v29 =	vld [tilespmem:s28+$0x15C10]  }
0xa8: {  	v50 =	vld [tilespmem:s28+$0x1D460]  }
0xa9: {  	v52 =	vld [tilespmem:s28+$0x15C60]  }
0xaa: {  	v16 =	vld [tilespmem:s28+$0x1AC00]  }
0xab: {  	v47 =	vld [tilespmem:s28+$0x1AC10];
	v19 =	vadd.f32 v21, v19;
	v20 =	vadd.f32 v22, v20  }
0xac: {  	v46 =	vld [tilespmem:s28+$0x1AC20];
	v17 =	vadd.f32 v26, v17;
	v49 =	vadd.f32 v23, v27  }
0xad: {  	v54 =	vld [tilespmem:s28+$0x1AC60];
	v24 =	vadd.f32 v28, v24;
	v25 =	vadd.f32 v25, v29  }
0xae: {  	v23 =	vadd.f32 v50, v52;
	v18 =	vadd.f32 v18, v19  }
0xaf: {  	v48 =	vld [tilespmem:s28+$0x1D470];
	v16 =	vadd.f32 v16, v20;
	v15 =	vadd.f32 v15, v17  }
0xb0: {  	v14 =	vadd.f32 v14, v49;
	v17 =	vld [tilespmem:s28+$0x15C70];
	v22 =	vadd.f32 v47, v25  }
0xb1: {  	v21 =	vadd.f32 v46, v24;
	v51 =	vmul.f32 $2.000000030e-01, v16;
	v53 =	vmul.f32 $2.000000030e-01, v18  }
0xb2: {  	v57 =	vld [tilespmem:s28+$0x1AC70];
	v61 =	vadd.f32 v54, v23;
	v55 =	vmul.f32 $2.000000030e-01, v15;
	v56 =	vmul.f32 $2.000000030e-01, v14  }
0xb3: {  	v58 =	vmul.f32 $2.000000030e-01, v22;
	v59 =	vmul.f32 $2.000000030e-01, v21  }
0xb4: {  	v62 =	vmul.f32 $2.000000030e-01, v61;
	v16 =	vmax.f32 v16, v51;
	v18 =	vmax.f32 v18, v53  }
0xb5: {  	v20 =	vmax.f32 v22, v58;
	v16 =	vmul.f32 v16, v6;
	v17 =	vadd.f32 v48, v17  }
0xb6: {  	v14 =	vmax.f32 v14, v56;
	v60 =	vmax.f32 v21, v59;
	v20 =	vmul.f32 v20, v7  }
0xb7: {  	v19 =	vmul.f32 v60, v8;
	v16 =	vadd.f32 $0.0e+00, v16;
	v17 =	vadd.f32 v57, v17  }
0xb8: {  	v15 =	vmax.f32 v15, v55;
	v14 =	vmul.f32 v14, v9;
	v20 =	vadd.f32 $0.0e+00, v20  }
0xb9: {  	v15 =	vmul.f32 v15, v10;
	v16 =	vadd.f32 v19, v16;
	v63 =	vmul.f32 $2.000000030e-01, v17  }
0xba: {  	v18 =	vmul.f32 v18, v11;
	v14 =	vadd.f32 v14, v20  }
0xbb: {  	v15 =	vadd.f32 v15, v16;
	v16 =	vmax.f32 v61, v62;
	v17 =	vmax.f32 v17, v63  }
0xbc: {  	v14 =	vadd.f32 v18, v14;
	v16 =	vmul.f32 v16, v12;
	v17 =	vmul.f32 v17, v13;
	_ =	sdelay $0x1  }
0xbd: {  	v15 =	vadd.f32 v16, v15;
	v14 =	vadd.f32 v17, v14;
	_ =	sdelay $0x1  }
0xbe: {  	v14 =	vadd.f32 v14, v15  }
0xbf: {  	v15 =	vld [tilespmem:s29+$0x0]  }
0xc0: {  	(xrf2) =	vadd.scan.msk.f32 $0xffff, v14;
	_ =	sdelay $0x3  }
0xc1: {  	(v2sf) =	vpush v15, $0x0;
	_ =	sdelay $0x5  }
0xc2: {  	v14, _, _ =	vpop (xrf2)  }
0xc3: {  	v14 =	vadd.f32 $0.0e+00, v14;
	_ =	sdelay $0x1  }
0xc4: {  	v14 =	vmul.f32 $1.442695020e+00, v14;
	_ =	sdelay $0x1  }
0xc5: {  	v14 =	vbroadcast v14, $0xF;
	_ =	sdelay $0x1  }
0xc6: {  	(erf) = vpow2.f32 v14;
	_ =	sdelay $0x1  }
0xc7: {  	s1 =	spop (v2sf)  }
0xc8: {  	s1 =	ssub.s32 s1, s10  }
0xc9: {  	s25 =	sshll.u32 s1, $0x7  }
0xca: {  	v15 =	vld [tilespmem:s25+$0xA000];
	_ =	sdelay $0x3  }
0xcb: {  	v14 =	vpop (erf)  }
0xcc: {  	v15 =	vadd.f32 v14, v15;
	_ =	sdelay $0x1  }
0xcd: {  	[tilespmem:s25+$0xA000] =	vst v15  }
0xce: {  	v15 =	vld [tilespmem:s28+$0x18400];
	_ =	sdelay $0x1  }
0xcf: {  	v16 =	vld [tilespmem:s25+$0x0];
	_ =	sdelay $0x2  }
0xd0: {  	v15 =	vmul.f32 v14, v15;
	_ =	sdelay $0x1  }
0xd1: {  	v15 =	vmax.f32 v16, v15  }
0xd2: {  	[tilespmem:s25+$0x0] =	vst v15  }
0xd3: {  	v15 =	vld [tilespmem:s28+$0x18410];
	_ =	sdelay $0x1  }
0xd4: {  	v16 =	vld [tilespmem:s25+$0x10];
	_ =	sdelay $0x2  }
0xd5: {  	v15 =	vmul.f32 v14, v15;
	_ =	sdelay $0x1  }
0xd6: {  	v15 =	vmax.f32 v16, v15  }
0xd7: {  	[tilespmem:s25+$0x10] =	vst v15  }
0xd8: {  	v15 =	vld [tilespmem:s28+$0x18420];
	_ =	sdelay $0x1  }
0xd9: {  	v16 =	vld [tilespmem:s25+$0x20];
	_ =	sdelay $0x2  }
0xda: {  	v15 =	vmul.f32 v14, v15;
	_ =	sdelay $0x1  }
0xdb: {  	v15 =	vmax.f32 v16, v15  }
0xdc: {  	[tilespmem:s25+$0x20] =	vst v15  }
0xdd: {  	v15 =	vld [tilespmem:s28+$0x18430];
	_ =	sdelay $0x1  }
0xde: {  	v16 =	vld [tilespmem:s25+$0x30];
	_ =	sdelay $0x2  }
0xdf: {  	v15 =	vmul.f32 v14, v15;
	_ =	sdelay $0x1  }
0xe0: {  	s1 =	simm.s32 $0x200;
	v15 =	vmax.f32 v16, v15  }
.LBB2_8:
0xe1: {  	p0 =	sne.s32 s1, $0x9E00  }
0xe2: {  	[tilespmem:s25+$0x30] =	vst v15;
	s29 =	sadd.s32 $0x1, s29;
	s26 =	smov.u32 s1;
	s1 =	sadd.s32 $0x200, s1  }
0xe3: {  	v15 =	vld [tilespmem:s28+$0x18440]  }
0xe4: {  	v16 =	vld [tilespmem:s25+$0x40];
	_ =	sdelay $0x3  }
0xe5: {  	v15 =	vmul.f32 v15, v14;
	_ =	sdelay $0x1  }
0xe6: {  	v15 =	vmax.f32 v16, v15  }
0xe7: {  	[tilespmem:s25+$0x40] =	vst v15  }
0xe8: {  	v15 =	vld [tilespmem:s28+$0x18450]  }
0xe9: {  	v16 =	vld [tilespmem:s25+$0x50];
	_ =	sdelay $0x3  }
0xea: {  	v15 =	vmul.f32 v15, v14  }
0xeb: {  	s26 =	sshra.s32 s26, $0x2  }
0xec: {  	v15 =	vmax.f32 v16, v15  }
0xed: {  	[tilespmem:s25+$0x50] =	vst v15  }
0xee: {  	v15 =	vld [tilespmem:s28+$0x18460]  }
0xef: {  	v16 =	vld [tilespmem:s25+$0x60];
	_ =	sdelay $0x3  }
0xf0: {  	v15 =	vmul.f32 v15, v14;
	_ =	sdelay $0x1  }
0xf1: {  	v15 =	vmax.f32 v16, v15  }
0xf2: {  	[tilespmem:s25+$0x60] =	vst v15  }
0xf3: {  	v15 =	vld [tilespmem:s28+$0x18470];
	s28 =	smov.u32 s26  }
0xf4: {  	v16 =	vld [tilespmem:s25+$0x70];
	_ =	sdelay $0x3  }
0xf5: {  	v14 =	vmul.f32 v15, v14;
	_ =	sdelay $0x1  }
0xf6: {  	v14 =	vmax.f32 v16, v14  }
0xf7: {  	[tilespmem:s25+$0x70] =	vst v14  }
0xf8: {  	v14 =	vld [tilespmem:s28+$0x1AC30]  }
0xf9: {  	v15 =	vld [tilespmem:s28+$0x1AC40]  }
0xfa: {  	v16 =	vld [tilespmem:s28+$0x1AC00]  }
0xfb: {  	v17 =	vld [tilespmem:s28+$0x15C40]  }
0xfc: {  	v18 =	vld [tilespmem:s28+$0x1AC50]  }
0xfd: {  	v19 =	vld [tilespmem:s28+$0x15C50]  }
0xfe: {  	v20 =	vld [tilespmem:s28+$0x15C00]  }
0xff: {  	v21 =	vld [tilespmem:s28+$0x1D450]  }
0x100: {  	v22 =	vld [tilespmem:s28+$0x1D400]  }
0x101: {  	v23 =	vld [tilespmem:s28+$0x1D430]  }
0x102: {  	v24 =	vld [tilespmem:s28+$0x15C20]  }
0x103: {  	v25 =	vld [tilespmem:s28+$0x1D410]  }
0x104: {  	v26 =	vld [tilespmem:s28+$0x1D440];
	v19 =	vadd.f32 v21, v19  }
0x105: {  	v20 =	vadd.f32 v22, v20;
	v21 =	vld [tilespmem:s28+$0x15C30]  }
0x106: {  	v22 =	vld [tilespmem:s28+$0x1D420];
	v18 =	vadd.f32 v18, v19  }
0x107: {  	v16 =	vadd.f32 v16, v20;
	v19 =	vld [tilespmem:s28+$0x15C10]  }
0x108: {  	v20 =	vld [tilespmem:s28+$0x1AC20];
	v27 =	vmul.f32 $2.000000030e-01, v18  }
0x109: {  	v28 =	vmul.f32 $2.000000030e-01, v16;
	v29 =	vld [tilespmem:s28+$0x1AC10];
	v17 =	vadd.f32 v26, v17  }
0x10a: {  	v21 =	vadd.f32 v23, v21;
	v18 =	vmax.f32 v18, v27;
	v23 =	vld [tilespmem:s28+$0x1D470]  }
0x10b: {  	v16 =	vmax.f32 v16, v28;
	v22 =	vadd.f32 v22, v24;
	v15 =	vadd.f32 v15, v17;
	v17 =	vld [tilespmem:s28+$0x1D460]  }
0x10c: {  	v16 =	vmul.f32 v16, v6;
	v19 =	vadd.f32 v25, v19;
	v14 =	vadd.f32 v14, v21;
	v21 =	vld [tilespmem:s28+$0x15C60]  }
0x10d: {  	v24 =	vmul.f32 $2.000000030e-01, v15;
	v25 =	vld [tilespmem:s28+$0x15C70]  }
0x10e: {  	v20 =	vadd.f32 v20, v22;
	v19 =	vadd.f32 v29, v19;
	v22 =	vmul.f32 $2.000000030e-01, v14;
	v26 =	vld [tilespmem:s28+$0x1AC60]  }
0x10f: {  	v15 =	vmax.f32 v15, v24;
	v24 =	vld [tilespmem:s28+$0x1AC70]  }
0x110: {  	v28 =	vmul.f32 $2.000000030e-01, v20;
	v27 =	vmul.f32 $2.000000030e-01, v19;
	v14 =	vmax.f32 v14, v22  }
0x111: {  	v16 =	vadd.f32 $0.0e+00, v16;
	v17 =	vadd.f32 v17, v21  }
0x112: {  	v20 =	vmax.f32 v20, v28;
	v19 =	vmax.f32 v19, v27;
	v21 =	vadd.f32 v23, v25  }
0x113: {  	v15 =	vmul.f32 v15, v10;
	v20 =	vmul.f32 v20, v8;
	v17 =	vadd.f32 v26, v17  }
0x114: {  	v14 =	vmul.f32 v14, v9;
	v19 =	vmul.f32 v19, v7;
	v21 =	vadd.f32 v24, v21  }
0x115: {  	v16 =	vadd.f32 v20, v16;
	v20 =	vmul.f32 $2.000000030e-01, v17  }
0x116: {  	v18 =	vmul.f32 v18, v11;
	v19 =	vadd.f32 $0.0e+00, v19;
	v22 =	vmul.f32 $2.000000030e-01, v21  }
0x117: {  	v15 =	vadd.f32 v15, v16;
	v16 =	vmax.f32 v17, v20  }
0x118: {  	v14 =	vadd.f32 v14, v19;
	v16 =	vmul.f32 v16, v12;
	v17 =	vmax.f32 v21, v22  }
0x119: {  	v17 =	vmul.f32 v17, v13  }
0x11a: {  	v14 =	vadd.f32 v18, v14;
	v15 =	vadd.f32 v16, v15;
	_ =	sdelay $0x1  }
0x11b: {  	v14 =	vadd.f32 v17, v14;
	_ =	sdelay $0x1  }
0x11c: {  	v14 =	vadd.f32 v14, v15;
	v16 =	vld [tilespmem:s29+$0x0];
	_ =	sdelay $0x1  }
0x11d: {  	(xrf2) =	vadd.scan.msk.f32 $0xffff, v14;
	_ =	sdelay $0x2  }
0x11e: {  	(v2sf) =	vpush v16, $0x0;
	_ =	sdelay $0x6  }
0x11f: {  	v14, _, _ =	vpop (xrf2)  }
0x120: {  	v14 =	vadd.f32 $0.0e+00, v14;
	_ =	sdelay $0x1  }
0x121: {  	v14 =	vmul.f32 $1.442695020e+00, v14;
	_ =	sdelay $0x1  }
0x122: {  	v14 =	vbroadcast v14, $0xF;
	_ =	sdelay $0x1  }
0x123: {  	(erf) = vpow2.f32 v14  }
0x124: {  	s25 =	spop (v2sf)  }
0x125: {  	s25 =	ssub.s32 s25, s10  }
0x126: {  	s25 =	sshll.u32 s25, $0x7  }
0x127: {  	v15 =	vld [tilespmem:s25+$0xA000];
	_ =	sdelay $0x4  }
0x128: {  	v14 =	vpop (erf)  }
0x129: {  	v15 =	vadd.f32 v14, v15;
	_ =	sdelay $0x1  }
0x12a: {  	[tilespmem:s25+$0xA000] =	vst v15  }
0x12b: {  	v15 =	vld [tilespmem:s28+$0x18400]  }
0x12c: {  	v16 =	vld [tilespmem:s25+$0x0];
	_ =	sdelay $0x3  }
0x12d: {  	v15 =	vmul.f32 v14, v15;
	_ =	sdelay $0x1  }
0x12e: {  	v15 =	vmax.f32 v16, v15  }
0x12f: {  	[tilespmem:s25+$0x0] =	vst v15  }
0x130: {  	v15 =	vld [tilespmem:s28+$0x18410]  }
0x131: {  	v16 =	vld [tilespmem:s25+$0x10];
	_ =	sdelay $0x3  }
0x132: {  	v15 =	vmul.f32 v14, v15;
	_ =	sdelay $0x1  }
0x133: {  	v15 =	vmax.f32 v16, v15  }
0x134: {  	[tilespmem:s25+$0x10] =	vst v15  }
0x135: {  	v15 =	vld [tilespmem:s28+$0x18420]  }
0x136: {  	v16 =	vld [tilespmem:s25+$0x20];
	_ =	sdelay $0x3  }
0x137: {  	v15 =	vmul.f32 v14, v15;
	_ =	sdelay $0x1  }
0x138: {  	v15 =	vmax.f32 v16, v15  }
0x139: {  	[tilespmem:s25+$0x20] =	vst v15  }
0x13a: {  	v15 =	vld [tilespmem:s28+$0x18430]  }
0x13b: {  	v16 =	vld [tilespmem:s25+$0x30];
	_ =	sdelay $0x1  }
.Ltmp6:
0x13c: {  	(pc) =	sbr.rel @p0 .LBB2_8-.Ltmp6, $3  }
0x13d: {  	_ = 	snop  }
0x13e: {  	v15 =	vmul.f32 v14, v15;
	_ =	sdelay $0x1  }
0x13f: {  	v15 =	vmax.f32 v16, v15  }
.Ltmp7:
0x140: {  	_ = 	snop;
	(pc) =	sbr.rel .LBB2_9-.Ltmp7, $1  }
0x141: {  	_ =	sdelay $0x3  }
.LBB2_11:
0x142: {  	_ =	swait.ge [sflag:s15], $0x640  }
0x143: {  	[sflag:s15] =	ssyncset.done $0x0  }
0x144: {  	p0 =	seq.s32 s11, $0x63;
	[sflag:s15] =	ssyncadd.s32 $0xFFFFF9C0  }
0x145: {  	s1 =	sshrl.u32 @!p0 s17, $0x3;
	_ =	swait.ge [sflag:s16], $0x640  }
0x146: {  	s22 =	simm.s32 @!p0 $0x0;
	s1 =	sadd.s32 @!p0 $0x190, s1;
	[sflag:s16] =	ssyncset.done $0x0  }
0x147: {  	s25 =	simm.s32 @!p0 $0x14080;
	s17 =	sadd.s32 @!p0 s6, s1;
	[sflag:s16] =	ssyncadd.s32 $0xFFFFF9C0  }
0x148: {  	[tilespmem:s25], [sflag:$0x5] =	stream.linear.gather @!p0 [hbm4b:s17+s22], $0x640, $0x38;
	[tilespmem:$0x1FC00] =	vst v63  }
.Ltmp8:
0x149: {  	_ = 	snop;
	(pc) =	sbr.rel .LBB2_12-.Ltmp8, $4  }
0x14a: {  	s17 =	rddreg [dreg:$0x1]  }
0x14b: {  	s1 =	sadd.s32 @!p0 s17, s1;
	s17 =	simm.s32 @!p0 $0x14700  }
0x14c: {  	[tilespmem:s17], [sflag:$0x6] =	stream.linear.gather @!p0 [hbm4b:s1+s22], $0x640, $0x38;
	[tilespmem:$0x1FC00] =	vst v63  }
0x14d: {  	s11 =	sadd.s32 $0x1, s11;
	s17 =	simm.s32 $0x0  }
.LBB2_15:
0x14e: {  	[tilespmem:s25+$0x30] =	vst v15  }
0x14f: {  	v15 =	vld [tilespmem:s22+$0x18440];
	_ =	sdelay $0x1  }
0x150: {  	v16 =	vld [tilespmem:s25+$0x40];
	_ =	sdelay $0x2  }
0x151: {  	v15 =	vmul.f32 v15, v14;
	_ =	sdelay $0x1  }
0x152: {  	v15 =	vmax.f32 v16, v15  }
0x153: {  	[tilespmem:s25+$0x40] =	vst v15  }
0x154: {  	v15 =	vld [tilespmem:s22+$0x18450];
	_ =	sdelay $0x1  }
0x155: {  	v60 =	vld [tilespmem:s25+$0x50];
	_ =	sdelay $0x2  }
0x156: {  	v15 =	vmul.f32 v15, v14;
	_ =	sdelay $0x1  }
0x157: {  	v15 =	vmax.f32 v60, v15  }
0x158: {  	[tilespmem:s25+$0x50] =	vst v15  }
0x159: {  	v15 =	vld [tilespmem:s22+$0x18460];
	_ =	sdelay $0x1  }
0x15a: {  	v61 =	vld [tilespmem:s25+$0x60];
	_ =	sdelay $0x2  }
0x15b: {  	v15 =	vmul.f32 v15, v14;
	_ =	sdelay $0x1  }
0x15c: {  	v15 =	vmax.f32 v61, v15  }
0x15d: {  	[tilespmem:s25+$0x60] =	vst v15  }
0x15e: {  	v15 =	vld [tilespmem:s22+$0x18470];
	_ =	sdelay $0x1  }
0x15f: {  	v62 =	vld [tilespmem:s25+$0x70];
	_ =	sdelay $0x2  }
0x160: {  	v14 =	vmul.f32 v15, v14;
	_ =	sdelay $0x1  }
0x161: {  	v14 =	vmax.f32 v62, v14  }
0x162: {  	[tilespmem:s25+$0x70] =	vst v14  }
0x163: {  	v14 =	vld [tilespmem:$0x15AD0]  }
0x164: {  	v15 =	vld [tilespmem:$0x15B50]  }
0x165: {  	v63 =	vld [tilespmem:$0x15BD0];
	_ =	sdelay $0x2  }
0x166: {  	[tilespmem:$0x15A80] =	vst v14  }
0x167: {  	s18 =	sadd.s32 $0xFFFFFFB0, s18;
	[tilespmem:$0x15B00] =	vst v15  }
0x168: {  	[smem:$0x0] =	sst s18;
	[tilespmem:$0x15B80] =	vst v63  }
.LBB2_16:
0x169: {  	s17 =	sadd.s32 $0x1, s17  }
0x16a: {  	p0 =	seq.s32 s17, $0x64  }
.Ltmp9:
0x16b: {  	_ = 	snop;
	(pc) =	sbr.rel @p0 .LBB2_4-.Ltmp9, $1  }
0x16c: {  	_ =	sdelay $0x3  }
.LBB2_12:
0x16d: {  	s1 =	sshll.u32 s17, $0x4  }
0x16e: {  	v14 =	vld [tilespmem:s1+$0x14D80];
	_ =	sdelay $0x4  }
0x16f: {  	vm0 =	vge.s32 v14, v1;
	vm1 =	vlt.s32 v14, v0  }
0x170: {  	vm0 =	vmand vm0, vm1  }
0x171: {  	v15 =	vsel vm0, $0x1, v4  }
0x172: {  	(xrf0) =	vadd.scan.msk.s32 $0xffff, v15;
	_ =	sdelay $0x5  }
0x173: {  	v15, _, _ =	vpop (xrf0)  }
0x174: {  	(v2sf) =	vpush v15, $0xF;
	_ =	sdelay $0xc  }
0x175: {  	v16 =	vsel vm0, $0xFFFFFFFF, v4  }
0x176: {  	v16 =	vadd.s32 s18, v16  }
0x177: {  	v15 =	vadd.s32 v15, v16;
	s22 =	spop (v2sf)  }
0x178: {  	v63 =	vld [tilespmem:s1+$0x15400];
	s18 =	sadd.s32 s18, s22  }
0x179: {  	p0 =	slt.s32 s18, $0x50  }
.Ltmp10:
0x17a: {  	_ = 	snop;
	(pc) =	sbr.rel @p0 .LBB2_16-.Ltmp10, $4  }
0x17b: {  	_ = 	snop  }
0x17c: {  	s1 =	sadd.s32 s20, s1;
	[tilespmem:v15+s30+$0x0] =	vst.idx.msk vm0, v14  }
0x17d: {  	v14 =	vor.u32 s1, v5;
	[tilespmem:v15+s31+$0x0] =	vst.idx.msk vm0, v63  }
0x17e: {  	[tilespmem:v15+s0+$0x0] =	vst.idx.msk vm0, v14;
	[smem:$0x0] =	sst s18  }
0x17f: {  	[tilespmem:s4], [sflag:$0x1] =	stream.indirect.gather [hbm4b:s7+s3], $0x80, s31, s3, $0xb8;
	[tilespmem:$0x1FC00] =	vst v63  }
0x180: {  	_ = 	snop  }
0x181: {  	[tilespmem:s21], [sflag:$0x2] =	stream.indirect.gather [hbm4b:s8+s3], $0x80, s31, s3, $0xb8;
	[tilespmem:$0x1FC00] =	vst v63  }
0x182: {  	_ = 	snop  }
0x183: {  	[tilespmem:s23], [sflag:$0x3] =	stream.indirect.gather [hbm4b:s2+s3], $0x80, s0, s3, $0xb8;
	[tilespmem:$0x1FC00] =	vst v63  }
0x184: {  	s28 =	simm.s32 $0x15A80  }
0x185: {  	[tilespmem:s24], [sflag:$0x4] =	stream.indirect.gather [hbm4b:s9+s3], $0x80, s28, s3, $0xb8;
	[tilespmem:$0x1FC00] =	vst v63  }
0x186: {  	_ =	swait.ge [sflag:s5], $0x2800  }
0x187: {  	[sflag:s5] =	ssyncset.done $0x0  }
0x188: {  	[sflag:s5] =	ssyncadd.s32 $0xFFFFD800  }
0x189: {  	_ =	swait.ge [sflag:s12], $0x2800  }
0x18a: {  	[sflag:s12] =	ssyncset.done $0x0  }
0x18b: {  	[sflag:s12] =	ssyncadd.s32 $0xFFFFD800  }
0x18c: {  	_ =	swait.ge [sflag:s13], $0x2800  }
0x18d: {  	[sflag:s13] =	ssyncset.done $0x0  }
0x18e: {  	[sflag:s13] =	ssyncadd.s32 $0xFFFFD800  }
0x18f: {  	_ =	swait.ge [sflag:s14], $0x2800  }
0x190: {  	[sflag:s14] =	ssyncset.done $0x0  }
0x191: {  	s22 =	simm.s32 $0x0;
	[sflag:s14] =	ssyncadd.s32 $0xFFFFD800  }
0x192: {  	v14 =	vld [tilespmem:s22+$0x1AC30]  }
0x193: {  	v15 =	vld [tilespmem:s22+$0x1AC40]  }
0x194: {  	v17 =	vld [tilespmem:s22+$0x15C40]  }
0x195: {  	v18 =	vld [tilespmem:s22+$0x1AC50]  }
0x196: {  	v19 =	vld [tilespmem:s22+$0x15C50]  }
0x197: {  	v20 =	vld [tilespmem:s22+$0x15C00]  }
0x198: {  	v21 =	vld [tilespmem:s22+$0x1D450]  }
0x199: {  	v22 =	vld [tilespmem:s22+$0x1D400]  }
0x19a: {  	v23 =	vld [tilespmem:s22+$0x1D430]  }
0x19b: {  	v24 =	vld [tilespmem:s22+$0x15C20]  }
0x19c: {  	v25 =	vld [tilespmem:s22+$0x1D410]  }
0x19d: {  	v26 =	vld [tilespmem:s22+$0x1D440]  }
0x19e: {  	v27 =	vld [tilespmem:s22+$0x15C30]  }
0x19f: {  	v28 =	vld [tilespmem:s22+$0x1D420]  }
0x1a0: {  	v29 =	vld [tilespmem:s22+$0x15C10]  }
0x1a1: {  	v50 =	vld [tilespmem:s22+$0x1D460]  }
0x1a2: {  	v52 =	vld [tilespmem:s22+$0x15C60]  }
0x1a3: {  	v16 =	vld [tilespmem:s22+$0x1AC00]  }
0x1a4: {  	v47 =	vld [tilespmem:s22+$0x1AC10];
	v19 =	vadd.f32 v21, v19;
	v20 =	vadd.f32 v22, v20  }
0x1a5: {  	v46 =	vld [tilespmem:s22+$0x1AC20];
	v17 =	vadd.f32 v26, v17;
	v49 =	vadd.f32 v23, v27  }
0x1a6: {  	v54 =	vld [tilespmem:s22+$0x1AC60];
	v24 =	vadd.f32 v28, v24;
	v25 =	vadd.f32 v25, v29  }
0x1a7: {  	v23 =	vadd.f32 v50, v52;
	v18 =	vadd.f32 v18, v19  }
0x1a8: {  	v48 =	vld [tilespmem:s22+$0x1D470];
	v16 =	vadd.f32 v16, v20;
	v15 =	vadd.f32 v15, v17  }
0x1a9: {  	v14 =	vadd.f32 v14, v49;
	v17 =	vld [tilespmem:s22+$0x15C70];
	v22 =	vadd.f32 v47, v25  }
0x1aa: {  	v21 =	vadd.f32 v46, v24;
	v51 =	vmul.f32 $2.000000030e-01, v16;
	v53 =	vmul.f32 $2.000000030e-01, v18  }
0x1ab: {  	v57 =	vld [tilespmem:s22+$0x1AC70];
	v61 =	vadd.f32 v54, v23;
	v55 =	vmul.f32 $2.000000030e-01, v15;
	v56 =	vmul.f32 $2.000000030e-01, v14  }
0x1ac: {  	v58 =	vmul.f32 $2.000000030e-01, v22;
	v59 =	vmul.f32 $2.000000030e-01, v21  }
0x1ad: {  	v62 =	vmul.f32 $2.000000030e-01, v61;
	v16 =	vmax.f32 v16, v51;
	v18 =	vmax.f32 v18, v53  }
0x1ae: {  	v20 =	vmax.f32 v22, v58;
	v16 =	vmul.f32 v16, v6;
	v17 =	vadd.f32 v48, v17  }
0x1af: {  	v14 =	vmax.f32 v14, v56;
	v60 =	vmax.f32 v21, v59;
	v20 =	vmul.f32 v20, v7  }
0x1b0: {  	v19 =	vmul.f32 v60, v8;
	v16 =	vadd.f32 $0.0e+00, v16;
	v17 =	vadd.f32 v57, v17  }
0x1b1: {  	v15 =	vmax.f32 v15, v55;
	v14 =	vmul.f32 v14, v9;
	v20 =	vadd.f32 $0.0e+00, v20  }
0x1b2: {  	v15 =	vmul.f32 v15, v10;
	v16 =	vadd.f32 v19, v16;
	v63 =	vmul.f32 $2.000000030e-01, v17  }
0x1b3: {  	v18 =	vmul.f32 v18, v11;
	v14 =	vadd.f32 v14, v20  }
0x1b4: {  	v15 =	vadd.f32 v15, v16;
	v16 =	vmax.f32 v61, v62;
	v17 =	vmax.f32 v17, v63  }
0x1b5: {  	v14 =	vadd.f32 v18, v14;
	v16 =	vmul.f32 v16, v12;
	v17 =	vmul.f32 v17, v13;
	_ =	sdelay $0x1  }
0x1b6: {  	v15 =	vadd.f32 v16, v15;
	v14 =	vadd.f32 v17, v14;
	_ =	sdelay $0x1  }
0x1b7: {  	v14 =	vadd.f32 v14, v15  }
0x1b8: {  	v15 =	vld [tilespmem:s28+$0x0]  }
0x1b9: {  	(xrf2) =	vadd.scan.msk.f32 $0xffff, v14;
	_ =	sdelay $0x3  }
0x1ba: {  	(v2sf) =	vpush v15, $0x0;
	_ =	sdelay $0x5  }
0x1bb: {  	v14, _, _ =	vpop (xrf2)  }
0x1bc: {  	v14 =	vadd.f32 $0.0e+00, v14;
	_ =	sdelay $0x1  }
0x1bd: {  	v14 =	vmul.f32 $1.442695020e+00, v14;
	_ =	sdelay $0x1  }
0x1be: {  	v14 =	vbroadcast v14, $0xF;
	_ =	sdelay $0x1  }
0x1bf: {  	(erf) = vpow2.f32 v14;
	_ =	sdelay $0x1  }
0x1c0: {  	s1 =	spop (v2sf)  }
0x1c1: {  	s1 =	ssub.s32 s1, s10  }
0x1c2: {  	s25 =	sshll.u32 s1, $0x7  }
0x1c3: {  	v15 =	vld [tilespmem:s25+$0xA000];
	_ =	sdelay $0x3  }
0x1c4: {  	v14 =	vpop (erf)  }
0x1c5: {  	v15 =	vadd.f32 v14, v15;
	_ =	sdelay $0x1  }
0x1c6: {  	[tilespmem:s25+$0xA000] =	vst v15  }
0x1c7: {  	v15 =	vld [tilespmem:s22+$0x18400];
	_ =	sdelay $0x1  }
0x1c8: {  	v16 =	vld [tilespmem:s25+$0x0];
	_ =	sdelay $0x2  }
0x1c9: {  	v15 =	vmul.f32 v14, v15;
	_ =	sdelay $0x1  }
0x1ca: {  	v15 =	vmax.f32 v16, v15  }
0x1cb: {  	[tilespmem:s25+$0x0] =	vst v15  }
0x1cc: {  	v15 =	vld [tilespmem:s22+$0x18410];
	_ =	sdelay $0x1  }
0x1cd: {  	v16 =	vld [tilespmem:s25+$0x10];
	_ =	sdelay $0x2  }
0x1ce: {  	v15 =	vmul.f32 v14, v15;
	_ =	sdelay $0x1  }
0x1cf: {  	v15 =	vmax.f32 v16, v15  }
0x1d0: {  	[tilespmem:s25+$0x10] =	vst v15  }
0x1d1: {  	v15 =	vld [tilespmem:s22+$0x18420];
	_ =	sdelay $0x1  }
0x1d2: {  	v16 =	vld [tilespmem:s25+$0x20];
	_ =	sdelay $0x2  }
0x1d3: {  	v15 =	vmul.f32 v14, v15;
	_ =	sdelay $0x1  }
0x1d4: {  	v15 =	vmax.f32 v16, v15  }
0x1d5: {  	[tilespmem:s25+$0x20] =	vst v15  }
0x1d6: {  	v15 =	vld [tilespmem:s22+$0x18430];
	_ =	sdelay $0x1  }
0x1d7: {  	v16 =	vld [tilespmem:s25+$0x30];
	_ =	sdelay $0x2  }
0x1d8: {  	v15 =	vmul.f32 v14, v15;
	_ =	sdelay $0x1  }
0x1d9: {  	s1 =	simm.s32 $0x200;
	v15 =	vmax.f32 v16, v15  }
.LBB2_14:
0x1da: {  	p0 =	sne.s32 s1, $0x9E00  }
0x1db: {  	[tilespmem:s25+$0x30] =	vst v15;
	s28 =	sadd.s32 $0x1, s28;
	s26 =	smov.u32 s1;
	s1 =	sadd.s32 $0x200, s1  }
0x1dc: {  	v15 =	vld [tilespmem:s22+$0x18440]  }
0x1dd: {  	v16 =	vld [tilespmem:s25+$0x40];
	_ =	sdelay $0x3  }
0x1de: {  	v15 =	vmul.f32 v15, v14;
	_ =	sdelay $0x1  }
0x1df: {  	v15 =	vmax.f32 v16, v15  }
0x1e0: {  	[tilespmem:s25+$0x40] =	vst v15  }
0x1e1: {  	v15 =	vld [tilespmem:s22+$0x18450]  }
0x1e2: {  	v16 =	vld [tilespmem:s25+$0x50];
	_ =	sdelay $0x3  }
0x1e3: {  	v15 =	vmul.f32 v15, v14  }
0x1e4: {  	s26 =	sshra.s32 s26, $0x2  }
0x1e5: {  	v15 =	vmax.f32 v16, v15  }
0x1e6: {  	[tilespmem:s25+$0x50] =	vst v15  }
0x1e7: {  	v15 =	vld [tilespmem:s22+$0x18460]  }
0x1e8: {  	v16 =	vld [tilespmem:s25+$0x60];
	_ =	sdelay $0x3  }
0x1e9: {  	v15 =	vmul.f32 v15, v14;
	_ =	sdelay $0x1  }
0x1ea: {  	v15 =	vmax.f32 v16, v15  }
0x1eb: {  	[tilespmem:s25+$0x60] =	vst v15  }
0x1ec: {  	v15 =	vld [tilespmem:s22+$0x18470];
	s22 =	smov.u32 s26  }
0x1ed: {  	v16 =	vld [tilespmem:s25+$0x70];
	_ =	sdelay $0x3  }
0x1ee: {  	v14 =	vmul.f32 v15, v14;
	_ =	sdelay $0x1  }
0x1ef: {  	v14 =	vmax.f32 v16, v14  }
0x1f0: {  	[tilespmem:s25+$0x70] =	vst v14  }
0x1f1: {  	v14 =	vld [tilespmem:s22+$0x1AC30]  }
0x1f2: {  	v15 =	vld [tilespmem:s22+$0x1AC40]  }
0x1f3: {  	v16 =	vld [tilespmem:s22+$0x1AC00]  }
0x1f4: {  	v17 =	vld [tilespmem:s22+$0x15C40]  }
0x1f5: {  	v18 =	vld [tilespmem:s22+$0x1AC50]  }
0x1f6: {  	v19 =	vld [tilespmem:s22+$0x15C50]  }
0x1f7: {  	v20 =	vld [tilespmem:s22+$0x15C00]  }
0x1f8: {  	v21 =	vld [tilespmem:s22+$0x1D450]  }
0x1f9: {  	v22 =	vld [tilespmem:s22+$0x1D400]  }
0x1fa: {  	v23 =	vld [tilespmem:s22+$0x1D430]  }
0x1fb: {  	v24 =	vld [tilespmem:s22+$0x15C20]  }
0x1fc: {  	v25 =	vld [tilespmem:s22+$0x1D410]  }
0x1fd: {  	v26 =	vld [tilespmem:s22+$0x1D440];
	v19 =	vadd.f32 v21, v19  }
0x1fe: {  	v20 =	vadd.f32 v22, v20;
	v21 =	vld [tilespmem:s22+$0x15C30]  }
0x1ff: {  	v22 =	vld [tilespmem:s22+$0x1D420];
	v18 =	vadd.f32 v18, v19  }
0x200: {  	v16 =	vadd.f32 v16, v20;
	v19 =	vld [tilespmem:s22+$0x15C10]  }
0x201: {  	v20 =	vld [tilespmem:s22+$0x1AC20];
	v27 =	vmul.f32 $2.000000030e-01, v18  }
0x202: {  	v28 =	vmul.f32 $2.000000030e-01, v16;
	v29 =	vld [tilespmem:s22+$0x1AC10];
	v17 =	vadd.f32 v26, v17  }
0x203: {  	v21 =	vadd.f32 v23, v21;
	v18 =	vmax.f32 v18, v27;
	v23 =	vld [tilespmem:s22+$0x1D470]  }
0x204: {  	v16 =	vmax.f32 v16, v28;
	v22 =	vadd.f32 v22, v24;
	v15 =	vadd.f32 v15, v17;
	v17 =	vld [tilespmem:s22+$0x1D460]  }
0x205: {  	v16 =	vmul.f32 v16, v6;
	v19 =	vadd.f32 v25, v19;
	v14 =	vadd.f32 v14, v21;
	v21 =	vld [tilespmem:s22+$0x15C60]  }
0x206: {  	v24 =	vmul.f32 $2.000000030e-01, v15;
	v25 =	vld [tilespmem:s22+$0x15C70]  }
0x207: {  	v20 =	vadd.f32 v20, v22;
	v19 =	vadd.f32 v29, v19;
	v22 =	vmul.f32 $2.000000030e-01, v14;
	v26 =	vld [tilespmem:s22+$0x1AC60]  }
0x208: {  	v15 =	vmax.f32 v15, v24;
	v24 =	vld [tilespmem:s22+$0x1AC70]  }
0x209: {  	v28 =	vmul.f32 $2.000000030e-01, v20;
	v27 =	vmul.f32 $2.000000030e-01, v19;
	v14 =	vmax.f32 v14, v22  }
0x20a: {  	v16 =	vadd.f32 $0.0e+00, v16;
	v17 =	vadd.f32 v17, v21  }
0x20b: {  	v20 =	vmax.f32 v20, v28;
	v19 =	vmax.f32 v19, v27;
	v21 =	vadd.f32 v23, v25  }
0x20c: {  	v15 =	vmul.f32 v15, v10;
	v20 =	vmul.f32 v20, v8;
	v17 =	vadd.f32 v26, v17  }
0x20d: {  	v14 =	vmul.f32 v14, v9;
	v19 =	vmul.f32 v19, v7;
	v21 =	vadd.f32 v24, v21  }
0x20e: {  	v16 =	vadd.f32 v20, v16;
	v20 =	vmul.f32 $2.000000030e-01, v17  }
0x20f: {  	v18 =	vmul.f32 v18, v11;
	v19 =	vadd.f32 $0.0e+00, v19;
	v22 =	vmul.f32 $2.000000030e-01, v21  }
0x210: {  	v15 =	vadd.f32 v15, v16;
	v16 =	vmax.f32 v17, v20  }
0x211: {  	v14 =	vadd.f32 v14, v19;
	v16 =	vmul.f32 v16, v12;
	v17 =	vmax.f32 v21, v22  }
0x212: {  	v17 =	vmul.f32 v17, v13  }
0x213: {  	v14 =	vadd.f32 v18, v14;
	v15 =	vadd.f32 v16, v15;
	_ =	sdelay $0x1  }
0x214: {  	v14 =	vadd.f32 v17, v14;
	_ =	sdelay $0x1  }
0x215: {  	v14 =	vadd.f32 v14, v15;
	v16 =	vld [tilespmem:s28+$0x0];
	_ =	sdelay $0x1  }
0x216: {  	(xrf2) =	vadd.scan.msk.f32 $0xffff, v14;
	_ =	sdelay $0x2  }
0x217: {  	(v2sf) =	vpush v16, $0x0;
	_ =	sdelay $0x6  }
0x218: {  	v14, _, _ =	vpop (xrf2)  }
0x219: {  	v14 =	vadd.f32 $0.0e+00, v14;
	_ =	sdelay $0x1  }
0x21a: {  	v14 =	vmul.f32 $1.442695020e+00, v14;
	_ =	sdelay $0x1  }
0x21b: {  	v14 =	vbroadcast v14, $0xF;
	_ =	sdelay $0x1  }
0x21c: {  	(erf) = vpow2.f32 v14  }
0x21d: {  	s25 =	spop (v2sf)  }
0x21e: {  	s25 =	ssub.s32 s25, s10  }
0x21f: {  	s25 =	sshll.u32 s25, $0x7  }
0x220: {  	v15 =	vld [tilespmem:s25+$0xA000];
	_ =	sdelay $0x4  }
0x221: {  	v14 =	vpop (erf)  }
0x222: {  	v15 =	vadd.f32 v14, v15;
	_ =	sdelay $0x1  }
0x223: {  	[tilespmem:s25+$0xA000] =	vst v15  }
0x224: {  	v15 =	vld [tilespmem:s22+$0x18400]  }
0x225: {  	v16 =	vld [tilespmem:s25+$0x0];
	_ =	sdelay $0x3  }
0x226: {  	v15 =	vmul.f32 v14, v15;
	_ =	sdelay $0x1  }
0x227: {  	v15 =	vmax.f32 v16, v15  }
0x228: {  	[tilespmem:s25+$0x0] =	vst v15  }
0x229: {  	v15 =	vld [tilespmem:s22+$0x18410]  }
0x22a: {  	v16 =	vld [tilespmem:s25+$0x10];
	_ =	sdelay $0x3  }
0x22b: {  	v15 =	vmul.f32 v14, v15;
	_ =	sdelay $0x1  }
0x22c: {  	v15 =	vmax.f32 v16, v15  }
0x22d: {  	[tilespmem:s25+$0x10] =	vst v15  }
0x22e: {  	v15 =	vld [tilespmem:s22+$0x18420]  }
0x22f: {  	v16 =	vld [tilespmem:s25+$0x20];
	_ =	sdelay $0x3  }
0x230: {  	v15 =	vmul.f32 v14, v15;
	_ =	sdelay $0x1  }
0x231: {  	v15 =	vmax.f32 v16, v15  }
0x232: {  	[tilespmem:s25+$0x20] =	vst v15  }
0x233: {  	v15 =	vld [tilespmem:s22+$0x18430]  }
0x234: {  	v16 =	vld [tilespmem:s25+$0x30];
	_ =	sdelay $0x1  }
.Ltmp11:
0x235: {  	(pc) =	sbr.rel @p0 .LBB2_14-.Ltmp11, $3  }
0x236: {  	_ = 	snop  }
0x237: {  	v15 =	vmul.f32 v14, v15;
	_ =	sdelay $0x1  }
0x238: {  	v15 =	vmax.f32 v16, v15  }
.Ltmp12:
0x239: {  	_ = 	snop;
	(pc) =	sbr.rel .LBB2_15-.Ltmp12, $1  }
0x23a: {  	_ =	sdelay $0x3  }
.LBB2_17:
0x23b: {  	[tilespmem:s4], [sflag:$0x1] =	stream.indirect.gather [hbm4b:s7+s3], $0x80, s31, s3, $0xb8;
	[tilespmem:$0x1FC00] =	vst v63  }
0x23c: {  	_ = 	snop  }
0x23d: {  	[tilespmem:s21], [sflag:$0x2] =	stream.indirect.gather [hbm4b:s8+s3], $0x80, s31, s3, $0xb8;
	[tilespmem:$0x1FC00] =	vst v63  }
0x23e: {  	_ = 	snop  }
0x23f: {  	[tilespmem:s23], [sflag:$0x3] =	stream.indirect.gather [hbm4b:s2+s3], $0x80, s0, s3, $0xb8;
	[tilespmem:$0x1FC00] =	vst v63  }
0x240: {  	s11 =	simm.s32 $0x15A80  }
0x241: {  	[tilespmem:s24], [sflag:$0x4] =	stream.indirect.gather [hbm4b:s9+s3], $0x80, s11, s3, $0xb8;
	[tilespmem:$0x1FC00] =	vst v63  }
0x242: {  	_ =	swait.ge [sflag:s5], $0x2800  }
0x243: {  	[sflag:s5] =	ssyncset.done $0x0  }
0x244: {  	[sflag:s5] =	ssyncadd.s32 $0xFFFFD800  }
0x245: {  	_ =	swait.ge [sflag:s12], $0x2800  }
0x246: {  	[sflag:s12] =	ssyncset.done $0x0  }
0x247: {  	[sflag:s12] =	ssyncadd.s32 $0xFFFFD800  }
0x248: {  	p0 =	slt.s32 s18, $0x1;
	_ =	swait.ge [sflag:s13], $0x2800  }
.Ltmp13:
0x249: {  	[sflag:s13] =	ssyncset.done $0x0;
	(pc) =	sbr.rel @p0 .LBB2_21-.Ltmp13, $4  }
0x24a: {  	[sflag:s13] =	ssyncadd.s32 $0xFFFFD800  }
0x24b: {  	_ =	swait.ge [sflag:s14], $0x2800  }
0x24c: {  	[sflag:s14] =	ssyncset.done $0x0  }
0x24d: {  	[sflag:s14] =	ssyncadd.s32 $0xFFFFD800  }
0x24e: {  	s17 =	simm.s32 $0x1D440  }
0x24f: {  	s19 =	simm.s32 $0x1AC40;
	v14 =	vld [tilespmem:s17+$0xFFFFFFC0]  }
0x250: {  	v15 =	vld [tilespmem:s19+$0x30]  }
0x251: {  	s1 =	simm.s32 $0x15C40;
	v16 =	vld [tilespmem:s17+$0x30]  }
0x252: {  	v17 =	vld [tilespmem:s1+$0x30]  }
0x253: {  	v18 =	vld [tilespmem:s17+$0x20]  }
0x254: {  	v19 =	vld [tilespmem:s19+$0x10]  }
0x255: {  	v20 =	vld [tilespmem:s17+$0x10]  }
0x256: {  	v21 =	vld [tilespmem:s1+$0x10]  }
0x257: {  	v22 =	vld [tilespmem:s1+$0xFFFFFFF0]  }
0x258: {  	v23 =	vld [tilespmem:s19+$0xFFFFFFE0]  }
0x259: {  	v24 =	vld [tilespmem:s17+$0xFFFFFFE0]  }
0x25a: {  	v25 =	vld [tilespmem:s1+$0xFFFFFFE0]  }
0x25b: {  	v27 =	vld [tilespmem:s17+$0xFFFFFFF0]  }
0x25c: {  	v28 =	vld [tilespmem:s17+$0xFFFFFFD0]  }
0x25d: {  	v29 =	vld [tilespmem:s1+$0xFFFFFFD0]  }
0x25e: {  	v30 =	vld [tilespmem:s1+$0xFFFFFFC0]  }
0x25f: {  	v38 =	vld [tilespmem:s17+$0x0]  }
0x260: {  	v40 =	vld [tilespmem:s1+$0x0]  }
0x261: {  	v42 =	vld [tilespmem:s1+$0x20]  }
0x262: {  	v26 =	vld [tilespmem:s19+$0xFFFFFFF0]  }
0x263: {  	v35 =	vld [tilespmem:s19+$0xFFFFFFD0];
	v16 =	vadd.f32 v16, v17;
	v20 =	vadd.f32 v20, v21  }
0x264: {  	v36 =	vld [tilespmem:s19+$0xFFFFFFC0];
	v37 =	vadd.f32 v24, v25;
	v39 =	vadd.f32 v28, v29  }
0x265: {  	v43 =	vld [tilespmem:s19+$0x0];
	v14 =	vadd.f32 v14, v30;
	v22 =	vadd.f32 v27, v22  }
0x266: {  	v45 =	vld [tilespmem:s19+$0x20];
	v24 =	vadd.f32 v38, v40;
	v18 =	vadd.f32 v18, v42  }
0x267: {  	v15 =	vadd.f32 v15, v16;
	v19 =	vadd.f32 v19, v20  }
0x268: {  	v16 =	vadd.f32 v23, v37;
	v17 =	vadd.f32 v35, v39  }
0x269: {  	v14 =	vadd.f32 v36, v14;
	v22 =	vadd.f32 v26, v22;
	v41 =	vmul.f32 $2.000000030e-01, v15  }
0x26a: {  	v20 =	vadd.f32 v43, v24;
	v44 =	vmul.f32 $2.000000030e-01, v16;
	v46 =	vmul.f32 $2.000000030e-01, v19  }
0x26b: {  	v18 =	vadd.f32 v45, v18;
	v47 =	vmul.f32 $2.000000030e-01, v17;
	v48 =	vmul.f32 $2.000000030e-01, v14  }
0x26c: {  	v49 =	vmul.f32 $2.000000030e-01, v22;
	v51 =	vmul.f32 $2.000000030e-01, v20  }
0x26d: {  	v52 =	vmul.f32 $2.000000030e-01, v18;
	v17 =	vmax.f32 v17, v47;
	v14 =	vmax.f32 v14, v48  }
0x26e: {  	v22 =	vmax.f32 v22, v49;
	v17 =	vmul.f32 v17, v7;
	v14 =	vmul.f32 v14, v6  }
0x26f: {  	v16 =	vmax.f32 v16, v44;
	v20 =	vmax.f32 v20, v51;
	v50 =	vmul.f32 v22, v9  }
0x270: {  	v16 =	vmul.f32 v16, v8;
	v17 =	vadd.f32 $0.0e+00, v17;
	v14 =	vadd.f32 $0.0e+00, v14  }
0x271: {  	v15 =	vmax.f32 v15, v41;
	v19 =	vmax.f32 v19, v46;
	v53 =	vmul.f32 v20, v10  }
0x272: {  	v19 =	vmul.f32 v19, v11;
	v17 =	vadd.f32 v50, v17;
	v14 =	vadd.f32 v16, v14  }
0x273: {  	v18 =	vmax.f32 v18, v52;
	v15 =	vmul.f32 v15, v13  }
0x274: {  	v55 =	vmul.f32 v18, v12;
	v14 =	vadd.f32 v53, v14;
	v54 =	vadd.f32 v19, v17;
	_ =	sdelay $0x1  }
0x275: {  	v14 =	vadd.f32 v55, v14;
	v15 =	vadd.f32 v15, v54;
	_ =	sdelay $0x1  }
0x276: {  	v14 =	vadd.f32 v15, v14  }
0x277: {  	v15 =	vld [tilespmem:s11+$0x0]  }
0x278: {  	(xrf2) =	vadd.scan.msk.f32 $0xffff, v14;
	_ =	sdelay $0x3  }
0x279: {  	(v2sf) =	vpush v15, $0x0;
	_ =	sdelay $0x5  }
0x27a: {  	v14, _, _ =	vpop (xrf2)  }
0x27b: {  	v14 =	vadd.f32 $0.0e+00, v14;
	_ =	sdelay $0x1  }
0x27c: {  	v14 =	vmul.f32 $1.442695020e+00, v14;
	_ =	sdelay $0x1  }
0x27d: {  	v14 =	vbroadcast v14, $0xF;
	_ =	sdelay $0x1  }
0x27e: {  	(erf) = vpow2.f32 v14;
	_ =	sdelay $0x1  }
0x27f: {  	s29 =	spop (v2sf)  }
0x280: {  	s1 =	ssub.s32 s29, s10  }
0x281: {  	s1 =	sshll.u32 s1, $0x7  }
0x282: {  	v14 =	vld [tilespmem:s1+$0xA000];
	_ =	sdelay $0x3  }
0x283: {  	v15 =	vpop (erf)  }
0x284: {  	v14 =	vadd.f32 v15, v14;
	_ =	sdelay $0x1  }
0x285: {  	s20 =	simm.s32 $0x18440;
	[tilespmem:s1+$0xA000] =	vst v14  }
0x286: {  	v14 =	vld [tilespmem:s20+$0xFFFFFFC0];
	_ =	sdelay $0x1  }
0x287: {  	v56 =	vld [tilespmem:s1+$0x0];
	_ =	sdelay $0x2  }
0x288: {  	v14 =	vmul.f32 v15, v14;
	_ =	sdelay $0x1  }
0x289: {  	v14 =	vmax.f32 v56, v14  }
0x28a: {  	[tilespmem:s1+$0x0] =	vst v14  }
0x28b: {  	v14 =	vld [tilespmem:s20+$0xFFFFFFD0];
	_ =	sdelay $0x1  }
0x28c: {  	v57 =	vld [tilespmem:s1+$0x10];
	_ =	sdelay $0x2  }
0x28d: {  	v14 =	vmul.f32 v15, v14;
	_ =	sdelay $0x1  }
0x28e: {  	v14 =	vmax.f32 v57, v14  }
0x28f: {  	[tilespmem:s1+$0x10] =	vst v14  }
0x290: {  	v14 =	vld [tilespmem:s20+$0xFFFFFFE0];
	_ =	sdelay $0x1  }
0x291: {  	v58 =	vld [tilespmem:s1+$0x20];
	_ =	sdelay $0x2  }
0x292: {  	v14 =	vmul.f32 v15, v14;
	_ =	sdelay $0x1  }
0x293: {  	v14 =	vmax.f32 v58, v14  }
0x294: {  	[tilespmem:s1+$0x20] =	vst v14  }
0x295: {  	v14 =	vld [tilespmem:s20+$0xFFFFFFF0];
	_ =	sdelay $0x1  }
0x296: {  	v59 =	vld [tilespmem:s1+$0x30];
	_ =	sdelay $0x2  }
0x297: {  	v14 =	vmul.f32 v15, v14;
	_ =	sdelay $0x1  }
0x298: {  	v14 =	vmax.f32 v59, v14  }
0x299: {  	[tilespmem:s1+$0x30] =	vst v14  }
0x29a: {  	v14 =	vld [tilespmem:s20+$0x0];
	_ =	sdelay $0x1  }
0x29b: {  	v60 =	vld [tilespmem:s1+$0x40];
	_ =	sdelay $0x2  }
0x29c: {  	v14 =	vmul.f32 v14, v15;
	_ =	sdelay $0x1  }
0x29d: {  	v14 =	vmax.f32 v60, v14  }
0x29e: {  	[tilespmem:s1+$0x40] =	vst v14  }
0x29f: {  	v14 =	vld [tilespmem:s20+$0x10];
	_ =	sdelay $0x1  }
0x2a0: {  	v61 =	vld [tilespmem:s1+$0x50];
	_ =	sdelay $0x2  }
0x2a1: {  	v14 =	vmul.f32 v14, v15;
	_ =	sdelay $0x1  }
0x2a2: {  	v14 =	vmax.f32 v61, v14  }
0x2a3: {  	[tilespmem:s1+$0x50] =	vst v14  }
0x2a4: {  	v14 =	vld [tilespmem:s20+$0x20];
	_ =	sdelay $0x1  }
0x2a5: {  	v62 =	vld [tilespmem:s1+$0x60];
	_ =	sdelay $0x2  }
0x2a6: {  	v14 =	vmul.f32 v14, v15;
	_ =	sdelay $0x1  }
0x2a7: {  	v14 =	vmax.f32 v62, v14  }
0x2a8: {  	[tilespmem:s1+$0x60] =	vst v14  }
0x2a9: {  	v14 =	vld [tilespmem:s20+$0x30];
	_ =	sdelay $0x1  }
0x2aa: {  	p0 =	sne.s32 s18, $0x1;
	v63 =	vld [tilespmem:s1+$0x70]  }
.Ltmp14:
0x2ab: {  	_ = 	snop;
	(pc) =	sbr.rel @!p0 .LBB2_20-.Ltmp14, $3  }
0x2ac: {  	_ = 	snop  }
0x2ad: {  	v14 =	vmul.f32 v14, v15;
	_ =	sdelay $0x1  }
0x2ae: {  	s18 =	sadd.s32 $0xFFFFFFFF, s18;
	s22 =	simm.s32 $0x15CC0;
	s20 =	simm.s32 $0x184C0;
	v14 =	vmax.f32 v63, v14  }
.LBB2_19:
0x2af: {  	[tilespmem:s1+$0x70] =	vst v14;
	s11 =	sadd.s32 $0x1, s11;
	s17 =	sadd.s32 $0x80, s17;
	s19 =	sadd.s32 $0x80, s19  }
0x2b0: {  	p0 =	sne.s32 s18, $0x1;
	s18 =	sadd.s32 $0xFFFFFFFF, s18;
	v14 =	vld [tilespmem:s17+$0xFFFFFFC0]  }
0x2b1: {  	v15 =	vld [tilespmem:s19+$0x30]  }
0x2b2: {  	v16 =	vld [tilespmem:s17+$0x30]  }
0x2b3: {  	v17 =	vld [tilespmem:s22+$0x30]  }
0x2b4: {  	v18 =	vld [tilespmem:s17+$0x20]  }
0x2b5: {  	v19 =	vld [tilespmem:s19+$0x10]  }
0x2b6: {  	v20 =	vld [tilespmem:s17+$0x10]  }
0x2b7: {  	v21 =	vld [tilespmem:s22+$0x10]  }
0x2b8: {  	v22 =	vld [tilespmem:s22+$0xFFFFFFF0];
	v16 =	vadd.f32 v16, v17  }
0x2b9: {  	v17 =	vld [tilespmem:s19+$0xFFFFFFE0]  }
0x2ba: {  	v23 =	vld [tilespmem:s17+$0xFFFFFFE0];
	v15 =	vadd.f32 v15, v16  }
0x2bb: {  	v16 =	vld [tilespmem:s22+$0xFFFFFFE0]  }
0x2bc: {  	v24 =	vld [tilespmem:s19+$0xFFFFFFF0];
	v20 =	vadd.f32 v20, v21;
	v21 =	vmul.f32 $2.000000030e-01, v15  }
0x2bd: {  	v25 =	vld [tilespmem:s17+$0xFFFFFFF0]  }
0x2be: {  	v26 =	vld [tilespmem:s17+$0xFFFFFFD0];
	v19 =	vadd.f32 v19, v20;
	v15 =	vmax.f32 v15, v21  }
0x2bf: {  	v20 =	vld [tilespmem:s22+$0xFFFFFFD0]  }
0x2c0: {  	v21 =	vld [tilespmem:s22+$0xFFFFFFC0];
	v16 =	vadd.f32 v23, v16;
	v23 =	vmul.f32 $2.000000030e-01, v19  }
0x2c1: {  	v27 =	vld [tilespmem:s19+$0xFFFFFFD0]  }
0x2c2: {  	v28 =	vld [tilespmem:s19+$0xFFFFFFC0];
	v16 =	vadd.f32 v17, v16;
	v17 =	vadd.f32 v25, v22;
	v19 =	vmax.f32 v19, v23  }
0x2c3: {  	v22 =	vld [tilespmem:s17+$0x0]  }
0x2c4: {  	v20 =	vadd.f32 v26, v20;
	v23 =	vmul.f32 $2.000000030e-01, v16;
	v17 =	vadd.f32 v24, v17;
	v24 =	vld [tilespmem:s22+$0x0]  }
0x2c5: {  	v14 =	vadd.f32 v14, v21;
	v21 =	vld [tilespmem:s22+$0x20]  }
0x2c6: {  	v20 =	vadd.f32 v27, v20;
	v16 =	vmax.f32 v16, v23;
	v23 =	vmul.f32 $2.000000030e-01, v17;
	v25 =	vld [tilespmem:s19+$0x0]  }
0x2c7: {  	v14 =	vadd.f32 v28, v14;
	v26 =	vld [tilespmem:s19+$0x20]  }
0x2c8: {  	v27 =	vmul.f32 $2.000000030e-01, v20;
	v17 =	vmax.f32 v17, v23  }
0x2c9: {  	v23 =	vmul.f32 $2.000000030e-01, v14;
	v22 =	vadd.f32 v22, v24  }
0x2ca: {  	v20 =	vmax.f32 v20, v27;
	v18 =	vadd.f32 v18, v21  }
0x2cb: {  	v14 =	vmax.f32 v14, v23;
	v20 =	vmul.f32 v20, v7;
	v21 =	vadd.f32 v25, v22  }
0x2cc: {  	v14 =	vmul.f32 v14, v6;
	v18 =	vadd.f32 v26, v18  }
0x2cd: {  	v17 =	vmul.f32 v17, v9;
	v20 =	vadd.f32 $0.0e+00, v20;
	v22 =	vmul.f32 $2.000000030e-01, v21  }
0x2ce: {  	v16 =	vmul.f32 v16, v8;
	v14 =	vadd.f32 $0.0e+00, v14;
	v23 =	vmul.f32 $2.000000030e-01, v18  }
0x2cf: {  	v17 =	vadd.f32 v17, v20;
	v20 =	vmax.f32 v21, v22  }
0x2d0: {  	v19 =	vmul.f32 v19, v11;
	v14 =	vadd.f32 v16, v14;
	v16 =	vmul.f32 v20, v10  }
0x2d1: {  	v15 =	vmul.f32 v15, v13;
	v18 =	vmax.f32 v18, v23  }
0x2d2: {  	v14 =	vadd.f32 v16, v14;
	v16 =	vadd.f32 v19, v17;
	v17 =	vmul.f32 v18, v12;
	_ =	sdelay $0x1  }
0x2d3: {  	v14 =	vadd.f32 v17, v14;
	v15 =	vadd.f32 v15, v16;
	_ =	sdelay $0x1  }
0x2d4: {  	v14 =	vadd.f32 v15, v14  }
0x2d5: {  	v15 =	vld [tilespmem:s11+$0x0]  }
0x2d6: {  	(xrf2) =	vadd.scan.msk.f32 $0xffff, v14;
	_ =	sdelay $0x3  }
0x2d7: {  	(v2sf) =	vpush v15, $0x0;
	_ =	sdelay $0x5  }
0x2d8: {  	v14, _, _ =	vpop (xrf2)  }
0x2d9: {  	v14 =	vadd.f32 $0.0e+00, v14;
	_ =	sdelay $0x1  }
0x2da: {  	v14 =	vmul.f32 $1.442695020e+00, v14;
	_ =	sdelay $0x1  }
0x2db: {  	v14 =	vbroadcast v14, $0xF;
	_ =	sdelay $0x1  }
0x2dc: {  	(erf) = vpow2.f32 v14;
	_ =	sdelay $0x1  }
0x2dd: {  	s1 =	spop (v2sf)  }
0x2de: {  	s1 =	ssub.s32 s1, s10  }
0x2df: {  	s1 =	sshll.u32 s1, $0x7  }
0x2e0: {  	v14 =	vld [tilespmem:s1+$0xA000];
	_ =	sdelay $0x3  }
0x2e1: {  	v15 =	vpop (erf)  }
0x2e2: {  	v14 =	vadd.f32 v15, v14;
	_ =	sdelay $0x1  }
0x2e3: {  	[tilespmem:s1+$0xA000] =	vst v14  }
0x2e4: {  	v14 =	vld [tilespmem:s20+$0xFFFFFFC0];
	_ =	sdelay $0x1  }
0x2e5: {  	v16 =	vld [tilespmem:s1+$0x0];
	_ =	sdelay $0x2  }
0x2e6: {  	v14 =	vmul.f32 v15, v14;
	_ =	sdelay $0x1  }
0x2e7: {  	v14 =	vmax.f32 v16, v14  }
0x2e8: {  	[tilespmem:s1+$0x0] =	vst v14  }
0x2e9: {  	v14 =	vld [tilespmem:s20+$0xFFFFFFD0];
	_ =	sdelay $0x1  }
0x2ea: {  	v16 =	vld [tilespmem:s1+$0x10];
	_ =	sdelay $0x2  }
0x2eb: {  	v14 =	vmul.f32 v15, v14;
	_ =	sdelay $0x1  }
0x2ec: {  	v14 =	vmax.f32 v16, v14  }
0x2ed: {  	[tilespmem:s1+$0x10] =	vst v14  }
0x2ee: {  	v14 =	vld [tilespmem:s20+$0xFFFFFFE0];
	_ =	sdelay $0x1  }
0x2ef: {  	v16 =	vld [tilespmem:s1+$0x20];
	_ =	sdelay $0x2  }
0x2f0: {  	v14 =	vmul.f32 v15, v14;
	_ =	sdelay $0x1  }
0x2f1: {  	v14 =	vmax.f32 v16, v14  }
0x2f2: {  	[tilespmem:s1+$0x20] =	vst v14  }
0x2f3: {  	v14 =	vld [tilespmem:s20+$0xFFFFFFF0];
	_ =	sdelay $0x1  }
0x2f4: {  	v16 =	vld [tilespmem:s1+$0x30];
	_ =	sdelay $0x2  }
0x2f5: {  	v14 =	vmul.f32 v15, v14;
	_ =	sdelay $0x1  }
0x2f6: {  	v14 =	vmax.f32 v16, v14  }
0x2f7: {  	[tilespmem:s1+$0x30] =	vst v14  }
0x2f8: {  	v14 =	vld [tilespmem:s20+$0x0];
	_ =	sdelay $0x1  }
0x2f9: {  	v16 =	vld [tilespmem:s1+$0x40];
	_ =	sdelay $0x2  }
0x2fa: {  	v14 =	vmul.f32 v14, v15;
	_ =	sdelay $0x1  }
0x2fb: {  	v14 =	vmax.f32 v16, v14  }
0x2fc: {  	[tilespmem:s1+$0x40] =	vst v14  }
0x2fd: {  	v14 =	vld [tilespmem:s20+$0x10];
	_ =	sdelay $0x1  }
0x2fe: {  	v16 =	vld [tilespmem:s1+$0x50];
	_ =	sdelay $0x2  }
0x2ff: {  	v14 =	vmul.f32 v14, v15;
	_ =	sdelay $0x1  }
0x300: {  	v14 =	vmax.f32 v16, v14  }
0x301: {  	[tilespmem:s1+$0x50] =	vst v14  }
0x302: {  	v14 =	vld [tilespmem:s20+$0x20];
	_ =	sdelay $0x1  }
0x303: {  	v16 =	vld [tilespmem:s1+$0x60];
	_ =	sdelay $0x2  }
0x304: {  	v14 =	vmul.f32 v14, v15;
	_ =	sdelay $0x1  }
0x305: {  	v14 =	vmax.f32 v16, v14  }
0x306: {  	[tilespmem:s1+$0x60] =	vst v14  }
0x307: {  	v14 =	vld [tilespmem:s20+$0x30];
	_ =	sdelay $0x1  }
0x308: {  	v16 =	vld [tilespmem:s1+$0x70]  }
.Ltmp15:
0x309: {  	(pc) =	sbr.rel @p0 .LBB2_19-.Ltmp15, $3  }
0x30a: {  	_ = 	snop  }
0x30b: {  	v14 =	vmul.f32 v14, v15;
	_ =	sdelay $0x1  }
0x30c: {  	s22 =	sadd.s32 $0x80, s22;
	s20 =	sadd.s32 $0x80, s20;
	v14 =	vmax.f32 v16, v14  }
.LBB2_20:
0x30d: {  	[tilespmem:s1+$0x70] =	vst v14  }
.LBB2_21:
0x30e: {  	s1 =	simm.s32 $0x0;
	s11 =	rddreg [dreg:$0x5];
	s19 =	simm.s32 $0x9  }
0x30f: {  	[tilespmem:s4], [sflag:$0x9] =	stream.linear.gather [hbm4b:s11+s1], $0x1400, $0x38;
	[tilespmem:$0x1FC00] =	vst v63  }
0x310: {  	_ =	swait.ge [sflag:s19], $0x1400  }
0x311: {  	[sflag:s19] =	ssyncset.done $0x0  }
0x312: {  	s11 =	simm.s32 $0x0;
	[sflag:s19] =	ssyncadd.s32 $0xFFFFEC00  }
0x313: {  	v6 =	vld [tilespmem:s11+$0xA000];
	_ =	sdelay $0x4  }
0x314: {  	v6 =	vadd.f32 $1.000000020e-16, v6;
	_ =	sdelay $0x1  }
0x315: {  	(erf) = vrcp.f32 v6;
	_ =	sdelay $0x2  }
0x316: {  	v7 =	vld [tilespmem:s11+$0x40]  }
0x317: {  	v8 =	vld [tilespmem:s11+$0x70]  }
0x318: {  	s1 =	simm.s32 $0x80;
	v9 =	vld [tilespmem:s11+$0x20]  }
0x319: {  	v10 =	vld [tilespmem:s1+$0xA000]  }
0x31a: {  	v16 =	vld [tilespmem:s11+$0x0]  }
0x31b: {  	v11 =	vld [tilespmem:s11+$0x15C40]  }
0x31c: {  	v14 =	vld [tilespmem:s11+$0x60];
	v12 =	vpop (erf)  }
0x31d: {  	v15 =	vld [tilespmem:s11+$0x15C70];
	v13 =	vmul.f32 v7, v12  }
0x31e: {  	v17 =	vld [tilespmem:s11+$0x10];
	vm0 =	vgt.f32 v7, $-3.000000010e+38;
	v10 =	vadd.f32 $1.000000020e-16, v10  }
0x31f: {  	v18 =	vld [tilespmem:s11+$0x30];
	vm1 =	vgt.f32 v9, $-3.000000010e+38;
	vm2 =	vgt.f32 v16, $-3.000000010e+38;
	v13 =	vmax.f32 v13, $-1.000000000e+09  }
0x320: {  	v19 =	vld [tilespmem:s11+$0x50];
	(erf) = vrcp.f32 v10;
	v7 =	vmin.f32 v13, $1.000000000e+09;
	v13 =	vmul.f32 v8, v12  }
0x321: {  	v21 =	vld [tilespmem:s11+$0x15C20];
	v20 =	vmul.f32 v9, v12;
	v9 =	vmul.f32 v14, v12;
	v7 =	vnsel vm0, $0x0, v7  }
0x322: {  	v22 =	vld [tilespmem:s11+$0x15C00];
	vm0 =	vgt.f32 v8, $-3.000000010e+38;
	v7 =	vadd.f32 v7, v11;
	v8 =	vmax.f32 v13, $-1.000000000e+09  }
0x323: {  	vm3 =	vgt.f32 v14, $-3.000000010e+38;
	v11 =	vmin.f32 v8, $1.000000000e+09;
	v8 =	vmax.f32 v20, $-1.000000000e+09  }
0x324: {  	v6 =	vld [tilespmem:s11+$0x15C50];
	v9 =	vmax.f32 v9, $-1.000000000e+09;
	v13 =	vmul.f32 v12, v16;
	[tilespmem:s11+$0x40] =	vst v7;
	v7 =	vmin.f32 v8, $1.000000000e+09  }
0x325: {  	v16 =	vmin.f32 v9, $1.000000000e+09;
	v8 =	vld [tilespmem:s1+$0x40];
	v10 =	vnsel vm1, $0x0, v7;
	v7 =	vnsel vm0, $0x0, v11  }
0x326: {  	v16 =	vnsel vm3, $0x0, v16;
	v11 =	vld [tilespmem:s11+$0x15C60];
	v15 =	vadd.f32 v7, v15  }
0x327: {  	v9 =	vmax.f32 v13, $-1.000000000e+09;
	v13 =	vmul.f32 v17, v12;
	vm0 =	vgt.f32 v17, $-3.000000010e+38;
	v7 =	vld [tilespmem:s1+$0x15C50]  }
0x328: {  	v14 =	vmin.f32 v9, $1.000000000e+09;
	v63 =	vadd.f32 v10, v21;
	v10 =	vld [tilespmem:s11+$0x15C10];
	[tilespmem:s11+$0x70] =	vst v15;
	v15 =	vmul.f32 v18, v12  }
0x329: {  	s17 =	simm.s32 $0x400;
	vm1 =	vgt.f32 v18, $-3.000000010e+38;
	v17 =	vnsel vm2, $0x0, v14;
	v14 =	vmul.f32 v19, v12;
	v9 =	vld [tilespmem:s1+$0x70]  }
0x32a: {  	vm2 =	vgt.f32 v19, $-3.000000010e+38;
	v17 =	vadd.f32 v17, v22;
	v12 =	vld [tilespmem:s11+$0x15C30];
	[tilespmem:s11+$0x20] =	vst v63;
	v15 =	vmax.f32 v15, $-1.000000000e+09  }
.LBB2_22:
0x32b: {  	s18 =	sshra.s32 s17, $0x2;
	p0 =	sne.s32 s17, $0x4E00;
	s17 =	sadd.s32 $0x200, s17;
	v18 =	vld [tilespmem:s1+$0x20];
	v19 =	vpop (erf);
	v13 =	vmax.f32 v13, $-1.000000000e+09;
	v14 =	vmax.f32 v14, $-1.000000000e+09;
	v11 =	vadd.f32 v16, v11  }
0x32c: {  	vm3 =	vgt.f32 v8, $-3.000000010e+38;
	v15 =	vmin.f32 v15, $1.000000000e+09;
	v16 =	vld [tilespmem:s18+$0xA000];
	[tilespmem:s11+$0x0] =	vst v17;
	v13 =	vmin.f32 v13, $1.000000000e+09  }
0x32d: {  	v15 =	vnsel vm1, $0x0, v15;
	v14 =	vmin.f32 v14, $1.000000000e+09;
	v17 =	vld [tilespmem:s1+$0x15C40];
	v13 =	vnsel vm0, $0x0, v13;
	[tilespmem:s11+$0x60] =	vst v11  }
0x32e: {  	v8 =	vmul.f32 v8, v19;
	v20 =	vld [tilespmem:s1+$0x60];
	v11 =	vmul.f32 v9, v19;
	v10 =	vadd.f32 v13, v10  }
0x32f: {  	vm0 =	vgt.f32 v9, $-3.000000010e+38;
	v13 =	vnsel vm2, $0x0, v14;
	v9 =	vld [tilespmem:s1+$0x15C70];
	v12 =	vadd.f32 v15, v12  }
0x330: {  	v8 =	vmax.f32 v8, $-1.000000000e+09;
	v14 =	vld [tilespmem:s1+$0x0]  }
0x331: {  	v8 =	vmin.f32 v8, $1.000000000e+09;
	v11 =	vmax.f32 v11, $-1.000000000e+09;
	[tilespmem:s11+$0x10] =	vst v10;
	v10 =	vadd.f32 v13, v6;
	v6 =	vmovc v7  }
0x332: {  	v15 =	vmul.f32 v18, v19;
	v8 =	vnsel vm3, $0x0, v8;
	v7 =	vadd.f32 $1.000000020e-16, v16;
	v13 =	vld [tilespmem:s1+$0x10];
	[tilespmem:s11+$0x30] =	vst v12  }
0x333: {  	v11 =	vmin.f32 v11, $1.000000000e+09;
	v12 =	vld [tilespmem:s1+$0x30];
	[tilespmem:s11+$0x50] =	vst v10;
	s11 =	smov.u32 s1;
	s1 =	smov.u32 s18;
	v8 =	vadd.f32 v8, v17  }
0x334: {  	(erf) = vrcp.f32 v7;
	v7 =	vmax.f32 v15, $-1.000000000e+09;
	v21 =	vld [tilespmem:s11+$0x50];
	v10 =	vmul.f32 v20, v19  }
0x335: {  	vm1 =	vgt.f32 v18, $-3.000000010e+38;
	v7 =	vmin.f32 v7, $1.000000000e+09;
	v15 =	vld [tilespmem:s11+$0x15C20];
	vm2 =	vgt.f32 v14, $-3.000000010e+38  }
0x336: {  	v17 =	vld [tilespmem:s11+$0x15C00];
	v16 =	vnsel vm1, $0x0, v7;
	[tilespmem:s11+$0x40] =	vst v8;
	v7 =	vnsel vm0, $0x0, v11;
	v10 =	vmax.f32 v10, $-1.000000000e+09  }
0x337: {  	v14 =	vmul.f32 v19, v14;
	v8 =	vld [tilespmem:s1+$0x40];
	vm0 =	vgt.f32 v13, $-3.000000010e+38;
	v18 =	vmin.f32 v10, $1.000000000e+09  }
.Ltmp16:
0x338: {  	v9 =	vadd.f32 v7, v9;
	vm1 =	vgt.f32 v12, $-3.000000010e+38;
	v11 =	vld [tilespmem:s11+$0x15C60];
	(pc) =	sbr.rel @p0 .LBB2_22-.Ltmp16, $4  }
0x339: {  	vm3 =	vgt.f32 v20, $-3.000000010e+38;
	v13 =	vmul.f32 v13, v19;
	v10 =	vmax.f32 v14, $-1.000000000e+09;
	v7 =	vld [tilespmem:s1+$0x15C50]  }
0x33a: {  	v12 =	vmul.f32 v12, v19;
	v14 =	vmin.f32 v10, $1.000000000e+09;
	v10 =	vld [tilespmem:s11+$0x15C10];
	v15 =	vadd.f32 v16, v15;
	[tilespmem:s11+$0x70] =	vst v9  }
0x33b: {  	v20 =	vnsel vm2, $0x0, v14;
	v14 =	vmul.f32 v21, v19;
	v16 =	vnsel vm3, $0x0, v18;
	v9 =	vld [tilespmem:s1+$0x70]  }
0x33c: {  	vm2 =	vgt.f32 v21, $-3.000000010e+38;
	v17 =	vadd.f32 v20, v17;
	[tilespmem:s11+$0x20] =	vst v15;
	v15 =	vmax.f32 v12, $-1.000000000e+09;
	v12 =	vld [tilespmem:s11+$0x15C30]  }
0x33d: {  	v11 =	vadd.f32 v16, v11;
	v13 =	vmax.f32 v13, $-1.000000000e+09  }
0x33e: {  	v18 =	vld [tilespmem:s1+$0x20];
	[tilespmem:s11+$0x0] =	vst v17;
	v13 =	vmin.f32 v13, $1.000000000e+09  }
0x33f: {  	v15 =	vmin.f32 v15, $1.000000000e+09;
	v14 =	vmax.f32 v14, $-1.000000000e+09;
	v16 =	vld [tilespmem:s1+$0x15C40];
	[tilespmem:s11+$0x60] =	vst v11;
	v11 =	vnsel vm0, $0x0, v13  }
0x340: {  	v15 =	vnsel vm1, $0x0, v15;
	v14 =	vmin.f32 v14, $1.000000000e+09;
	v13 =	vld [tilespmem:s1+$0x60];
	v10 =	vadd.f32 v11, v10  }
0x341: {  	v19 =	vpop (erf);
	v14 =	vnsel vm2, $0x0, v14;
	v11 =	vld [tilespmem:s1+$0x15C70];
	v12 =	vadd.f32 v15, v12  }
0x342: {  	v17 =	vld [tilespmem:s1+$0x0];
	v6 =	vadd.f32 v14, v6;
	[tilespmem:s11+$0x10] =	vst v10;
	v10 =	vmul.f32 v8, v19  }
0x343: {  	vm15 =	vgt.f32 v8, $-3.000000010e+38;
	v8 =	vmul.f32 v18, v19;
	v15 =	vld [tilespmem:s1+$0x10];
	[tilespmem:s11+$0x30] =	vst v12;
	v12 =	vmul.f32 v9, v19  }
0x344: {  	vm4 =	vgt.f32 v9, $-3.000000010e+38;
	v10 =	vmax.f32 v10, $-1.000000000e+09;
	v14 =	vld [tilespmem:s1+$0x30];
	[tilespmem:s11+$0x50] =	vst v6  }
0x345: {  	v8 =	vmax.f32 v8, $-1.000000000e+09;
	v10 =	vmin.f32 v10, $1.000000000e+09;
	v6 =	vmax.f32 v12, $-1.000000000e+09;
	v12 =	vld [tilespmem:s1+$0x50]  }
0x346: {  	vm5 =	vgt.f32 v18, $-3.000000010e+38;
	v8 =	vmin.f32 v8, $1.000000000e+09;
	v9 =	vnsel vm15, $0x0, v10;
	v10 =	vld [tilespmem:s1+$0x15C20]  }
0x347: {  	vm6 =	vgt.f32 v17, $-3.000000010e+38;
	vm3 =	vgt.f32 v13, $-3.000000010e+38;
	v9 =	vadd.f32 v9, v16  }
0x348: {  	v6 =	vmin.f32 v6, $1.000000000e+09;
	v8 =	vnsel vm5, $0x0, v8;
	v16 =	vmul.f32 v13, v19  }
0x349: {  	v18 =	vld [tilespmem:s1+$0x15C00];
	v6 =	vnsel vm4, $0x0, v6;
	vm7 =	vgt.f32 v15, $-3.000000010e+38;
	[tilespmem:s1+$0x40] =	vst v9;
	v9 =	vmul.f32 v19, v17  }
0x34a: {  	v6 =	vadd.f32 v6, v11;
	v17 =	vld [tilespmem:s1+$0x15C60];
	v11 =	vmax.f32 v16, $-1.000000000e+09;
	vm8 =	vgt.f32 v14, $-3.000000010e+38  }
0x34b: {  	vm9 =	vgt.f32 v12, $-3.000000010e+38;
	v8 =	vadd.f32 v8, v10;
	v9 =	vmax.f32 v9, $-1.000000000e+09  }
0x34c: {  	v16 =	vld [tilespmem:s1+$0x15C10];
	[tilespmem:s1+$0x70] =	vst v6;
	v10 =	vmin.f32 v11, $1.000000000e+09;
	v11 =	vmul.f32 v15, v19;
	v6 =	vmin.f32 v9, $1.000000000e+09  }
0x34d: {  	v13 =	vld [tilespmem:s1+$0x15C30];
	v9 =	vmul.f32 v14, v19;
	v10 =	vnsel vm3, $0x0, v10;
	v6 =	vnsel vm6, $0x0, v6  }
0x34e: {  	[tilespmem:s1+$0x20] =	vst v8;
	v8 =	vmul.f32 v12, v19;
	v11 =	vmax.f32 v11, $-1.000000000e+09;
	v6 =	vadd.f32 v6, v18  }
0x34f: {  	v9 =	vmax.f32 v9, $-1.000000000e+09;
	v11 =	vmin.f32 v11, $1.000000000e+09;
	v10 =	vadd.f32 v10, v17  }
0x350: {  	v8 =	vmax.f32 v8, $-1.000000000e+09;
	v9 =	vmin.f32 v9, $1.000000000e+09;
	v11 =	vnsel vm7, $0x0, v11  }
0x351: {  	[tilespmem:s1+$0x0] =	vst v6;
	v6 =	vnsel vm8, $0x0, v9;
	v8 =	vmin.f32 v8, $1.000000000e+09;
	v9 =	vadd.f32 v11, v16  }
0x352: {  	[tilespmem:s1+$0x60] =	vst v10;
	v6 =	vadd.f32 v6, v13;
	v8 =	vnsel vm9, $0x0, v8  }
0x353: {  	[tilespmem:s1+$0x10] =	vst v9;
	v7 =	vadd.f32 v8, v7  }
0x354: {  	[tilespmem:s1+$0x30] =	vst v6  }
0x355: {  	s28 =	simm.s32 $0x0;
	s29 =	rddreg [dreg:$0x6];
	[tilespmem:s1+$0x50] =	vst v7  }
0x356: {  	[tilespmem:s4], [sflag:$0x9] =	stream.linear.gather [hbm4b:s29+s28], $0x1400, $0x38;
	[tilespmem:$0x1FC00] =	vst v63  }
0x357: {  	_ =	swait.ge [sflag:s19], $0x1400  }
0x358: {  	[sflag:s19] =	ssyncset.done $0x0  }
0x359: {  	s11 =	simm.s32 $0x0;
	[sflag:s19] =	ssyncadd.s32 $0xFFFFEC00  }
0x35a: {  	v6 =	vld [tilespmem:s11+$0xB400];
	_ =	sdelay $0x4  }
0x35b: {  	v6 =	vadd.f32 $1.000000020e-16, v6;
	_ =	sdelay $0x1  }
0x35c: {  	(erf) = vrcp.f32 v6;
	_ =	sdelay $0x3  }
0x35d: {  	v7 =	vld [tilespmem:s11+$0x1440]  }
0x35e: {  	v8 =	vld [tilespmem:s11+$0x1410]  }
0x35f: {  	v10 =	vld [tilespmem:s11+$0x1470]  }
0x360: {  	s1 =	simm.s32 $0x80;
	v12 =	vld [tilespmem:s11+$0x1420]  }
0x361: {  	v13 =	vld [tilespmem:s1+$0xB400]  }
0x362: {  	v17 =	vld [tilespmem:s11+$0x1400];
	v15 =	vpop (erf)  }
0x363: {  	v11 =	vld [tilespmem:s11+$0x15C40];
	v9 =	vmul.f32 v7, v15  }
0x364: {  	v16 =	vld [tilespmem:s11+$0x1460];
	vm10 =	vgt.f32 v7, $-3.000000010e+38  }
0x365: {  	v18 =	vld [tilespmem:s11+$0x15C70];
	vm11 =	vgt.f32 v8, $-3.000000010e+38;
	vm12 =	vgt.f32 v10, $-3.000000010e+38;
	v9 =	vmax.f32 v9, $-1.000000000e+09  }
0x366: {  	v14 =	vld [tilespmem:s11+$0x15C10];
	v13 =	vadd.f32 $1.000000020e-16, v13;
	v7 =	vmul.f32 v8, v15;
	v19 =	vmin.f32 v9, $1.000000000e+09  }
0x367: {  	v20 =	vld [tilespmem:s11+$0x15C20];
	vm13 =	vgt.f32 v12, $-3.000000010e+38;
	vm14 =	vgt.f32 v17, $-3.000000010e+38;
	v19 =	vnsel vm10, $0x0, v19  }
0x368: {  	v22 =	vld [tilespmem:s11+$0x15C00];
	v21 =	vmul.f32 v10, v15;
	v7 =	vmax.f32 v7, $-1.000000000e+09;
	v19 =	vadd.f32 v19, v11  }
0x369: {  	(erf) = vrcp.f32 v13;
	v8 =	vmul.f32 v12, v15;
	v9 =	vld [tilespmem:s11+$0x1430];
	v7 =	vmin.f32 v7, $1.000000000e+09  }
0x36a: {  	v6 =	vld [tilespmem:s11+$0x15C50];
	v63 =	vmul.f32 v16, v15;
	v7 =	vnsel vm11, $0x0, v7;
	[tilespmem:s11+$0x1440] =	vst v19;
	v19 =	vmax.f32 v21, $-1.000000000e+09  }
0x36b: {  	v8 =	vmax.f32 v8, $-1.000000000e+09;
	v11 =	vld [tilespmem:s11+$0x1450];
	v7 =	vadd.f32 v7, v14;
	v19 =	vmin.f32 v19, $1.000000000e+09  }
0x36c: {  	v8 =	vmin.f32 v8, $1.000000000e+09;
	v14 =	vld [tilespmem:s11+$0x15C60];
	v12 =	vnsel vm12, $0x0, v19;
	v19 =	vmul.f32 v15, v17  }
0x36d: {  	v8 =	vnsel vm13, $0x0, v8;
	v10 =	vld [tilespmem:s1+$0x1440];
	[tilespmem:s11+$0x1410] =	vst v7;
	v7 =	vmax.f32 v63, $-1.000000000e+09;
	v18 =	vadd.f32 v12, v18  }
0x36e: {  	v23 =	vmul.f32 v9, v15;
	v21 =	vmin.f32 v7, $1.000000000e+09;
	v7 =	vld [tilespmem:s1+$0x1410];
	v13 =	vmax.f32 v19, $-1.000000000e+09  }
0x36f: {  	vm15 =	vgt.f32 v16, $-3.000000010e+38;
	v12 =	vld [tilespmem:s11+$0x15C30];
	v19 =	vadd.f32 v8, v20;
	[tilespmem:s11+$0x1470] =	vst v18;
	v16 =	vmin.f32 v13, $1.000000000e+09  }
0x370: {  	v20 =	vmax.f32 v23, $-1.000000000e+09;
	v13 =	vld [tilespmem:s1+$0x1470];
	v17 =	vnsel vm14, $0x0, v16;
	v16 =	vmul.f32 v11, v15  }
0x371: {  	s17 =	simm.s32 $0x400;
	v18 =	vnsel vm15, $0x0, v21;
	v8 =	vld [tilespmem:s1+$0x15C50];
	[tilespmem:s11+$0x1420] =	vst v19;
	v15 =	vmin.f32 v20, $1.000000000e+09;
	v17 =	vadd.f32 v17, v22  }
.LBB2_24:
0x372: {  	s18 =	sshra.s32 s17, $0x2;
	v19 =	vld [tilespmem:s1+$0x1420];
	v20 =	vpop (erf);
	vm1 =	vgt.f32 v9, $-3.000000010e+38;
	v9 =	vmax.f32 v16, $-1.000000000e+09;
	v14 =	vadd.f32 v18, v14  }
0x373: {  	vm0 =	vgt.f32 v10, $-3.000000010e+38;
	vm2 =	vgt.f32 v11, $-3.000000010e+38;
	v16 =	vld [tilespmem:s18+$0xB400];
	[tilespmem:s11+$0x1400] =	vst v17;
	v9 =	vmin.f32 v9, $1.000000000e+09  }
0x374: {  	p0 =	sne.s32 s17, $0x4E00;
	s17 =	sadd.s32 $0x200, s17;
	v15 =	vnsel vm1, $0x0, v15;
	v11 =	vmul.f32 v7, v20;
	v17 =	vld [tilespmem:s1+$0x15C40];
	v9 =	vnsel vm2, $0x0, v9;
	[tilespmem:s11+$0x1460] =	vst v14  }
0x375: {  	v10 =	vmul.f32 v10, v20;
	v18 =	vld [tilespmem:s1+$0x1460];
	v14 =	vmul.f32 v13, v20;
	v9 =	vadd.f32 v9, v6  }
0x376: {  	v12 =	vadd.f32 v15, v12;
	vm1 =	vgt.f32 v13, $-3.000000010e+38;
	v21 =	vld [tilespmem:s1+$0x1400];
	v11 =	vmax.f32 v11, $-1.000000000e+09;
	v6 =	vmovc v8  }
0x377: {  	v10 =	vmax.f32 v10, $-1.000000000e+09;
	v8 =	vmul.f32 v19, v20;
	v13 =	vmax.f32 v14, $-1.000000000e+09;
	v15 =	vld [tilespmem:s1+$0x15C70];
	[tilespmem:s11+$0x1450] =	vst v9  }
0x378: {  	v10 =	vmin.f32 v10, $1.000000000e+09;
	v14 =	vadd.f32 $1.000000020e-16, v16;
	v16 =	vmin.f32 v11, $1.000000000e+09;
	v22 =	vld [tilespmem:s1+$0x15C10];
	[tilespmem:s11+$0x1430] =	vst v12;
	s11 =	smov.u32 s1;
	s1 =	smov.u32 s18  }
0x379: {  	v10 =	vnsel vm0, $0x0, v10;
	v12 =	vmin.f32 v13, $1.000000000e+09;
	v8 =	vmax.f32 v8, $-1.000000000e+09;
	v9 =	vld [tilespmem:s11+$0x1430]  }
0x37a: {  	vm0 =	vgt.f32 v19, $-3.000000010e+38;
	v10 =	vadd.f32 v10, v17;
	(erf) = vrcp.f32 v14;
	v13 =	vld [tilespmem:s11+$0x15C20]  }
0x37b: {  	vm2 =	vgt.f32 v7, $-3.000000010e+38;
	v7 =	vmin.f32 v8, $1.000000000e+09;
	v8 =	vmul.f32 v18, v20;
	v11 =	vld [tilespmem:s11+$0x1450]  }
0x37c: {  	v14 =	vnsel vm2, $0x0, v16;
	v16 =	vnsel vm0, $0x0, v7;
	v7 =	vnsel vm1, $0x0, v12;
	v17 =	vld [tilespmem:s11+$0x15C00];
	[tilespmem:s11+$0x1440] =	vst v10  }
0x37d: {  	v12 =	vmul.f32 v20, v21;
	v8 =	vmax.f32 v8, $-1.000000000e+09;
	v10 =	vld [tilespmem:s1+$0x1440];
	v19 =	vadd.f32 v14, v22  }
.Ltmp17:
0x37e: {  	v15 =	vadd.f32 v7, v15;
	v8 =	vmin.f32 v8, $1.000000000e+09;
	v22 =	vmul.f32 v9, v20;
	v14 =	vld [tilespmem:s11+$0x15C60];
	(pc) =	sbr.rel @p0 .LBB2_24-.Ltmp17, $4  }
0x37f: {  	vm0 =	vgt.f32 v21, $-3.000000010e+38;
	vm1 =	vgt.f32 v18, $-3.000000010e+38;
	v21 =	vmax.f32 v12, $-1.000000000e+09;
	[tilespmem:s11+$0x1410] =	vst v19;
	v12 =	vld [tilespmem:s11+$0x15C30]  }
0x380: {  	v18 =	vmin.f32 v21, $1.000000000e+09;
	v19 =	vadd.f32 v16, v13;
	v7 =	vld [tilespmem:s1+$0x1410];
	v21 =	vmax.f32 v22, $-1.000000000e+09;
	[tilespmem:s11+$0x1470] =	vst v15  }
0x381: {  	v15 =	vnsel vm0, $0x0, v18;
	v16 =	vmul.f32 v11, v20;
	v18 =	vnsel vm1, $0x0, v8;
	v13 =	vld [tilespmem:s1+$0x1470]  }
0x382: {  	v17 =	vadd.f32 v15, v17;
	v15 =	vmin.f32 v21, $1.000000000e+09;
	v8 =	vld [tilespmem:s1+$0x15C50];
	[tilespmem:s11+$0x1420] =	vst v19  }
0x383: {  	v16 =	vmax.f32 v16, $-1.000000000e+09  }
0x384: {  	v19 =	vld [tilespmem:s1+$0x1420];
	v14 =	vadd.f32 v18, v14;
	vm15 =	vgt.f32 v9, $-3.000000010e+38  }
0x385: {  	vm0 =	vgt.f32 v11, $-3.000000010e+38;
	[tilespmem:s11+$0x1400] =	vst v17;
	v11 =	vmin.f32 v16, $1.000000000e+09;
	v15 =	vnsel vm15, $0x0, v15  }
0x386: {  	vm4 =	vgt.f32 v10, $-3.000000010e+38;
	v17 =	vld [tilespmem:s1+$0x15C40];
	[tilespmem:s11+$0x1460] =	vst v14;
	v11 =	vnsel vm0, $0x0, v11;
	v12 =	vadd.f32 v15, v12;
	v16 =	vpop (erf)  }
0x387: {  	vm2 =	vgt.f32 v7, $-3.000000010e+38;
	v14 =	vld [tilespmem:s1+$0x1460];
	v6 =	vadd.f32 v11, v6;
	v11 =	vmul.f32 v7, v16  }
0x388: {  	v9 =	vld [tilespmem:s1+$0x1400];
	vm1 =	vgt.f32 v13, $-3.000000010e+38;
	v20 =	vmul.f32 v10, v16;
	v21 =	vmul.f32 v13, v16  }
0x389: {  	v18 =	vld [tilespmem:s1+$0x15C70];
	[tilespmem:s11+$0x1450] =	vst v6;
	v10 =	vmul.f32 v19, v16;
	vm5 =	vgt.f32 v19, $-3.000000010e+38;
	v6 =	vmax.f32 v11, $-1.000000000e+09  }
0x38a: {  	v11 =	vld [tilespmem:s1+$0x15C10];
	v13 =	vmax.f32 v20, $-1.000000000e+09;
	v15 =	vmax.f32 v21, $-1.000000000e+09;
	[tilespmem:s11+$0x1430] =	vst v12;
	v6 =	vmin.f32 v6, $1.000000000e+09  }
0x38b: {  	v12 =	vmin.f32 v13, $1.000000000e+09;
	v10 =	vmax.f32 v10, $-1.000000000e+09;
	v13 =	vld [tilespmem:s1+$0x1430];
	v15 =	vmin.f32 v15, $1.000000000e+09  }
0x38c: {  	v12 =	vnsel vm4, $0x0, v12;
	v7 =	vmin.f32 v10, $1.000000000e+09;
	v10 =	vld [tilespmem:s1+$0x1450];
	v19 =	vmul.f32 v14, v16  }
0x38d: {  	v20 =	vld [tilespmem:s1+$0x15C20];
	v6 =	vnsel vm2, $0x0, v6;
	v15 =	vnsel vm1, $0x0, v15;
	v61 =	vmul.f32 v16, v9  }
0x38e: {  	vm6 =	vgt.f32 v9, $-3.000000010e+38;
	vm7 =	vgt.f32 v14, $-3.000000010e+38;
	v12 =	vadd.f32 v12, v17  }
0x38f: {  	v7 =	vnsel vm5, $0x0, v7;
	v17 =	vld [tilespmem:s1+$0x15C00];
	v19 =	vmax.f32 v19, $-1.000000000e+09;
	v6 =	vadd.f32 v6, v11  }
0x390: {  	v15 =	vadd.f32 v15, v18;
	v9 =	vmax.f32 v61, $-1.000000000e+09;
	[tilespmem:s1+$0x1440] =	vst v12;
	v12 =	vmin.f32 v19, $1.000000000e+09;
	v19 =	vld [tilespmem:s1+$0x15C60]  }
0x391: {  	v11 =	vmul.f32 v13, v16;
	[tilespmem:s1+$0x1410] =	vst v6;
	v6 =	vmin.f32 v9, $1.000000000e+09;
	v9 =	vmul.f32 v10, v16  }
0x392: {  	v14 =	vld [tilespmem:s1+$0x15C30];
	v7 =	vadd.f32 v7, v20;
	v12 =	vnsel vm7, $0x0, v12;
	vm9 =	vgt.f32 v13, $-3.000000010e+38  }
0x393: {  	vm8 =	vgt.f32 v10, $-3.000000010e+38;
	v6 =	vnsel vm6, $0x0, v6;
	v9 =	vmax.f32 v9, $-1.000000000e+09  }
0x394: {  	[tilespmem:s1+$0x1470] =	vst v15;
	v11 =	vmax.f32 v11, $-1.000000000e+09;
	v6 =	vadd.f32 v6, v17;
	v9 =	vmin.f32 v9, $1.000000000e+09  }
0x395: {  	[tilespmem:s1+$0x1420] =	vst v7;
	v11 =	vmin.f32 v11, $1.000000000e+09;
	v7 =	vadd.f32 v12, v19;
	v9 =	vnsel vm8, $0x0, v9  }
0x396: {  	[tilespmem:s1+$0x1400] =	vst v6;
	v6 =	vnsel vm9, $0x0, v11;
	v8 =	vadd.f32 v9, v8  }
0x397: {  	[tilespmem:s1+$0x1460] =	vst v7;
	v6 =	vadd.f32 v6, v14  }
0x398: {  	[tilespmem:s1+$0x1450] =	vst v8  }
0x399: {  	s28 =	simm.s32 $0x0;
	s29 =	rddreg [dreg:$0x7];
	[tilespmem:s1+$0x1430] =	vst v6  }
0x39a: {  	[tilespmem:s4], [sflag:$0x9] =	stream.linear.gather [hbm4b:s29+s28], $0x1400, $0x38;
	[tilespmem:$0x1FC00] =	vst v63  }
0x39b: {  	_ =	swait.ge [sflag:s19], $0x1400  }
0x39c: {  	[sflag:s19] =	ssyncset.done $0x0  }
0x39d: {  	s11 =	simm.s32 $0x0;
	[sflag:s19] =	ssyncadd.s32 $0xFFFFEC00  }
0x39e: {  	v6 =	vld [tilespmem:s11+$0xC800];
	_ =	sdelay $0x4  }
0x39f: {  	v6 =	vadd.f32 $1.000000020e-16, v6;
	_ =	sdelay $0x1  }
0x3a0: {  	(erf) = vrcp.f32 v6;
	_ =	sdelay $0x3  }
0x3a1: {  	v7 =	vld [tilespmem:s11+$0x2840]  }
0x3a2: {  	v8 =	vld [tilespmem:s11+$0x2810]  }
0x3a3: {  	v10 =	vld [tilespmem:s11+$0x2870]  }
0x3a4: {  	s1 =	simm.s32 $0x80;
	v12 =	vld [tilespmem:s11+$0x2820]  }
0x3a5: {  	v13 =	vld [tilespmem:s1+$0xC800]  }
0x3a6: {  	v17 =	vld [tilespmem:s11+$0x2800];
	v15 =	vpop (erf)  }
0x3a7: {  	v11 =	vld [tilespmem:s11+$0x15C40];
	v9 =	vmul.f32 v7, v15  }
0x3a8: {  	v16 =	vld [tilespmem:s11+$0x2860];
	vm10 =	vgt.f32 v7, $-3.000000010e+38  }
0x3a9: {  	v18 =	vld [tilespmem:s11+$0x15C70];
	vm11 =	vgt.f32 v8, $-3.000000010e+38;
	vm12 =	vgt.f32 v10, $-3.000000010e+38;
	v9 =	vmax.f32 v9, $-1.000000000e+09  }
0x3aa: {  	v14 =	vld [tilespmem:s11+$0x15C10];
	v13 =	vadd.f32 $1.000000020e-16, v13;
	v7 =	vmul.f32 v8, v15;
	v19 =	vmin.f32 v9, $1.000000000e+09  }
0x3ab: {  	v20 =	vld [tilespmem:s11+$0x15C20];
	vm13 =	vgt.f32 v12, $-3.000000010e+38;
	vm14 =	vgt.f32 v17, $-3.000000010e+38;
	v19 =	vnsel vm10, $0x0, v19  }
0x3ac: {  	v22 =	vld [tilespmem:s11+$0x15C00];
	v62 =	vmul.f32 v10, v15;
	v7 =	vmax.f32 v7, $-1.000000000e+09;
	v19 =	vadd.f32 v19, v11  }
0x3ad: {  	(erf) = vrcp.f32 v13;
	v8 =	vmul.f32 v12, v15;
	v9 =	vld [tilespmem:s11+$0x2830];
	v7 =	vmin.f32 v7, $1.000000000e+09  }
0x3ae: {  	v6 =	vld [tilespmem:s11+$0x15C50];
	v63 =	vmul.f32 v16, v15;
	v7 =	vnsel vm11, $0x0, v7;
	[tilespmem:s11+$0x2840] =	vst v19;
	v19 =	vmax.f32 v62, $-1.000000000e+09  }
0x3af: {  	v8 =	vmax.f32 v8, $-1.000000000e+09;
	v11 =	vld [tilespmem:s11+$0x2850];
	v7 =	vadd.f32 v7, v14;
	v19 =	vmin.f32 v19, $1.000000000e+09  }
0x3b0: {  	v8 =	vmin.f32 v8, $1.000000000e+09;
	v14 =	vld [tilespmem:s11+$0x15C60];
	v12 =	vnsel vm12, $0x0, v19;
	v19 =	vmul.f32 v15, v17  }
0x3b1: {  	v8 =	vnsel vm13, $0x0, v8;
	v10 =	vld [tilespmem:s1+$0x2840];
	[tilespmem:s11+$0x2810] =	vst v7;
	v7 =	vmax.f32 v63, $-1.000000000e+09;
	v18 =	vadd.f32 v12, v18  }
0x3b2: {  	v23 =	vmul.f32 v9, v15;
	v21 =	vmin.f32 v7, $1.000000000e+09;
	v7 =	vld [tilespmem:s1+$0x2810];
	v13 =	vmax.f32 v19, $-1.000000000e+09  }
0x3b3: {  	vm15 =	vgt.f32 v16, $-3.000000010e+38;
	v12 =	vld [tilespmem:s11+$0x15C30];
	v19 =	vadd.f32 v8, v20;
	[tilespmem:s11+$0x2870] =	vst v18;
	v16 =	vmin.f32 v13, $1.000000000e+09  }
0x3b4: {  	v20 =	vmax.f32 v23, $-1.000000000e+09;
	v13 =	vld [tilespmem:s1+$0x2870];
	v17 =	vnsel vm14, $0x0, v16;
	v16 =	vmul.f32 v11, v15  }
0x3b5: {  	s17 =	simm.s32 $0x400;
	v18 =	vnsel vm15, $0x0, v21;
	v8 =	vld [tilespmem:s1+$0x15C50];
	[tilespmem:s11+$0x2820] =	vst v19;
	v15 =	vmin.f32 v20, $1.000000000e+09;
	v17 =	vadd.f32 v17, v22  }
.LBB2_26:
0x3b6: {  	s18 =	sshra.s32 s17, $0x2;
	v19 =	vld [tilespmem:s1+$0x2820];
	v20 =	vpop (erf);
	vm1 =	vgt.f32 v9, $-3.000000010e+38;
	v9 =	vmax.f32 v16, $-1.000000000e+09;
	v14 =	vadd.f32 v18, v14  }
0x3b7: {  	vm0 =	vgt.f32 v10, $-3.000000010e+38;
	vm2 =	vgt.f32 v11, $-3.000000010e+38;
	v16 =	vld [tilespmem:s18+$0xC800];
	[tilespmem:s11+$0x2800] =	vst v17;
	v9 =	vmin.f32 v9, $1.000000000e+09  }
0x3b8: {  	p0 =	sne.s32 s17, $0x4E00;
	s17 =	sadd.s32 $0x200, s17;
	v15 =	vnsel vm1, $0x0, v15;
	v11 =	vmul.f32 v7, v20;
	v17 =	vld [tilespmem:s1+$0x15C40];
	v9 =	vnsel vm2, $0x0, v9;
	[tilespmem:s11+$0x2860] =	vst v14  }
0x3b9: {  	v10 =	vmul.f32 v10, v20;
	v18 =	vld [tilespmem:s1+$0x2860];
	v14 =	vmul.f32 v13, v20;
	v9 =	vadd.f32 v9, v6  }
0x3ba: {  	v12 =	vadd.f32 v15, v12;
	vm1 =	vgt.f32 v13, $-3.000000010e+38;
	v21 =	vld [tilespmem:s1+$0x2800];
	v11 =	vmax.f32 v11, $-1.000000000e+09;
	v6 =	vmovc v8  }
0x3bb: {  	v10 =	vmax.f32 v10, $-1.000000000e+09;
	v8 =	vmul.f32 v19, v20;
	v13 =	vmax.f32 v14, $-1.000000000e+09;
	v15 =	vld [tilespmem:s1+$0x15C70];
	[tilespmem:s11+$0x2850] =	vst v9  }
0x3bc: {  	v10 =	vmin.f32 v10, $1.000000000e+09;
	v14 =	vadd.f32 $1.000000020e-16, v16;
	v16 =	vmin.f32 v11, $1.000000000e+09;
	v22 =	vld [tilespmem:s1+$0x15C10];
	[tilespmem:s11+$0x2830] =	vst v12;
	s11 =	smov.u32 s1;
	s1 =	smov.u32 s18  }
0x3bd: {  	v10 =	vnsel vm0, $0x0, v10;
	v12 =	vmin.f32 v13, $1.000000000e+09;
	v8 =	vmax.f32 v8, $-1.000000000e+09;
	v9 =	vld [tilespmem:s11+$0x2830]  }
0x3be: {  	vm0 =	vgt.f32 v19, $-3.000000010e+38;
	v10 =	vadd.f32 v10, v17;
	(erf) = vrcp.f32 v14;
	v13 =	vld [tilespmem:s11+$0x15C20]  }
0x3bf: {  	vm2 =	vgt.f32 v7, $-3.000000010e+38;
	v7 =	vmin.f32 v8, $1.000000000e+09;
	v8 =	vmul.f32 v18, v20;
	v11 =	vld [tilespmem:s11+$0x2850]  }
0x3c0: {  	v14 =	vnsel vm2, $0x0, v16;
	v16 =	vnsel vm0, $0x0, v7;
	v7 =	vnsel vm1, $0x0, v12;
	v17 =	vld [tilespmem:s11+$0x15C00];
	[tilespmem:s11+$0x2840] =	vst v10  }
0x3c1: {  	v12 =	vmul.f32 v20, v21;
	v8 =	vmax.f32 v8, $-1.000000000e+09;
	v10 =	vld [tilespmem:s1+$0x2840];
	v19 =	vadd.f32 v14, v22  }
.Ltmp18:
0x3c2: {  	v15 =	vadd.f32 v7, v15;
	v8 =	vmin.f32 v8, $1.000000000e+09;
	v22 =	vmul.f32 v9, v20;
	v14 =	vld [tilespmem:s11+$0x15C60];
	(pc) =	sbr.rel @p0 .LBB2_26-.Ltmp18, $4  }
0x3c3: {  	vm0 =	vgt.f32 v21, $-3.000000010e+38;
	vm1 =	vgt.f32 v18, $-3.000000010e+38;
	v21 =	vmax.f32 v12, $-1.000000000e+09;
	[tilespmem:s11+$0x2810] =	vst v19;
	v12 =	vld [tilespmem:s11+$0x15C30]  }
0x3c4: {  	v18 =	vmin.f32 v21, $1.000000000e+09;
	v19 =	vadd.f32 v16, v13;
	v7 =	vld [tilespmem:s1+$0x2810];
	v21 =	vmax.f32 v22, $-1.000000000e+09;
	[tilespmem:s11+$0x2870] =	vst v15  }
0x3c5: {  	v15 =	vnsel vm0, $0x0, v18;
	v16 =	vmul.f32 v11, v20;
	v18 =	vnsel vm1, $0x0, v8;
	v13 =	vld [tilespmem:s1+$0x2870]  }
0x3c6: {  	v17 =	vadd.f32 v15, v17;
	v15 =	vmin.f32 v21, $1.000000000e+09;
	v8 =	vld [tilespmem:s1+$0x15C50];
	[tilespmem:s11+$0x2820] =	vst v19  }
0x3c7: {  	v16 =	vmax.f32 v16, $-1.000000000e+09  }
0x3c8: {  	v19 =	vld [tilespmem:s1+$0x2820];
	v14 =	vadd.f32 v18, v14;
	vm15 =	vgt.f32 v9, $-3.000000010e+38  }
0x3c9: {  	vm0 =	vgt.f32 v11, $-3.000000010e+38;
	[tilespmem:s11+$0x2800] =	vst v17;
	v11 =	vmin.f32 v16, $1.000000000e+09;
	v15 =	vnsel vm15, $0x0, v15  }
0x3ca: {  	vm4 =	vgt.f32 v10, $-3.000000010e+38;
	v17 =	vld [tilespmem:s1+$0x15C40];
	[tilespmem:s11+$0x2860] =	vst v14;
	v11 =	vnsel vm0, $0x0, v11;
	v12 =	vadd.f32 v15, v12;
	v16 =	vpop (erf)  }
0x3cb: {  	vm2 =	vgt.f32 v7, $-3.000000010e+38;
	v14 =	vld [tilespmem:s1+$0x2860];
	v6 =	vadd.f32 v11, v6;
	v11 =	vmul.f32 v7, v16  }
0x3cc: {  	v9 =	vld [tilespmem:s1+$0x2800];
	vm1 =	vgt.f32 v13, $-3.000000010e+38;
	v20 =	vmul.f32 v10, v16;
	v21 =	vmul.f32 v13, v16  }
0x3cd: {  	v18 =	vld [tilespmem:s1+$0x15C70];
	[tilespmem:s11+$0x2850] =	vst v6;
	v10 =	vmul.f32 v19, v16;
	vm5 =	vgt.f32 v19, $-3.000000010e+38;
	v6 =	vmax.f32 v11, $-1.000000000e+09  }
0x3ce: {  	v11 =	vld [tilespmem:s1+$0x15C10];
	v13 =	vmax.f32 v20, $-1.000000000e+09;
	v15 =	vmax.f32 v21, $-1.000000000e+09;
	[tilespmem:s11+$0x2830] =	vst v12;
	v6 =	vmin.f32 v6, $1.000000000e+09  }
0x3cf: {  	v12 =	vmin.f32 v13, $1.000000000e+09;
	v10 =	vmax.f32 v10, $-1.000000000e+09;
	v13 =	vld [tilespmem:s1+$0x2830];
	v15 =	vmin.f32 v15, $1.000000000e+09  }
0x3d0: {  	v12 =	vnsel vm4, $0x0, v12;
	v7 =	vmin.f32 v10, $1.000000000e+09;
	v10 =	vld [tilespmem:s1+$0x2850];
	v19 =	vmul.f32 v14, v16  }
0x3d1: {  	v20 =	vld [tilespmem:s1+$0x15C20];
	v6 =	vnsel vm2, $0x0, v6;
	v15 =	vnsel vm1, $0x0, v15;
	v61 =	vmul.f32 v16, v9  }
0x3d2: {  	vm6 =	vgt.f32 v9, $-3.000000010e+38;
	vm7 =	vgt.f32 v14, $-3.000000010e+38;
	v12 =	vadd.f32 v12, v17  }
0x3d3: {  	v7 =	vnsel vm5, $0x0, v7;
	v17 =	vld [tilespmem:s1+$0x15C00];
	v19 =	vmax.f32 v19, $-1.000000000e+09;
	v6 =	vadd.f32 v6, v11  }
0x3d4: {  	v15 =	vadd.f32 v15, v18;
	v9 =	vmax.f32 v61, $-1.000000000e+09;
	[tilespmem:s1+$0x2840] =	vst v12;
	v12 =	vmin.f32 v19, $1.000000000e+09;
	v19 =	vld [tilespmem:s1+$0x15C60]  }
0x3d5: {  	v11 =	vmul.f32 v13, v16;
	[tilespmem:s1+$0x2810] =	vst v6;
	v6 =	vmin.f32 v9, $1.000000000e+09;
	v9 =	vmul.f32 v10, v16  }
0x3d6: {  	v14 =	vld [tilespmem:s1+$0x15C30];
	v7 =	vadd.f32 v7, v20;
	v12 =	vnsel vm7, $0x0, v12;
	vm9 =	vgt.f32 v13, $-3.000000010e+38  }
0x3d7: {  	vm8 =	vgt.f32 v10, $-3.000000010e+38;
	v6 =	vnsel vm6, $0x0, v6;
	v9 =	vmax.f32 v9, $-1.000000000e+09  }
0x3d8: {  	[tilespmem:s1+$0x2870] =	vst v15;
	v11 =	vmax.f32 v11, $-1.000000000e+09;
	v6 =	vadd.f32 v6, v17;
	v9 =	vmin.f32 v9, $1.000000000e+09  }
0x3d9: {  	[tilespmem:s1+$0x2820] =	vst v7;
	v11 =	vmin.f32 v11, $1.000000000e+09;
	v7 =	vadd.f32 v12, v19;
	v9 =	vnsel vm8, $0x0, v9  }
0x3da: {  	[tilespmem:s1+$0x2800] =	vst v6;
	v6 =	vnsel vm9, $0x0, v11;
	v8 =	vadd.f32 v9, v8  }
0x3db: {  	[tilespmem:s1+$0x2860] =	vst v7;
	v6 =	vadd.f32 v6, v14  }
0x3dc: {  	[tilespmem:s1+$0x2850] =	vst v8  }
0x3dd: {  	s28 =	simm.s32 $0x0;
	s29 =	rddreg [dreg:$0x8];
	[tilespmem:s1+$0x2830] =	vst v6  }
0x3de: {  	[tilespmem:s4], [sflag:$0x9] =	stream.linear.gather [hbm4b:s29+s28], $0x1400, $0x38;
	[tilespmem:$0x1FC00] =	vst v63  }
0x3df: {  	_ =	swait.ge [sflag:s19], $0x1400  }
0x3e0: {  	[sflag:s19] =	ssyncset.done $0x0  }
0x3e1: {  	s11 =	simm.s32 $0x0;
	[sflag:s19] =	ssyncadd.s32 $0xFFFFEC00  }
0x3e2: {  	v6 =	vld [tilespmem:s11+$0xDC00];
	_ =	sdelay $0x4  }
0x3e3: {  	v6 =	vadd.f32 $1.000000020e-16, v6;
	_ =	sdelay $0x1  }
0x3e4: {  	(erf) = vrcp.f32 v6;
	_ =	sdelay $0x3  }
0x3e5: {  	v7 =	vld [tilespmem:s11+$0x3C40]  }
0x3e6: {  	v8 =	vld [tilespmem:s11+$0x3C10]  }
0x3e7: {  	v10 =	vld [tilespmem:s11+$0x3C70]  }
0x3e8: {  	s1 =	simm.s32 $0x80;
	v12 =	vld [tilespmem:s11+$0x3C20]  }
0x3e9: {  	v13 =	vld [tilespmem:s1+$0xDC00]  }
0x3ea: {  	v17 =	vld [tilespmem:s11+$0x3C00];
	v15 =	vpop (erf)  }
0x3eb: {  	v11 =	vld [tilespmem:s11+$0x15C40];
	v9 =	vmul.f32 v7, v15  }
0x3ec: {  	v16 =	vld [tilespmem:s11+$0x3C60];
	vm10 =	vgt.f32 v7, $-3.000000010e+38  }
0x3ed: {  	v18 =	vld [tilespmem:s11+$0x15C70];
	vm11 =	vgt.f32 v8, $-3.000000010e+38;
	vm12 =	vgt.f32 v10, $-3.000000010e+38;
	v9 =	vmax.f32 v9, $-1.000000000e+09  }
0x3ee: {  	v14 =	vld [tilespmem:s11+$0x15C10];
	v13 =	vadd.f32 $1.000000020e-16, v13;
	v7 =	vmul.f32 v8, v15;
	v19 =	vmin.f32 v9, $1.000000000e+09  }
0x3ef: {  	v20 =	vld [tilespmem:s11+$0x15C20];
	vm13 =	vgt.f32 v12, $-3.000000010e+38;
	vm14 =	vgt.f32 v17, $-3.000000010e+38;
	v19 =	vnsel vm10, $0x0, v19  }
0x3f0: {  	v22 =	vld [tilespmem:s11+$0x15C00];
	v62 =	vmul.f32 v10, v15;
	v7 =	vmax.f32 v7, $-1.000000000e+09;
	v19 =	vadd.f32 v19, v11  }
0x3f1: {  	(erf) = vrcp.f32 v13;
	v8 =	vmul.f32 v12, v15;
	v9 =	vld [tilespmem:s11+$0x3C30];
	v7 =	vmin.f32 v7, $1.000000000e+09  }
0x3f2: {  	v6 =	vld [tilespmem:s11+$0x15C50];
	v63 =	vmul.f32 v16, v15;
	v7 =	vnsel vm11, $0x0, v7;
	[tilespmem:s11+$0x3C40] =	vst v19;
	v19 =	vmax.f32 v62, $-1.000000000e+09  }
0x3f3: {  	v8 =	vmax.f32 v8, $-1.000000000e+09;
	v11 =	vld [tilespmem:s11+$0x3C50];
	v7 =	vadd.f32 v7, v14;
	v19 =	vmin.f32 v19, $1.000000000e+09  }
0x3f4: {  	v8 =	vmin.f32 v8, $1.000000000e+09;
	v14 =	vld [tilespmem:s11+$0x15C60];
	v12 =	vnsel vm12, $0x0, v19;
	v19 =	vmul.f32 v15, v17  }
0x3f5: {  	v8 =	vnsel vm13, $0x0, v8;
	v10 =	vld [tilespmem:s1+$0x3C40];
	[tilespmem:s11+$0x3C10] =	vst v7;
	v7 =	vmax.f32 v63, $-1.000000000e+09;
	v18 =	vadd.f32 v12, v18  }
0x3f6: {  	v23 =	vmul.f32 v9, v15;
	v21 =	vmin.f32 v7, $1.000000000e+09;
	v7 =	vld [tilespmem:s1+$0x3C10];
	v13 =	vmax.f32 v19, $-1.000000000e+09  }
0x3f7: {  	vm15 =	vgt.f32 v16, $-3.000000010e+38;
	v12 =	vld [tilespmem:s11+$0x15C30];
	v19 =	vadd.f32 v8, v20;
	[tilespmem:s11+$0x3C70] =	vst v18;
	v16 =	vmin.f32 v13, $1.000000000e+09  }
0x3f8: {  	v20 =	vmax.f32 v23, $-1.000000000e+09;
	v13 =	vld [tilespmem:s1+$0x3C70];
	v17 =	vnsel vm14, $0x0, v16;
	v16 =	vmul.f32 v11, v15  }
0x3f9: {  	s17 =	simm.s32 $0x400;
	v18 =	vnsel vm15, $0x0, v21;
	v8 =	vld [tilespmem:s1+$0x15C50];
	[tilespmem:s11+$0x3C20] =	vst v19;
	v15 =	vmin.f32 v20, $1.000000000e+09;
	v17 =	vadd.f32 v17, v22  }
.LBB2_28:
0x3fa: {  	s18 =	sshra.s32 s17, $0x2;
	v19 =	vld [tilespmem:s1+$0x3C20];
	v20 =	vpop (erf);
	vm1 =	vgt.f32 v9, $-3.000000010e+38;
	v9 =	vmax.f32 v16, $-1.000000000e+09;
	v14 =	vadd.f32 v18, v14  }
0x3fb: {  	vm0 =	vgt.f32 v10, $-3.000000010e+38;
	vm2 =	vgt.f32 v11, $-3.000000010e+38;
	v16 =	vld [tilespmem:s18+$0xDC00];
	[tilespmem:s11+$0x3C00] =	vst v17;
	v9 =	vmin.f32 v9, $1.000000000e+09  }
0x3fc: {  	p0 =	sne.s32 s17, $0x4E00;
	s17 =	sadd.s32 $0x200, s17;
	v15 =	vnsel vm1, $0x0, v15;
	v11 =	vmul.f32 v7, v20;
	v17 =	vld [tilespmem:s1+$0x15C40];
	v9 =	vnsel vm2, $0x0, v9;
	[tilespmem:s11+$0x3C60] =	vst v14  }
0x3fd: {  	v10 =	vmul.f32 v10, v20;
	v18 =	vld [tilespmem:s1+$0x3C60];
	v14 =	vmul.f32 v13, v20;
	v9 =	vadd.f32 v9, v6  }
0x3fe: {  	v12 =	vadd.f32 v15, v12;
	vm1 =	vgt.f32 v13, $-3.000000010e+38;
	v21 =	vld [tilespmem:s1+$0x3C00];
	v11 =	vmax.f32 v11, $-1.000000000e+09;
	v6 =	vmovc v8  }
0x3ff: {  	v10 =	vmax.f32 v10, $-1.000000000e+09;
	v8 =	vmul.f32 v19, v20;
	v13 =	vmax.f32 v14, $-1.000000000e+09;
	v15 =	vld [tilespmem:s1+$0x15C70];
	[tilespmem:s11+$0x3C50] =	vst v9  }
0x400: {  	v10 =	vmin.f32 v10, $1.000000000e+09;
	v14 =	vadd.f32 $1.000000020e-16, v16;
	v16 =	vmin.f32 v11, $1.000000000e+09;
	v22 =	vld [tilespmem:s1+$0x15C10];
	[tilespmem:s11+$0x3C30] =	vst v12;
	s11 =	smov.u32 s1;
	s1 =	smov.u32 s18  }
0x401: {  	v10 =	vnsel vm0, $0x0, v10;
	v12 =	vmin.f32 v13, $1.000000000e+09;
	v8 =	vmax.f32 v8, $-1.000000000e+09;
	v9 =	vld [tilespmem:s11+$0x3C30]  }
0x402: {  	vm0 =	vgt.f32 v19, $-3.000000010e+38;
	v10 =	vadd.f32 v10, v17;
	(erf) = vrcp.f32 v14;
	v13 =	vld [tilespmem:s11+$0x15C20]  }
0x403: {  	vm2 =	vgt.f32 v7, $-3.000000010e+38;
	v7 =	vmin.f32 v8, $1.000000000e+09;
	v8 =	vmul.f32 v18, v20;
	v11 =	vld [tilespmem:s11+$0x3C50]  }
0x404: {  	v14 =	vnsel vm2, $0x0, v16;
	v16 =	vnsel vm0, $0x0, v7;
	v7 =	vnsel vm1, $0x0, v12;
	v17 =	vld [tilespmem:s11+$0x15C00];
	[tilespmem:s11+$0x3C40] =	vst v10  }
0x405: {  	v12 =	vmul.f32 v20, v21;
	v8 =	vmax.f32 v8, $-1.000000000e+09;
	v10 =	vld [tilespmem:s1+$0x3C40];
	v19 =	vadd.f32 v14, v22  }
.Ltmp19:
0x406: {  	v15 =	vadd.f32 v7, v15;
	v8 =	vmin.f32 v8, $1.000000000e+09;
	v22 =	vmul.f32 v9, v20;
	v14 =	vld [tilespmem:s11+$0x15C60];
	(pc) =	sbr.rel @p0 .LBB2_28-.Ltmp19, $4  }
0x407: {  	vm0 =	vgt.f32 v21, $-3.000000010e+38;
	vm1 =	vgt.f32 v18, $-3.000000010e+38;
	v21 =	vmax.f32 v12, $-1.000000000e+09;
	[tilespmem:s11+$0x3C10] =	vst v19;
	v12 =	vld [tilespmem:s11+$0x15C30]  }
0x408: {  	v18 =	vmin.f32 v21, $1.000000000e+09;
	v19 =	vadd.f32 v16, v13;
	v7 =	vld [tilespmem:s1+$0x3C10];
	v21 =	vmax.f32 v22, $-1.000000000e+09;
	[tilespmem:s11+$0x3C70] =	vst v15  }
0x409: {  	v15 =	vnsel vm0, $0x0, v18;
	v16 =	vmul.f32 v11, v20;
	v18 =	vnsel vm1, $0x0, v8;
	v13 =	vld [tilespmem:s1+$0x3C70]  }
0x40a: {  	v17 =	vadd.f32 v15, v17;
	v15 =	vmin.f32 v21, $1.000000000e+09;
	v8 =	vld [tilespmem:s1+$0x15C50];
	[tilespmem:s11+$0x3C20] =	vst v19  }
0x40b: {  	v16 =	vmax.f32 v16, $-1.000000000e+09  }
0x40c: {  	v19 =	vld [tilespmem:s1+$0x3C20];
	v14 =	vadd.f32 v18, v14;
	vm15 =	vgt.f32 v9, $-3.000000010e+38  }
0x40d: {  	vm0 =	vgt.f32 v11, $-3.000000010e+38;
	[tilespmem:s11+$0x3C00] =	vst v17;
	v11 =	vmin.f32 v16, $1.000000000e+09;
	v15 =	vnsel vm15, $0x0, v15  }
0x40e: {  	vm4 =	vgt.f32 v10, $-3.000000010e+38;
	v17 =	vld [tilespmem:s1+$0x15C40];
	[tilespmem:s11+$0x3C60] =	vst v14;
	v11 =	vnsel vm0, $0x0, v11;
	v12 =	vadd.f32 v15, v12;
	v16 =	vpop (erf)  }
0x40f: {  	vm2 =	vgt.f32 v7, $-3.000000010e+38;
	v14 =	vld [tilespmem:s1+$0x3C60];
	v6 =	vadd.f32 v11, v6;
	v11 =	vmul.f32 v7, v16  }
0x410: {  	v9 =	vld [tilespmem:s1+$0x3C00];
	vm1 =	vgt.f32 v13, $-3.000000010e+38;
	v20 =	vmul.f32 v10, v16;
	v21 =	vmul.f32 v13, v16  }
0x411: {  	v18 =	vld [tilespmem:s1+$0x15C70];
	[tilespmem:s11+$0x3C50] =	vst v6;
	v10 =	vmul.f32 v19, v16;
	vm5 =	vgt.f32 v19, $-3.000000010e+38;
	v6 =	vmax.f32 v11, $-1.000000000e+09  }
0x412: {  	v11 =	vld [tilespmem:s1+$0x15C10];
	v13 =	vmax.f32 v20, $-1.000000000e+09;
	v15 =	vmax.f32 v21, $-1.000000000e+09;
	[tilespmem:s11+$0x3C30] =	vst v12;
	v6 =	vmin.f32 v6, $1.000000000e+09  }
0x413: {  	v12 =	vmin.f32 v13, $1.000000000e+09;
	v10 =	vmax.f32 v10, $-1.000000000e+09;
	v13 =	vld [tilespmem:s1+$0x3C30];
	v15 =	vmin.f32 v15, $1.000000000e+09  }
0x414: {  	v12 =	vnsel vm4, $0x0, v12;
	v7 =	vmin.f32 v10, $1.000000000e+09;
	v10 =	vld [tilespmem:s1+$0x3C50];
	v19 =	vmul.f32 v14, v16  }
0x415: {  	v20 =	vld [tilespmem:s1+$0x15C20];
	v6 =	vnsel vm2, $0x0, v6;
	v15 =	vnsel vm1, $0x0, v15;
	v61 =	vmul.f32 v16, v9  }
0x416: {  	vm6 =	vgt.f32 v9, $-3.000000010e+38;
	vm7 =	vgt.f32 v14, $-3.000000010e+38;
	v12 =	vadd.f32 v12, v17  }
0x417: {  	v7 =	vnsel vm5, $0x0, v7;
	v17 =	vld [tilespmem:s1+$0x15C00];
	v19 =	vmax.f32 v19, $-1.000000000e+09;
	v6 =	vadd.f32 v6, v11  }
0x418: {  	v15 =	vadd.f32 v15, v18;
	v9 =	vmax.f32 v61, $-1.000000000e+09;
	[tilespmem:s1+$0x3C40] =	vst v12;
	v12 =	vmin.f32 v19, $1.000000000e+09;
	v19 =	vld [tilespmem:s1+$0x15C60]  }
0x419: {  	v11 =	vmul.f32 v13, v16;
	[tilespmem:s1+$0x3C10] =	vst v6;
	v6 =	vmin.f32 v9, $1.000000000e+09;
	v9 =	vmul.f32 v10, v16  }
0x41a: {  	v14 =	vld [tilespmem:s1+$0x15C30];
	v7 =	vadd.f32 v7, v20;
	v12 =	vnsel vm7, $0x0, v12;
	vm9 =	vgt.f32 v13, $-3.000000010e+38  }
0x41b: {  	vm8 =	vgt.f32 v10, $-3.000000010e+38;
	v6 =	vnsel vm6, $0x0, v6;
	v9 =	vmax.f32 v9, $-1.000000000e+09  }
0x41c: {  	[tilespmem:s1+$0x3C70] =	vst v15;
	v11 =	vmax.f32 v11, $-1.000000000e+09;
	v6 =	vadd.f32 v6, v17;
	v9 =	vmin.f32 v9, $1.000000000e+09  }
0x41d: {  	[tilespmem:s1+$0x3C20] =	vst v7;
	v11 =	vmin.f32 v11, $1.000000000e+09;
	v7 =	vadd.f32 v12, v19;
	v9 =	vnsel vm8, $0x0, v9  }
0x41e: {  	[tilespmem:s1+$0x3C00] =	vst v6;
	v6 =	vnsel vm9, $0x0, v11;
	v8 =	vadd.f32 v9, v8  }
0x41f: {  	[tilespmem:s1+$0x3C60] =	vst v7;
	v6 =	vadd.f32 v6, v14  }
0x420: {  	[tilespmem:s1+$0x3C50] =	vst v8  }
0x421: {  	s28 =	simm.s32 $0x0;
	s29 =	rddreg [dreg:$0x9];
	[tilespmem:s1+$0x3C30] =	vst v6  }
0x422: {  	[tilespmem:s4], [sflag:$0x9] =	stream.linear.gather [hbm4b:s29+s28], $0x1400, $0x38;
	[tilespmem:$0x1FC00] =	vst v63  }
0x423: {  	_ =	swait.ge [sflag:s19], $0x1400  }
0x424: {  	[sflag:s19] =	ssyncset.done $0x0  }
0x425: {  	s11 =	simm.s32 $0x0;
	[sflag:s19] =	ssyncadd.s32 $0xFFFFEC00  }
0x426: {  	v6 =	vld [tilespmem:s11+$0xF000];
	_ =	sdelay $0x4  }
0x427: {  	v6 =	vadd.f32 $1.000000020e-16, v6;
	_ =	sdelay $0x1  }
0x428: {  	(erf) = vrcp.f32 v6;
	_ =	sdelay $0x3  }
0x429: {  	v7 =	vld [tilespmem:s11+$0x5040]  }
0x42a: {  	v8 =	vld [tilespmem:s11+$0x5010]  }
0x42b: {  	v10 =	vld [tilespmem:s11+$0x5070]  }
0x42c: {  	s1 =	simm.s32 $0x80;
	v12 =	vld [tilespmem:s11+$0x5020]  }
0x42d: {  	v13 =	vld [tilespmem:s1+$0xF000]  }
0x42e: {  	v17 =	vld [tilespmem:s11+$0x5000];
	v15 =	vpop (erf)  }
0x42f: {  	v11 =	vld [tilespmem:s11+$0x15C40];
	v9 =	vmul.f32 v7, v15  }
0x430: {  	v16 =	vld [tilespmem:s11+$0x5060];
	vm10 =	vgt.f32 v7, $-3.000000010e+38  }
0x431: {  	v18 =	vld [tilespmem:s11+$0x15C70];
	vm11 =	vgt.f32 v8, $-3.000000010e+38;
	vm12 =	vgt.f32 v10, $-3.000000010e+38;
	v9 =	vmax.f32 v9, $-1.000000000e+09  }
0x432: {  	v14 =	vld [tilespmem:s11+$0x15C10];
	v13 =	vadd.f32 $1.000000020e-16, v13;
	v7 =	vmul.f32 v8, v15;
	v19 =	vmin.f32 v9, $1.000000000e+09  }
0x433: {  	v20 =	vld [tilespmem:s11+$0x15C20];
	vm13 =	vgt.f32 v12, $-3.000000010e+38;
	vm14 =	vgt.f32 v17, $-3.000000010e+38;
	v19 =	vnsel vm10, $0x0, v19  }
0x434: {  	v22 =	vld [tilespmem:s11+$0x15C00];
	v62 =	vmul.f32 v10, v15;
	v7 =	vmax.f32 v7, $-1.000000000e+09;
	v19 =	vadd.f32 v19, v11  }
0x435: {  	(erf) = vrcp.f32 v13;
	v8 =	vmul.f32 v12, v15;
	v9 =	vld [tilespmem:s11+$0x5030];
	v7 =	vmin.f32 v7, $1.000000000e+09  }
0x436: {  	v6 =	vld [tilespmem:s11+$0x15C50];
	v63 =	vmul.f32 v16, v15;
	v7 =	vnsel vm11, $0x0, v7;
	[tilespmem:s11+$0x5040] =	vst v19;
	v19 =	vmax.f32 v62, $-1.000000000e+09  }
0x437: {  	v8 =	vmax.f32 v8, $-1.000000000e+09;
	v11 =	vld [tilespmem:s11+$0x5050];
	v7 =	vadd.f32 v7, v14;
	v19 =	vmin.f32 v19, $1.000000000e+09  }
0x438: {  	v8 =	vmin.f32 v8, $1.000000000e+09;
	v14 =	vld [tilespmem:s11+$0x15C60];
	v12 =	vnsel vm12, $0x0, v19;
	v19 =	vmul.f32 v15, v17  }
0x439: {  	v8 =	vnsel vm13, $0x0, v8;
	v10 =	vld [tilespmem:s1+$0x5040];
	[tilespmem:s11+$0x5010] =	vst v7;
	v7 =	vmax.f32 v63, $-1.000000000e+09;
	v18 =	vadd.f32 v12, v18  }
0x43a: {  	v23 =	vmul.f32 v9, v15;
	v21 =	vmin.f32 v7, $1.000000000e+09;
	v7 =	vld [tilespmem:s1+$0x5010];
	v13 =	vmax.f32 v19, $-1.000000000e+09  }
0x43b: {  	vm15 =	vgt.f32 v16, $-3.000000010e+38;
	v12 =	vld [tilespmem:s11+$0x15C30];
	v19 =	vadd.f32 v8, v20;
	[tilespmem:s11+$0x5070] =	vst v18;
	v16 =	vmin.f32 v13, $1.000000000e+09  }
0x43c: {  	v20 =	vmax.f32 v23, $-1.000000000e+09;
	v13 =	vld [tilespmem:s1+$0x5070];
	v17 =	vnsel vm14, $0x0, v16;
	v16 =	vmul.f32 v11, v15  }
0x43d: {  	s17 =	simm.s32 $0x400;
	v18 =	vnsel vm15, $0x0, v21;
	v8 =	vld [tilespmem:s1+$0x15C50];
	[tilespmem:s11+$0x5020] =	vst v19;
	v15 =	vmin.f32 v20, $1.000000000e+09;
	v17 =	vadd.f32 v17, v22  }
.LBB2_30:
0x43e: {  	s18 =	sshra.s32 s17, $0x2;
	v19 =	vld [tilespmem:s1+$0x5020];
	v20 =	vpop (erf);
	vm1 =	vgt.f32 v9, $-3.000000010e+38;
	v9 =	vmax.f32 v16, $-1.000000000e+09;
	v14 =	vadd.f32 v18, v14  }
0x43f: {  	vm0 =	vgt.f32 v10, $-3.000000010e+38;
	vm2 =	vgt.f32 v11, $-3.000000010e+38;
	v16 =	vld [tilespmem:s18+$0xF000];
	[tilespmem:s11+$0x5000] =	vst v17;
	v9 =	vmin.f32 v9, $1.000000000e+09  }
0x440: {  	p0 =	sne.s32 s17, $0x4E00;
	s17 =	sadd.s32 $0x200, s17;
	v15 =	vnsel vm1, $0x0, v15;
	v11 =	vmul.f32 v7, v20;
	v17 =	vld [tilespmem:s1+$0x15C40];
	v9 =	vnsel vm2, $0x0, v9;
	[tilespmem:s11+$0x5060] =	vst v14  }
0x441: {  	v10 =	vmul.f32 v10, v20;
	v18 =	vld [tilespmem:s1+$0x5060];
	v14 =	vmul.f32 v13, v20;
	v9 =	vadd.f32 v9, v6  }
0x442: {  	v12 =	vadd.f32 v15, v12;
	vm1 =	vgt.f32 v13, $-3.000000010e+38;
	v21 =	vld [tilespmem:s1+$0x5000];
	v11 =	vmax.f32 v11, $-1.000000000e+09;
	v6 =	vmovc v8  }
0x443: {  	v10 =	vmax.f32 v10, $-1.000000000e+09;
	v8 =	vmul.f32 v19, v20;
	v13 =	vmax.f32 v14, $-1.000000000e+09;
	v15 =	vld [tilespmem:s1+$0x15C70];
	[tilespmem:s11+$0x5050] =	vst v9  }
0x444: {  	v10 =	vmin.f32 v10, $1.000000000e+09;
	v14 =	vadd.f32 $1.000000020e-16, v16;
	v16 =	vmin.f32 v11, $1.000000000e+09;
	v22 =	vld [tilespmem:s1+$0x15C10];
	[tilespmem:s11+$0x5030] =	vst v12;
	s11 =	smov.u32 s1;
	s1 =	smov.u32 s18  }
0x445: {  	v10 =	vnsel vm0, $0x0, v10;
	v12 =	vmin.f32 v13, $1.000000000e+09;
	v8 =	vmax.f32 v8, $-1.000000000e+09;
	v9 =	vld [tilespmem:s11+$0x5030]  }
0x446: {  	vm0 =	vgt.f32 v19, $-3.000000010e+38;
	v10 =	vadd.f32 v10, v17;
	(erf) = vrcp.f32 v14;
	v13 =	vld [tilespmem:s11+$0x15C20]  }
0x447: {  	vm2 =	vgt.f32 v7, $-3.000000010e+38;
	v7 =	vmin.f32 v8, $1.000000000e+09;
	v8 =	vmul.f32 v18, v20;
	v11 =	vld [tilespmem:s11+$0x5050]  }
0x448: {  	v14 =	vnsel vm2, $0x0, v16;
	v16 =	vnsel vm0, $0x0, v7;
	v7 =	vnsel vm1, $0x0, v12;
	v17 =	vld [tilespmem:s11+$0x15C00];
	[tilespmem:s11+$0x5040] =	vst v10  }
0x449: {  	v12 =	vmul.f32 v20, v21;
	v8 =	vmax.f32 v8, $-1.000000000e+09;
	v10 =	vld [tilespmem:s1+$0x5040];
	v19 =	vadd.f32 v14, v22  }
.Ltmp20:
0x44a: {  	v15 =	vadd.f32 v7, v15;
	v8 =	vmin.f32 v8, $1.000000000e+09;
	v22 =	vmul.f32 v9, v20;
	v14 =	vld [tilespmem:s11+$0x15C60];
	(pc) =	sbr.rel @p0 .LBB2_30-.Ltmp20, $4  }
0x44b: {  	vm0 =	vgt.f32 v21, $-3.000000010e+38;
	vm1 =	vgt.f32 v18, $-3.000000010e+38;
	v21 =	vmax.f32 v12, $-1.000000000e+09;
	[tilespmem:s11+$0x5010] =	vst v19;
	v12 =	vld [tilespmem:s11+$0x15C30]  }
0x44c: {  	v18 =	vmin.f32 v21, $1.000000000e+09;
	v19 =	vadd.f32 v16, v13;
	v7 =	vld [tilespmem:s1+$0x5010];
	v21 =	vmax.f32 v22, $-1.000000000e+09;
	[tilespmem:s11+$0x5070] =	vst v15  }
0x44d: {  	v15 =	vnsel vm0, $0x0, v18;
	v16 =	vmul.f32 v11, v20;
	v18 =	vnsel vm1, $0x0, v8;
	v13 =	vld [tilespmem:s1+$0x5070]  }
0x44e: {  	v17 =	vadd.f32 v15, v17;
	v15 =	vmin.f32 v21, $1.000000000e+09;
	v8 =	vld [tilespmem:s1+$0x15C50];
	[tilespmem:s11+$0x5020] =	vst v19  }
0x44f: {  	v16 =	vmax.f32 v16, $-1.000000000e+09  }
0x450: {  	v19 =	vld [tilespmem:s1+$0x5020];
	v14 =	vadd.f32 v18, v14;
	vm15 =	vgt.f32 v9, $-3.000000010e+38  }
0x451: {  	vm0 =	vgt.f32 v11, $-3.000000010e+38;
	[tilespmem:s11+$0x5000] =	vst v17;
	v11 =	vmin.f32 v16, $1.000000000e+09;
	v15 =	vnsel vm15, $0x0, v15  }
0x452: {  	vm4 =	vgt.f32 v10, $-3.000000010e+38;
	v17 =	vld [tilespmem:s1+$0x15C40];
	[tilespmem:s11+$0x5060] =	vst v14;
	v11 =	vnsel vm0, $0x0, v11;
	v12 =	vadd.f32 v15, v12;
	v16 =	vpop (erf)  }
0x453: {  	vm2 =	vgt.f32 v7, $-3.000000010e+38;
	v14 =	vld [tilespmem:s1+$0x5060];
	v6 =	vadd.f32 v11, v6;
	v11 =	vmul.f32 v7, v16  }
0x454: {  	v9 =	vld [tilespmem:s1+$0x5000];
	vm1 =	vgt.f32 v13, $-3.000000010e+38;
	v20 =	vmul.f32 v10, v16;
	v21 =	vmul.f32 v13, v16  }
0x455: {  	v18 =	vld [tilespmem:s1+$0x15C70];
	[tilespmem:s11+$0x5050] =	vst v6;
	v10 =	vmul.f32 v19, v16;
	vm5 =	vgt.f32 v19, $-3.000000010e+38;
	v6 =	vmax.f32 v11, $-1.000000000e+09  }
0x456: {  	v11 =	vld [tilespmem:s1+$0x15C10];
	v13 =	vmax.f32 v20, $-1.000000000e+09;
	v15 =	vmax.f32 v21, $-1.000000000e+09;
	[tilespmem:s11+$0x5030] =	vst v12;
	v6 =	vmin.f32 v6, $1.000000000e+09  }
0x457: {  	v12 =	vmin.f32 v13, $1.000000000e+09;
	v10 =	vmax.f32 v10, $-1.000000000e+09;
	v13 =	vld [tilespmem:s1+$0x5030];
	v15 =	vmin.f32 v15, $1.000000000e+09  }
0x458: {  	v12 =	vnsel vm4, $0x0, v12;
	v7 =	vmin.f32 v10, $1.000000000e+09;
	v10 =	vld [tilespmem:s1+$0x5050];
	v19 =	vmul.f32 v14, v16  }
0x459: {  	v20 =	vld [tilespmem:s1+$0x15C20];
	v6 =	vnsel vm2, $0x0, v6;
	v15 =	vnsel vm1, $0x0, v15;
	v61 =	vmul.f32 v16, v9  }
0x45a: {  	vm6 =	vgt.f32 v9, $-3.000000010e+38;
	vm7 =	vgt.f32 v14, $-3.000000010e+38;
	v12 =	vadd.f32 v12, v17  }
0x45b: {  	v7 =	vnsel vm5, $0x0, v7;
	v17 =	vld [tilespmem:s1+$0x15C00];
	v19 =	vmax.f32 v19, $-1.000000000e+09;
	v6 =	vadd.f32 v6, v11  }
0x45c: {  	v15 =	vadd.f32 v15, v18;
	v9 =	vmax.f32 v61, $-1.000000000e+09;
	[tilespmem:s1+$0x5040] =	vst v12;
	v12 =	vmin.f32 v19, $1.000000000e+09;
	v19 =	vld [tilespmem:s1+$0x15C60]  }
0x45d: {  	v11 =	vmul.f32 v13, v16;
	[tilespmem:s1+$0x5010] =	vst v6;
	v6 =	vmin.f32 v9, $1.000000000e+09;
	v9 =	vmul.f32 v10, v16  }
0x45e: {  	v14 =	vld [tilespmem:s1+$0x15C30];
	v7 =	vadd.f32 v7, v20;
	v12 =	vnsel vm7, $0x0, v12;
	vm9 =	vgt.f32 v13, $-3.000000010e+38  }
0x45f: {  	vm8 =	vgt.f32 v10, $-3.000000010e+38;
	v6 =	vnsel vm6, $0x0, v6;
	v9 =	vmax.f32 v9, $-1.000000000e+09  }
0x460: {  	[tilespmem:s1+$0x5070] =	vst v15;
	v11 =	vmax.f32 v11, $-1.000000000e+09;
	v6 =	vadd.f32 v6, v17;
	v9 =	vmin.f32 v9, $1.000000000e+09  }
0x461: {  	[tilespmem:s1+$0x5020] =	vst v7;
	v11 =	vmin.f32 v11, $1.000000000e+09;
	v7 =	vadd.f32 v12, v19;
	v9 =	vnsel vm8, $0x0, v9  }
0x462: {  	[tilespmem:s1+$0x5000] =	vst v6;
	v6 =	vnsel vm9, $0x0, v11;
	v8 =	vadd.f32 v9, v8  }
0x463: {  	[tilespmem:s1+$0x5060] =	vst v7;
	v6 =	vadd.f32 v6, v14  }
0x464: {  	[tilespmem:s1+$0x5050] =	vst v8  }
0x465: {  	s28 =	simm.s32 $0x0;
	s29 =	rddreg [dreg:$0xa];
	[tilespmem:s1+$0x5030] =	vst v6  }
0x466: {  	[tilespmem:s4], [sflag:$0x9] =	stream.linear.gather [hbm4b:s29+s28], $0x1400, $0x38;
	[tilespmem:$0x1FC00] =	vst v63  }
0x467: {  	_ =	swait.ge [sflag:s19], $0x1400  }
0x468: {  	[sflag:s19] =	ssyncset.done $0x0  }
0x469: {  	s11 =	simm.s32 $0x0;
	[sflag:s19] =	ssyncadd.s32 $0xFFFFEC00  }
0x46a: {  	v6 =	vld [tilespmem:s11+$0x10400];
	_ =	sdelay $0x4  }
0x46b: {  	v6 =	vadd.f32 $1.000000020e-16, v6;
	_ =	sdelay $0x1  }
0x46c: {  	(erf) = vrcp.f32 v6;
	_ =	sdelay $0x3  }
0x46d: {  	v7 =	vld [tilespmem:s11+$0x6440]  }
0x46e: {  	v8 =	vld [tilespmem:s11+$0x6410]  }
0x46f: {  	v10 =	vld [tilespmem:s11+$0x6470]  }
0x470: {  	s1 =	simm.s32 $0x80;
	v12 =	vld [tilespmem:s11+$0x6420]  }
0x471: {  	v13 =	vld [tilespmem:s1+$0x10400]  }
0x472: {  	v17 =	vld [tilespmem:s11+$0x6400];
	v15 =	vpop (erf)  }
0x473: {  	v11 =	vld [tilespmem:s11+$0x15C40];
	v9 =	vmul.f32 v7, v15  }
0x474: {  	v16 =	vld [tilespmem:s11+$0x6460];
	vm10 =	vgt.f32 v7, $-3.000000010e+38  }
0x475: {  	v18 =	vld [tilespmem:s11+$0x15C70];
	vm11 =	vgt.f32 v8, $-3.000000010e+38;
	vm12 =	vgt.f32 v10, $-3.000000010e+38;
	v9 =	vmax.f32 v9, $-1.000000000e+09  }
0x476: {  	v14 =	vld [tilespmem:s11+$0x15C10];
	v13 =	vadd.f32 $1.000000020e-16, v13;
	v7 =	vmul.f32 v8, v15;
	v19 =	vmin.f32 v9, $1.000000000e+09  }
0x477: {  	v20 =	vld [tilespmem:s11+$0x15C20];
	vm13 =	vgt.f32 v12, $-3.000000010e+38;
	vm14 =	vgt.f32 v17, $-3.000000010e+38;
	v19 =	vnsel vm10, $0x0, v19  }
0x478: {  	v22 =	vld [tilespmem:s11+$0x15C00];
	v62 =	vmul.f32 v10, v15;
	v7 =	vmax.f32 v7, $-1.000000000e+09;
	v19 =	vadd.f32 v19, v11  }
0x479: {  	(erf) = vrcp.f32 v13;
	v8 =	vmul.f32 v12, v15;
	v9 =	vld [tilespmem:s11+$0x6430];
	v7 =	vmin.f32 v7, $1.000000000e+09  }
0x47a: {  	v6 =	vld [tilespmem:s11+$0x15C50];
	v63 =	vmul.f32 v16, v15;
	v7 =	vnsel vm11, $0x0, v7;
	[tilespmem:s11+$0x6440] =	vst v19;
	v19 =	vmax.f32 v62, $-1.000000000e+09  }
0x47b: {  	v8 =	vmax.f32 v8, $-1.000000000e+09;
	v11 =	vld [tilespmem:s11+$0x6450];
	v7 =	vadd.f32 v7, v14;
	v19 =	vmin.f32 v19, $1.000000000e+09  }
0x47c: {  	v8 =	vmin.f32 v8, $1.000000000e+09;
	v14 =	vld [tilespmem:s11+$0x15C60];
	v12 =	vnsel vm12, $0x0, v19;
	v19 =	vmul.f32 v15, v17  }
0x47d: {  	v8 =	vnsel vm13, $0x0, v8;
	v10 =	vld [tilespmem:s1+$0x6440];
	[tilespmem:s11+$0x6410] =	vst v7;
	v7 =	vmax.f32 v63, $-1.000000000e+09;
	v18 =	vadd.f32 v12, v18  }
0x47e: {  	v23 =	vmul.f32 v9, v15;
	v21 =	vmin.f32 v7, $1.000000000e+09;
	v7 =	vld [tilespmem:s1+$0x6410];
	v13 =	vmax.f32 v19, $-1.000000000e+09  }
0x47f: {  	vm15 =	vgt.f32 v16, $-3.000000010e+38;
	v12 =	vld [tilespmem:s11+$0x15C30];
	v19 =	vadd.f32 v8, v20;
	[tilespmem:s11+$0x6470] =	vst v18;
	v16 =	vmin.f32 v13, $1.000000000e+09  }
0x480: {  	v20 =	vmax.f32 v23, $-1.000000000e+09;
	v13 =	vld [tilespmem:s1+$0x6470];
	v17 =	vnsel vm14, $0x0, v16;
	v16 =	vmul.f32 v11, v15  }
0x481: {  	s17 =	simm.s32 $0x400;
	v18 =	vnsel vm15, $0x0, v21;
	v8 =	vld [tilespmem:s1+$0x15C50];
	[tilespmem:s11+$0x6420] =	vst v19;
	v15 =	vmin.f32 v20, $1.000000000e+09;
	v17 =	vadd.f32 v17, v22  }
.LBB2_32:
0x482: {  	s18 =	sshra.s32 s17, $0x2;
	v19 =	vld [tilespmem:s1+$0x6420];
	v20 =	vpop (erf);
	vm1 =	vgt.f32 v9, $-3.000000010e+38;
	v9 =	vmax.f32 v16, $-1.000000000e+09;
	v14 =	vadd.f32 v18, v14  }
0x483: {  	vm0 =	vgt.f32 v10, $-3.000000010e+38;
	vm2 =	vgt.f32 v11, $-3.000000010e+38;
	v16 =	vld [tilespmem:s18+$0x10400];
	[tilespmem:s11+$0x6400] =	vst v17;
	v9 =	vmin.f32 v9, $1.000000000e+09  }
0x484: {  	p0 =	sne.s32 s17, $0x4E00;
	s17 =	sadd.s32 $0x200, s17;
	v15 =	vnsel vm1, $0x0, v15;
	v11 =	vmul.f32 v7, v20;
	v17 =	vld [tilespmem:s1+$0x15C40];
	v9 =	vnsel vm2, $0x0, v9;
	[tilespmem:s11+$0x6460] =	vst v14  }
0x485: {  	v10 =	vmul.f32 v10, v20;
	v18 =	vld [tilespmem:s1+$0x6460];
	v14 =	vmul.f32 v13, v20;
	v9 =	vadd.f32 v9, v6  }
0x486: {  	v12 =	vadd.f32 v15, v12;
	vm1 =	vgt.f32 v13, $-3.000000010e+38;
	v21 =	vld [tilespmem:s1+$0x6400];
	v11 =	vmax.f32 v11, $-1.000000000e+09;
	v6 =	vmovc v8  }
0x487: {  	v10 =	vmax.f32 v10, $-1.000000000e+09;
	v8 =	vmul.f32 v19, v20;
	v13 =	vmax.f32 v14, $-1.000000000e+09;
	v15 =	vld [tilespmem:s1+$0x15C70];
	[tilespmem:s11+$0x6450] =	vst v9  }
0x488: {  	v10 =	vmin.f32 v10, $1.000000000e+09;
	v14 =	vadd.f32 $1.000000020e-16, v16;
	v16 =	vmin.f32 v11, $1.000000000e+09;
	v22 =	vld [tilespmem:s1+$0x15C10];
	[tilespmem:s11+$0x6430] =	vst v12;
	s11 =	smov.u32 s1;
	s1 =	smov.u32 s18  }
0x489: {  	v10 =	vnsel vm0, $0x0, v10;
	v12 =	vmin.f32 v13, $1.000000000e+09;
	v8 =	vmax.f32 v8, $-1.000000000e+09;
	v9 =	vld [tilespmem:s11+$0x6430]  }
0x48a: {  	vm0 =	vgt.f32 v19, $-3.000000010e+38;
	v10 =	vadd.f32 v10, v17;
	(erf) = vrcp.f32 v14;
	v13 =	vld [tilespmem:s11+$0x15C20]  }
0x48b: {  	vm2 =	vgt.f32 v7, $-3.000000010e+38;
	v7 =	vmin.f32 v8, $1.000000000e+09;
	v8 =	vmul.f32 v18, v20;
	v11 =	vld [tilespmem:s11+$0x6450]  }
0x48c: {  	v14 =	vnsel vm2, $0x0, v16;
	v16 =	vnsel vm0, $0x0, v7;
	v7 =	vnsel vm1, $0x0, v12;
	v17 =	vld [tilespmem:s11+$0x15C00];
	[tilespmem:s11+$0x6440] =	vst v10  }
0x48d: {  	v12 =	vmul.f32 v20, v21;
	v8 =	vmax.f32 v8, $-1.000000000e+09;
	v10 =	vld [tilespmem:s1+$0x6440];
	v19 =	vadd.f32 v14, v22  }
.Ltmp21:
0x48e: {  	v15 =	vadd.f32 v7, v15;
	v8 =	vmin.f32 v8, $1.000000000e+09;
	v22 =	vmul.f32 v9, v20;
	v14 =	vld [tilespmem:s11+$0x15C60];
	(pc) =	sbr.rel @p0 .LBB2_32-.Ltmp21, $4  }
0x48f: {  	vm0 =	vgt.f32 v21, $-3.000000010e+38;
	vm1 =	vgt.f32 v18, $-3.000000010e+38;
	v21 =	vmax.f32 v12, $-1.000000000e+09;
	[tilespmem:s11+$0x6410] =	vst v19;
	v12 =	vld [tilespmem:s11+$0x15C30]  }
0x490: {  	v18 =	vmin.f32 v21, $1.000000000e+09;
	v19 =	vadd.f32 v16, v13;
	v7 =	vld [tilespmem:s1+$0x6410];
	v21 =	vmax.f32 v22, $-1.000000000e+09;
	[tilespmem:s11+$0x6470] =	vst v15  }
0x491: {  	v15 =	vnsel vm0, $0x0, v18;
	v16 =	vmul.f32 v11, v20;
	v18 =	vnsel vm1, $0x0, v8;
	v13 =	vld [tilespmem:s1+$0x6470]  }
0x492: {  	v17 =	vadd.f32 v15, v17;
	v15 =	vmin.f32 v21, $1.000000000e+09;
	v8 =	vld [tilespmem:s1+$0x15C50];
	[tilespmem:s11+$0x6420] =	vst v19  }
0x493: {  	v16 =	vmax.f32 v16, $-1.000000000e+09  }
0x494: {  	v19 =	vld [tilespmem:s1+$0x6420];
	v14 =	vadd.f32 v18, v14;
	vm15 =	vgt.f32 v9, $-3.000000010e+38  }
0x495: {  	vm0 =	vgt.f32 v11, $-3.000000010e+38;
	[tilespmem:s11+$0x6400] =	vst v17;
	v11 =	vmin.f32 v16, $1.000000000e+09;
	v15 =	vnsel vm15, $0x0, v15  }
0x496: {  	vm4 =	vgt.f32 v10, $-3.000000010e+38;
	v17 =	vld [tilespmem:s1+$0x15C40];
	[tilespmem:s11+$0x6460] =	vst v14;
	v11 =	vnsel vm0, $0x0, v11;
	v12 =	vadd.f32 v15, v12;
	v16 =	vpop (erf)  }
0x497: {  	vm2 =	vgt.f32 v7, $-3.000000010e+38;
	v14 =	vld [tilespmem:s1+$0x6460];
	v6 =	vadd.f32 v11, v6;
	v11 =	vmul.f32 v7, v16  }
0x498: {  	v9 =	vld [tilespmem:s1+$0x6400];
	vm1 =	vgt.f32 v13, $-3.000000010e+38;
	v20 =	vmul.f32 v10, v16;
	v21 =	vmul.f32 v13, v16  }
0x499: {  	v18 =	vld [tilespmem:s1+$0x15C70];
	[tilespmem:s11+$0x6450] =	vst v6;
	v10 =	vmul.f32 v19, v16;
	vm5 =	vgt.f32 v19, $-3.000000010e+38;
	v6 =	vmax.f32 v11, $-1.000000000e+09  }
0x49a: {  	v11 =	vld [tilespmem:s1+$0x15C10];
	v13 =	vmax.f32 v20, $-1.000000000e+09;
	v15 =	vmax.f32 v21, $-1.000000000e+09;
	[tilespmem:s11+$0x6430] =	vst v12;
	v6 =	vmin.f32 v6, $1.000000000e+09  }
0x49b: {  	v12 =	vmin.f32 v13, $1.000000000e+09;
	v10 =	vmax.f32 v10, $-1.000000000e+09;
	v13 =	vld [tilespmem:s1+$0x6430];
	v15 =	vmin.f32 v15, $1.000000000e+09  }
0x49c: {  	v12 =	vnsel vm4, $0x0, v12;
	v7 =	vmin.f32 v10, $1.000000000e+09;
	v10 =	vld [tilespmem:s1+$0x6450];
	v19 =	vmul.f32 v14, v16  }
0x49d: {  	v20 =	vld [tilespmem:s1+$0x15C20];
	v6 =	vnsel vm2, $0x0, v6;
	v15 =	vnsel vm1, $0x0, v15;
	v61 =	vmul.f32 v16, v9  }
0x49e: {  	vm6 =	vgt.f32 v9, $-3.000000010e+38;
	vm7 =	vgt.f32 v14, $-3.000000010e+38;
	v12 =	vadd.f32 v12, v17  }
0x49f: {  	v7 =	vnsel vm5, $0x0, v7;
	v17 =	vld [tilespmem:s1+$0x15C00];
	v19 =	vmax.f32 v19, $-1.000000000e+09;
	v6 =	vadd.f32 v6, v11  }
0x4a0: {  	v15 =	vadd.f32 v15, v18;
	v9 =	vmax.f32 v61, $-1.000000000e+09;
	[tilespmem:s1+$0x6440] =	vst v12;
	v12 =	vmin.f32 v19, $1.000000000e+09;
	v19 =	vld [tilespmem:s1+$0x15C60]  }
0x4a1: {  	v11 =	vmul.f32 v13, v16;
	[tilespmem:s1+$0x6410] =	vst v6;
	v6 =	vmin.f32 v9, $1.000000000e+09;
	v9 =	vmul.f32 v10, v16  }
0x4a2: {  	v14 =	vld [tilespmem:s1+$0x15C30];
	v7 =	vadd.f32 v7, v20;
	v12 =	vnsel vm7, $0x0, v12;
	vm9 =	vgt.f32 v13, $-3.000000010e+38  }
0x4a3: {  	vm8 =	vgt.f32 v10, $-3.000000010e+38;
	v6 =	vnsel vm6, $0x0, v6;
	v9 =	vmax.f32 v9, $-1.000000000e+09  }
0x4a4: {  	[tilespmem:s1+$0x6470] =	vst v15;
	v11 =	vmax.f32 v11, $-1.000000000e+09;
	v6 =	vadd.f32 v6, v17;
	v9 =	vmin.f32 v9, $1.000000000e+09  }
0x4a5: {  	[tilespmem:s1+$0x6420] =	vst v7;
	v11 =	vmin.f32 v11, $1.000000000e+09;
	v7 =	vadd.f32 v12, v19;
	v9 =	vnsel vm8, $0x0, v9  }
0x4a6: {  	[tilespmem:s1+$0x6400] =	vst v6;
	v6 =	vnsel vm9, $0x0, v11;
	v8 =	vadd.f32 v9, v8  }
0x4a7: {  	[tilespmem:s1+$0x6460] =	vst v7;
	v6 =	vadd.f32 v6, v14  }
0x4a8: {  	[tilespmem:s1+$0x6450] =	vst v8  }
0x4a9: {  	s28 =	simm.s32 $0x0;
	s29 =	rddreg [dreg:$0xb];
	[tilespmem:s1+$0x6430] =	vst v6  }
0x4aa: {  	[tilespmem:s4], [sflag:$0x9] =	stream.linear.gather [hbm4b:s29+s28], $0x1400, $0x38;
	[tilespmem:$0x1FC00] =	vst v63  }
0x4ab: {  	_ =	swait.ge [sflag:s19], $0x1400  }
0x4ac: {  	[sflag:s19] =	ssyncset.done $0x0  }
0x4ad: {  	s11 =	simm.s32 $0x0;
	[sflag:s19] =	ssyncadd.s32 $0xFFFFEC00  }
0x4ae: {  	v6 =	vld [tilespmem:s11+$0x11800];
	_ =	sdelay $0x4  }
0x4af: {  	v6 =	vadd.f32 $1.000000020e-16, v6;
	_ =	sdelay $0x1  }
0x4b0: {  	(erf) = vrcp.f32 v6;
	_ =	sdelay $0x3  }
0x4b1: {  	v7 =	vld [tilespmem:s11+$0x7840]  }
0x4b2: {  	v8 =	vld [tilespmem:s11+$0x7810]  }
0x4b3: {  	v10 =	vld [tilespmem:s11+$0x7870]  }
0x4b4: {  	s1 =	simm.s32 $0x80;
	v12 =	vld [tilespmem:s11+$0x7820]  }
0x4b5: {  	v13 =	vld [tilespmem:s1+$0x11800]  }
0x4b6: {  	v17 =	vld [tilespmem:s11+$0x7800];
	v15 =	vpop (erf)  }
0x4b7: {  	v11 =	vld [tilespmem:s11+$0x15C40];
	v9 =	vmul.f32 v7, v15  }
0x4b8: {  	v16 =	vld [tilespmem:s11+$0x7860];
	vm10 =	vgt.f32 v7, $-3.000000010e+38  }
0x4b9: {  	v18 =	vld [tilespmem:s11+$0x15C70];
	vm11 =	vgt.f32 v8, $-3.000000010e+38;
	vm12 =	vgt.f32 v10, $-3.000000010e+38;
	v9 =	vmax.f32 v9, $-1.000000000e+09  }
0x4ba: {  	v14 =	vld [tilespmem:s11+$0x15C10];
	v13 =	vadd.f32 $1.000000020e-16, v13;
	v7 =	vmul.f32 v8, v15;
	v19 =	vmin.f32 v9, $1.000000000e+09  }
0x4bb: {  	v20 =	vld [tilespmem:s11+$0x15C20];
	vm13 =	vgt.f32 v12, $-3.000000010e+38;
	vm14 =	vgt.f32 v17, $-3.000000010e+38;
	v19 =	vnsel vm10, $0x0, v19  }
0x4bc: {  	v22 =	vld [tilespmem:s11+$0x15C00];
	v62 =	vmul.f32 v10, v15;
	v7 =	vmax.f32 v7, $-1.000000000e+09;
	v19 =	vadd.f32 v19, v11  }
0x4bd: {  	(erf) = vrcp.f32 v13;
	v8 =	vmul.f32 v12, v15;
	v9 =	vld [tilespmem:s11+$0x7830];
	v7 =	vmin.f32 v7, $1.000000000e+09  }
0x4be: {  	v6 =	vld [tilespmem:s11+$0x15C50];
	v63 =	vmul.f32 v16, v15;
	v7 =	vnsel vm11, $0x0, v7;
	[tilespmem:s11+$0x7840] =	vst v19;
	v19 =	vmax.f32 v62, $-1.000000000e+09  }
0x4bf: {  	v8 =	vmax.f32 v8, $-1.000000000e+09;
	v11 =	vld [tilespmem:s11+$0x7850];
	v7 =	vadd.f32 v7, v14;
	v19 =	vmin.f32 v19, $1.000000000e+09  }
0x4c0: {  	v8 =	vmin.f32 v8, $1.000000000e+09;
	v14 =	vld [tilespmem:s11+$0x15C60];
	v12 =	vnsel vm12, $0x0, v19;
	v19 =	vmul.f32 v15, v17  }
0x4c1: {  	v8 =	vnsel vm13, $0x0, v8;
	v10 =	vld [tilespmem:s1+$0x7840];
	[tilespmem:s11+$0x7810] =	vst v7;
	v7 =	vmax.f32 v63, $-1.000000000e+09;
	v18 =	vadd.f32 v12, v18  }
0x4c2: {  	v23 =	vmul.f32 v9, v15;
	v21 =	vmin.f32 v7, $1.000000000e+09;
	v7 =	vld [tilespmem:s1+$0x7810];
	v13 =	vmax.f32 v19, $-1.000000000e+09  }
0x4c3: {  	vm15 =	vgt.f32 v16, $-3.000000010e+38;
	v12 =	vld [tilespmem:s11+$0x15C30];
	v19 =	vadd.f32 v8, v20;
	[tilespmem:s11+$0x7870] =	vst v18;
	v16 =	vmin.f32 v13, $1.000000000e+09  }
0x4c4: {  	v20 =	vmax.f32 v23, $-1.000000000e+09;
	v13 =	vld [tilespmem:s1+$0x7870];
	v17 =	vnsel vm14, $0x0, v16;
	v16 =	vmul.f32 v11, v15  }
0x4c5: {  	s17 =	simm.s32 $0x400;
	v18 =	vnsel vm15, $0x0, v21;
	v8 =	vld [tilespmem:s1+$0x15C50];
	[tilespmem:s11+$0x7820] =	vst v19;
	v15 =	vmin.f32 v20, $1.000000000e+09;
	v17 =	vadd.f32 v17, v22  }
.LBB2_34:
0x4c6: {  	s18 =	sshra.s32 s17, $0x2;
	v19 =	vld [tilespmem:s1+$0x7820];
	v20 =	vpop (erf);
	vm1 =	vgt.f32 v9, $-3.000000010e+38;
	v9 =	vmax.f32 v16, $-1.000000000e+09;
	v14 =	vadd.f32 v18, v14  }
0x4c7: {  	vm0 =	vgt.f32 v10, $-3.000000010e+38;
	vm2 =	vgt.f32 v11, $-3.000000010e+38;
	v16 =	vld [tilespmem:s18+$0x11800];
	[tilespmem:s11+$0x7800] =	vst v17;
	v9 =	vmin.f32 v9, $1.000000000e+09  }
0x4c8: {  	p0 =	sne.s32 s17, $0x4E00;
	s17 =	sadd.s32 $0x200, s17;
	v15 =	vnsel vm1, $0x0, v15;
	v11 =	vmul.f32 v7, v20;
	v17 =	vld [tilespmem:s1+$0x15C40];
	v9 =	vnsel vm2, $0x0, v9;
	[tilespmem:s11+$0x7860] =	vst v14  }
0x4c9: {  	v10 =	vmul.f32 v10, v20;
	v18 =	vld [tilespmem:s1+$0x7860];
	v14 =	vmul.f32 v13, v20;
	v9 =	vadd.f32 v9, v6  }
0x4ca: {  	v12 =	vadd.f32 v15, v12;
	vm1 =	vgt.f32 v13, $-3.000000010e+38;
	v21 =	vld [tilespmem:s1+$0x7800];
	v11 =	vmax.f32 v11, $-1.000000000e+09;
	v6 =	vmovc v8  }
0x4cb: {  	v10 =	vmax.f32 v10, $-1.000000000e+09;
	v8 =	vmul.f32 v19, v20;
	v13 =	vmax.f32 v14, $-1.000000000e+09;
	v15 =	vld [tilespmem:s1+$0x15C70];
	[tilespmem:s11+$0x7850] =	vst v9  }
0x4cc: {  	v10 =	vmin.f32 v10, $1.000000000e+09;
	v14 =	vadd.f32 $1.000000020e-16, v16;
	v16 =	vmin.f32 v11, $1.000000000e+09;
	v22 =	vld [tilespmem:s1+$0x15C10];
	[tilespmem:s11+$0x7830] =	vst v12;
	s11 =	smov.u32 s1;
	s1 =	smov.u32 s18  }
0x4cd: {  	v10 =	vnsel vm0, $0x0, v10;
	v12 =	vmin.f32 v13, $1.000000000e+09;
	v8 =	vmax.f32 v8, $-1.000000000e+09;
	v9 =	vld [tilespmem:s11+$0x7830]  }
0x4ce: {  	vm0 =	vgt.f32 v19, $-3.000000010e+38;
	v10 =	vadd.f32 v10, v17;
	(erf) = vrcp.f32 v14;
	v13 =	vld [tilespmem:s11+$0x15C20]  }
0x4cf: {  	vm2 =	vgt.f32 v7, $-3.000000010e+38;
	v7 =	vmin.f32 v8, $1.000000000e+09;
	v8 =	vmul.f32 v18, v20;
	v11 =	vld [tilespmem:s11+$0x7850]  }
0x4d0: {  	v14 =	vnsel vm2, $0x0, v16;
	v16 =	vnsel vm0, $0x0, v7;
	v7 =	vnsel vm1, $0x0, v12;
	v17 =	vld [tilespmem:s11+$0x15C00];
	[tilespmem:s11+$0x7840] =	vst v10  }
0x4d1: {  	v12 =	vmul.f32 v20, v21;
	v8 =	vmax.f32 v8, $-1.000000000e+09;
	v10 =	vld [tilespmem:s1+$0x7840];
	v19 =	vadd.f32 v14, v22  }
.Ltmp22:
0x4d2: {  	v15 =	vadd.f32 v7, v15;
	v8 =	vmin.f32 v8, $1.000000000e+09;
	v22 =	vmul.f32 v9, v20;
	v14 =	vld [tilespmem:s11+$0x15C60];
	(pc) =	sbr.rel @p0 .LBB2_34-.Ltmp22, $4  }
0x4d3: {  	vm0 =	vgt.f32 v21, $-3.000000010e+38;
	vm1 =	vgt.f32 v18, $-3.000000010e+38;
	v21 =	vmax.f32 v12, $-1.000000000e+09;
	[tilespmem:s11+$0x7810] =	vst v19;
	v12 =	vld [tilespmem:s11+$0x15C30]  }
0x4d4: {  	v18 =	vmin.f32 v21, $1.000000000e+09;
	v19 =	vadd.f32 v16, v13;
	v7 =	vld [tilespmem:s1+$0x7810];
	v21 =	vmax.f32 v22, $-1.000000000e+09;
	[tilespmem:s11+$0x7870] =	vst v15  }
0x4d5: {  	v15 =	vnsel vm0, $0x0, v18;
	v16 =	vmul.f32 v11, v20;
	v18 =	vnsel vm1, $0x0, v8;
	v13 =	vld [tilespmem:s1+$0x7870]  }
0x4d6: {  	v17 =	vadd.f32 v15, v17;
	v15 =	vmin.f32 v21, $1.000000000e+09;
	v8 =	vld [tilespmem:s1+$0x15C50];
	[tilespmem:s11+$0x7820] =	vst v19  }
0x4d7: {  	v16 =	vmax.f32 v16, $-1.000000000e+09  }
0x4d8: {  	v19 =	vld [tilespmem:s1+$0x7820];
	v14 =	vadd.f32 v18, v14;
	vm15 =	vgt.f32 v9, $-3.000000010e+38  }
0x4d9: {  	vm0 =	vgt.f32 v11, $-3.000000010e+38;
	[tilespmem:s11+$0x7800] =	vst v17;
	v11 =	vmin.f32 v16, $1.000000000e+09;
	v15 =	vnsel vm15, $0x0, v15  }
0x4da: {  	vm4 =	vgt.f32 v10, $-3.000000010e+38;
	v17 =	vld [tilespmem:s1+$0x15C40];
	[tilespmem:s11+$0x7860] =	vst v14;
	v11 =	vnsel vm0, $0x0, v11;
	v12 =	vadd.f32 v15, v12;
	v16 =	vpop (erf)  }
0x4db: {  	vm2 =	vgt.f32 v7, $-3.000000010e+38;
	v14 =	vld [tilespmem:s1+$0x7860];
	v6 =	vadd.f32 v11, v6;
	v11 =	vmul.f32 v7, v16  }
0x4dc: {  	v9 =	vld [tilespmem:s1+$0x7800];
	vm1 =	vgt.f32 v13, $-3.000000010e+38;
	v20 =	vmul.f32 v10, v16;
	v21 =	vmul.f32 v13, v16  }
0x4dd: {  	v18 =	vld [tilespmem:s1+$0x15C70];
	[tilespmem:s11+$0x7850] =	vst v6;
	v10 =	vmul.f32 v19, v16;
	vm5 =	vgt.f32 v19, $-3.000000010e+38;
	v6 =	vmax.f32 v11, $-1.000000000e+09  }
0x4de: {  	v11 =	vld [tilespmem:s1+$0x15C10];
	v13 =	vmax.f32 v20, $-1.000000000e+09;
	v15 =	vmax.f32 v21, $-1.000000000e+09;
	[tilespmem:s11+$0x7830] =	vst v12;
	v6 =	vmin.f32 v6, $1.000000000e+09  }
0x4df: {  	v12 =	vmin.f32 v13, $1.000000000e+09;
	v10 =	vmax.f32 v10, $-1.000000000e+09;
	v13 =	vld [tilespmem:s1+$0x7830];
	v15 =	vmin.f32 v15, $1.000000000e+09  }
0x4e0: {  	v12 =	vnsel vm4, $0x0, v12;
	v7 =	vmin.f32 v10, $1.000000000e+09;
	v10 =	vld [tilespmem:s1+$0x7850];
	v19 =	vmul.f32 v14, v16  }
0x4e1: {  	v20 =	vld [tilespmem:s1+$0x15C20];
	v6 =	vnsel vm2, $0x0, v6;
	v15 =	vnsel vm1, $0x0, v15;
	v61 =	vmul.f32 v16, v9  }
0x4e2: {  	vm6 =	vgt.f32 v9, $-3.000000010e+38;
	vm7 =	vgt.f32 v14, $-3.000000010e+38;
	v12 =	vadd.f32 v12, v17  }
0x4e3: {  	v7 =	vnsel vm5, $0x0, v7;
	v17 =	vld [tilespmem:s1+$0x15C00];
	v19 =	vmax.f32 v19, $-1.000000000e+09;
	v6 =	vadd.f32 v6, v11  }
0x4e4: {  	v15 =	vadd.f32 v15, v18;
	v9 =	vmax.f32 v61, $-1.000000000e+09;
	[tilespmem:s1+$0x7840] =	vst v12;
	v12 =	vmin.f32 v19, $1.000000000e+09;
	v19 =	vld [tilespmem:s1+$0x15C60]  }
0x4e5: {  	v11 =	vmul.f32 v13, v16;
	[tilespmem:s1+$0x7810] =	vst v6;
	v6 =	vmin.f32 v9, $1.000000000e+09;
	v9 =	vmul.f32 v10, v16  }
0x4e6: {  	v14 =	vld [tilespmem:s1+$0x15C30];
	v7 =	vadd.f32 v7, v20;
	v12 =	vnsel vm7, $0x0, v12;
	vm9 =	vgt.f32 v13, $-3.000000010e+38  }
0x4e7: {  	vm8 =	vgt.f32 v10, $-3.000000010e+38;
	v6 =	vnsel vm6, $0x0, v6;
	v9 =	vmax.f32 v9, $-1.000000000e+09  }
0x4e8: {  	[tilespmem:s1+$0x7870] =	vst v15;
	v11 =	vmax.f32 v11, $-1.000000000e+09;
	v6 =	vadd.f32 v6, v17;
	v9 =	vmin.f32 v9, $1.000000000e+09  }
0x4e9: {  	[tilespmem:s1+$0x7820] =	vst v7;
	v11 =	vmin.f32 v11, $1.000000000e+09;
	v7 =	vadd.f32 v12, v19;
	v9 =	vnsel vm8, $0x0, v9  }
0x4ea: {  	[tilespmem:s1+$0x7800] =	vst v6;
	v6 =	vnsel vm9, $0x0, v11;
	v8 =	vadd.f32 v9, v8  }
0x4eb: {  	[tilespmem:s1+$0x7860] =	vst v7;
	v6 =	vadd.f32 v6, v14  }
0x4ec: {  	[tilespmem:s1+$0x7850] =	vst v8  }
0x4ed: {  	s28 =	simm.s32 $0x0;
	s29 =	rddreg [dreg:$0xc];
	[tilespmem:s1+$0x7830] =	vst v6  }
0x4ee: {  	[tilespmem:s4], [sflag:$0x9] =	stream.linear.gather [hbm4b:s29+s28], $0x1400, $0x38;
	[tilespmem:$0x1FC00] =	vst v63  }
0x4ef: {  	_ =	swait.ge [sflag:s19], $0x1400  }
0x4f0: {  	[sflag:s19] =	ssyncset.done $0x0  }
0x4f1: {  	s11 =	simm.s32 $0x0;
	[sflag:s19] =	ssyncadd.s32 $0xFFFFEC00  }
0x4f2: {  	v6 =	vld [tilespmem:s11+$0x12C00];
	_ =	sdelay $0x4  }
0x4f3: {  	v6 =	vadd.f32 $1.000000020e-16, v6;
	_ =	sdelay $0x1  }
0x4f4: {  	(erf) = vrcp.f32 v6;
	_ =	sdelay $0x3  }
0x4f5: {  	v7 =	vld [tilespmem:s11+$0x8C40]  }
0x4f6: {  	v8 =	vld [tilespmem:s11+$0x8C10]  }
0x4f7: {  	v10 =	vld [tilespmem:s11+$0x8C70]  }
0x4f8: {  	s1 =	simm.s32 $0x80;
	v12 =	vld [tilespmem:s11+$0x8C20]  }
0x4f9: {  	v13 =	vld [tilespmem:s1+$0x12C00]  }
0x4fa: {  	v17 =	vld [tilespmem:s11+$0x8C00];
	v15 =	vpop (erf)  }
0x4fb: {  	v11 =	vld [tilespmem:s11+$0x15C40];
	v9 =	vmul.f32 v7, v15  }
0x4fc: {  	v16 =	vld [tilespmem:s11+$0x8C60];
	vm10 =	vgt.f32 v7, $-3.000000010e+38  }
0x4fd: {  	v18 =	vld [tilespmem:s11+$0x15C70];
	vm11 =	vgt.f32 v8, $-3.000000010e+38;
	vm12 =	vgt.f32 v10, $-3.000000010e+38;
	v9 =	vmax.f32 v9, $-1.000000000e+09  }
0x4fe: {  	v14 =	vld [tilespmem:s11+$0x15C10];
	v13 =	vadd.f32 $1.000000020e-16, v13;
	v7 =	vmul.f32 v8, v15;
	v19 =	vmin.f32 v9, $1.000000000e+09  }
0x4ff: {  	v20 =	vld [tilespmem:s11+$0x15C20];
	vm13 =	vgt.f32 v12, $-3.000000010e+38;
	vm14 =	vgt.f32 v17, $-3.000000010e+38;
	v19 =	vnsel vm10, $0x0, v19  }
0x500: {  	v22 =	vld [tilespmem:s11+$0x15C00];
	v62 =	vmul.f32 v10, v15;
	v7 =	vmax.f32 v7, $-1.000000000e+09;
	v19 =	vadd.f32 v19, v11  }
0x501: {  	(erf) = vrcp.f32 v13;
	v8 =	vmul.f32 v12, v15;
	v9 =	vld [tilespmem:s11+$0x8C30];
	v7 =	vmin.f32 v7, $1.000000000e+09  }
0x502: {  	v6 =	vld [tilespmem:s11+$0x15C50];
	v63 =	vmul.f32 v16, v15;
	v7 =	vnsel vm11, $0x0, v7;
	[tilespmem:s11+$0x8C40] =	vst v19;
	v19 =	vmax.f32 v62, $-1.000000000e+09  }
0x503: {  	v8 =	vmax.f32 v8, $-1.000000000e+09;
	v11 =	vld [tilespmem:s11+$0x8C50];
	v7 =	vadd.f32 v7, v14;
	v19 =	vmin.f32 v19, $1.000000000e+09  }
0x504: {  	v8 =	vmin.f32 v8, $1.000000000e+09;
	v14 =	vld [tilespmem:s11+$0x15C60];
	v12 =	vnsel vm12, $0x0, v19;
	v19 =	vmul.f32 v15, v17  }
0x505: {  	v8 =	vnsel vm13, $0x0, v8;
	v10 =	vld [tilespmem:s1+$0x8C40];
	[tilespmem:s11+$0x8C10] =	vst v7;
	v7 =	vmax.f32 v63, $-1.000000000e+09;
	v18 =	vadd.f32 v12, v18  }
0x506: {  	v23 =	vmul.f32 v9, v15;
	v21 =	vmin.f32 v7, $1.000000000e+09;
	v7 =	vld [tilespmem:s1+$0x8C10];
	v13 =	vmax.f32 v19, $-1.000000000e+09  }
0x507: {  	vm15 =	vgt.f32 v16, $-3.000000010e+38;
	v12 =	vld [tilespmem:s11+$0x15C30];
	v19 =	vadd.f32 v8, v20;
	[tilespmem:s11+$0x8C70] =	vst v18;
	v16 =	vmin.f32 v13, $1.000000000e+09  }
0x508: {  	v20 =	vmax.f32 v23, $-1.000000000e+09;
	v13 =	vld [tilespmem:s1+$0x8C70];
	v17 =	vnsel vm14, $0x0, v16;
	v16 =	vmul.f32 v11, v15  }
0x509: {  	s17 =	simm.s32 $0x400;
	v18 =	vnsel vm15, $0x0, v21;
	v8 =	vld [tilespmem:s1+$0x15C50];
	[tilespmem:s11+$0x8C20] =	vst v19;
	v15 =	vmin.f32 v20, $1.000000000e+09;
	v17 =	vadd.f32 v17, v22  }
.LBB2_36:
0x50a: {  	s18 =	sshra.s32 s17, $0x2;
	v19 =	vld [tilespmem:s1+$0x8C20];
	v20 =	vpop (erf);
	vm1 =	vgt.f32 v9, $-3.000000010e+38;
	v9 =	vmax.f32 v16, $-1.000000000e+09;
	v14 =	vadd.f32 v18, v14  }
0x50b: {  	vm0 =	vgt.f32 v10, $-3.000000010e+38;
	vm2 =	vgt.f32 v11, $-3.000000010e+38;
	v16 =	vld [tilespmem:s18+$0x12C00];
	[tilespmem:s11+$0x8C00] =	vst v17;
	v9 =	vmin.f32 v9, $1.000000000e+09  }
0x50c: {  	p0 =	sne.s32 s17, $0x4E00;
	s17 =	sadd.s32 $0x200, s17;
	v15 =	vnsel vm1, $0x0, v15;
	v11 =	vmul.f32 v7, v20;
	v17 =	vld [tilespmem:s1+$0x15C40];
	v9 =	vnsel vm2, $0x0, v9;
	[tilespmem:s11+$0x8C60] =	vst v14  }
0x50d: {  	v10 =	vmul.f32 v10, v20;
	v18 =	vld [tilespmem:s1+$0x8C60];
	v14 =	vmul.f32 v13, v20;
	v9 =	vadd.f32 v9, v6  }
0x50e: {  	v12 =	vadd.f32 v15, v12;
	vm1 =	vgt.f32 v13, $-3.000000010e+38;
	v21 =	vld [tilespmem:s1+$0x8C00];
	v11 =	vmax.f32 v11, $-1.000000000e+09;
	v6 =	vmovc v8  }
0x50f: {  	v10 =	vmax.f32 v10, $-1.000000000e+09;
	v8 =	vmul.f32 v19, v20;
	v13 =	vmax.f32 v14, $-1.000000000e+09;
	v15 =	vld [tilespmem:s1+$0x15C70];
	[tilespmem:s11+$0x8C50] =	vst v9  }
0x510: {  	v10 =	vmin.f32 v10, $1.000000000e+09;
	v14 =	vadd.f32 $1.000000020e-16, v16;
	v16 =	vmin.f32 v11, $1.000000000e+09;
	v22 =	vld [tilespmem:s1+$0x15C10];
	[tilespmem:s11+$0x8C30] =	vst v12;
	s11 =	smov.u32 s1;
	s1 =	smov.u32 s18  }
0x511: {  	v10 =	vnsel vm0, $0x0, v10;
	v12 =	vmin.f32 v13, $1.000000000e+09;
	v8 =	vmax.f32 v8, $-1.000000000e+09;
	v9 =	vld [tilespmem:s11+$0x8C30]  }
0x512: {  	vm0 =	vgt.f32 v19, $-3.000000010e+38;
	v10 =	vadd.f32 v10, v17;
	(erf) = vrcp.f32 v14;
	v13 =	vld [tilespmem:s11+$0x15C20]  }
0x513: {  	vm2 =	vgt.f32 v7, $-3.000000010e+38;
	v7 =	vmin.f32 v8, $1.000000000e+09;
	v8 =	vmul.f32 v18, v20;
	v11 =	vld [tilespmem:s11+$0x8C50]  }
0x514: {  	v14 =	vnsel vm2, $0x0, v16;
	v16 =	vnsel vm0, $0x0, v7;
	v7 =	vnsel vm1, $0x0, v12;
	v17 =	vld [tilespmem:s11+$0x15C00];
	[tilespmem:s11+$0x8C40] =	vst v10  }
0x515: {  	v12 =	vmul.f32 v20, v21;
	v8 =	vmax.f32 v8, $-1.000000000e+09;
	v10 =	vld [tilespmem:s1+$0x8C40];
	v19 =	vadd.f32 v14, v22  }
.Ltmp23:
0x516: {  	v15 =	vadd.f32 v7, v15;
	v8 =	vmin.f32 v8, $1.000000000e+09;
	v22 =	vmul.f32 v9, v20;
	v14 =	vld [tilespmem:s11+$0x15C60];
	(pc) =	sbr.rel @p0 .LBB2_36-.Ltmp23, $4  }
0x517: {  	vm0 =	vgt.f32 v21, $-3.000000010e+38;
	vm1 =	vgt.f32 v18, $-3.000000010e+38;
	v21 =	vmax.f32 v12, $-1.000000000e+09;
	[tilespmem:s11+$0x8C10] =	vst v19;
	v12 =	vld [tilespmem:s11+$0x15C30]  }
0x518: {  	v18 =	vmin.f32 v21, $1.000000000e+09;
	v19 =	vadd.f32 v16, v13;
	v7 =	vld [tilespmem:s1+$0x8C10];
	v21 =	vmax.f32 v22, $-1.000000000e+09;
	[tilespmem:s11+$0x8C70] =	vst v15  }
0x519: {  	v15 =	vnsel vm0, $0x0, v18;
	v16 =	vmul.f32 v11, v20;
	v18 =	vnsel vm1, $0x0, v8;
	v13 =	vld [tilespmem:s1+$0x8C70]  }
0x51a: {  	v17 =	vadd.f32 v15, v17;
	v15 =	vmin.f32 v21, $1.000000000e+09;
	v8 =	vld [tilespmem:s1+$0x15C50];
	[tilespmem:s11+$0x8C20] =	vst v19  }
0x51b: {  	v14 =	vadd.f32 v18, v14;
	v16 =	vmax.f32 v16, $-1.000000000e+09  }
0x51c: {  	v19 =	vld [tilespmem:s1+$0x8C20];
	vm0 =	vgt.f32 v11, $-3.000000010e+38;
	[tilespmem:s11+$0x8C00] =	vst v17;
	v42 =	vmin.f32 v16, $1.000000000e+09  }
0x51d: {  	v43 =	vpop (erf);
	vm9 =	vgt.f32 v9, $-3.000000010e+38;
	vm10 =	vgt.f32 v10, $-3.000000010e+38;
	v17 =	vld [tilespmem:s1+$0x15C40];
	[tilespmem:s11+$0x8C60] =	vst v14;
	v11 =	vnsel vm0, $0x0, v42  }
0x51e: {  	v15 =	vnsel vm9, $0x0, v15;
	v20 =	vmul.f32 v10, v43;
	v14 =	vld [tilespmem:s1+$0x8C60];
	v6 =	vadd.f32 v11, v6  }
0x51f: {  	v45 =	vmul.f32 v7, v43;
	v12 =	vadd.f32 v15, v12;
	vm2 =	vgt.f32 v7, $-3.000000010e+38;
	v44 =	vld [tilespmem:s1+$0x8C00]  }
0x520: {  	v46 =	vld [tilespmem:s1+$0x15C70];
	v21 =	vmul.f32 v13, v43;
	vm1 =	vgt.f32 v13, $-3.000000010e+38;
	v49 =	vmax.f32 v20, $-1.000000000e+09;
	[tilespmem:s11+$0x8C50] =	vst v6  }
0x521: {  	v51 =	vmin.f32 v49, $1.000000000e+09;
	v6 =	vmax.f32 v45, $-1.000000000e+09;
	v48 =	vld [tilespmem:s1+$0x15C10];
	[tilespmem:s11+$0x8C30] =	vst v12  }
0x522: {  	v47 =	vmul.f32 v19, v43;
	v50 =	vmax.f32 v21, $-1.000000000e+09;
	vm11 =	vgt.f32 v19, $-3.000000010e+38;
	v52 =	vld [tilespmem:s1+$0x8C30]  }
0x523: {  	v6 =	vmin.f32 v6, $1.000000000e+09;
	v12 =	vnsel vm10, $0x0, v51;
	v15 =	vmin.f32 v50, $1.000000000e+09;
	v53 =	vld [tilespmem:s1+$0x8C50]  }
0x524: {  	v10 =	vmax.f32 v47, $-1.000000000e+09;
	v55 =	vld [tilespmem:s1+$0x15C20];
	v12 =	vadd.f32 v12, v17;
	v6 =	vnsel vm2, $0x0, v6  }
0x525: {  	v15 =	vnsel vm1, $0x0, v15;
	v7 =	vmin.f32 v10, $1.000000000e+09;
	v54 =	vmul.f32 v14, v43  }
0x526: {  	v57 =	vmul.f32 v43, v44;
	v15 =	vadd.f32 v15, v46;
	vm12 =	vgt.f32 v44, $-3.000000010e+38  }
0x527: {  	v56 =	vld [tilespmem:s1+$0x15C00];
	vm13 =	vgt.f32 v14, $-3.000000010e+38;
	v7 =	vnsel vm11, $0x0, v7;
	v19 =	vmax.f32 v54, $-1.000000000e+09  }
0x528: {  	v60 =	vld [tilespmem:s1+$0x15C60];
	v61 =	vmax.f32 v57, $-1.000000000e+09;
	v6 =	vadd.f32 v6, v48;
	v59 =	vmin.f32 v19, $1.000000000e+09  }
0x529: {  	[tilespmem:s1+$0x8C40] =	vst v12;
	v58 =	vmul.f32 v52, v43;
	v62 =	vmul.f32 v53, v43;
	v7 =	vadd.f32 v7, v55  }
0x52a: {  	v63 =	vld [tilespmem:s1+$0x15C30];
	v12 =	vnsel vm13, $0x0, v59;
	vm14 =	vgt.f32 v53, $-3.000000010e+38;
	[tilespmem:s1+$0x8C10] =	vst v6;
	v6 =	vmin.f32 v61, $1.000000000e+09  }
0x52b: {  	vm15 =	vgt.f32 v52, $-3.000000010e+38;
	v6 =	vnsel vm12, $0x0, v6;
	v9 =	vmax.f32 v62, $-1.000000000e+09  }
0x52c: {  	[tilespmem:s1+$0x8C70] =	vst v15;
	v11 =	vmax.f32 v58, $-1.000000000e+09;
	v6 =	vadd.f32 v6, v56;
	v9 =	vmin.f32 v9, $1.000000000e+09  }
0x52d: {  	[tilespmem:s1+$0x8C20] =	vst v7;
	v7 =	vadd.f32 v12, v60;
	v11 =	vmin.f32 v11, $1.000000000e+09;
	v9 =	vnsel vm14, $0x0, v9  }
0x52e: {  	[tilespmem:s1+$0x8C00] =	vst v6;
	v6 =	vnsel vm15, $0x0, v11;
	v8 =	vadd.f32 v9, v8  }
0x52f: {  	[tilespmem:s1+$0x8C60] =	vst v7;
	v6 =	vadd.f32 v6, v63  }
0x530: {  	[tilespmem:s1+$0x8C50] =	vst v8  }
0x531: {  	s17 =	simm.s32 $0x0;
	s26 =	rddreg [dreg:$0xd];
	[tilespmem:s1+$0x8C30] =	vst v6  }
0x532: {  	[hbm4b:s26+s17] =	stream.linear.scatter [tilespmem:s17], [sflag:$0x9], $0xA000, $0x38;
	[tilespmem:$0x1FC00] =	vst v63  }
0x533: {  	_ =	swait.ge [sflag:s19], $0xA000  }
0x534: {  	s28 =	rddreg [dreg:$0xf]  }
0x535: {  	s29 =	rddreg [dreg:$0xe];
	s11 =	sadd.s32 $0x1, s28  }
0x536: {  	p0 =	sne.s32 s11, s29  }
.Ltmp24:
0x537: {  	_ = 	snop;
	(pc) =	sbr.rel @p0 .LBB2_1-.Ltmp24, $3  }
0x538: {  	_ =	sdelay $0x1  }
0x539: {  	[sflag:s19] =	ssyncset.done $0x0  }
0x53a: {  	[sflag:s19] =	ssyncadd.s32 $0xFFFF6000  }
0x53b: {  	_ =	sfence.sel $0x180000  }
0x53c: {  	[bflag:$0x0] =	sbarrier.arrive $0xFFFF  }
0x53d: {  	_ =	strace $0x90000047  }
0x53e: {  	s0 =	stileid.u32;
	[bflag:$0x2] =	sbarrier.arrive $0xFFFF  }
0x53f: {  	p0 =	sne.s32 s0, $0x0;
	s0 =	rddreg [dreg:$0x4]  }
0x540: {  	s0 =	sadd.s32 @!p0 $0x100000, s0  }
0x541: {  	[sflag:s0] =	ssyncadd.tile.s32 @!p0 $0x1;
	_ =	shalt  }
.Lfunc_end2:
_tile_overlayer_lowered:
.L_overlay_start_2:
0x542: {  	(tag) =	ssettag $0x2  }
0x543: {  	s0 =	rddreg [dreg:$0x0];
	s2 =	stileid.u32  }
0x544: {  	s1 =	rddreg [dreg:$0x1];
	p0 =	sne.s32 s2, $0x0  }
0x545: {  	s3 =	rddreg [dreg:$0x2];
	[bflag:$0x3] =	sbarrier.arrive $0xFFFF;
	s2 =	simm.s32 @!p0 $0x1C09  }
0x546: {  	[timem:s3], [sflag:s2] =	dma.local @!p0 [hbm:s0], s1  }
0x547: {  	s0 =	simm.s32 @!p0 $0x9  }
0x548: {  	_ =	swait.ge @!p0 [sflag:s0], s1  }
0x549: {  	s1 =	ssub.s32 @!p0 $0x0, s1;
	[sflag:s0] =	ssyncset.done @!p0 $0x0  }
0x54a: {  	[sflag:s0] =	ssyncadd.s32 @!p0 s1  }
0x54b: {  	[bflag:$0x3] =	sbarrier.arrive $0xFFFF  }
0x54c: {  	_ =	shalt  }

</sc_bundles>
